<compile_context>
chip_gen: v7x
topology: tpu7x:2x2x1
jax: 0.10.2.dev20260603
libtpu: 0.0.44.dev20260713+nightly
codegen_flags: <defaults>
</compile_context>

<pallas_src>
import functools
import jax
import jax.numpy as jnp
from jax import lax
from jax.experimental import pallas as pl
from jax.experimental.pallas import tpu as pltpu
from jax.experimental.pallas import tpu_sc as plsc

_BIG = 3.0e38


def _knn_body(q_ref, rT_ref, idx_ref, w_ref, *, K, Nr, with_weights):
    b = pl.program_id(0)
    q = q_ref[0]
    r3 = rT_ref[0][0:4, :]
    qq = jnp.sum(q * q, axis=1, keepdims=True)
    rr = jnp.sum(r3 * r3, axis=0, keepdims=True)
    cross = lax.dot_general(q, r3, (((1,), (0,)), ((), ())),
                            preferred_element_type=jnp.float32)
    d2 = jnp.maximum(qq + rr - 2.0 * cross, 0.0)
    iota = lax.broadcasted_iota(jnp.int32, d2.shape, 1)
    keys = (lax.bitcast_convert_type(d2, jnp.int32) & jnp.int32(-4096)) | iota
    bigkey = jnp.int32(0x7FFFF000 | (Nr - 1))
    if K == 16 and Nr >= 2048:
        Gn = Nr // 8
        strips = [keys[:, g * Gn:(g + 1) * Gn] for g in range(8)]

        def ce(u, v):
            return jnp.minimum(u, v), jnp.maximum(u, v)

        def top3of4(s):
            a0, a1 = ce(s[0], s[1])
            a2, a3 = ce(s[2], s[3])
            p0, p1 = ce(a0, a2)
            q0, q1 = ce(a1, a3)
            return p0, jnp.minimum(p1, q0), jnp.minimum(jnp.maximum(p1, q0), q1)

        A1, A2, A3 = top3of4(strips[0:4])
        B1, B2, B3 = top3of4(strips[4:8])
        M1 = jnp.minimum(A1, B1)
        x = jnp.maximum(A1, B1)
        y = jnp.minimum(A2, B2)
        M2 = jnp.minimum(x, y)
        M3 = jnp.minimum(jnp.maximum(x, y), jnp.minimum(A3, B3))
        for j in range(K):
            m = jnp.min(M1, axis=1, keepdims=True)
            idx_j = (m & jnp.int32(4095))[:, 0]
            idx_ref[j, :] = idx_j + b * Nr
            if j + 1 < K:
                hit = M1 == m
                M1 = jnp.where(hit, M2, M1)
                M2 = jnp.where(hit, M3, M2)
                M3 = jnp.where(hit, bigkey, M3)
    else:
        for j in range(K):
            m = jnp.min(keys, axis=1, keepdims=True)
            idx_j = (m & jnp.int32(4095))[:, 0]
            idx_ref[j, :] = idx_j + b * Nr
            if j + 1 < K:
                keys = jnp.where(keys == m, bigkey, keys)
            if with_weights:
                d2t = lax.bitcast_convert_type(m & jnp.int32(-4096), jnp.float32)
                w_ref[0, :, j] = (1.0 / (jnp.sqrt(d2t + 1e-12) + 1e-8))[:, 0]


def _knn_topk(q, rT, K, BQ=1024, with_weights=False):
    B, Nq, _ = q.shape
    Nr = rT.shape[2]
    BQ = min(BQ, Nq)
    body = functools.partial(_knn_body, K=K, Nr=Nr, with_weights=with_weights)
    idx, w = pl.pallas_call(
        body,
        grid=(B, Nq // BQ),
        in_specs=[pl.BlockSpec((1, BQ, 4), lambda b, i: (b, i, 0)),
                  pl.BlockSpec((1, 8, Nr), lambda b, i: (b, 0, 0))],
        out_specs=[pl.BlockSpec((K, BQ), lambda b, i, _nb=Nq // BQ: (0, b * _nb + i)),
                   pl.BlockSpec((1, BQ, K), lambda b, i: (b, i, 0))],
        out_shape=[jax.ShapeDtypeStruct((K, B * Nq), jnp.int32),
                   jax.ShapeDtypeStruct((B, Nq, K), jnp.float32)],
    )(q, rT)
    return (idx, w) if with_weights else idx


def _fps_body(x_ref, y_ref, z_ref, idx_ref, cx_ref, cy_ref, cz_ref, *, m, N, B):
    X = x_ref[...]
    Y = y_ref[...]
    Z = z_ref[...]
    iota = lax.broadcasted_iota(jnp.int32, (B, N), 1)
    iom = lax.broadcasted_iota(jnp.int32, (B, m), 1)

    def body(i, carry):
        dmin, far, cents, gx, gy, gz = carry
        onehot_i = iom == i
        cents = jnp.where(onehot_i, far[:, None], cents)
        sel = iota == far[:, None]
        cx = jnp.sum(jnp.where(sel, X, 0.0), axis=1, keepdims=True)
        cy = jnp.sum(jnp.where(sel, Y, 0.0), axis=1, keepdims=True)
        cz = jnp.sum(jnp.where(sel, Z, 0.0), axis=1, keepdims=True)
        gx = jnp.where(onehot_i, cx, gx)
        gy = jnp.where(onehot_i, cy, gy)
        gz = jnp.where(onehot_i, cz, gz)
        dist = (X - cx) ** 2 + (Y - cy) ** 2 + (Z - cz) ** 2
        dmin = jnp.minimum(dmin, dist)
        mx = jnp.max(dmin, axis=1, keepdims=True)
        far = jnp.min(jnp.where(dmin == mx, iota, jnp.int32(2 ** 30)), axis=1)
        return (dmin, far, cents, gx, gy, gz)

    init = (jnp.full((B, N), _BIG, jnp.float32), jnp.zeros((B,), jnp.int32),
            jnp.zeros((B, m), jnp.int32), jnp.zeros((B, m), jnp.float32),
            jnp.zeros((B, m), jnp.float32), jnp.zeros((B, m), jnp.float32))
    _, _, cents, gx, gy, gz = lax.fori_loop(0, m, body, init)
    idx_ref[...] = cents + lax.broadcasted_iota(jnp.int32, (B, m), 0) * N
    cx_ref[...] = gx
    cy_ref[...] = gy
    cz_ref[...] = gz


def _fps(X, Y, Z, m):
    B, N = X.shape
    body = functools.partial(_fps_body, m=m, N=N, B=B)
    outs = [jax.ShapeDtypeStruct((B, m), jnp.int32)] + \
           [jax.ShapeDtypeStruct((B, m), jnp.float32)] * 3
    return pl.pallas_call(body, out_shape=outs)(X, Y, Z)


def _edge_body(P_ref, G_ref, Wb_ref, out_ref):
    j = pl.program_id(1)
    C = P_ref.shape[1]
    h = jnp.maximum(P_ref[...] + G_ref[0][:, :C], 0.0)
    h2 = jnp.maximum(jnp.dot(h, Wb_ref[...], preferred_element_type=jnp.float32), 0.0)

    @pl.when(j == 0)
    def _():
        out_ref[...] = h2

    @pl.when(j > 0)
    def _():
        out_ref[...] = jnp.maximum(out_ref[...], h2)


def _edge_mlp_max(P, G, Wb_t, BR=1024):
    K, R, Cg = G.shape
    C = P.shape[1]
    Co = Wb_t.shape[1]
    BR = min(BR, R)
    return pl.pallas_call(
        _edge_body,
        grid=(R // BR, K),
        in_specs=[pl.BlockSpec((BR, C), lambda i, j: (i, 0)),
                  pl.BlockSpec((1, BR, Cg), lambda i, j: (j, i, 0)),
                  pl.BlockSpec((C, Co), lambda i, j: (0, 0))],
        out_specs=pl.BlockSpec((BR, Co), lambda i, j: (i, 0)),
        out_shape=jax.ShapeDtypeStruct((R, Co), jnp.float32),
    )(P, G, Wb_t)


def _lin_body(*refs, n_in, relu):
    out_ref = refs[-1]
    acc = jnp.dot(refs[0][...], refs[n_in][...], preferred_element_type=jnp.float32)
    for i in range(1, n_in):
        acc += jnp.dot(refs[i][...], refs[n_in + i][...], preferred_element_type=jnp.float32)
    if relu:
        acc = jnp.maximum(acc, 0.0)
    out_ref[...] = acc


def _linear(xs, wts, relu=True, BR=2048):
    R = xs[0].shape[0]
    Co = wts[0].shape[1]
    BR = min(BR, R)
    in_specs = [pl.BlockSpec((BR, x.shape[1]), lambda i: (i, 0)) for x in xs]
    in_specs += [pl.BlockSpec(w.shape, lambda i: (0, 0)) for w in wts]
    body = functools.partial(_lin_body, n_in=len(xs), relu=relu)
    return pl.pallas_call(
        body, grid=(R // BR,), in_specs=in_specs,
        out_specs=pl.BlockSpec((BR, Co), lambda i: (i, 0)),
        out_shape=jax.ShapeDtypeStruct((R, Co), jnp.float32),
    )(*xs, *wts)


def _lin2_body(x_ref, W1_ref, W2_ref, o1_ref, o2_ref):
    x = x_ref[...]
    o1_ref[...] = jnp.dot(x, W1_ref[...], preferred_element_type=jnp.float32)
    o2_ref[...] = jnp.dot(x, W2_ref[...], preferred_element_type=jnp.float32)


def _linear2(x, W1, W2, BR=2048):
    R = x.shape[0]
    BR = min(BR, R)
    return pl.pallas_call(
        _lin2_body, grid=(R // BR,),
        in_specs=[pl.BlockSpec((BR, x.shape[1]), lambda i: (i, 0)),
                  pl.BlockSpec(W1.shape, lambda i: (0, 0)),
                  pl.BlockSpec(W2.shape, lambda i: (0, 0))],
        out_specs=[pl.BlockSpec((BR, W1.shape[1]), lambda i: (i, 0)),
                   pl.BlockSpec((BR, W2.shape[1]), lambda i: (i, 0))],
        out_shape=[jax.ShapeDtypeStruct((R, W1.shape[1]), jnp.float32),
                   jax.ShapeDtypeStruct((R, W2.shape[1]), jnp.float32)],
    )(x, W1, W2)


def _pre_body(x_ref, Wt_ref, f_ref, q_ref, *, N):
    x = x_ref[0]
    xyz = x[:, 0:3]
    mean = jnp.mean(xyz, axis=0, keepdims=True)
    xc = xyz - mean
    var = jnp.sum(xc * xc, axis=0, keepdims=True) / (N - 1)
    std = jnp.clip(jnp.sqrt(var), 0.001, None)
    xn = xc / std
    x9 = jnp.concatenate([xn, x[:, 3:9]], axis=1)
    f = jnp.maximum(jnp.dot(x9, Wt_ref[...], preferred_element_type=jnp.float32), 0.0)
    f_ref[0] = f
    q_ref[0] = jnp.concatenate([xn, jnp.zeros((N, 1), jnp.float32)], axis=1)


def _preprocess(x, W_in_t):
    B, N, _ = x.shape
    body = functools.partial(_pre_body, N=N)
    return pl.pallas_call(
        body, grid=(B,),
        in_specs=[pl.BlockSpec((1, N, 9), lambda b: (b, 0, 0)),
                  pl.BlockSpec((9, 64), lambda b: (0, 0))],
        out_specs=[pl.BlockSpec((1, N, 64), lambda b: (b, 0, 0)),
                   pl.BlockSpec((1, N, 4), lambda b: (b, 0, 0))],
        out_shape=[jax.ShapeDtypeStruct((B, N, 64), jnp.float32),
                   jax.ShapeDtypeStruct((B, N, 4), jnp.float32)],
    )(x, W_in_t)


def _up_from(G_ref, w_ref):
    inv = w_ref[...]
    wsum = jnp.sum(inv, axis=1, keepdims=True)
    up = G_ref[0] * (inv[:, 0:1] / wsum)
    up += G_ref[1] * (inv[:, 1:2] / wsum)
    up += G_ref[2] * (inv[:, 2:3] / wsum)
    return up


def _fuse512_body(f1_ref, G_ref, w_ref, D1_ref, U1a_ref, U1b_ref, U1c_ref, out_ref):
    up = _up_from(G_ref, w_ref)
    f1b = f1_ref[...]
    f1r = jnp.maximum(jnp.dot(f1b, D1_ref[...], preferred_element_type=jnp.float32), 0.0)
    acc = jnp.dot(f1b, U1a_ref[...], preferred_element_type=jnp.float32)
    acc += jnp.dot(f1r, U1b_ref[...], preferred_element_type=jnp.float32)
    acc += jnp.dot(up, U1c_ref[...], preferred_element_type=jnp.float32)
    out_ref[...] = jnp.maximum(acc, 0.0)


def _fuse512(f1, G, w, D1, U1a, U1b, U1c):
    R = f1.shape[0]
    specs = [pl.BlockSpec(f1.shape, lambda: (0, 0)),
             pl.BlockSpec(G.shape, lambda: (0, 0, 0)),
             pl.BlockSpec(w.shape, lambda: (0, 0)),
             pl.BlockSpec(D1.shape, lambda: (0, 0)),
             pl.BlockSpec(U1a.shape, lambda: (0, 0)),
             pl.BlockSpec(U1b.shape, lambda: (0, 0)),
             pl.BlockSpec(U1c.shape, lambda: (0, 0))]
    return pl.pallas_call(
        _fuse512_body, in_specs=specs,
        out_specs=pl.BlockSpec((R, U1a.shape[1]), lambda: (0, 0)),
        out_shape=jax.ShapeDtypeStruct((R, U1a.shape[1]), jnp.float32),
    )(f1, G, w, D1, U1a, U1b, U1c)


def _head_body(f0_ref, f_ref, G_ref, w_ref, A_ref, Bw_ref, C_ref, H1_ref, H2_ref, b_ref, out_ref):
    up = _up_from(G_ref, w_ref)
    t = jnp.dot(f0_ref[...], A_ref[...], preferred_element_type=jnp.float32)
    t += jnp.dot(f_ref[...], Bw_ref[...], preferred_element_type=jnp.float32)
    t += jnp.dot(up, C_ref[...], preferred_element_type=jnp.float32)
    t = jnp.maximum(t, 0.0)
    t = jnp.maximum(jnp.dot(t, H1_ref[...], preferred_element_type=jnp.float32), 0.0)
    out_ref[...] = jnp.dot(t, H2_ref[...], preferred_element_type=jnp.float32) + b_ref[...]


def _head(f0, f, G, w, A, Bw, C, H1, H2, bias, BR=1024):
    R = f0.shape[0]
    nc = H2.shape[1]
    Cg = G.shape[2]
    specs = [pl.BlockSpec((BR, f0.shape[1]), lambda i: (i, 0)),
             pl.BlockSpec((BR, f.shape[1]), lambda i: (i, 0)),
             pl.BlockSpec((3, BR, Cg), lambda i: (0, i, 0)),
             pl.BlockSpec((BR, 3), lambda i: (i, 0)),
             pl.BlockSpec(A.shape, lambda i: (0, 0)),
             pl.BlockSpec(Bw.shape, lambda i: (0, 0)),
             pl.BlockSpec(C.shape, lambda i: (0, 0)),
             pl.BlockSpec(H1.shape, lambda i: (0, 0)),
             pl.BlockSpec(H2.shape, lambda i: (0, 0)),
             pl.BlockSpec((1, nc), lambda i: (0, 0))]
    return pl.pallas_call(
        _head_body, grid=(R // BR,), in_specs=specs,
        out_specs=pl.BlockSpec((BR, nc), lambda i: (i, 0)),
        out_shape=jax.ShapeDtypeStruct((R, nc), jnp.float32),
    )(f0, f, G, w, A, Bw, C, H1, H2, bias.reshape(1, nc))


def _sc_gather(table, idx):

    V, D = table.shape
    B2 = idx.shape[0]
    NW = 32
    bpw = B2 // NW
    chunk = bpw
    while chunk * D * 4 > 131072:
        chunk //= 2
    iters = bpw // chunk
    assert iters == 1 or iters % 2 == 0, (B2, D, chunk, iters)
    mesh = plsc.VectorSubcoreMesh(core_axis_name="c", subcore_axis_name="s")

    if iters == 1:
        @functools.partial(
            pl.kernel, mesh=mesh,
            out_type=jax.ShapeDtypeStruct((B2, D), jnp.float32),
            scratch_types=[pltpu.VMEM((chunk,), jnp.int32),
                           pltpu.VMEM((chunk, D), jnp.float32),
                           pltpu.SemaphoreType.DMA],
        )
        def gk1(table_hbm, idx_hbm, out_hbm, idx_v, rows_v, sem):
            wid = lax.axis_index("s") * 2 + lax.axis_index("c")
            base = wid * bpw
            pltpu.sync_copy(idx_hbm.at[pl.ds(base, chunk)], idx_v)
            pltpu.async_copy(table_hbm.at[idx_v], rows_v, sem).wait()
            pltpu.sync_copy(rows_v, out_hbm.at[pl.ds(base, chunk)])

        return gk1(table, idx)

    @functools.partial(
        pl.kernel, mesh=mesh,
        out_type=jax.ShapeDtypeStruct((B2, D), jnp.float32),
        scratch_types=[pltpu.VMEM((chunk,), jnp.int32),
                       pltpu.VMEM((chunk,), jnp.int32),
                       pltpu.VMEM((chunk, D), jnp.float32),
                       pltpu.VMEM((chunk, D), jnp.float32),
                       pltpu.SemaphoreType.DMA,
                       pltpu.SemaphoreType.DMA,
                       pltpu.SemaphoreType.DMA],
    )
    def gk(table_hbm, idx_hbm, out_hbm, i0, i1, r0, r1, sg, so0, so1):
        wid = lax.axis_index("s") * 2 + lax.axis_index("c")
        base = wid * bpw
        idx_v = (i0, i1)
        rows_v = (r0, r1)
        so = (so0, so1)

        pltpu.sync_copy(idx_hbm.at[pl.ds(base, chunk)], i0)

        def body(c2, carry):
            for s in range(2):
                c = 2 * c2 + s
                off = base + c * chunk

                @pl.when(c >= 2)
                def _():
                    pltpu.make_async_copy(
                        rows_v[s], out_hbm.at[pl.ds(off - 2 * chunk, chunk)],
                        so[s]).wait()

                gh = pltpu.async_copy(table_hbm.at[idx_v[s]], rows_v[s], sg)

                @pl.when(c + 1 < iters)
                def _():
                    pltpu.sync_copy(idx_hbm.at[pl.ds(off + chunk, chunk)], idx_v[1 - s])

                gh.wait()
                pltpu.async_copy(rows_v[s], out_hbm.at[pl.ds(off, chunk)], so[s])
            return carry

        lax.fori_loop(0, iters // 2, body, 0)
        for s in range(2):
            off_last = base + (iters - 2 + s) * chunk
            pltpu.make_async_copy(rows_v[s], out_hbm.at[pl.ds(off_last, chunk)], so[s]).wait()

    return gk(table, idx)


def _jflat(idx):
    return idx.reshape(-1)


def kernel(x, W_in, W_l1a, W_l1b, W_l2a, W_l2b, W_l3a, W_l3b, W_down1, W_down2,
           W_up1, W_up2, W_head1, W_head2, b_head2):
    B, N, _ = x.shape
    K = 16
    base = 64
    s = jnp.sqrt(jnp.float32(1.0 + 1e-5))

    def pq_w(Wa, C):
        Wac, Wan = Wa[:, :C], Wa[:, C:]
        return jnp.concatenate([(Wac - Wan).T, Wan.T], axis=1) / s

    f3, q = _preprocess(x, (W_in / s).T)
    f2d = f3.reshape(B * N, base)
    rT = jnp.concatenate([jnp.swapaxes(q, 1, 2),
                          jnp.zeros((B, 4, N), jnp.float32)], axis=1)

    idx1 = _knn_topk(q, rT, K, BQ=1024)
    Wac, Wan = W_l1a[:, :base], W_l1a[:, base:]
    P1, Q1t = _linear2(f2d, (Wac - Wan).T / s,
                       jnp.pad(Wan.T / s, ((0, 0), (0, 64))))
    G1 = _sc_gather(Q1t, _jflat(idx1))
    f0 = _edge_mlp_max(P1, G1.reshape(K, B * N, 2 * base),
                       jnp.pad((W_l1b / s).T, ((0, 0), (0, 64))))

    m1 = 512
    X, Y, Z = q[..., 0], q[..., 1], q[..., 2]
    idx512, cx, cy, cz = _fps(X, Y, Z, m1)
    f512 = _sc_gather(f0, idx512.reshape(-1))
    q2 = jnp.stack([cx, cy, cz, jnp.zeros_like(cx)], axis=-1)
    rT2 = jnp.concatenate([jnp.stack([cx, cy, cz], axis=1),
                           jnp.zeros((B, 5, m1), jnp.float32)], axis=1)
    idx2 = _knn_topk(q2, rT2, K, BQ=512)
    W2pq = jnp.pad(pq_w(W_l2a, base), ((0, 64), (0, 0)))
    P2, Q2 = _linear2(f512, W2pq[:, :2 * base], W2pq[:, 2 * base:])
    G2 = _sc_gather(Q2, _jflat(idx2))
    f1 = _edge_mlp_max(P2, G2.reshape(K, B * m1, 2 * base), (W_l2b / s).T)

    m2 = 128
    idx128, cx2, cy2, cz2 = _fps(cx, cy, cz, m2)
    f128 = _sc_gather(f1, idx128.reshape(-1))
    q3 = jnp.stack([cx2, cy2, cz2, jnp.zeros_like(cx2)], axis=-1)
    rT3 = jnp.concatenate([jnp.stack([cx2, cy2, cz2], axis=1),
                           jnp.zeros((B, 5, m2), jnp.float32)], axis=1)
    idx3 = _knn_topk(q3, rT3, K, BQ=128)
    W3pq = pq_w(W_l3a, 2 * base)
    P3, Q3 = _linear2(f128, W3pq[:, :2 * base], W3pq[:, 2 * base:])
    G3 = _sc_gather(Q3, _jflat(idx3))
    f2 = _edge_mlp_max(P3, G3.reshape(K, B * m2, 2 * base), (W_l3b / s).T)

    f2_red = _linear([f2], [(W_down2 / s).T], relu=True)

    idx4, inv4 = _knn_topk(q2, rT3, 3, with_weights=True)
    G4 = _sc_gather(f2_red, _jflat(idx4))
    U1 = W_up1 / s
    fuse512 = _fuse512(f1, G4.reshape(3, B * m1, 2 * base), inv4.reshape(B * m1, 3),
                       (W_down1 / s).T, U1[:, :128].T, U1[:, 128:192].T, U1[:, 192:].T)

    idx5, inv5 = _knn_topk(q, rT2, 3, with_weights=True)
    G5 = _sc_gather(fuse512, _jflat(idx5))
    U2 = W_up2 / s
    logits = _head(f0, f2d, G5.reshape(3, B * N, 2 * base), inv5.reshape(B * N, 3),
                   jnp.pad(U2[:, :64].T, ((0, 64), (0, 0))), U2[:, 64:128].T,
                   U2[:, 128:].T, (W_head1 / s).T, W_head2.T, b_head2)
    return logits.reshape(B, N, W_head2.shape[0])

# --- scband reference (transcript-rebuilt; emitter-appended) ---
"""Pipeline reference for scband-sgdat-52536039964749 (READ-ONLY COPY).

The authoritative reference and input builder live on the scoring server;
editing this copy changes nothing except your own understanding.
"""

import jax, jax.numpy as jnp
import numpy as np


def gather_points(points, idx):
    return jax.vmap(lambda p, i: jnp.take(p, i, axis=0))(points, idx)


def knn_indices(query_xyz, ref_xyz, k):
    q = jax.lax.stop_gradient(query_xyz)
    r = jax.lax.stop_gradient(ref_xyz)
    d2 = jnp.sum(q * q, axis=-1)[:, :, None] + jnp.sum(r * r, axis=-1)[:, None, :] - 2.0 * jnp.einsum('bqd,bnd->bqn', q, r)
    _, idx = jax.lax.top_k(-d2, k)
    return idx


def farthest_point_sample(xyz, m):
    xyz = jax.lax.stop_gradient(xyz)
    B, N, _ = xyz.shape
    def body(i, carry):
        centroids, distances, farthest = carry
        centroids = centroids.at[:, i].set(farthest)
        c = jnp.take_along_axis(xyz, farthest[:, None, None], axis=1)
        dist = jnp.sum((xyz - c) ** 2, axis=-1)
        distances = jnp.minimum(distances, dist)
        farthest = jnp.argmax(distances, axis=1).astype(jnp.int32)
        return (centroids, distances, farthest)
    init = (jnp.zeros((B, m), jnp.int32), jnp.full((B, N), jnp.inf, dtype=jnp.float32), jnp.zeros((B,), jnp.int32))
    centroids, _, _ = jax.lax.fori_loop(0, m, body, init)
    return centroids


def bn_relu(x):
    # BatchNorm in eval mode with default params (gamma=1, beta=0, running_mean=0, running_var=1) + ReLU
    return jax.nn.relu(x / jnp.sqrt(1.0 + 1e-5))


def three_nn_interpolate(xyz_src, xyz_dst, feat_src):
    idx = knn_indices(xyz_dst, xyz_src, 3)
    neighbor = gather_points(xyz_src, idx)
    dist = jnp.sqrt(jnp.sum((neighbor - xyz_dst[:, :, None, :]) ** 2, axis=-1) + 1e-12) + 1e-8
    inv = 1.0 / dist
    w = inv / jnp.sum(inv, axis=-1, keepdims=True)
    fk = gather_points(feat_src, idx)
    return jnp.sum(fk * w[..., None], axis=2)


def local_agg(feats, xyz, k, Wa, Wb):
    idx = knn_indices(xyz, xyz, k)
    neighbor = gather_points(feats, idx)
    center = jnp.broadcast_to(feats[:, :, None, :], neighbor.shape)
    edge = jnp.concatenate([center, neighbor - center], axis=-1)
    h = bn_relu(jnp.einsum('oc,bnkc->bnko', Wa, edge))
    h = bn_relu(jnp.einsum('oc,bnkc->bnko', Wb, h))
    return jnp.max(h, axis=2)


def setup_inputs(seed: int = 0):
    key = jax.random.key(seed)
    ks = jax.random.split(key, 16)
    B, N = 4, 4096
    base, num_classes = 64, 13
    x = jax.random.normal(ks[0], (B, N, 9), dtype=jnp.float32)
    def w(k, o, c):
        return jax.random.normal(k, (o, c), dtype=jnp.float32) * 0.05
    return {
        'x': x,
        'W_in': w(ks[1], base, 9),
        'W_l1a': w(ks[2], base, base * 2),
        'W_l1b': w(ks[3], base, base),
        'W_l2a': w(ks[4], base * 2, base * 2),
        'W_l2b': w(ks[5], base * 2, base * 2),
        'W_l3a': w(ks[6], base * 2, base * 4),
        'W_l3b': w(ks[7], base * 2, base * 2),
        'W_down1': w(ks[8], base, base * 2),
        'W_down2': w(ks[9], base * 2, base * 2),
        'W_up1': w(ks[10], base * 2, base * 5),
        'W_up2': w(ks[11], base, base * 4),
        'W_head1': w(ks[12], base, base),
        'W_head2': w(ks[13], num_classes, base),
        'b_head2': jnp.zeros((num_classes,), dtype=jnp.float32),
    }


def reference(x, W_in, W_l1a, W_l1b, W_l2a, W_l2b, W_l3a, W_l3b, W_down1, W_down2, W_up1, W_up2, W_head1, W_head2, b_head2):
    k = 16
    B, N, C = x.shape
    xyz = x[..., :3]
    xyz_mean = jnp.mean(xyz, axis=1, keepdims=True)
    xc = xyz - xyz_mean
    xstd = jnp.clip(jnp.std(xc, axis=1, keepdims=True, ddof=1), 0.001, None)
    xyz_normed = xc / xstd
    x9 = jnp.concatenate([xyz_normed, x[..., 3:6], x[..., 6:9]], axis=-1)
    f = bn_relu(jnp.einsum('oc,bnc->bno', W_in, x9))
    f0 = local_agg(f, xyz_normed, k, W_l1a, W_l1b)
    m1 = min(512, N)
    idx_512 = farthest_point_sample(xyz_normed, m1)
    xyz_512 = gather_points(xyz_normed, idx_512)
    f_512 = gather_points(f0, idx_512)
    f1 = local_agg(f_512, xyz_512, k, W_l2a, W_l2b)
    f1_red = bn_relu(jnp.einsum('oc,bnc->bno', W_down1, f1))
    m2 = min(128, m1)
    idx_128 = farthest_point_sample(xyz_512, m2)
    xyz_128 = gather_points(xyz_512, idx_128)
    f_128 = gather_points(f1, idx_128)
    f2 = local_agg(f_128, xyz_128, k, W_l3a, W_l3b)
    f2_red = bn_relu(jnp.einsum('oc,bnc->bno', W_down2, f2))
    up_512 = three_nn_interpolate(xyz_128, xyz_512, f2_red)
    fuse_512 = jnp.concatenate([f1, f1_red, up_512], axis=-1)
    fuse_512 = bn_relu(jnp.einsum('oc,bnc->bno', W_up1, fuse_512))
    up_N = three_nn_interpolate(xyz_512, xyz_normed, fuse_512)
    fuse_N = jnp.concatenate([f0, f, up_N], axis=-1)
    fuse_N = bn_relu(jnp.einsum('oc,bnc->bno', W_up2, fuse_N))
    h = bn_relu(jnp.einsum('oc,bnc->bno', W_head1, fuse_N))
    logits = jnp.einsum('oc,bnc->bno', W_head2, h) + b_head2
    return logits

if __name__ == "__main__":
    import jax
    _d = setup_inputs()
    print(jax.jit(kernel)(*tuple(_d.values())))

</pallas_src>

<mosaic_0001>
#map = affine_map<(d0, d1) -> (0, 0)>
#map1 = affine_map<(d0, d1) -> (0)>
module attributes {stable_mosaic.version = 14 : i64} {
  func.func @gk(%arg0: i32, %arg1: i32, %arg2: memref<2048x128xf32, #tpu.memory_space<hbm>>, %arg3: memref<32768xi32, #tpu.memory_space<hbm>>, %arg4: memref<32768x128xf32, #tpu.memory_space<hbm>>, %arg5: memref<256xi32, #tpu.memory_space<vmem>>, %arg6: memref<256xi32, #tpu.memory_space<vmem>>, %arg7: memref<256x128xf32, #tpu.memory_space<vmem>>, %arg8: memref<256x128xf32, #tpu.memory_space<vmem>>, %arg9: memref<!tpu.dma_semaphore, #tpu.memory_space<semaphore_mem>>, %arg10: memref<!tpu.dma_semaphore, #tpu.memory_space<semaphore_mem>>, %arg11: memref<!tpu.dma_semaphore, #tpu.memory_space<semaphore_mem>>) attributes {dimension_semantics = [#tpu.dimension_semantics<core_parallel>, #tpu.dimension_semantics<subcore_parallel>], iteration_bounds = array<i64: 2, 16>, scalar_prefetch = 0 : i64, scratch_operands = 7 : i64, tpu.core_type = #tpu.core_type<sc_vector_subcore>, window_params = [{transform_indices = #map}, {transform_indices = #map1}, {transform_indices = #map}]} {
    %mul3A = arith.constant 2 : i32
    %mul3A_0 = arith.muli %arg1, %mul3A : i32
    %add3A = arith.addi %mul3A_0, %arg0 : i32
    %mul3A_1 = arith.constant 1024 : i32
    %mul3A_2 = arith.muli %add3A, %mul3A_1 : i32
    "tpu.region"() ({
      %run_scoped3A = tpu.sem_alloc : memref<!tpu.dma_semaphore, #tpu.memory_space<semaphore_mem>>
      %dma_start3A = tpu.memref_slice %arg3[%mul3A_2] : memref<32768xi32, #tpu.memory_space<hbm>> -> memref<256xi32, #tpu.memory_space<hbm>>
      %dma_start3A_19 = tpu.memref_slice %arg3[%mul3A_2] : memref<32768xi32, #tpu.memory_space<hbm>> -> memref<256xi32, #tpu.memory_space<hbm>>
      tpu.enqueue_dma source(%dma_start3A_19 : memref<256xi32, #tpu.memory_space<hbm>>) target(%arg5 : memref<256xi32, #tpu.memory_space<vmem>>) target_semaphore(%run_scoped3A : memref<!tpu.dma_semaphore, #tpu.memory_space<semaphore_mem>>)
      %dma_wait3A_20 = tpu.memref_slice %arg3[%mul3A_2] : memref<32768xi32, #tpu.memory_space<hbm>> -> memref<256xi32, #tpu.memory_space<hbm>>
      %dma_wait3A_21 = tpu.memref_slice %arg3[%mul3A_2] : memref<32768xi32, #tpu.memory_space<hbm>> -> memref<256xi32, #tpu.memory_space<hbm>>
      tpu.wait_dma2 semaphore(%run_scoped3A : memref<!tpu.dma_semaphore, #tpu.memory_space<semaphore_mem>>) src(%dma_wait3A_21 : memref<256xi32, #tpu.memory_space<hbm>>) dst(%arg5 : memref<256xi32, #tpu.memory_space<vmem>>)
      tpu.yield
    }) : () -> ()
    %scan3A = arith.constant 0 : i32
    %scan3A_3 = arith.constant 0 : i32
    %scan3A_4 = arith.constant 2 : i32
    %scan3A_5 = arith.addi %scan3A_3, %scan3A_4 : i32
    %scan3A_6 = arith.constant 1 : i32
    scf.for %scan3A_19 = %scan3A_3 to %scan3A_5 step %scan3A_6  : i32 {
      %mul3A_20 = arith.constant 2 : i32
      %mul3A_21 = arith.muli %mul3A_20, %scan3A_19 : i32
      %add3A_22 = arith.constant 0 : i32
      %add3A_23 = arith.addi %mul3A_21, %add3A_22 : i32
      %mul3A_24 = arith.constant 256 : i32
      %mul3A_25 = arith.muli %add3A_23, %mul3A_24 : i32
      %add3A_26 = arith.addi %mul3A_2, %mul3A_25 : i32
      %ge3A = arith.constant 2 : i32
      %ge3A_27 = arith.cmpi sge, %add3A_23, %ge3A : i32
      %convert_element_type3A = arith.extui %ge3A_27 : i1 to i32
      %cond3A = arith.constant 0 : i32
      %cond3A_28 = arith.cmpi ne, %convert_element_type3A, %cond3A : i32
      scf.if %cond3A_28 {
        %sub3A = arith.constant 512 : i32
        %sub3A_73 = arith.subi %add3A_26, %sub3A : i32
        %dma_wait3A_74 = arith.constant 0 : i32
        %dma_wait3A_75 = tpu.memref_slice %arg4[%sub3A_73, %dma_wait3A_74] : memref<32768x128xf32, #tpu.memory_space<hbm>> -> memref<256x128xf32, #tpu.memory_space<hbm>>
        %dma_wait3A_76 = arith.constant 0 : i32
        %dma_wait3A_77 = tpu.memref_slice %arg4[%sub3A_73, %dma_wait3A_76] : memref<32768x128xf32, #tpu.memory_space<hbm>> -> memref<256x128xf32, #tpu.memory_space<hbm>>
        tpu.wait_dma2 semaphore(%arg10 : memref<!tpu.dma_semaphore, #tpu.memory_space<semaphore_mem>>) src(%arg7 : memref<256x128xf32, #tpu.memory_space<vmem>>) dst(%dma_wait3A_77 : memref<256x128xf32, #tpu.memory_space<hbm>>)
      } else {
      }
      %dma_start3A = arith.constant 0 : i32
      %dma_start3A_29 = arith.constant 0 : i32
      %dma_start3A_30 = tpu.memref_slice %arg2[%dma_start3A, %dma_start3A_29] : memref<2048x128xf32, #tpu.memory_space<hbm>> -> memref<2048x128xf32, #tpu.memory_space<hbm>>
      tpu.enqueue_indirect_dma source(%dma_start3A_30 : memref<2048x128xf32, #tpu.memory_space<hbm>>) target(%arg7 : memref<256x128xf32, #tpu.memory_space<vmem>>) offsets(%arg5 : memref<256xi32, #tpu.memory_space<vmem>>) semaphore(%arg9 : memref<!tpu.dma_semaphore, #tpu.memory_space<semaphore_mem>>)
      %add3A_31 = arith.constant 1 : i32
      %add3A_32 = arith.addi %add3A_23, %add3A_31 : i32
      %lt3A = arith.constant 4 : i32
      %lt3A_33 = arith.cmpi slt, %add3A_32, %lt3A : i32
      %convert_element_type3A_34 = arith.extui %lt3A_33 : i1 to i32
      %cond3A_35 = arith.constant 0 : i32
      %cond3A_36 = arith.cmpi ne, %convert_element_type3A_34, %cond3A_35 : i32
      scf.if %cond3A_36 {
        %add3A_73 = arith.constant 256 : i32
        %add3A_74 = arith.addi %add3A_26, %add3A_73 : i32
        "tpu.region"() ({
          %run_scoped3A = tpu.sem_alloc : memref<!tpu.dma_semaphore, #tpu.memory_space<semaphore_mem>>
          %dma_start3A_75 = tpu.memref_slice %arg3[%add3A_74] : memref<32768xi32, #tpu.memory_space<hbm>> -> memref<256xi32, #tpu.memory_space<hbm>>
          %dma_start3A_76 = tpu.memref_slice %arg3[%add3A_74] : memref<32768xi32, #tpu.memory_space<hbm>> -> memref<256xi32, #tpu.memory_space<hbm>>
          tpu.enqueue_dma source(%dma_start3A_76 : memref<256xi32, #tpu.memory_space<hbm>>) target(%arg6 : memref<256xi32, #tpu.memory_space<vmem>>) target_semaphore(%run_scoped3A : memref<!tpu.dma_semaphore, #tpu.memory_space<semaphore_mem>>)
          %dma_wait3A_77 = tpu.memref_slice %arg3[%add3A_74] : memref<32768xi32, #tpu.memory_space<hbm>> -> memref<256xi32, #tpu.memory_space<hbm>>
          %dma_wait3A_78 = tpu.memref_slice %arg3[%add3A_74] : memref<32768xi32, #tpu.memory_space<hbm>> -> memref<256xi32, #tpu.memory_space<hbm>>
          tpu.wait_dma2 semaphore(%run_scoped3A : memref<!tpu.dma_semaphore, #tpu.memory_space<semaphore_mem>>) src(%dma_wait3A_78 : memref<256xi32, #tpu.memory_space<hbm>>) dst(%arg6 : memref<256xi32, #tpu.memory_space<vmem>>)
          tpu.yield
        }) : () -> ()
      } else {
      }
      %dma_wait3A_37 = arith.constant 0 : i32
      %dma_wait3A_38 = arith.constant 0 : i32
      %dma_wait3A_39 = tpu.memref_slice %arg2[%dma_wait3A_37, %dma_wait3A_38] : memref<2048x128xf32, #tpu.memory_space<hbm>> -> memref<2048x128xf32, #tpu.memory_space<hbm>>
      tpu.wait_indirect_dma semaphore(%arg9 : memref<!tpu.dma_semaphore, #tpu.memory_space<semaphore_mem>>) src(%dma_wait3A_39 : memref<2048x128xf32, #tpu.memory_space<hbm>>) dst(%arg7 : memref<256x128xf32, #tpu.memory_space<vmem>>)
      %dma_start3A_40 = arith.constant 0 : i32
      %dma_start3A_41 = tpu.memref_slice %arg4[%add3A_26, %dma_start3A_40] : memref<32768x128xf32, #tpu.memory_space<hbm>> -> memref<256x128xf32, #tpu.memory_space<hbm>>
      %dma_start3A_42 = arith.constant 0 : i32
      %dma_start3A_43 = tpu.memref_slice %arg4[%add3A_26, %dma_start3A_42] : memref<32768x128xf32, #tpu.memory_space<hbm>> -> memref<256x128xf32, #tpu.memory_space<hbm>>
      tpu.enqueue_dma source(%arg7 : memref<256x128xf32, #tpu.memory_space<vmem>>) target(%dma_start3A_43 : memref<256x128xf32, #tpu.memory_space<hbm>>) target_semaphore(%arg10 : memref<!tpu.dma_semaphore, #tpu.memory_space<semaphore_mem>>)
      %mul3A_44 = arith.constant 2 : i32
      %mul3A_45 = arith.muli %mul3A_44, %scan3A_19 : i32
      %add3A_46 = arith.constant 1 : i32
      %add3A_47 = arith.addi %mul3A_45, %add3A_46 : i32
      %mul3A_48 = arith.constant 256 : i32
      %mul3A_49 = arith.muli %add3A_47, %mul3A_48 : i32
      %add3A_50 = arith.addi %mul3A_2, %mul3A_49 : i32
      %ge3A_51 = arith.constant 2 : i32
      %ge3A_52 = arith.cmpi sge, %add3A_47, %ge3A_51 : i32
      %convert_element_type3A_53 = arith.extui %ge3A_52 : i1 to i32
      %cond3A_54 = arith.constant 0 : i32
      %cond3A_55 = arith.cmpi ne, %convert_element_type3A_53, %cond3A_54 : i32
      scf.if %cond3A_55 {
        %sub3A = arith.constant 512 : i32
        %sub3A_73 = arith.subi %add3A_50, %sub3A : i32
        %dma_wait3A_74 = arith.constant 0 : i32
        %dma_wait3A_75 = tpu.memref_slice %arg4[%sub3A_73, %dma_wait3A_74] : memref<32768x128xf32, #tpu.memory_space<hbm>> -> memref<256x128xf32, #tpu.memory_space<hbm>>
        %dma_wait3A_76 = arith.constant 0 : i32
        %dma_wait3A_77 = tpu.memref_slice %arg4[%sub3A_73, %dma_wait3A_76] : memref<32768x128xf32, #tpu.memory_space<hbm>> -> memref<256x128xf32, #tpu.memory_space<hbm>>
        tpu.wait_dma2 semaphore(%arg11 : memref<!tpu.dma_semaphore, #tpu.memory_space<semaphore_mem>>) src(%arg8 : memref<256x128xf32, #tpu.memory_space<vmem>>) dst(%dma_wait3A_77 : memref<256x128xf32, #tpu.memory_space<hbm>>)
      } else {
      }
      %dma_start3A_56 = arith.constant 0 : i32
      %dma_start3A_57 = arith.constant 0 : i32
      %dma_start3A_58 = tpu.memref_slice %arg2[%dma_start3A_56, %dma_start3A_57] : memref<2048x128xf32, #tpu.memory_space<hbm>> -> memref<2048x128xf32, #tpu.memory_space<hbm>>
      tpu.enqueue_indirect_dma source(%dma_start3A_58 : memref<2048x128xf32, #tpu.memory_space<hbm>>) target(%arg8 : memref<256x128xf32, #tpu.memory_space<vmem>>) offsets(%arg6 : memref<256xi32, #tpu.memory_space<vmem>>) semaphore(%arg9 : memref<!tpu.dma_semaphore, #tpu.memory_space<semaphore_mem>>)
      %add3A_59 = arith.constant 1 : i32
      %add3A_60 = arith.addi %add3A_47, %add3A_59 : i32
      %lt3A_61 = arith.constant 4 : i32
      %lt3A_62 = arith.cmpi slt, %add3A_60, %lt3A_61 : i32
      %convert_element_type3A_63 = arith.extui %lt3A_62 : i1 to i32
      %cond3A_64 = arith.constant 0 : i32
      %cond3A_65 = arith.cmpi ne, %convert_element_type3A_63, %cond3A_64 : i32
      scf.if %cond3A_65 {
        %add3A_73 = arith.constant 256 : i32
        %add3A_74 = arith.addi %add3A_50, %add3A_73 : i32
        "tpu.region"() ({
          %run_scoped3A = tpu.sem_alloc : memref<!tpu.dma_semaphore, #tpu.memory_space<semaphore_mem>>
          %dma_start3A_75 = tpu.memref_slice %arg3[%add3A_74] : memref<32768xi32, #tpu.memory_space<hbm>> -> memref<256xi32, #tpu.memory_space<hbm>>
          %dma_start3A_76 = tpu.memref_slice %arg3[%add3A_74] : memref<32768xi32, #tpu.memory_space<hbm>> -> memref<256xi32, #tpu.memory_space<hbm>>
          tpu.enqueue_dma source(%dma_start3A_76 : memref<256xi32, #tpu.memory_space<hbm>>) target(%arg5 : memref<256xi32, #tpu.memory_space<vmem>>) target_semaphore(%run_scoped3A : memref<!tpu.dma_semaphore, #tpu.memory_space<semaphore_mem>>)
          %dma_wait3A_77 = tpu.memref_slice %arg3[%add3A_74] : memref<32768xi32, #tpu.memory_space<hbm>> -> memref<256xi32, #tpu.memory_space<hbm>>
          %dma_wait3A_78 = tpu.memref_slice %arg3[%add3A_74] : memref<32768xi32, #tpu.memory_space<hbm>> -> memref<256xi32, #tpu.memory_space<hbm>>
          tpu.wait_dma2 semaphore(%run_scoped3A : memref<!tpu.dma_semaphore, #tpu.memory_space<semaphore_mem>>) src(%dma_wait3A_78 : memref<256xi32, #tpu.memory_space<hbm>>) dst(%arg5 : memref<256xi32, #tpu.memory_space<vmem>>)
          tpu.yield
        }) : () -> ()
      } else {
      }
      %dma_wait3A_66 = arith.constant 0 : i32
      %dma_wait3A_67 = arith.constant 0 : i32
      %dma_wait3A_68 = tpu.memref_slice %arg2[%dma_wait3A_66, %dma_wait3A_67] : memref<2048x128xf32, #tpu.memory_space<hbm>> -> memref<2048x128xf32, #tpu.memory_space<hbm>>
      tpu.wait_indirect_dma semaphore(%arg9 : memref<!tpu.dma_semaphore, #tpu.memory_space<semaphore_mem>>) src(%dma_wait3A_68 : memref<2048x128xf32, #tpu.memory_space<hbm>>) dst(%arg8 : memref<256x128xf32, #tpu.memory_space<vmem>>)
      %dma_start3A_69 = arith.constant 0 : i32
      %dma_start3A_70 = tpu.memref_slice %arg4[%add3A_50, %dma_start3A_69] : memref<32768x128xf32, #tpu.memory_space<hbm>> -> memref<256x128xf32, #tpu.memory_space<hbm>>
      %dma_start3A_71 = arith.constant 0 : i32
      %dma_start3A_72 = tpu.memref_slice %arg4[%add3A_50, %dma_start3A_71] : memref<32768x128xf32, #tpu.memory_space<hbm>> -> memref<256x128xf32, #tpu.memory_space<hbm>>
      tpu.enqueue_dma source(%arg8 : memref<256x128xf32, #tpu.memory_space<vmem>>) target(%dma_start3A_72 : memref<256x128xf32, #tpu.memory_space<hbm>>) target_semaphore(%arg11 : memref<!tpu.dma_semaphore, #tpu.memory_space<semaphore_mem>>)
    }
    %scan3A_7 = arith.constant 2 : i32
    %add3A_8 = arith.constant 512 : i32
    %add3A_9 = arith.addi %mul3A_2, %add3A_8 : i32
    %dma_wait3A = arith.constant 0 : i32
    %dma_wait3A_10 = tpu.memref_slice %arg4[%add3A_9, %dma_wait3A] : memref<32768x128xf32, #tpu.memory_space<hbm>> -> memref<256x128xf32, #tpu.memory_space<hbm>>
    %dma_wait3A_11 = arith.constant 0 : i32
    %dma_wait3A_12 = tpu.memref_slice %arg4[%add3A_9, %dma_wait3A_11] : memref<32768x128xf32, #tpu.memory_space<hbm>> -> memref<256x128xf32, #tpu.memory_space<hbm>>
    tpu.wait_dma2 semaphore(%arg10 : memref<!tpu.dma_semaphore, #tpu.memory_space<semaphore_mem>>) src(%arg7 : memref<256x128xf32, #tpu.memory_space<vmem>>) dst(%dma_wait3A_12 : memref<256x128xf32, #tpu.memory_space<hbm>>)
    %add3A_13 = arith.constant 768 : i32
    %add3A_14 = arith.addi %mul3A_2, %add3A_13 : i32
    %dma_wait3A_15 = arith.constant 0 : i32
    %dma_wait3A_16 = tpu.memref_slice %arg4[%add3A_14, %dma_wait3A_15] : memref<32768x128xf32, #tpu.memory_space<hbm>> -> memref<256x128xf32, #tpu.memory_space<hbm>>
    %dma_wait3A_17 = arith.constant 0 : i32
    %dma_wait3A_18 = tpu.memref_slice %arg4[%add3A_14, %dma_wait3A_17] : memref<32768x128xf32, #tpu.memory_space<hbm>> -> memref<256x128xf32, #tpu.memory_space<hbm>>
    tpu.wait_dma2 semaphore(%arg11 : memref<!tpu.dma_semaphore, #tpu.memory_space<semaphore_mem>>) src(%arg8 : memref<256x128xf32, #tpu.memory_space<vmem>>) dst(%dma_wait3A_18 : memref<256x128xf32, #tpu.memory_space<hbm>>)
    return
  }
}

#map = affine_map<(d0, d1) -> (0, 0)>
#map1 = affine_map<(d0, d1) -> (0)>
module attributes {stable_mosaic.version = 14 : i64} {
  func.func @gk(%arg0: i32, %arg1: i32, %arg2: memref<16384x128xf32, #tpu.memory_space<hbm>>, %arg3: memref<262144xi32, #tpu.memory_space<hbm>>, %arg4: memref<262144x128xf32, #tpu.memory_space<hbm>>, %arg5: memref<256xi32, #tpu.memory_space<vmem>>, %arg6: memref<256xi32, #tpu.memory_space<vmem>>, %arg7: memref<256x128xf32, #tpu.memory_space<vmem>>, %arg8: memref<256x128xf32, #tpu.memory_space<vmem>>, %arg9: memref<!tpu.dma_semaphore, #tpu.memory_space<semaphore_mem>>, %arg10: memref<!tpu.dma_semaphore, #tpu.memory_space<semaphore_mem>>, %arg11: memref<!tpu.dma_semaphore, #tpu.memory_space<semaphore_mem>>) attributes {dimension_semantics = [#tpu.dimension_semantics<core_parallel>, #tpu.dimension_semantics<subcore_parallel>], iteration_bounds = array<i64: 2, 16>, scalar_prefetch = 0 : i64, scratch_operands = 7 : i64, tpu.core_type = #tpu.core_type<sc_vector_subcore>, window_params = [{transform_indices = #map}, {transform_indices = #map1}, {transform_indices = #map}]} {
    %mul3A = arith.constant 2 : i32
    %mul3A_0 = arith.muli %arg1, %mul3A : i32
    %add3A = arith.addi %mul3A_0, %arg0 : i32
    %mul3A_1 = arith.constant 8192 : i32
    %mul3A_2 = arith.muli %add3A, %mul3A_1 : i32
    "tpu.region"() ({
      %run_scoped3A = tpu.sem_alloc : memref<!tpu.dma_semaphore, #tpu.memory_space<semaphore_mem>>
      %dma_start3A = tpu.memref_slice %arg3[%mul3A_2] : memref<262144xi32, #tpu.memory_space<hbm>> -> memref<256xi32, #tpu.memory_space<hbm>>
      %dma_start3A_19 = tpu.memref_slice %arg3[%mul3A_2] : memref<262144xi32, #tpu.memory_space<hbm>> -> memref<256xi32, #tpu.memory_space<hbm>>
      tpu.enqueue_dma source(%dma_start3A_19 : memref<256xi32, #tpu.memory_space<hbm>>) target(%arg5 : memref<256xi32, #tpu.memory_space<vmem>>) target_semaphore(%run_scoped3A : memref<!tpu.dma_semaphore, #tpu.memory_space<semaphore_mem>>)
      %dma_wait3A_20 = tpu.memref_slice %arg3[%mul3A_2] : memref<262144xi32, #tpu.memory_space<hbm>> -> memref<256xi32, #tpu.memory_space<hbm>>
      %dma_wait3A_21 = tpu.memref_slice %arg3[%mul3A_2] : memref<262144xi32, #tpu.memory_space<hbm>> -> memref<256xi32, #tpu.memory_space<hbm>>
      tpu.wait_dma2 semaphore(%run_scoped3A : memref<!tpu.dma_semaphore, #tpu.memory_space<semaphore_mem>>) src(%dma_wait3A_21 : memref<256xi32, #tpu.memory_space<hbm>>) dst(%arg5 : memref<256xi32, #tpu.memory_space<vmem>>)
      tpu.yield
    }) : () -> ()
    %scan3A = arith.constant 0 : i32
    %scan3A_3 = arith.constant 0 : i32
    %scan3A_4 = arith.constant 16 : i32
    %scan3A_5 = arith.addi %scan3A_3, %scan3A_4 : i32
    %scan3A_6 = arith.constant 1 : i32
    scf.for %scan3A_19 = %scan3A_3 to %scan3A_5 step %scan3A_6  : i32 {
      %mul3A_20 = arith.constant 2 : i32
      %mul3A_21 = arith.muli %mul3A_20, %scan3A_19 : i32
      %add3A_22 = arith.constant 0 : i32
      %add3A_23 = arith.addi %mul3A_21, %add3A_22 : i32
      %mul3A_24 = arith.constant 256 : i32
      %mul3A_25 = arith.muli %add3A_23, %mul3A_24 : i32
      %add3A_26 = arith.addi %mul3A_2, %mul3A_25 : i32
      %ge3A = arith.constant 2 : i32
      %ge3A_27 = arith.cmpi sge, %add3A_23, %ge3A : i32
      %convert_element_type3A = arith.extui %ge3A_27 : i1 to i32
      %cond3A = arith.constant 0 : i32
      %cond3A_28 = arith.cmpi ne, %convert_element_type3A, %cond3A : i32
      scf.if %cond3A_28 {
        %sub3A = arith.constant 512 : i32
        %sub3A_73 = arith.subi %add3A_26, %sub3A : i32
        %dma_wait3A_74 = arith.constant 0 : i32
        %dma_wait3A_75 = tpu.memref_slice %arg4[%sub3A_73, %dma_wait3A_74] : memref<262144x128xf32, #tpu.memory_space<hbm>> -> memref<256x128xf32, #tpu.memory_space<hbm>>
        %dma_wait3A_76 = arith.constant 0 : i32
        %dma_wait3A_77 = tpu.memref_slice %arg4[%sub3A_73, %dma_wait3A_76] : memref<262144x128xf32, #tpu.memory_space<hbm>> -> memref<256x128xf32, #tpu.memory_space<hbm>>
        tpu.wait_dma2 semaphore(%arg10 : memref<!tpu.dma_semaphore, #tpu.memory_space<semaphore_mem>>) src(%arg7 : memref<256x128xf32, #tpu.memory_space<vmem>>) dst(%dma_wait3A_77 : memref<256x128xf32, #tpu.memory_space<hbm>>)
      } else {
      }
      %dma_start3A = arith.constant 0 : i32
      %dma_start3A_29 = arith.constant 0 : i32
      %dma_start3A_30 = tpu.memref_slice %arg2[%dma_start3A, %dma_start3A_29] : memref<16384x128xf32, #tpu.memory_space<hbm>> -> memref<16384x128xf32, #tpu.memory_space<hbm>>
      tpu.enqueue_indirect_dma source(%dma_start3A_30 : memref<16384x128xf32, #tpu.memory_space<hbm>>) target(%arg7 : memref<256x128xf32, #tpu.memory_space<vmem>>) offsets(%arg5 : memref<256xi32, #tpu.memory_space<vmem>>) semaphore(%arg9 : memref<!tpu.dma_semaphore, #tpu.memory_space<semaphore_mem>>)
      %add3A_31 = arith.constant 1 : i32
      %add3A_32 = arith.addi %add3A_23, %add3A_31 : i32
      %lt3A = arith.constant 32 : i32
      %lt3A_33 = arith.cmpi slt, %add3A_32, %lt3A : i32
      %convert_element_type3A_34 = arith.extui %lt3A_33 : i1 to i32
      %cond3A_35 = arith.constant 0 : i32
      %cond3A_36 = arith.cmpi ne, %convert_element_type3A_34, %cond3A_35 : i32
      scf.if %cond3A_36 {
        %add3A_73 = arith.constant 256 : i32
        %add3A_74 = arith.addi %add3A_26, %add3A_73 : i32
        "tpu.region"() ({
          %run_scoped3A = tpu.sem_alloc : memref<!tpu.dma_semaphore, #tpu.memory_space<semaphore_mem>>
          %dma_start3A_75 = tpu.memref_slice %arg3[%add3A_74] : memref<262144xi32, #tpu.memory_space<hbm>> -> memref<256xi32, #tpu.memory_space<hbm>>
          %dma_start3A_76 = tpu.memref_slice %arg3[%add3A_74] : memref<262144xi32, #tpu.memory_space<hbm>> -> memref<256xi32, #tpu.memory_space<hbm>>
          tpu.enqueue_dma source(%dma_start3A_76 : memref<256xi32, #tpu.memory_space<hbm>>) target(%arg6 : memref<256xi32, #tpu.memory_space<vmem>>) target_semaphore(%run_scoped3A : memref<!tpu.dma_semaphore, #tpu.memory_space<semaphore_mem>>)
          %dma_wait3A_77 = tpu.memref_slice %arg3[%add3A_74] : memref<262144xi32, #tpu.memory_space<hbm>> -> memref<256xi32, #tpu.memory_space<hbm>>
          %dma_wait3A_78 = tpu.memref_slice %arg3[%add3A_74] : memref<262144xi32, #tpu.memory_space<hbm>> -> memref<256xi32, #tpu.memory_space<hbm>>
          tpu.wait_dma2 semaphore(%run_scoped3A : memref<!tpu.dma_semaphore, #tpu.memory_space<semaphore_mem>>) src(%dma_wait3A_78 : memref<256xi32, #tpu.memory_space<hbm>>) dst(%arg6 : memref<256xi32, #tpu.memory_space<vmem>>)
          tpu.yield
        }) : () -> ()
      } else {
      }
      %dma_wait3A_37 = arith.constant 0 : i32
      %dma_wait3A_38 = arith.constant 0 : i32
      %dma_wait3A_39 = tpu.memref_slice %arg2[%dma_wait3A_37, %dma_wait3A_38] : memref<16384x128xf32, #tpu.memory_space<hbm>> -> memref<16384x128xf32, #tpu.memory_space<hbm>>
      tpu.wait_indirect_dma semaphore(%arg9 : memref<!tpu.dma_semaphore, #tpu.memory_space<semaphore_mem>>) src(%dma_wait3A_39 : memref<16384x128xf32, #tpu.memory_space<hbm>>) dst(%arg7 : memref<256x128xf32, #tpu.memory_space<vmem>>)
      %dma_start3A_40 = arith.constant 0 : i32
      %dma_start3A_41 = tpu.memref_slice %arg4[%add3A_26, %dma_start3A_40] : memref<262144x128xf32, #tpu.memory_space<hbm>> -> memref<256x128xf32, #tpu.memory_space<hbm>>
      %dma_start3A_42 = arith.constant 0 : i32
      %dma_start3A_43 = tpu.memref_slice %arg4[%add3A_26, %dma_start3A_42] : memref<262144x128xf32, #tpu.memory_space<hbm>> -> memref<256x128xf32, #tpu.memory_space<hbm>>
      tpu.enqueue_dma source(%arg7 : memref<256x128xf32, #tpu.memory_space<vmem>>) target(%dma_start3A_43 : memref<256x128xf32, #tpu.memory_space<hbm>>) target_semaphore(%arg10 : memref<!tpu.dma_semaphore, #tpu.memory_space<semaphore_mem>>)
      %mul3A_44 = arith.constant 2 : i32
      %mul3A_45 = arith.muli %mul3A_44, %scan3A_19 : i32
      %add3A_46 = arith.constant 1 : i32
      %add3A_47 = arith.addi %mul3A_45, %add3A_46 : i32
      %mul3A_48 = arith.constant 256 : i32
      %mul3A_49 = arith.muli %add3A_47, %mul3A_48 : i32
      %add3A_50 = arith.addi %mul3A_2, %mul3A_49 : i32
      %ge3A_51 = arith.constant 2 : i32
      %ge3A_52 = arith.cmpi sge, %add3A_47, %ge3A_51 : i32
      %convert_element_type3A_53 = arith.extui %ge3A_52 : i1 to i32
      %cond3A_54 = arith.constant 0 : i32
      %cond3A_55 = arith.cmpi ne, %convert_element_type3A_53, %cond3A_54 : i32
      scf.if %cond3A_55 {
        %sub3A = arith.constant 512 : i32
        %sub3A_73 = arith.subi %add3A_50, %sub3A : i32
        %dma_wait3A_74 = arith.constant 0 : i32
        %dma_wait3A_75 = tpu.memref_slice %arg4[%sub3A_73, %dma_wait3A_74] : memref<262144x128xf32, #tpu.memory_space<hbm>> -> memref<256x128xf32, #tpu.memory_space<hbm>>
        %dma_wait3A_76 = arith.constant 0 : i32
        %dma_wait3A_77 = tpu.memref_slice %arg4[%sub3A_73, %dma_wait3A_76] : memref<262144x128xf32, #tpu.memory_space<hbm>> -> memref<256x128xf32, #tpu.memory_space<hbm>>
        tpu.wait_dma2 semaphore(%arg11 : memref<!tpu.dma_semaphore, #tpu.memory_space<semaphore_mem>>) src(%arg8 : memref<256x128xf32, #tpu.memory_space<vmem>>) dst(%dma_wait3A_77 : memref<256x128xf32, #tpu.memory_space<hbm>>)
      } else {
      }
      %dma_start3A_56 = arith.constant 0 : i32
      %dma_start3A_57 = arith.constant 0 : i32
      %dma_start3A_58 = tpu.memref_slice %arg2[%dma_start3A_56, %dma_start3A_57] : memref<16384x128xf32, #tpu.memory_space<hbm>> -> memref<16384x128xf32, #tpu.memory_space<hbm>>
      tpu.enqueue_indirect_dma source(%dma_start3A_58 : memref<16384x128xf32, #tpu.memory_space<hbm>>) target(%arg8 : memref<256x128xf32, #tpu.memory_space<vmem>>) offsets(%arg6 : memref<256xi32, #tpu.memory_space<vmem>>) semaphore(%arg9 : memref<!tpu.dma_semaphore, #tpu.memory_space<semaphore_mem>>)
      %add3A_59 = arith.constant 1 : i32
      %add3A_60 = arith.addi %add3A_47, %add3A_59 : i32
      %lt3A_61 = arith.constant 32 : i32
      %lt3A_62 = arith.cmpi slt, %add3A_60, %lt3A_61 : i32
      %convert_element_type3A_63 = arith.extui %lt3A_62 : i1 to i32
      %cond3A_64 = arith.constant 0 : i32
      %cond3A_65 = arith.cmpi ne, %convert_element_type3A_63, %cond3A_64 : i32
      scf.if %cond3A_65 {
        %add3A_73 = arith.constant 256 : i32
        %add3A_74 = arith.addi %add3A_50, %add3A_73 : i32
        "tpu.region"() ({
          %run_scoped3A = tpu.sem_alloc : memref<!tpu.dma_semaphore, #tpu.memory_space<semaphore_mem>>
          %dma_start3A_75 = tpu.memref_slice %arg3[%add3A_74] : memref<262144xi32, #tpu.memory_space<hbm>> -> memref<256xi32, #tpu.memory_space<hbm>>
          %dma_start3A_76 = tpu.memref_slice %arg3[%add3A_74] : memref<262144xi32, #tpu.memory_space<hbm>> -> memref<256xi32, #tpu.memory_space<hbm>>
          tpu.enqueue_dma source(%dma_start3A_76 : memref<256xi32, #tpu.memory_space<hbm>>) target(%arg5 : memref<256xi32, #tpu.memory_space<vmem>>) target_semaphore(%run_scoped3A : memref<!tpu.dma_semaphore, #tpu.memory_space<semaphore_mem>>)
          %dma_wait3A_77 = tpu.memref_slice %arg3[%add3A_74] : memref<262144xi32, #tpu.memory_space<hbm>> -> memref<256xi32, #tpu.memory_space<hbm>>
          %dma_wait3A_78 = tpu.memref_slice %arg3[%add3A_74] : memref<262144xi32, #tpu.memory_space<hbm>> -> memref<256xi32, #tpu.memory_space<hbm>>
          tpu.wait_dma2 semaphore(%run_scoped3A : memref<!tpu.dma_semaphore, #tpu.memory_space<semaphore_mem>>) src(%dma_wait3A_78 : memref<256xi32, #tpu.memory_space<hbm>>) dst(%arg5 : memref<256xi32, #tpu.memory_space<vmem>>)
          tpu.yield
        }) : () -> ()
      } else {
      }
      %dma_wait3A_66 = arith.constant 0 : i32
      %dma_wait3A_67 = arith.constant 0 : i32
      %dma_wait3A_68 = tpu.memref_slice %arg2[%dma_wait3A_66, %dma_wait3A_67] : memref<16384x128xf32, #tpu.memory_space<hbm>> -> memref<16384x128xf32, #tpu.memory_space<hbm>>
      tpu.wait_indirect_dma semaphore(%arg9 : memref<!tpu.dma_semaphore, #tpu.memory_space<semaphore_mem>>) src(%dma_wait3A_68 : memref<16384x128xf32, #tpu.memory_space<hbm>>) dst(%arg8 : memref<256x128xf32, #tpu.memory_space<vmem>>)
      %dma_start3A_69 = arith.constant 0 : i32
      %dma_start3A_70 = tpu.memref_slice %arg4[%add3A_50, %dma_start3A_69] : memref<262144x128xf32, #tpu.memory_space<hbm>> -> memref<256x128xf32, #tpu.memory_space<hbm>>
      %dma_start3A_71 = arith.constant 0 : i32
      %dma_start3A_72 = tpu.memref_slice %arg4[%add3A_50, %dma_start3A_71] : memref<262144x128xf32, #tpu.memory_space<hbm>> -> memref<256x128xf32, #tpu.memory_space<hbm>>
      tpu.enqueue_dma source(%arg8 : memref<256x128xf32, #tpu.memory_space<vmem>>) target(%dma_start3A_72 : memref<256x128xf32, #tpu.memory_space<hbm>>) target_semaphore(%arg11 : memref<!tpu.dma_semaphore, #tpu.memory_space<semaphore_mem>>)
    }
    %scan3A_7 = arith.constant 16 : i32
    %add3A_8 = arith.constant 7680 : i32
    %add3A_9 = arith.addi %mul3A_2, %add3A_8 : i32
    %dma_wait3A = arith.constant 0 : i32
    %dma_wait3A_10 = tpu.memref_slice %arg4[%add3A_9, %dma_wait3A] : memref<262144x128xf32, #tpu.memory_space<hbm>> -> memref<256x128xf32, #tpu.memory_space<hbm>>
    %dma_wait3A_11 = arith.constant 0 : i32
    %dma_wait3A_12 = tpu.memref_slice %arg4[%add3A_9, %dma_wait3A_11] : memref<262144x128xf32, #tpu.memory_space<hbm>> -> memref<256x128xf32, #tpu.memory_space<hbm>>
    tpu.wait_dma2 semaphore(%arg10 : memref<!tpu.dma_semaphore, #tpu.memory_space<semaphore_mem>>) src(%arg7 : memref<256x128xf32, #tpu.memory_space<vmem>>) dst(%dma_wait3A_12 : memref<256x128xf32, #tpu.memory_space<hbm>>)
    %add3A_13 = arith.constant 7936 : i32
    %add3A_14 = arith.addi %mul3A_2, %add3A_13 : i32
    %dma_wait3A_15 = arith.constant 0 : i32
    %dma_wait3A_16 = tpu.memref_slice %arg4[%add3A_14, %dma_wait3A_15] : memref<262144x128xf32, #tpu.memory_space<hbm>> -> memref<256x128xf32, #tpu.memory_space<hbm>>
    %dma_wait3A_17 = arith.constant 0 : i32
    %dma_wait3A_18 = tpu.memref_slice %arg4[%add3A_14, %dma_wait3A_17] : memref<262144x128xf32, #tpu.memory_space<hbm>> -> memref<256x128xf32, #tpu.memory_space<hbm>>
    tpu.wait_dma2 semaphore(%arg11 : memref<!tpu.dma_semaphore, #tpu.memory_space<semaphore_mem>>) src(%arg8 : memref<256x128xf32, #tpu.memory_space<vmem>>) dst(%dma_wait3A_18 : memref<256x128xf32, #tpu.memory_space<hbm>>)
    return
  }
}

#map = affine_map<(d0, d1) -> (0, 0)>
#map1 = affine_map<(d0, d1) -> (0)>
module attributes {stable_mosaic.version = 14 : i64} {
  func.func @gk1(%arg0: i32, %arg1: i32, %arg2: memref<2048x128xf32, #tpu.memory_space<hbm>>, %arg3: memref<512xi32, #tpu.memory_space<hbm>>, %arg4: memref<512x128xf32, #tpu.memory_space<hbm>>, %arg5: memref<16xi32, #tpu.memory_space<vmem>>, %arg6: memref<16x128xf32, #tpu.memory_space<vmem>>, %arg7: memref<!tpu.dma_semaphore, #tpu.memory_space<semaphore_mem>>) attributes {dimension_semantics = [#tpu.dimension_semantics<core_parallel>, #tpu.dimension_semantics<subcore_parallel>], iteration_bounds = array<i64: 2, 16>, scalar_prefetch = 0 : i64, scratch_operands = 3 : i64, tpu.core_type = #tpu.core_type<sc_vector_subcore>, window_params = [{transform_indices = #map}, {transform_indices = #map1}, {transform_indices = #map}]} {
    %mul3A = arith.constant 2 : i32
    %mul3A_0 = arith.muli %arg1, %mul3A : i32
    %add3A = arith.addi %mul3A_0, %arg0 : i32
    %mul3A_1 = arith.constant 16 : i32
    %mul3A_2 = arith.muli %add3A, %mul3A_1 : i32
    "tpu.region"() ({
      %run_scoped3A = tpu.sem_alloc : memref<!tpu.dma_semaphore, #tpu.memory_space<semaphore_mem>>
      %dma_start3A_7 = tpu.memref_slice %arg3[%mul3A_2] : memref<512xi32, #tpu.memory_space<hbm>> -> memref<16xi32, #tpu.memory_space<hbm>>
      %dma_start3A_8 = tpu.memref_slice %arg3[%mul3A_2] : memref<512xi32, #tpu.memory_space<hbm>> -> memref<16xi32, #tpu.memory_space<hbm>>
      tpu.enqueue_dma source(%dma_start3A_8 : memref<16xi32, #tpu.memory_space<hbm>>) target(%arg5 : memref<16xi32, #tpu.memory_space<vmem>>) target_semaphore(%run_scoped3A : memref<!tpu.dma_semaphore, #tpu.memory_space<semaphore_mem>>)
      %dma_wait3A_9 = tpu.memref_slice %arg3[%mul3A_2] : memref<512xi32, #tpu.memory_space<hbm>> -> memref<16xi32, #tpu.memory_space<hbm>>
      %dma_wait3A_10 = tpu.memref_slice %arg3[%mul3A_2] : memref<512xi32, #tpu.memory_space<hbm>> -> memref<16xi32, #tpu.memory_space<hbm>>
      tpu.wait_dma2 semaphore(%run_scoped3A : memref<!tpu.dma_semaphore, #tpu.memory_space<semaphore_mem>>) src(%dma_wait3A_10 : memref<16xi32, #tpu.memory_space<hbm>>) dst(%arg5 : memref<16xi32, #tpu.memory_space<vmem>>)
      tpu.yield
    }) : () -> ()
    %dma_start3A = arith.constant 0 : i32
    %dma_start3A_3 = arith.constant 0 : i32
    %dma_start3A_4 = tpu.memref_slice %arg2[%dma_start3A, %dma_start3A_3] : memref<2048x128xf32, #tpu.memory_space<hbm>> -> memref<2048x128xf32, #tpu.memory_space<hbm>>
    tpu.enqueue_indirect_dma source(%dma_start3A_4 : memref<2048x128xf32, #tpu.memory_space<hbm>>) target(%arg6 : memref<16x128xf32, #tpu.memory_space<vmem>>) offsets(%arg5 : memref<16xi32, #tpu.memory_space<vmem>>) semaphore(%arg7 : memref<!tpu.dma_semaphore, #tpu.memory_space<semaphore_mem>>)
    %dma_wait3A = arith.constant 0 : i32
    %dma_wait3A_5 = arith.constant 0 : i32
    %dma_wait3A_6 = tpu.memref_slice %arg2[%dma_wait3A, %dma_wait3A_5] : memref<2048x128xf32, #tpu.memory_space<hbm>> -> memref<2048x128xf32, #tpu.memory_space<hbm>>
    tpu.wait_indirect_dma semaphore(%arg7 : memref<!tpu.dma_semaphore, #tpu.memory_space<semaphore_mem>>) src(%dma_wait3A_6 : memref<2048x128xf32, #tpu.memory_space<hbm>>) dst(%arg6 : memref<16x128xf32, #tpu.memory_space<vmem>>)
    "tpu.region"() ({
      %run_scoped3A = tpu.sem_alloc : memref<!tpu.dma_semaphore, #tpu.memory_space<semaphore_mem>>
      %dma_start3A_7 = arith.constant 0 : i32
      %dma_start3A_8 = tpu.memref_slice %arg4[%mul3A_2, %dma_start3A_7] : memref<512x128xf32, #tpu.memory_space<hbm>> -> memref<16x128xf32, #tpu.memory_space<hbm>>
      %dma_start3A_9 = arith.constant 0 : i32
      %dma_start3A_10 = tpu.memref_slice %arg4[%mul3A_2, %dma_start3A_9] : memref<512x128xf32, #tpu.memory_space<hbm>> -> memref<16x128xf32, #tpu.memory_space<hbm>>
      tpu.enqueue_dma source(%arg6 : memref<16x128xf32, #tpu.memory_space<vmem>>) target(%dma_start3A_10 : memref<16x128xf32, #tpu.memory_space<hbm>>) target_semaphore(%run_scoped3A : memref<!tpu.dma_semaphore, #tpu.memory_space<semaphore_mem>>)
      %dma_wait3A_11 = arith.constant 0 : i32
      %dma_wait3A_12 = tpu.memref_slice %arg4[%mul3A_2, %dma_wait3A_11] : memref<512x128xf32, #tpu.memory_space<hbm>> -> memref<16x128xf32, #tpu.memory_space<hbm>>
      %dma_wait3A_13 = arith.constant 0 : i32
      %dma_wait3A_14 = tpu.memref_slice %arg4[%mul3A_2, %dma_wait3A_13] : memref<512x128xf32, #tpu.memory_space<hbm>> -> memref<16x128xf32, #tpu.memory_space<hbm>>
      tpu.wait_dma2 semaphore(%run_scoped3A : memref<!tpu.dma_semaphore, #tpu.memory_space<semaphore_mem>>) src(%arg6 : memref<16x128xf32, #tpu.memory_space<vmem>>) dst(%dma_wait3A_14 : memref<16x128xf32, #tpu.memory_space<hbm>>)
      tpu.yield
    }) : () -> ()
    return
  }
}

#map = affine_map<(d0, d1) -> (0, 0)>
#map1 = affine_map<(d0, d1) -> (0)>
module attributes {stable_mosaic.version = 14 : i64} {
  func.func @gk1(%arg0: i32, %arg1: i32, %arg2: memref<16384x128xf32, #tpu.memory_space<hbm>>, %arg3: memref<2048xi32, #tpu.memory_space<hbm>>, %arg4: memref<2048x128xf32, #tpu.memory_space<hbm>>, %arg5: memref<64xi32, #tpu.memory_space<vmem>>, %arg6: memref<64x128xf32, #tpu.memory_space<vmem>>, %arg7: memref<!tpu.dma_semaphore, #tpu.memory_space<semaphore_mem>>) attributes {dimension_semantics = [#tpu.dimension_semantics<core_parallel>, #tpu.dimension_semantics<subcore_parallel>], iteration_bounds = array<i64: 2, 16>, scalar_prefetch = 0 : i64, scratch_operands = 3 : i64, tpu.core_type = #tpu.core_type<sc_vector_subcore>, window_params = [{transform_indices = #map}, {transform_indices = #map1}, {transform_indices = #map}]} {
    %mul3A = arith.constant 2 : i32
    %mul3A_0 = arith.muli %arg1, %mul3A : i32
    %add3A = arith.addi %mul3A_0, %arg0 : i32
    %mul3A_1 = arith.constant 64 : i32
    %mul3A_2 = arith.muli %add3A, %mul3A_1 : i32
    "tpu.region"() ({
      %run_scoped3A = tpu.sem_alloc : memref<!tpu.dma_semaphore, #tpu.memory_space<semaphore_mem>>
      %dma_start3A_7 = tpu.memref_slice %arg3[%mul3A_2] : memref<2048xi32, #tpu.memory_space<hbm>> -> memref<64xi32, #tpu.memory_space<hbm>>
      %dma_start3A_8 = tpu.memref_slice %arg3[%mul3A_2] : memref<2048xi32, #tpu.memory_space<hbm>> -> memref<64xi32, #tpu.memory_space<hbm>>
      tpu.enqueue_dma source(%dma_start3A_8 : memref<64xi32, #tpu.memory_space<hbm>>) target(%arg5 : memref<64xi32, #tpu.memory_space<vmem>>) target_semaphore(%run_scoped3A : memref<!tpu.dma_semaphore, #tpu.memory_space<semaphore_mem>>)
      %dma_wait3A_9 = tpu.memref_slice %arg3[%mul3A_2] : memref<2048xi32, #tpu.memory_space<hbm>> -> memref<64xi32, #tpu.memory_space<hbm>>
      %dma_wait3A_10 = tpu.memref_slice %arg3[%mul3A_2] : memref<2048xi32, #tpu.memory_space<hbm>> -> memref<64xi32, #tpu.memory_space<hbm>>
      tpu.wait_dma2 semaphore(%run_scoped3A : memref<!tpu.dma_semaphore, #tpu.memory_space<semaphore_mem>>) src(%dma_wait3A_10 : memref<64xi32, #tpu.memory_space<hbm>>) dst(%arg5 : memref<64xi32, #tpu.memory_space<vmem>>)
      tpu.yield
    }) : () -> ()
    %dma_start3A = arith.constant 0 : i32
    %dma_start3A_3 = arith.constant 0 : i32
    %dma_start3A_4 = tpu.memref_slice %arg2[%dma_start3A, %dma_start3A_3] : memref<16384x128xf32, #tpu.memory_space<hbm>> -> memref<16384x128xf32, #tpu.memory_space<hbm>>
    tpu.enqueue_indirect_dma source(%dma_start3A_4 : memref<16384x128xf32, #tpu.memory_space<hbm>>) target(%arg6 : memref<64x128xf32, #tpu.memory_space<vmem>>) offsets(%arg5 : memref<64xi32, #tpu.memory_space<vmem>>) semaphore(%arg7 : memref<!tpu.dma_semaphore, #tpu.memory_space<semaphore_mem>>)
    %dma_wait3A = arith.constant 0 : i32
    %dma_wait3A_5 = arith.constant 0 : i32
    %dma_wait3A_6 = tpu.memref_slice %arg2[%dma_wait3A, %dma_wait3A_5] : memref<16384x128xf32, #tpu.memory_space<hbm>> -> memref<16384x128xf32, #tpu.memory_space<hbm>>
    tpu.wait_indirect_dma semaphore(%arg7 : memref<!tpu.dma_semaphore, #tpu.memory_space<semaphore_mem>>) src(%dma_wait3A_6 : memref<16384x128xf32, #tpu.memory_space<hbm>>) dst(%arg6 : memref<64x128xf32, #tpu.memory_space<vmem>>)
    "tpu.region"() ({
      %run_scoped3A = tpu.sem_alloc : memref<!tpu.dma_semaphore, #tpu.memory_space<semaphore_mem>>
      %dma_start3A_7 = arith.constant 0 : i32
      %dma_start3A_8 = tpu.memref_slice %arg4[%mul3A_2, %dma_start3A_7] : memref<2048x128xf32, #tpu.memory_space<hbm>> -> memref<64x128xf32, #tpu.memory_space<hbm>>
      %dma_start3A_9 = arith.constant 0 : i32
      %dma_start3A_10 = tpu.memref_slice %arg4[%mul3A_2, %dma_start3A_9] : memref<2048x128xf32, #tpu.memory_space<hbm>> -> memref<64x128xf32, #tpu.memory_space<hbm>>
      tpu.enqueue_dma source(%arg6 : memref<64x128xf32, #tpu.memory_space<vmem>>) target(%dma_start3A_10 : memref<64x128xf32, #tpu.memory_space<hbm>>) target_semaphore(%run_scoped3A : memref<!tpu.dma_semaphore, #tpu.memory_space<semaphore_mem>>)
      %dma_wait3A_11 = arith.constant 0 : i32
      %dma_wait3A_12 = tpu.memref_slice %arg4[%mul3A_2, %dma_wait3A_11] : memref<2048x128xf32, #tpu.memory_space<hbm>> -> memref<64x128xf32, #tpu.memory_space<hbm>>
      %dma_wait3A_13 = arith.constant 0 : i32
      %dma_wait3A_14 = tpu.memref_slice %arg4[%mul3A_2, %dma_wait3A_13] : memref<2048x128xf32, #tpu.memory_space<hbm>> -> memref<64x128xf32, #tpu.memory_space<hbm>>
      tpu.wait_dma2 semaphore(%run_scoped3A : memref<!tpu.dma_semaphore, #tpu.memory_space<semaphore_mem>>) src(%arg6 : memref<64x128xf32, #tpu.memory_space<vmem>>) dst(%dma_wait3A_14 : memref<64x128xf32, #tpu.memory_space<hbm>>)
      tpu.yield
    }) : () -> ()
    return
  }
}

#map = affine_map<(d0, d1) -> (0, 0)>
#map1 = affine_map<(d0, d1) -> (0)>
module attributes {stable_mosaic.version = 14 : i64} {
  func.func @gk1(%arg0: i32, %arg1: i32, %arg2: memref<512x128xf32, #tpu.memory_space<hbm>>, %arg3: memref<8192xi32, #tpu.memory_space<hbm>>, %arg4: memref<8192x128xf32, #tpu.memory_space<hbm>>, %arg5: memref<256xi32, #tpu.memory_space<vmem>>, %arg6: memref<256x128xf32, #tpu.memory_space<vmem>>, %arg7: memref<!tpu.dma_semaphore, #tpu.memory_space<semaphore_mem>>) attributes {dimension_semantics = [#tpu.dimension_semantics<core_parallel>, #tpu.dimension_semantics<subcore_parallel>], iteration_bounds = array<i64: 2, 16>, scalar_prefetch = 0 : i64, scratch_operands = 3 : i64, tpu.core_type = #tpu.core_type<sc_vector_subcore>, window_params = [{transform_indices = #map}, {transform_indices = #map1}, {transform_indices = #map}]} {
    %mul3A = arith.constant 2 : i32
    %mul3A_0 = arith.muli %arg1, %mul3A : i32
    %add3A = arith.addi %mul3A_0, %arg0 : i32
    %mul3A_1 = arith.constant 256 : i32
    %mul3A_2 = arith.muli %add3A, %mul3A_1 : i32
    "tpu.region"() ({
      %run_scoped3A = tpu.sem_alloc : memref<!tpu.dma_semaphore, #tpu.memory_space<semaphore_mem>>
      %dma_start3A_7 = tpu.memref_slice %arg3[%mul3A_2] : memref<8192xi32, #tpu.memory_space<hbm>> -> memref<256xi32, #tpu.memory_space<hbm>>
      %dma_start3A_8 = tpu.memref_slice %arg3[%mul3A_2] : memref<8192xi32, #tpu.memory_space<hbm>> -> memref<256xi32, #tpu.memory_space<hbm>>
      tpu.enqueue_dma source(%dma_start3A_8 : memref<256xi32, #tpu.memory_space<hbm>>) target(%arg5 : memref<256xi32, #tpu.memory_space<vmem>>) target_semaphore(%run_scoped3A : memref<!tpu.dma_semaphore, #tpu.memory_space<semaphore_mem>>)
      %dma_wait3A_9 = tpu.memref_slice %arg3[%mul3A_2] : memref<8192xi32, #tpu.memory_space<hbm>> -> memref<256xi32, #tpu.memory_space<hbm>>
      %dma_wait3A_10 = tpu.memref_slice %arg3[%mul3A_2] : memref<8192xi32, #tpu.memory_space<hbm>> -> memref<256xi32, #tpu.memory_space<hbm>>
      tpu.wait_dma2 semaphore(%run_scoped3A : memref<!tpu.dma_semaphore, #tpu.memory_space<semaphore_mem>>) src(%dma_wait3A_10 : memref<256xi32, #tpu.memory_space<hbm>>) dst(%arg5 : memref<256xi32, #tpu.memory_space<vmem>>)
      tpu.yield
    }) : () -> ()
    %dma_start3A = arith.constant 0 : i32
    %dma_start3A_3 = arith.constant 0 : i32
    %dma_start3A_4 = tpu.memref_slice %arg2[%dma_start3A, %dma_start3A_3] : memref<512x128xf32, #tpu.memory_space<hbm>> -> memref<512x128xf32, #tpu.memory_space<hbm>>
    tpu.enqueue_indirect_dma source(%dma_start3A_4 : memref<512x128xf32, #tpu.memory_space<hbm>>) target(%arg6 : memref<256x128xf32, #tpu.memory_space<vmem>>) offsets(%arg5 : memref<256xi32, #tpu.memory_space<vmem>>) semaphore(%arg7 : memref<!tpu.dma_semaphore, #tpu.memory_space<semaphore_mem>>)
    %dma_wait3A = arith.constant 0 : i32
    %dma_wait3A_5 = arith.constant 0 : i32
    %dma_wait3A_6 = tpu.memref_slice %arg2[%dma_wait3A, %dma_wait3A_5] : memref<512x128xf32, #tpu.memory_space<hbm>> -> memref<512x128xf32, #tpu.memory_space<hbm>>
    tpu.wait_indirect_dma semaphore(%arg7 : memref<!tpu.dma_semaphore, #tpu.memory_space<semaphore_mem>>) src(%dma_wait3A_6 : memref<512x128xf32, #tpu.memory_space<hbm>>) dst(%arg6 : memref<256x128xf32, #tpu.memory_space<vmem>>)
    "tpu.region"() ({
      %run_scoped3A = tpu.sem_alloc : memref<!tpu.dma_semaphore, #tpu.memory_space<semaphore_mem>>
      %dma_start3A_7 = arith.constant 0 : i32
      %dma_start3A_8 = tpu.memref_slice %arg4[%mul3A_2, %dma_start3A_7] : memref<8192x128xf32, #tpu.memory_space<hbm>> -> memref<256x128xf32, #tpu.memory_space<hbm>>
      %dma_start3A_9 = arith.constant 0 : i32
      %dma_start3A_10 = tpu.memref_slice %arg4[%mul3A_2, %dma_start3A_9] : memref<8192x128xf32, #tpu.memory_space<hbm>> -> memref<256x128xf32, #tpu.memory_space<hbm>>
      tpu.enqueue_dma source(%arg6 : memref<256x128xf32, #tpu.memory_space<vmem>>) target(%dma_start3A_10 : memref<256x128xf32, #tpu.memory_space<hbm>>) target_semaphore(%run_scoped3A : memref<!tpu.dma_semaphore, #tpu.memory_space<semaphore_mem>>)
      %dma_wait3A_11 = arith.constant 0 : i32
      %dma_wait3A_12 = tpu.memref_slice %arg4[%mul3A_2, %dma_wait3A_11] : memref<8192x128xf32, #tpu.memory_space<hbm>> -> memref<256x128xf32, #tpu.memory_space<hbm>>
      %dma_wait3A_13 = arith.constant 0 : i32
      %dma_wait3A_14 = tpu.memref_slice %arg4[%mul3A_2, %dma_wait3A_13] : memref<8192x128xf32, #tpu.memory_space<hbm>> -> memref<256x128xf32, #tpu.memory_space<hbm>>
      tpu.wait_dma2 semaphore(%run_scoped3A : memref<!tpu.dma_semaphore, #tpu.memory_space<semaphore_mem>>) src(%arg6 : memref<256x128xf32, #tpu.memory_space<vmem>>) dst(%dma_wait3A_14 : memref<256x128xf32, #tpu.memory_space<hbm>>)
      tpu.yield
    }) : () -> ()
    return
  }
}

#map = affine_map<(d0, d1) -> (0, 0)>
#map1 = affine_map<(d0, d1) -> (0)>
module attributes {stable_mosaic.version = 14 : i64} {
  func.func @gk1(%arg0: i32, %arg1: i32, %arg2: memref<512x128xf32, #tpu.memory_space<hbm>>, %arg3: memref<6144xi32, #tpu.memory_space<hbm>>, %arg4: memref<6144x128xf32, #tpu.memory_space<hbm>>, %arg5: memref<192xi32, #tpu.memory_space<vmem>>, %arg6: memref<192x128xf32, #tpu.memory_space<vmem>>, %arg7: memref<!tpu.dma_semaphore, #tpu.memory_space<semaphore_mem>>) attributes {dimension_semantics = [#tpu.dimension_semantics<core_parallel>, #tpu.dimension_semantics<subcore_parallel>], iteration_bounds = array<i64: 2, 16>, scalar_prefetch = 0 : i64, scratch_operands = 3 : i64, tpu.core_type = #tpu.core_type<sc_vector_subcore>, window_params = [{transform_indices = #map}, {transform_indices = #map1}, {transform_indices = #map}]} {
    %mul3A = arith.constant 2 : i32
    %mul3A_0 = arith.muli %arg1, %mul3A : i32
    %add3A = arith.addi %mul3A_0, %arg0 : i32
    %mul3A_1 = arith.constant 192 : i32
    %mul3A_2 = arith.muli %add3A, %mul3A_1 : i32
    "tpu.region"() ({
      %run_scoped3A = tpu.sem_alloc : memref<!tpu.dma_semaphore, #tpu.memory_space<semaphore_mem>>
      %dma_start3A_7 = tpu.memref_slice %arg3[%mul3A_2] : memref<6144xi32, #tpu.memory_space<hbm>> -> memref<192xi32, #tpu.memory_space<hbm>>
      %dma_start3A_8 = tpu.memref_slice %arg3[%mul3A_2] : memref<6144xi32, #tpu.memory_space<hbm>> -> memref<192xi32, #tpu.memory_space<hbm>>
      tpu.enqueue_dma source(%dma_start3A_8 : memref<192xi32, #tpu.memory_space<hbm>>) target(%arg5 : memref<192xi32, #tpu.memory_space<vmem>>) target_semaphore(%run_scoped3A : memref<!tpu.dma_semaphore, #tpu.memory_space<semaphore_mem>>)
      %dma_wait3A_9 = tpu.memref_slice %arg3[%mul3A_2] : memref<6144xi32, #tpu.memory_space<hbm>> -> memref<192xi32, #tpu.memory_space<hbm>>
      %dma_wait3A_10 = tpu.memref_slice %arg3[%mul3A_2] : memref<6144xi32, #tpu.memory_space<hbm>> -> memref<192xi32, #tpu.memory_space<hbm>>
      tpu.wait_dma2 semaphore(%run_scoped3A : memref<!tpu.dma_semaphore, #tpu.memory_space<semaphore_mem>>) src(%dma_wait3A_10 : memref<192xi32, #tpu.memory_space<hbm>>) dst(%arg5 : memref<192xi32, #tpu.memory_space<vmem>>)
      tpu.yield
    }) : () -> ()
    %dma_start3A = arith.constant 0 : i32
    %dma_start3A_3 = arith.constant 0 : i32
    %dma_start3A_4 = tpu.memref_slice %arg2[%dma_start3A, %dma_start3A_3] : memref<512x128xf32, #tpu.memory_space<hbm>> -> memref<512x128xf32, #tpu.memory_space<hbm>>
    tpu.enqueue_indirect_dma source(%dma_start3A_4 : memref<512x128xf32, #tpu.memory_space<hbm>>) target(%arg6 : memref<192x128xf32, #tpu.memory_space<vmem>>) offsets(%arg5 : memref<192xi32, #tpu.memory_space<vmem>>) semaphore(%arg7 : memref<!tpu.dma_semaphore, #tpu.memory_space<semaphore_mem>>)
    %dma_wait3A = arith.constant 0 : i32
    %dma_wait3A_5 = arith.constant 0 : i32
    %dma_wait3A_6 = tpu.memref_slice %arg2[%dma_wait3A, %dma_wait3A_5] : memref<512x128xf32, #tpu.memory_space<hbm>> -> memref<512x128xf32, #tpu.memory_space<hbm>>
    tpu.wait_indirect_dma semaphore(%arg7 : memref<!tpu.dma_semaphore, #tpu.memory_space<semaphore_mem>>) src(%dma_wait3A_6 : memref<512x128xf32, #tpu.memory_space<hbm>>) dst(%arg6 : memref<192x128xf32, #tpu.memory_space<vmem>>)
    "tpu.region"() ({
      %run_scoped3A = tpu.sem_alloc : memref<!tpu.dma_semaphore, #tpu.memory_space<semaphore_mem>>
      %dma_start3A_7 = arith.constant 0 : i32
      %dma_start3A_8 = tpu.memref_slice %arg4[%mul3A_2, %dma_start3A_7] : memref<6144x128xf32, #tpu.memory_space<hbm>> -> memref<192x128xf32, #tpu.memory_space<hbm>>
      %dma_start3A_9 = arith.constant 0 : i32
      %dma_start3A_10 = tpu.memref_slice %arg4[%mul3A_2, %dma_start3A_9] : memref<6144x128xf32, #tpu.memory_space<hbm>> -> memref<192x128xf32, #tpu.memory_space<hbm>>
      tpu.enqueue_dma source(%arg6 : memref<192x128xf32, #tpu.memory_space<vmem>>) target(%dma_start3A_10 : memref<192x128xf32, #tpu.memory_space<hbm>>) target_semaphore(%run_scoped3A : memref<!tpu.dma_semaphore, #tpu.memory_space<semaphore_mem>>)
      %dma_wait3A_11 = arith.constant 0 : i32
      %dma_wait3A_12 = tpu.memref_slice %arg4[%mul3A_2, %dma_wait3A_11] : memref<6144x128xf32, #tpu.memory_space<hbm>> -> memref<192x128xf32, #tpu.memory_space<hbm>>
      %dma_wait3A_13 = arith.constant 0 : i32
      %dma_wait3A_14 = tpu.memref_slice %arg4[%mul3A_2, %dma_wait3A_13] : memref<6144x128xf32, #tpu.memory_space<hbm>> -> memref<192x128xf32, #tpu.memory_space<hbm>>
      tpu.wait_dma2 semaphore(%run_scoped3A : memref<!tpu.dma_semaphore, #tpu.memory_space<semaphore_mem>>) src(%arg6 : memref<192x128xf32, #tpu.memory_space<vmem>>) dst(%dma_wait3A_14 : memref<192x128xf32, #tpu.memory_space<hbm>>)
      tpu.yield
    }) : () -> ()
    return
  }
}

#map = affine_map<(d0, d1) -> (0, 0)>
#map1 = affine_map<(d0, d1) -> (0)>
module attributes {stable_mosaic.version = 14 : i64} {
  func.func @gk(%arg0: i32, %arg1: i32, %arg2: memref<2048x128xf32, #tpu.memory_space<hbm>>, %arg3: memref<49152xi32, #tpu.memory_space<hbm>>, %arg4: memref<49152x128xf32, #tpu.memory_space<hbm>>, %arg5: memref<192xi32, #tpu.memory_space<vmem>>, %arg6: memref<192xi32, #tpu.memory_space<vmem>>, %arg7: memref<192x128xf32, #tpu.memory_space<vmem>>, %arg8: memref<192x128xf32, #tpu.memory_space<vmem>>, %arg9: memref<!tpu.dma_semaphore, #tpu.memory_space<semaphore_mem>>, %arg10: memref<!tpu.dma_semaphore, #tpu.memory_space<semaphore_mem>>, %arg11: memref<!tpu.dma_semaphore, #tpu.memory_space<semaphore_mem>>) attributes {dimension_semantics = [#tpu.dimension_semantics<core_parallel>, #tpu.dimension_semantics<subcore_parallel>], iteration_bounds = array<i64: 2, 16>, scalar_prefetch = 0 : i64, scratch_operands = 7 : i64, tpu.core_type = #tpu.core_type<sc_vector_subcore>, window_params = [{transform_indices = #map}, {transform_indices = #map1}, {transform_indices = #map}]} {
    %mul3A = arith.constant 2 : i32
    %mul3A_0 = arith.muli %arg1, %mul3A : i32
    %add3A = arith.addi %mul3A_0, %arg0 : i32
    %mul3A_1 = arith.constant 1536 : i32
    %mul3A_2 = arith.muli %add3A, %mul3A_1 : i32
    "tpu.region"() ({
      %run_scoped3A = tpu.sem_alloc : memref<!tpu.dma_semaphore, #tpu.memory_space<semaphore_mem>>
      %dma_start3A = tpu.memref_slice %arg3[%mul3A_2] : memref<49152xi32, #tpu.memory_space<hbm>> -> memref<192xi32, #tpu.memory_space<hbm>>
      %dma_start3A_19 = tpu.memref_slice %arg3[%mul3A_2] : memref<49152xi32, #tpu.memory_space<hbm>> -> memref<192xi32, #tpu.memory_space<hbm>>
      tpu.enqueue_dma source(%dma_start3A_19 : memref<192xi32, #tpu.memory_space<hbm>>) target(%arg5 : memref<192xi32, #tpu.memory_space<vmem>>) target_semaphore(%run_scoped3A : memref<!tpu.dma_semaphore, #tpu.memory_space<semaphore_mem>>)
      %dma_wait3A_20 = tpu.memref_slice %arg3[%mul3A_2] : memref<49152xi32, #tpu.memory_space<hbm>> -> memref<192xi32, #tpu.memory_space<hbm>>
      %dma_wait3A_21 = tpu.memref_slice %arg3[%mul3A_2] : memref<49152xi32, #tpu.memory_space<hbm>> -> memref<192xi32, #tpu.memory_space<hbm>>
      tpu.wait_dma2 semaphore(%run_scoped3A : memref<!tpu.dma_semaphore, #tpu.memory_space<semaphore_mem>>) src(%dma_wait3A_21 : memref<192xi32, #tpu.memory_space<hbm>>) dst(%arg5 : memref<192xi32, #tpu.memory_space<vmem>>)
      tpu.yield
    }) : () -> ()
    %scan3A = arith.constant 0 : i32
    %scan3A_3 = arith.constant 0 : i32
    %scan3A_4 = arith.constant 4 : i32
    %scan3A_5 = arith.addi %scan3A_3, %scan3A_4 : i32
    %scan3A_6 = arith.constant 1 : i32
    scf.for %scan3A_19 = %scan3A_3 to %scan3A_5 step %scan3A_6  : i32 {
      %mul3A_20 = arith.constant 2 : i32
      %mul3A_21 = arith.muli %mul3A_20, %scan3A_19 : i32
      %add3A_22 = arith.constant 0 : i32
      %add3A_23 = arith.addi %mul3A_21, %add3A_22 : i32
      %mul3A_24 = arith.constant 192 : i32
      %mul3A_25 = arith.muli %add3A_23, %mul3A_24 : i32
      %add3A_26 = arith.addi %mul3A_2, %mul3A_25 : i32
      %ge3A = arith.constant 2 : i32
      %ge3A_27 = arith.cmpi sge, %add3A_23, %ge3A : i32
      %convert_element_type3A = arith.extui %ge3A_27 : i1 to i32
      %cond3A = arith.constant 0 : i32
      %cond3A_28 = arith.cmpi ne, %convert_element_type3A, %cond3A : i32
      scf.if %cond3A_28 {
        %sub3A = arith.constant 384 : i32
        %sub3A_73 = arith.subi %add3A_26, %sub3A : i32
        %dma_wait3A_74 = arith.constant 0 : i32
        %dma_wait3A_75 = tpu.memref_slice %arg4[%sub3A_73, %dma_wait3A_74] : memref<49152x128xf32, #tpu.memory_space<hbm>> -> memref<192x128xf32, #tpu.memory_space<hbm>>
        %dma_wait3A_76 = arith.constant 0 : i32
        %dma_wait3A_77 = tpu.memref_slice %arg4[%sub3A_73, %dma_wait3A_76] : memref<49152x128xf32, #tpu.memory_space<hbm>> -> memref<192x128xf32, #tpu.memory_space<hbm>>
        tpu.wait_dma2 semaphore(%arg10 : memref<!tpu.dma_semaphore, #tpu.memory_space<semaphore_mem>>) src(%arg7 : memref<192x128xf32, #tpu.memory_space<vmem>>) dst(%dma_wait3A_77 : memref<192x128xf32, #tpu.memory_space<hbm>>)
      } else {
      }
      %dma_start3A = arith.constant 0 : i32
      %dma_start3A_29 = arith.constant 0 : i32
      %dma_start3A_30 = tpu.memref_slice %arg2[%dma_start3A, %dma_start3A_29] : memref<2048x128xf32, #tpu.memory_space<hbm>> -> memref<2048x128xf32, #tpu.memory_space<hbm>>
      tpu.enqueue_indirect_dma source(%dma_start3A_30 : memref<2048x128xf32, #tpu.memory_space<hbm>>) target(%arg7 : memref<192x128xf32, #tpu.memory_space<vmem>>) offsets(%arg5 : memref<192xi32, #tpu.memory_space<vmem>>) semaphore(%arg9 : memref<!tpu.dma_semaphore, #tpu.memory_space<semaphore_mem>>)
      %add3A_31 = arith.constant 1 : i32
      %add3A_32 = arith.addi %add3A_23, %add3A_31 : i32
      %lt3A = arith.constant 8 : i32
      %lt3A_33 = arith.cmpi slt, %add3A_32, %lt3A : i32
      %convert_element_type3A_34 = arith.extui %lt3A_33 : i1 to i32
      %cond3A_35 = arith.constant 0 : i32
      %cond3A_36 = arith.cmpi ne, %convert_element_type3A_34, %cond3A_35 : i32
      scf.if %cond3A_36 {
        %add3A_73 = arith.constant 192 : i32
        %add3A_74 = arith.addi %add3A_26, %add3A_73 : i32
        "tpu.region"() ({
          %run_scoped3A = tpu.sem_alloc : memref<!tpu.dma_semaphore, #tpu.memory_space<semaphore_mem>>
          %dma_start3A_75 = tpu.memref_slice %arg3[%add3A_74] : memref<49152xi32, #tpu.memory_space<hbm>> -> memref<192xi32, #tpu.memory_space<hbm>>
          %dma_start3A_76 = tpu.memref_slice %arg3[%add3A_74] : memref<49152xi32, #tpu.memory_space<hbm>> -> memref<192xi32, #tpu.memory_space<hbm>>
          tpu.enqueue_dma source(%dma_start3A_76 : memref<192xi32, #tpu.memory_space<hbm>>) target(%arg6 : memref<192xi32, #tpu.memory_space<vmem>>) target_semaphore(%run_scoped3A : memref<!tpu.dma_semaphore, #tpu.memory_space<semaphore_mem>>)
          %dma_wait3A_77 = tpu.memref_slice %arg3[%add3A_74] : memref<49152xi32, #tpu.memory_space<hbm>> -> memref<192xi32, #tpu.memory_space<hbm>>
          %dma_wait3A_78 = tpu.memref_slice %arg3[%add3A_74] : memref<49152xi32, #tpu.memory_space<hbm>> -> memref<192xi32, #tpu.memory_space<hbm>>
          tpu.wait_dma2 semaphore(%run_scoped3A : memref<!tpu.dma_semaphore, #tpu.memory_space<semaphore_mem>>) src(%dma_wait3A_78 : memref<192xi32, #tpu.memory_space<hbm>>) dst(%arg6 : memref<192xi32, #tpu.memory_space<vmem>>)
          tpu.yield
        }) : () -> ()
      } else {
      }
      %dma_wait3A_37 = arith.constant 0 : i32
      %dma_wait3A_38 = arith.constant 0 : i32
      %dma_wait3A_39 = tpu.memref_slice %arg2[%dma_wait3A_37, %dma_wait3A_38] : memref<2048x128xf32, #tpu.memory_space<hbm>> -> memref<2048x128xf32, #tpu.memory_space<hbm>>
      tpu.wait_indirect_dma semaphore(%arg9 : memref<!tpu.dma_semaphore, #tpu.memory_space<semaphore_mem>>) src(%dma_wait3A_39 : memref<2048x128xf32, #tpu.memory_space<hbm>>) dst(%arg7 : memref<192x128xf32, #tpu.memory_space<vmem>>)
      %dma_start3A_40 = arith.constant 0 : i32
      %dma_start3A_41 = tpu.memref_slice %arg4[%add3A_26, %dma_start3A_40] : memref<49152x128xf32, #tpu.memory_space<hbm>> -> memref<192x128xf32, #tpu.memory_space<hbm>>
      %dma_start3A_42 = arith.constant 0 : i32
      %dma_start3A_43 = tpu.memref_slice %arg4[%add3A_26, %dma_start3A_42] : memref<49152x128xf32, #tpu.memory_space<hbm>> -> memref<192x128xf32, #tpu.memory_space<hbm>>
      tpu.enqueue_dma source(%arg7 : memref<192x128xf32, #tpu.memory_space<vmem>>) target(%dma_start3A_43 : memref<192x128xf32, #tpu.memory_space<hbm>>) target_semaphore(%arg10 : memref<!tpu.dma_semaphore, #tpu.memory_space<semaphore_mem>>)
      %mul3A_44 = arith.constant 2 : i32
      %mul3A_45 = arith.muli %mul3A_44, %scan3A_19 : i32
      %add3A_46 = arith.constant 1 : i32
      %add3A_47 = arith.addi %mul3A_45, %add3A_46 : i32
      %mul3A_48 = arith.constant 192 : i32
      %mul3A_49 = arith.muli %add3A_47, %mul3A_48 : i32
      %add3A_50 = arith.addi %mul3A_2, %mul3A_49 : i32
      %ge3A_51 = arith.constant 2 : i32
      %ge3A_52 = arith.cmpi sge, %add3A_47, %ge3A_51 : i32
      %convert_element_type3A_53 = arith.extui %ge3A_52 : i1 to i32
      %cond3A_54 = arith.constant 0 : i32
      %cond3A_55 = arith.cmpi ne, %convert_element_type3A_53, %cond3A_54 : i32
      scf.if %cond3A_55 {
        %sub3A = arith.constant 384 : i32
        %sub3A_73 = arith.subi %add3A_50, %sub3A : i32
        %dma_wait3A_74 = arith.constant 0 : i32
        %dma_wait3A_75 = tpu.memref_slice %arg4[%sub3A_73, %dma_wait3A_74] : memref<49152x128xf32, #tpu.memory_space<hbm>> -> memref<192x128xf32, #tpu.memory_space<hbm>>
        %dma_wait3A_76 = arith.constant 0 : i32
        %dma_wait3A_77 = tpu.memref_slice %arg4[%sub3A_73, %dma_wait3A_76] : memref<49152x128xf32, #tpu.memory_space<hbm>> -> memref<192x128xf32, #tpu.memory_space<hbm>>
        tpu.wait_dma2 semaphore(%arg11 : memref<!tpu.dma_semaphore, #tpu.memory_space<semaphore_mem>>) src(%arg8 : memref<192x128xf32, #tpu.memory_space<vmem>>) dst(%dma_wait3A_77 : memref<192x128xf32, #tpu.memory_space<hbm>>)
      } else {
      }
      %dma_start3A_56 = arith.constant 0 : i32
      %dma_start3A_57 = arith.constant 0 : i32
      %dma_start3A_58 = tpu.memref_slice %arg2[%dma_start3A_56, %dma_start3A_57] : memref<2048x128xf32, #tpu.memory_space<hbm>> -> memref<2048x128xf32, #tpu.memory_space<hbm>>
      tpu.enqueue_indirect_dma source(%dma_start3A_58 : memref<2048x128xf32, #tpu.memory_space<hbm>>) target(%arg8 : memref<192x128xf32, #tpu.memory_space<vmem>>) offsets(%arg6 : memref<192xi32, #tpu.memory_space<vmem>>) semaphore(%arg9 : memref<!tpu.dma_semaphore, #tpu.memory_space<semaphore_mem>>)
      %add3A_59 = arith.constant 1 : i32
      %add3A_60 = arith.addi %add3A_47, %add3A_59 : i32
      %lt3A_61 = arith.constant 8 : i32
      %lt3A_62 = arith.cmpi slt, %add3A_60, %lt3A_61 : i32
      %convert_element_type3A_63 = arith.extui %lt3A_62 : i1 to i32
      %cond3A_64 = arith.constant 0 : i32
      %cond3A_65 = arith.cmpi ne, %convert_element_type3A_63, %cond3A_64 : i32
      scf.if %cond3A_65 {
        %add3A_73 = arith.constant 192 : i32
        %add3A_74 = arith.addi %add3A_50, %add3A_73 : i32
        "tpu.region"() ({
          %run_scoped3A = tpu.sem_alloc : memref<!tpu.dma_semaphore, #tpu.memory_space<semaphore_mem>>
          %dma_start3A_75 = tpu.memref_slice %arg3[%add3A_74] : memref<49152xi32, #tpu.memory_space<hbm>> -> memref<192xi32, #tpu.memory_space<hbm>>
          %dma_start3A_76 = tpu.memref_slice %arg3[%add3A_74] : memref<49152xi32, #tpu.memory_space<hbm>> -> memref<192xi32, #tpu.memory_space<hbm>>
          tpu.enqueue_dma source(%dma_start3A_76 : memref<192xi32, #tpu.memory_space<hbm>>) target(%arg5 : memref<192xi32, #tpu.memory_space<vmem>>) target_semaphore(%run_scoped3A : memref<!tpu.dma_semaphore, #tpu.memory_space<semaphore_mem>>)
          %dma_wait3A_77 = tpu.memref_slice %arg3[%add3A_74] : memref<49152xi32, #tpu.memory_space<hbm>> -> memref<192xi32, #tpu.memory_space<hbm>>
          %dma_wait3A_78 = tpu.memref_slice %arg3[%add3A_74] : memref<49152xi32, #tpu.memory_space<hbm>> -> memref<192xi32, #tpu.memory_space<hbm>>
          tpu.wait_dma2 semaphore(%run_scoped3A : memref<!tpu.dma_semaphore, #tpu.memory_space<semaphore_mem>>) src(%dma_wait3A_78 : memref<192xi32, #tpu.memory_space<hbm>>) dst(%arg5 : memref<192xi32, #tpu.memory_space<vmem>>)
          tpu.yield
        }) : () -> ()
      } else {
      }
      %dma_wait3A_66 = arith.constant 0 : i32
      %dma_wait3A_67 = arith.constant 0 : i32
      %dma_wait3A_68 = tpu.memref_slice %arg2[%dma_wait3A_66, %dma_wait3A_67] : memref<2048x128xf32, #tpu.memory_space<hbm>> -> memref<2048x128xf32, #tpu.memory_space<hbm>>
      tpu.wait_indirect_dma semaphore(%arg9 : memref<!tpu.dma_semaphore, #tpu.memory_space<semaphore_mem>>) src(%dma_wait3A_68 : memref<2048x128xf32, #tpu.memory_space<hbm>>) dst(%arg8 : memref<192x128xf32, #tpu.memory_space<vmem>>)
      %dma_start3A_69 = arith.constant 0 : i32
      %dma_start3A_70 = tpu.memref_slice %arg4[%add3A_50, %dma_start3A_69] : memref<49152x128xf32, #tpu.memory_space<hbm>> -> memref<192x128xf32, #tpu.memory_space<hbm>>
      %dma_start3A_71 = arith.constant 0 : i32
      %dma_start3A_72 = tpu.memref_slice %arg4[%add3A_50, %dma_start3A_71] : memref<49152x128xf32, #tpu.memory_space<hbm>> -> memref<192x128xf32, #tpu.memory_space<hbm>>
      tpu.enqueue_dma source(%arg8 : memref<192x128xf32, #tpu.memory_space<vmem>>) target(%dma_start3A_72 : memref<192x128xf32, #tpu.memory_space<hbm>>) target_semaphore(%arg11 : memref<!tpu.dma_semaphore, #tpu.memory_space<semaphore_mem>>)
    }
    %scan3A_7 = arith.constant 4 : i32
    %add3A_8 = arith.constant 1152 : i32
    %add3A_9 = arith.addi %mul3A_2, %add3A_8 : i32
    %dma_wait3A = arith.constant 0 : i32
    %dma_wait3A_10 = tpu.memref_slice %arg4[%add3A_9, %dma_wait3A] : memref<49152x128xf32, #tpu.memory_space<hbm>> -> memref<192x128xf32, #tpu.memory_space<hbm>>
    %dma_wait3A_11 = arith.constant 0 : i32
    %dma_wait3A_12 = tpu.memref_slice %arg4[%add3A_9, %dma_wait3A_11] : memref<49152x128xf32, #tpu.memory_space<hbm>> -> memref<192x128xf32, #tpu.memory_space<hbm>>
    tpu.wait_dma2 semaphore(%arg10 : memref<!tpu.dma_semaphore, #tpu.memory_space<semaphore_mem>>) src(%arg7 : memref<192x128xf32, #tpu.memory_space<vmem>>) dst(%dma_wait3A_12 : memref<192x128xf32, #tpu.memory_space<hbm>>)
    %add3A_13 = arith.constant 1344 : i32
    %add3A_14 = arith.addi %mul3A_2, %add3A_13 : i32
    %dma_wait3A_15 = arith.constant 0 : i32
    %dma_wait3A_16 = tpu.memref_slice %arg4[%add3A_14, %dma_wait3A_15] : memref<49152x128xf32, #tpu.memory_space<hbm>> -> memref<192x128xf32, #tpu.memory_space<hbm>>
    %dma_wait3A_17 = arith.constant 0 : i32
    %dma_wait3A_18 = tpu.memref_slice %arg4[%add3A_14, %dma_wait3A_17] : memref<49152x128xf32, #tpu.memory_space<hbm>> -> memref<192x128xf32, #tpu.memory_space<hbm>>
    tpu.wait_dma2 semaphore(%arg11 : memref<!tpu.dma_semaphore, #tpu.memory_space<semaphore_mem>>) src(%arg8 : memref<192x128xf32, #tpu.memory_space<vmem>>) dst(%dma_wait3A_18 : memref<192x128xf32, #tpu.memory_space<hbm>>)
    return
  }
}

module attributes {stable_mosaic.version = 14 : i64} {
  func.func @_pre_body(%arg0: i32, %arg1: memref<1x4096x9xf32, #tpu.memory_space<vmem>>, %arg2: memref<9x64xf32, #tpu.memory_space<vmem>>, %arg3: memref<1x4096x64xf32, #tpu.memory_space<vmem>>, %arg4: memref<1x4096x4xf32, #tpu.memory_space<vmem>>) attributes {dimension_semantics = [#tpu.dimension_semantics<arbitrary>], iteration_bounds = array<i64: 4>, scalar_prefetch = 0 : i64, scratch_operands = 0 : i64, tpu.core_type = #tpu.core_type<tc>, window_params = [{transform_indices = @transform_0, window_bounds = array<i64: 1, 4096, 9>}, {pipeline_mode = #tpu.pipeline_mode<synchronous>, transform_indices = @transform_1, window_bounds = array<i64: 9, 64>}, {transform_indices = @transform_2, window_bounds = array<i64: 1, 4096, 64>}, {transform_indices = @transform_3, window_bounds = array<i64: 1, 4096, 4>}]} {
    %get3A = arith.constant 0 : index
    %get3A_0 = arith.constant 0 : index
    %get3A_1 = arith.constant 0 : index
    %get3A_2 = vector.load %arg1[%get3A, %get3A_0, %get3A_1] : memref<1x4096x9xf32, #tpu.memory_space<vmem>>, vector<1x4096x9xf32>
    %get3A_3 = vector.shape_cast %get3A_2 : vector<1x4096x9xf32> to vector<4096x9xf32>
    %slice3A = vector.extract_strided_slice %get3A_3 {offsets = [0, 0], sizes = [4096, 3], strides = [1, 1]} : vector<4096x9xf32> to vector<4096x3xf32>
    %reduce_sum3A = arith.constant dense<0.000000e+00> : vector<3xf32>
    %reduce_sum3A_4 = vector.multi_reduction <add>, %slice3A, %reduce_sum3A [0] : vector<4096x3xf32> to vector<3xf32>
    %broadcast_in_dim3A = vector.shape_cast %reduce_sum3A_4 : vector<3xf32> to vector<1x3xf32>
    %div3A = arith.constant 4.096000e+03 : f32
    %div3A_5 = vector.broadcast %div3A : f32 to vector<1x3xf32>
    %div3A_6 = arith.divf %broadcast_in_dim3A, %div3A_5 : vector<1x3xf32>
    %sub3A = vector.broadcast %div3A_6 : vector<1x3xf32> to vector<4096x3xf32>
    %sub3A_7 = arith.subf %slice3A, %sub3A : vector<4096x3xf32>
    %mul3A = arith.mulf %sub3A_7, %sub3A_7 : vector<4096x3xf32>
    %reduce_sum3A_8 = arith.constant dense<0.000000e+00> : vector<3xf32>
    %reduce_sum3A_9 = vector.multi_reduction <add>, %mul3A, %reduce_sum3A_8 [0] : vector<4096x3xf32> to vector<3xf32>
    %broadcast_in_dim3A_10 = vector.shape_cast %reduce_sum3A_9 : vector<3xf32> to vector<1x3xf32>
    %div3A_11 = arith.constant 4.095000e+03 : f32
    %div3A_12 = vector.broadcast %div3A_11 : f32 to vector<1x3xf32>
    %div3A_13 = arith.divf %broadcast_in_dim3A_10, %div3A_12 : vector<1x3xf32>
    %sqrt3A = math.sqrt %div3A_13 : vector<1x3xf32>
    %jit3A = arith.constant 1.000000e-03 : f32
    %max3A = vector.broadcast %jit3A : f32 to vector<1x3xf32>
    %max3A_14 = arith.maximumf %max3A, %sqrt3A : vector<1x3xf32>
    %div3A_15 = vector.broadcast %max3A_14 : vector<1x3xf32> to vector<4096x3xf32>
    %div3A_16 = arith.divf %sub3A_7, %div3A_15 : vector<4096x3xf32>
    %slice3A_17 = vector.extract_strided_slice %get3A_3 {offsets = [0, 3], sizes = [4096, 6], strides = [1, 1]} : vector<4096x9xf32> to vector<4096x6xf32>
    %concatenate3A = tpu.concatenate %div3A_16, %slice3A_17 in 1 : vector<4096x3xf32>, vector<4096x6xf32> -> vector<4096x9xf32>
    %get3A_18 = arith.constant 0 : index
    %get3A_19 = arith.constant 0 : index
    %get3A_20 = vector.load %arg2[%get3A_18, %get3A_19] : memref<9x64xf32, #tpu.memory_space<vmem>>, vector<9x64xf32>
    %dot_general3A = arith.constant dense<0.000000e+00> : vector<4096x64xf32>
    %dot_general3A_21 = tpu.matmul %concatenate3A, %get3A_20, %dot_general3A {dimension_numbers = #tpu.dot_dimension_numbers<[1], [0], [0], [1], [0, 0, 1, 1], [], []>, transpose_lhs_hint = false} : vector<4096x9xf32>, vector<9x64xf32>, vector<4096x64xf32> -> vector<4096x64xf32>
    %max3A_22 = arith.constant 0.000000e+00 : f32
    %max3A_23 = vector.broadcast %max3A_22 : f32 to vector<4096x64xf32>
    %max3A_24 = arith.maximumf %dot_general3A_21, %max3A_23 : vector<4096x64xf32>
    %swap3A = arith.constant 0 : index
    %swap3A_25 = arith.constant 0 : index
    %swap3A_26 = arith.constant 0 : index
    %swap3A_27 = vector.load %arg3[%swap3A, %swap3A_25, %swap3A_26] : memref<1x4096x64xf32, #tpu.memory_space<vmem>>, vector<1x4096x64xf32>
    %swap3A_28 = vector.shape_cast %swap3A_27 : vector<1x4096x64xf32> to vector<4096x64xf32>
    %swap3A_29 = vector.shape_cast %max3A_24 : vector<4096x64xf32> to vector<1x4096x64xf32>
    tpu.vector_store %arg3[%swap3A, %swap3A_25, %swap3A_26], %swap3A_29 {strides = array<i32>} : memref<1x4096x64xf32, #tpu.memory_space<vmem>>, vector<1x4096x64xf32>,
    %broadcast_in_dim3A_30 = arith.constant 0.000000e+00 : f32
    %broadcast_in_dim3A_31 = vector.broadcast %broadcast_in_dim3A_30 : f32 to vector<4096x1xf32>
    %concatenate3A_32 = tpu.concatenate %div3A_16, %broadcast_in_dim3A_31 in 1 : vector<4096x3xf32>, vector<4096x1xf32> -> vector<4096x4xf32>
    %swap3A_33 = arith.constant 0 : index
    %swap3A_34 = arith.constant 0 : index
    %swap3A_35 = arith.constant 0 : index
    %swap3A_36 = vector.load %arg4[%swap3A_33, %swap3A_34, %swap3A_35] : memref<1x4096x4xf32, #tpu.memory_space<vmem>>, vector<1x4096x4xf32>
    %swap3A_37 = vector.shape_cast %swap3A_36 : vector<1x4096x4xf32> to vector<4096x4xf32>
    %swap3A_38 = vector.shape_cast %concatenate3A_32 : vector<4096x4xf32> to vector<1x4096x4xf32>
    tpu.vector_store %arg4[%swap3A_33, %swap3A_34, %swap3A_35], %swap3A_38 {strides = array<i32>} : memref<1x4096x4xf32, #tpu.memory_space<vmem>>, vector<1x4096x4xf32>,
    return
  }
  func.func @transform_0(%arg0: i32) -> (i32, i32, i32) {
    %c0_i32 = arith.constant 0 : i32
    %c0_i32_0 = arith.constant 0 : i32
    %c0_i32_1 = arith.constant 0 : i32
    return %arg0, %c0_i32, %c0_i32_0 : i32, i32, i32
  }
  func.func @transform_1(%arg0: i32) -> (i32, i32) {
    %c0_i32 = arith.constant 0 : i32
    %c0_i32_0 = arith.constant 0 : i32
    %c0_i32_1 = arith.constant 0 : i32
    return %c0_i32, %c0_i32_0 : i32, i32
  }
  func.func @transform_2(%arg0: i32) -> (i32, i32, i32) {
    %c0_i32 = arith.constant 0 : i32
    %c0_i32_0 = arith.constant 0 : i32
    %c0_i32_1 = arith.constant 0 : i32
    return %arg0, %c0_i32, %c0_i32_0 : i32, i32, i32
  }
  func.func @transform_3(%arg0: i32) -> (i32, i32, i32) {
    %c0_i32 = arith.constant 0 : i32
    %c0_i32_0 = arith.constant 0 : i32
    %c0_i32_1 = arith.constant 0 : i32
    return %arg0, %c0_i32, %c0_i32_0 : i32, i32, i32
  }
}

module attributes {stable_mosaic.version = 14 : i64} {
  func.func @_knn_body(%arg0: i32, %arg1: i32, %arg2: memref<1x1024x4xf32, #tpu.memory_space<vmem>>, %arg3: memref<1x8x4096xf32, #tpu.memory_space<vmem>>, %arg4: memref<16x1024xi32, #tpu.memory_space<vmem>>, %arg5: memref<1x1024x16xf32, #tpu.memory_space<vmem>>) attributes {dimension_semantics = [#tpu.dimension_semantics<arbitrary>, #tpu.dimension_semantics<arbitrary>], iteration_bounds = array<i64: 4, 4>, scalar_prefetch = 0 : i64, scratch_operands = 0 : i64, tpu.core_type = #tpu.core_type<tc>, window_params = [{transform_indices = @transform_0, window_bounds = array<i64: 1, 1024, 4>}, {transform_indices = @transform_1, window_bounds = array<i64: 1, 8, 4096>}, {transform_indices = @transform_2, window_bounds = array<i64: 16, 1024>}, {transform_indices = @transform_3, window_bounds = array<i64: 1, 1024, 16>}]} {
    %get3A = arith.constant 0 : index
    %get3A_0 = arith.constant 0 : index
    %get3A_1 = arith.constant 0 : index
    %get3A_2 = vector.load %arg2[%get3A, %get3A_0, %get3A_1] : memref<1x1024x4xf32, #tpu.memory_space<vmem>>, vector<1x1024x4xf32>
    %get3A_3 = vector.shape_cast %get3A_2 : vector<1x1024x4xf32> to vector<1024x4xf32>
    %get3A_4 = arith.constant 0 : index
    %get3A_5 = arith.constant 0 : index
    %get3A_6 = arith.constant 0 : index
    %get3A_7 = vector.load %arg3[%get3A_4, %get3A_5, %get3A_6] : memref<1x8x4096xf32, #tpu.memory_space<vmem>>, vector<1x8x4096xf32>
    %get3A_8 = vector.shape_cast %get3A_7 : vector<1x8x4096xf32> to vector<8x4096xf32>
    %slice3A = vector.extract_strided_slice %get3A_8 {offsets = [0, 0], sizes = [4, 4096], strides = [1, 1]} : vector<8x4096xf32> to vector<4x4096xf32>
    %mul3A = arith.mulf %get3A_3, %get3A_3 : vector<1024x4xf32>
    %reduce_sum3A = arith.constant dense<0.000000e+00> : vector<1024xf32>
    %reduce_sum3A_9 = vector.multi_reduction <add>, %mul3A, %reduce_sum3A [1] : vector<1024x4xf32> to vector<1024xf32>
    %broadcast_in_dim3A = vector.shape_cast %reduce_sum3A_9 : vector<1024xf32> to vector<1024x1xf32>
    %mul3A_10 = arith.mulf %slice3A, %slice3A : vector<4x4096xf32>
    %reduce_sum3A_11 = arith.constant dense<0.000000e+00> : vector<4096xf32>
    %reduce_sum3A_12 = vector.multi_reduction <add>, %mul3A_10, %reduce_sum3A_11 [0] : vector<4x4096xf32> to vector<4096xf32>
    %broadcast_in_dim3A_13 = vector.shape_cast %reduce_sum3A_12 : vector<4096xf32> to vector<1x4096xf32>
    %dot_general3A = arith.constant dense<0.000000e+00> : vector<1024x4096xf32>
    %dot_general3A_14 = tpu.matmul %get3A_3, %slice3A, %dot_general3A {dimension_numbers = #tpu.dot_dimension_numbers<[1], [0], [0], [1], [0, 0, 1, 1], [], []>, transpose_lhs_hint = false} : vector<1024x4xf32>, vector<4x4096xf32>, vector<1024x4096xf32> -> vector<1024x4096xf32>
    %add3A = vector.broadcast %broadcast_in_dim3A : vector<1024x1xf32> to vector<1024x4096xf32>
    %add3A_15 = vector.broadcast %broadcast_in_dim3A_13 : vector<1x4096xf32> to vector<1024x4096xf32>
    %add3A_16 = arith.addf %add3A, %add3A_15 : vector<1024x4096xf32>
    %mul3A_17 = arith.constant 2.000000e+00 : f32
    %mul3A_18 = vector.broadcast %mul3A_17 : f32 to vector<1024x4096xf32>
    %mul3A_19 = arith.mulf %mul3A_18, %dot_general3A_14 : vector<1024x4096xf32>
    %sub3A = arith.subf %add3A_16, %mul3A_19 : vector<1024x4096xf32>
    %max3A = arith.constant 0.000000e+00 : f32
    %max3A_20 = vector.broadcast %max3A : f32 to vector<1024x4096xf32>
    %max3A_21 = arith.maximumf %sub3A, %max3A_20 : vector<1024x4096xf32>
    %iota3A = tpu.iota {dimensions = array<i32: 1>} : vector<1024x4096xi32>
    %bitcast_convert_type3A = tpu.bitcast %max3A_21 : vector<1024x4096xf32> -> vector<1024x4096xi32>
    %and3A = arith.constant -4096 : i32
    %and3A_22 = vector.broadcast %and3A : i32 to vector<1024x4096xi32>
    %and3A_23 = arith.andi %bitcast_convert_type3A, %and3A_22 : vector<1024x4096xi32>
    %or3A = arith.ori %and3A_23, %iota3A : vector<1024x4096xi32>
    %slice3A_24 = vector.extract_strided_slice %or3A {offsets = [0, 0], sizes = [1024, 512], strides = [1, 1]} : vector<1024x4096xi32> to vector<1024x512xi32>
    %slice3A_25 = vector.extract_strided_slice %or3A {offsets = [0, 512], sizes = [1024, 512], strides = [1, 1]} : vector<1024x4096xi32> to vector<1024x512xi32>
    %slice3A_26 = vector.extract_strided_slice %or3A {offsets = [0, 1024], sizes = [1024, 512], strides = [1, 1]} : vector<1024x4096xi32> to vector<1024x512xi32>
    %slice3A_27 = vector.extract_strided_slice %or3A {offsets = [0, 1536], sizes = [1024, 512], strides = [1, 1]} : vector<1024x4096xi32> to vector<1024x512xi32>
    %slice3A_28 = vector.extract_strided_slice %or3A {offsets = [0, 2048], sizes = [1024, 512], strides = [1, 1]} : vector<1024x4096xi32> to vector<1024x512xi32>
    %slice3A_29 = vector.extract_strided_slice %or3A {offsets = [0, 2560], sizes = [1024, 512], strides = [1, 1]} : vector<1024x4096xi32> to vector<1024x512xi32>
    %slice3A_30 = vector.extract_strided_slice %or3A {offsets = [0, 3072], sizes = [1024, 512], strides = [1, 1]} : vector<1024x4096xi32> to vector<1024x512xi32>
    %slice3A_31 = vector.extract_strided_slice %or3A {offsets = [0, 3584], sizes = [1024, 512], strides = [1, 1]} : vector<1024x4096xi32> to vector<1024x512xi32>
    %min3A = arith.minsi %slice3A_24, %slice3A_25 : vector<1024x512xi32>
    %max3A_32 = arith.maxsi %slice3A_24, %slice3A_25 : vector<1024x512xi32>
    %min3A_33 = arith.minsi %slice3A_26, %slice3A_27 : vector<1024x512xi32>
    %max3A_34 = arith.maxsi %slice3A_26, %slice3A_27 : vector<1024x512xi32>
    %min3A_35 = arith.minsi %min3A, %min3A_33 : vector<1024x512xi32>
    %max3A_36 = arith.maxsi %min3A, %min3A_33 : vector<1024x512xi32>
    %min3A_37 = arith.minsi %max3A_32, %max3A_34 : vector<1024x512xi32>
    %max3A_38 = arith.maxsi %max3A_32, %max3A_34 : vector<1024x512xi32>
    %min3A_39 = arith.minsi %max3A_36, %min3A_37 : vector<1024x512xi32>
    %max3A_40 = arith.maxsi %max3A_36, %min3A_37 : vector<1024x512xi32>
    %min3A_41 = arith.minsi %max3A_40, %max3A_38 : vector<1024x512xi32>
    %min3A_42 = arith.minsi %slice3A_28, %slice3A_29 : vector<1024x512xi32>
    %max3A_43 = arith.maxsi %slice3A_28, %slice3A_29 : vector<1024x512xi32>
    %min3A_44 = arith.minsi %slice3A_30, %slice3A_31 : vector<1024x512xi32>
    %max3A_45 = arith.maxsi %slice3A_30, %slice3A_31 : vector<1024x512xi32>
    %min3A_46 = arith.minsi %min3A_42, %min3A_44 : vector<1024x512xi32>
    %max3A_47 = arith.maxsi %min3A_42, %min3A_44 : vector<1024x512xi32>
    %min3A_48 = arith.minsi %max3A_43, %max3A_45 : vector<1024x512xi32>
    %max3A_49 = arith.maxsi %max3A_43, %max3A_45 : vector<1024x512xi32>
    %min3A_50 = arith.minsi %max3A_47, %min3A_48 : vector<1024x512xi32>
    %max3A_51 = arith.maxsi %max3A_47, %min3A_48 : vector<1024x512xi32>
    %min3A_52 = arith.minsi %max3A_51, %max3A_49 : vector<1024x512xi32>
    %min3A_53 = arith.minsi %min3A_35, %min3A_46 : vector<1024x512xi32>
    %max3A_54 = arith.maxsi %min3A_35, %min3A_46 : vector<1024x512xi32>
    %min3A_55 = arith.minsi %min3A_39, %min3A_50 : vector<1024x512xi32>
    %min3A_56 = arith.minsi %max3A_54, %min3A_55 : vector<1024x512xi32>
    %max3A_57 = arith.maxsi %max3A_54, %min3A_55 : vector<1024x512xi32>
    %min3A_58 = arith.minsi %min3A_41, %min3A_52 : vector<1024x512xi32>
    %min3A_59 = arith.minsi %max3A_57, %min3A_58 : vector<1024x512xi32>
    %reduce_min3A = arith.constant dense<2147483647> : vector<1024xi32>
    %reduce_min3A_60 = vector.multi_reduction <minsi>, %min3A_53, %reduce_min3A [1] : vector<1024x512xi32> to vector<1024xi32>
    %broadcast_in_dim3A_61 = vector.shape_cast %reduce_min3A_60 : vector<1024xi32> to vector<1024x1xi32>
    %and3A_62 = arith.constant 4095 : i32
    %and3A_63 = vector.broadcast %and3A_62 : i32 to vector<1024x1xi32>
    %and3A_64 = arith.andi %broadcast_in_dim3A_61, %and3A_63 : vector<1024x1xi32>
    %squeeze3A = vector.shape_cast %and3A_64 : vector<1024x1xi32> to vector<1024xi32>
    %mul3A_65 = arith.constant 4096 : i32
    %mul3A_66 = arith.muli %arg0, %mul3A_65 : i32
    %add3A_67 = vector.broadcast %mul3A_66 : i32 to vector<1024xi32>
    %add3A_68 = arith.addi %squeeze3A, %add3A_67 : vector<1024xi32>
    %swap3A = arith.constant 0 : index
    %swap3A_69 = arith.constant 0 : index
    %swap3A_70 = vector.load %arg4[%swap3A, %swap3A_69] : memref<16x1024xi32, #tpu.memory_space<vmem>>, vector<1x1024xi32>
    %swap3A_71 = vector.shape_cast %swap3A_70 : vector<1x1024xi32> to vector<1024xi32>
    %swap3A_72 = vector.shape_cast %add3A_68 : vector<1024xi32> to vector<1x1024xi32>
    tpu.vector_store %arg4[%swap3A, %swap3A_69], %swap3A_72 {strides = array<i32>} : memref<16x1024xi32, #tpu.memory_space<vmem>>, vector<1x1024xi32>,
    %eq3A = vector.broadcast %broadcast_in_dim3A_61 : vector<1024x1xi32> to vector<1024x512xi32>
    %eq3A_73 = arith.cmpi eq, %min3A_53, %eq3A : vector<1024x512xi32>
    %select_n3A = arith.select %eq3A_73, %min3A_56, %min3A_53 : vector<1024x512xi1>, vector<1024x512xi32>
    %select_n3A_74 = arith.select %eq3A_73, %min3A_59, %min3A_56 : vector<1024x512xi1>, vector<1024x512xi32>
    %jit3A = arith.constant 2147483647 : i32
    %broadcast_in_dim3A_75 = vector.broadcast %jit3A : i32 to vector<1024x512xi32>
    %select_n3A_76 = arith.select %eq3A_73, %broadcast_in_dim3A_75, %min3A_59 : vector<1024x512xi1>, vector<1024x512xi32>
    %reduce_min3A_77 = arith.constant dense<2147483647> : vector<1024xi32>
    %reduce_min3A_78 = vector.multi_reduction <minsi>, %select_n3A, %reduce_min3A_77 [1] : vector<1024x512xi32> to vector<1024xi32>
    %broadcast_in_dim3A_79 = vector.shape_cast %reduce_min3A_78 : vector<1024xi32> to vector<1024x1xi32>
    %and3A_80 = arith.constant 4095 : i32
    %and3A_81 = vector.broadcast %and3A_80 : i32 to vector<1024x1xi32>
    %and3A_82 = arith.andi %broadcast_in_dim3A_79, %and3A_81 : vector<1024x1xi32>
    %squeeze3A_83 = vector.shape_cast %and3A_82 : vector<1024x1xi32> to vector<1024xi32>
    %mul3A_84 = arith.constant 4096 : i32
    %mul3A_85 = arith.muli %arg0, %mul3A_84 : i32
    %add3A_86 = vector.broadcast %mul3A_85 : i32 to vector<1024xi32>
    %add3A_87 = arith.addi %squeeze3A_83, %add3A_86 : vector<1024xi32>
    %swap3A_88 = arith.constant 1 : index
    %swap3A_89 = arith.constant 0 : index
    %swap3A_90 = vector.load %arg4[%swap3A_88, %swap3A_89] : memref<16x1024xi32, #tpu.memory_space<vmem>>, vector<1x1024xi32>
    %swap3A_91 = vector.shape_cast %swap3A_90 : vector<1x1024xi32> to vector<1024xi32>
    %swap3A_92 = vector.shape_cast %add3A_87 : vector<1024xi32> to vector<1x1024xi32>
    tpu.vector_store %arg4[%swap3A_88, %swap3A_89], %swap3A_92 {strides = array<i32>} : memref<16x1024xi32, #tpu.memory_space<vmem>>, vector<1x1024xi32>,
    %eq3A_93 = vector.broadcast %broadcast_in_dim3A_79 : vector<1024x1xi32> to vector<1024x512xi32>
    %eq3A_94 = arith.cmpi eq, %select_n3A, %eq3A_93 : vector<1024x512xi32>
    %select_n3A_95 = arith.select %eq3A_94, %select_n3A_74, %select_n3A : vector<1024x512xi1>, vector<1024x512xi32>
    %select_n3A_96 = arith.select %eq3A_94, %select_n3A_76, %select_n3A_74 : vector<1024x512xi1>, vector<1024x512xi32>
    %jit3A_97 = arith.constant 2147483647 : i32
    %broadcast_in_dim3A_98 = vector.broadcast %jit3A_97 : i32 to vector<1024x512xi32>
    %select_n3A_99 = arith.select %eq3A_94, %broadcast_in_dim3A_98, %select_n3A_76 : vector<1024x512xi1>, vector<1024x512xi32>
    %reduce_min3A_100 = arith.constant dense<2147483647> : vector<1024xi32>
    %reduce_min3A_101 = vector.multi_reduction <minsi>, %select_n3A_95, %reduce_min3A_100 [1] : vector<1024x512xi32> to vector<1024xi32>
    %broadcast_in_dim3A_102 = vector.shape_cast %reduce_min3A_101 : vector<1024xi32> to vector<1024x1xi32>
    %and3A_103 = arith.constant 4095 : i32
    %and3A_104 = vector.broadcast %and3A_103 : i32 to vector<1024x1xi32>
    %and3A_105 = arith.andi %broadcast_in_dim3A_102, %and3A_104 : vector<1024x1xi32>
    %squeeze3A_106 = vector.shape_cast %and3A_105 : vector<1024x1xi32> to vector<1024xi32>
    %mul3A_107 = arith.constant 4096 : i32
    %mul3A_108 = arith.muli %arg0, %mul3A_107 : i32
    %add3A_109 = vector.broadcast %mul3A_108 : i32 to vector<1024xi32>
    %add3A_110 = arith.addi %squeeze3A_106, %add3A_109 : vector<1024xi32>
    %swap3A_111 = arith.constant 2 : index
    %swap3A_112 = arith.constant 0 : index
    %swap3A_113 = vector.load %arg4[%swap3A_111, %swap3A_112] : memref<16x1024xi32, #tpu.memory_space<vmem>>, vector<1x1024xi32>
    %swap3A_114 = vector.shape_cast %swap3A_113 : vector<1x1024xi32> to vector<1024xi32>
    %swap3A_115 = vector.shape_cast %add3A_110 : vector<1024xi32> to vector<1x1024xi32>
    tpu.vector_store %arg4[%swap3A_111, %swap3A_112], %swap3A_115 {strides = array<i32>} : memref<16x1024xi32, #tpu.memory_space<vmem>>, vector<1x1024xi32>,
    %eq3A_116 = vector.broadcast %broadcast_in_dim3A_102 : vector<1024x1xi32> to vector<1024x512xi32>
    %eq3A_117 = arith.cmpi eq, %select_n3A_95, %eq3A_116 : vector<1024x512xi32>
    %select_n3A_118 = arith.select %eq3A_117, %select_n3A_96, %select_n3A_95 : vector<1024x512xi1>, vector<1024x512xi32>
    %select_n3A_119 = arith.select %eq3A_117, %select_n3A_99, %select_n3A_96 : vector<1024x512xi1>, vector<1024x512xi32>
    %jit3A_120 = arith.constant 2147483647 : i32
    %broadcast_in_dim3A_121 = vector.broadcast %jit3A_120 : i32 to vector<1024x512xi32>
    %select_n3A_122 = arith.select %eq3A_117, %broadcast_in_dim3A_121, %select_n3A_99 : vector<1024x512xi1>, vector<1024x512xi32>
    %reduce_min3A_123 = arith.constant dense<2147483647> : vector<1024xi32>
    %reduce_min3A_124 = vector.multi_reduction <minsi>, %select_n3A_118, %reduce_min3A_123 [1] : vector<1024x512xi32> to vector<1024xi32>
    %broadcast_in_dim3A_125 = vector.shape_cast %reduce_min3A_124 : vector<1024xi32> to vector<1024x1xi32>
    %and3A_126 = arith.constant 4095 : i32
    %and3A_127 = vector.broadcast %and3A_126 : i32 to vector<1024x1xi32>
    %and3A_128 = arith.andi %broadcast_in_dim3A_125, %and3A_127 : vector<1024x1xi32>
    %squeeze3A_129 = vector.shape_cast %and3A_128 : vector<1024x1xi32> to vector<1024xi32>
    %mul3A_130 = arith.constant 4096 : i32
    %mul3A_131 = arith.muli %arg0, %mul3A_130 : i32
    %add3A_132 = vector.broadcast %mul3A_131 : i32 to vector<1024xi32>
    %add3A_133 = arith.addi %squeeze3A_129, %add3A_132 : vector<1024xi32>
    %swap3A_134 = arith.constant 3 : index
    %swap3A_135 = arith.constant 0 : index
    %swap3A_136 = vector.load %arg4[%swap3A_134, %swap3A_135] : memref<16x1024xi32, #tpu.memory_space<vmem>>, vector<1x1024xi32>
    %swap3A_137 = vector.shape_cast %swap3A_136 : vector<1x1024xi32> to vector<1024xi32>
    %swap3A_138 = vector.shape_cast %add3A_133 : vector<1024xi32> to vector<1x1024xi32>
    tpu.vector_store %arg4[%swap3A_134, %swap3A_135], %swap3A_138 {strides = array<i32>} : memref<16x1024xi32, #tpu.memory_space<vmem>>, vector<1x1024xi32>,
    %eq3A_139 = vector.broadcast %broadcast_in_dim3A_125 : vector<1024x1xi32> to vector<1024x512xi32>
    %eq3A_140 = arith.cmpi eq, %select_n3A_118, %eq3A_139 : vector<1024x512xi32>
    %select_n3A_141 = arith.select %eq3A_140, %select_n3A_119, %select_n3A_118 : vector<1024x512xi1>, vector<1024x512xi32>
    %select_n3A_142 = arith.select %eq3A_140, %select_n3A_122, %select_n3A_119 : vector<1024x512xi1>, vector<1024x512xi32>
    %jit3A_143 = arith.constant 2147483647 : i32
    %broadcast_in_dim3A_144 = vector.broadcast %jit3A_143 : i32 to vector<1024x512xi32>
    %select_n3A_145 = arith.select %eq3A_140, %broadcast_in_dim3A_144, %select_n3A_122 : vector<1024x512xi1>, vector<1024x512xi32>
    %reduce_min3A_146 = arith.constant dense<2147483647> : vector<1024xi32>
    %reduce_min3A_147 = vector.multi_reduction <minsi>, %select_n3A_141, %reduce_min3A_146 [1] : vector<1024x512xi32> to vector<1024xi32>
    %broadcast_in_dim3A_148 = vector.shape_cast %reduce_min3A_147 : vector<1024xi32> to vector<1024x1xi32>
    %and3A_149 = arith.constant 4095 : i32
    %and3A_150 = vector.broadcast %and3A_149 : i32 to vector<1024x1xi32>
    %and3A_151 = arith.andi %broadcast_in_dim3A_148, %and3A_150 : vector<1024x1xi32>
    %squeeze3A_152 = vector.shape_cast %and3A_151 : vector<1024x1xi32> to vector<1024xi32>
    %mul3A_153 = arith.constant 4096 : i32
    %mul3A_154 = arith.muli %arg0, %mul3A_153 : i32
    %add3A_155 = vector.broadcast %mul3A_154 : i32 to vector<1024xi32>
    %add3A_156 = arith.addi %squeeze3A_152, %add3A_155 : vector<1024xi32>
    %swap3A_157 = arith.constant 4 : index
    %swap3A_158 = arith.constant 0 : index
    %swap3A_159 = vector.load %arg4[%swap3A_157, %swap3A_158] : memref<16x1024xi32, #tpu.memory_space<vmem>>, vector<1x1024xi32>
    %swap3A_160 = vector.shape_cast %swap3A_159 : vector<1x1024xi32> to vector<1024xi32>
    %swap3A_161 = vector.shape_cast %add3A_156 : vector<1024xi32> to vector<1x1024xi32>
    tpu.vector_store %arg4[%swap3A_157, %swap3A_158], %swap3A_161 {strides = array<i32>} : memref<16x1024xi32, #tpu.memory_space<vmem>>, vector<1x1024xi32>,
    %eq3A_162 = vector.broadcast %broadcast_in_dim3A_148 : vector<1024x1xi32> to vector<1024x512xi32>
    %eq3A_163 = arith.cmpi eq, %select_n3A_141, %eq3A_162 : vector<1024x512xi32>
    %select_n3A_164 = arith.select %eq3A_163, %select_n3A_142, %select_n3A_141 : vector<1024x512xi1>, vector<1024x512xi32>
    %select_n3A_165 = arith.select %eq3A_163, %select_n3A_145, %select_n3A_142 : vector<1024x512xi1>, vector<1024x512xi32>
    %jit3A_166 = arith.constant 2147483647 : i32
    %broadcast_in_dim3A_167 = vector.broadcast %jit3A_166 : i32 to vector<1024x512xi32>
    %select_n3A_168 = arith.select %eq3A_163, %broadcast_in_dim3A_167, %select_n3A_145 : vector<1024x512xi1>, vector<1024x512xi32>
    %reduce_min3A_169 = arith.constant dense<2147483647> : vector<1024xi32>
    %reduce_min3A_170 = vector.multi_reduction <minsi>, %select_n3A_164, %reduce_min3A_169 [1] : vector<1024x512xi32> to vector<1024xi32>
    %broadcast_in_dim3A_171 = vector.shape_cast %reduce_min3A_170 : vector<1024xi32> to vector<1024x1xi32>
    %and3A_172 = arith.constant 4095 : i32
    %and3A_173 = vector.broadcast %and3A_172 : i32 to vector<1024x1xi32>
    %and3A_174 = arith.andi %broadcast_in_dim3A_171, %and3A_173 : vector<1024x1xi32>
    %squeeze3A_175 = vector.shape_cast %and3A_174 : vector<1024x1xi32> to vector<1024xi32>
    %mul3A_176 = arith.constant 4096 : i32
    %mul3A_177 = arith.muli %arg0, %mul3A_176 : i32
    %add3A_178 = vector.broadcast %mul3A_177 : i32 to vector<1024xi32>
    %add3A_179 = arith.addi %squeeze3A_175, %add3A_178 : vector<1024xi32>
    %swap3A_180 = arith.constant 5 : index
    %swap3A_181 = arith.constant 0 : index
    %swap3A_182 = vector.load %arg4[%swap3A_180, %swap3A_181] : memref<16x1024xi32, #tpu.memory_space<vmem>>, vector<1x1024xi32>
    %swap3A_183 = vector.shape_cast %swap3A_182 : vector<1x1024xi32> to vector<1024xi32>
    %swap3A_184 = vector.shape_cast %add3A_179 : vector<1024xi32> to vector<1x1024xi32>
    tpu.vector_store %arg4[%swap3A_180, %swap3A_181], %swap3A_184 {strides = array<i32>} : memref<16x1024xi32, #tpu.memory_space<vmem>>, vector<1x1024xi32>,
    %eq3A_185 = vector.broadcast %broadcast_in_dim3A_171 : vector<1024x1xi32> to vector<1024x512xi32>
    %eq3A_186 = arith.cmpi eq, %select_n3A_164, %eq3A_185 : vector<1024x512xi32>
    %select_n3A_187 = arith.select %eq3A_186, %select_n3A_165, %select_n3A_164 : vector<1024x512xi1>, vector<1024x512xi32>
    %select_n3A_188 = arith.select %eq3A_186, %select_n3A_168, %select_n3A_165 : vector<1024x512xi1>, vector<1024x512xi32>
    %jit3A_189 = arith.constant 2147483647 : i32
    %broadcast_in_dim3A_190 = vector.broadcast %jit3A_189 : i32 to vector<1024x512xi32>
    %select_n3A_191 = arith.select %eq3A_186, %broadcast_in_dim3A_190, %select_n3A_168 : vector<1024x512xi1>, vector<1024x512xi32>
    %reduce_min3A_192 = arith.constant dense<2147483647> : vector<1024xi32>
    %reduce_min3A_193 = vector.multi_reduction <minsi>, %select_n3A_187, %reduce_min3A_192 [1] : vector<1024x512xi32> to vector<1024xi32>
    %broadcast_in_dim3A_194 = vector.shape_cast %reduce_min3A_193 : vector<1024xi32> to vector<1024x1xi32>
    %and3A_195 = arith.constant 4095 : i32
    %and3A_196 = vector.broadcast %and3A_195 : i32 to vector<1024x1xi32>
    %and3A_197 = arith.andi %broadcast_in_dim3A_194, %and3A_196 : vector<1024x1xi32>
    %squeeze3A_198 = vector.shape_cast %and3A_197 : vector<1024x1xi32> to vector<1024xi32>
    %mul3A_199 = arith.constant 4096 : i32
    %mul3A_200 = arith.muli %arg0, %mul3A_199 : i32
    %add3A_201 = vector.broadcast %mul3A_200 : i32 to vector<1024xi32>
    %add3A_202 = arith.addi %squeeze3A_198, %add3A_201 : vector<1024xi32>
    %swap3A_203 = arith.constant 6 : index
    %swap3A_204 = arith.constant 0 : index
    %swap3A_205 = vector.load %arg4[%swap3A_203, %swap3A_204] : memref<16x1024xi32, #tpu.memory_space<vmem>>, vector<1x1024xi32>
    %swap3A_206 = vector.shape_cast %swap3A_205 : vector<1x1024xi32> to vector<1024xi32>
    %swap3A_207 = vector.shape_cast %add3A_202 : vector<1024xi32> to vector<1x1024xi32>
    tpu.vector_store %arg4[%swap3A_203, %swap3A_204], %swap3A_207 {strides = array<i32>} : memref<16x1024xi32, #tpu.memory_space<vmem>>, vector<1x1024xi32>,
    %eq3A_208 = vector.broadcast %broadcast_in_dim3A_194 : vector<1024x1xi32> to vector<1024x512xi32>
    %eq3A_209 = arith.cmpi eq, %select_n3A_187, %eq3A_208 : vector<1024x512xi32>
    %select_n3A_210 = arith.select %eq3A_209, %select_n3A_188, %select_n3A_187 : vector<1024x512xi1>, vector<1024x512xi32>
    %select_n3A_211 = arith.select %eq3A_209, %select_n3A_191, %select_n3A_188 : vector<1024x512xi1>, vector<1024x512xi32>
    %jit3A_212 = arith.constant 2147483647 : i32
    %broadcast_in_dim3A_213 = vector.broadcast %jit3A_212 : i32 to vector<1024x512xi32>
    %select_n3A_214 = arith.select %eq3A_209, %broadcast_in_dim3A_213, %select_n3A_191 : vector<1024x512xi1>, vector<1024x512xi32>
    %reduce_min3A_215 = arith.constant dense<2147483647> : vector<1024xi32>
    %reduce_min3A_216 = vector.multi_reduction <minsi>, %select_n3A_210, %reduce_min3A_215 [1] : vector<1024x512xi32> to vector<1024xi32>
    %broadcast_in_dim3A_217 = vector.shape_cast %reduce_min3A_216 : vector<1024xi32> to vector<1024x1xi32>
    %and3A_218 = arith.constant 4095 : i32
    %and3A_219 = vector.broadcast %and3A_218 : i32 to vector<1024x1xi32>
    %and3A_220 = arith.andi %broadcast_in_dim3A_217, %and3A_219 : vector<1024x1xi32>
    %squeeze3A_221 = vector.shape_cast %and3A_220 : vector<1024x1xi32> to vector<1024xi32>
    %mul3A_222 = arith.constant 4096 : i32
    %mul3A_223 = arith.muli %arg0, %mul3A_222 : i32
    %add3A_224 = vector.broadcast %mul3A_223 : i32 to vector<1024xi32>
    %add3A_225 = arith.addi %squeeze3A_221, %add3A_224 : vector<1024xi32>
    %swap3A_226 = arith.constant 7 : index
    %swap3A_227 = arith.constant 0 : index
    %swap3A_228 = vector.load %arg4[%swap3A_226, %swap3A_227] : memref<16x1024xi32, #tpu.memory_space<vmem>>, vector<1x1024xi32>
    %swap3A_229 = vector.shape_cast %swap3A_228 : vector<1x1024xi32> to vector<1024xi32>
    %swap3A_230 = vector.shape_cast %add3A_225 : vector<1024xi32> to vector<1x1024xi32>
    tpu.vector_store %arg4[%swap3A_226, %swap3A_227], %swap3A_230 {strides = array<i32>} : memref<16x1024xi32, #tpu.memory_space<vmem>>, vector<1x1024xi32>,
    %eq3A_231 = vector.broadcast %broadcast_in_dim3A_217 : vector<1024x1xi32> to vector<1024x512xi32>
    %eq3A_232 = arith.cmpi eq, %select_n3A_210, %eq3A_231 : vector<1024x512xi32>
    %select_n3A_233 = arith.select %eq3A_232, %select_n3A_211, %select_n3A_210 : vector<1024x512xi1>, vector<1024x512xi32>
    %select_n3A_234 = arith.select %eq3A_232, %select_n3A_214, %select_n3A_211 : vector<1024x512xi1>, vector<1024x512xi32>
    %jit3A_235 = arith.constant 2147483647 : i32
    %broadcast_in_dim3A_236 = vector.broadcast %jit3A_235 : i32 to vector<1024x512xi32>
    %select_n3A_237 = arith.select %eq3A_232, %broadcast_in_dim3A_236, %select_n3A_214 : vector<1024x512xi1>, vector<1024x512xi32>
    %reduce_min3A_238 = arith.constant dense<2147483647> : vector<1024xi32>
    %reduce_min3A_239 = vector.multi_reduction <minsi>, %select_n3A_233, %reduce_min3A_238 [1] : vector<1024x512xi32> to vector<1024xi32>
    %broadcast_in_dim3A_240 = vector.shape_cast %reduce_min3A_239 : vector<1024xi32> to vector<1024x1xi32>
    %and3A_241 = arith.constant 4095 : i32
    %and3A_242 = vector.broadcast %and3A_241 : i32 to vector<1024x1xi32>
    %and3A_243 = arith.andi %broadcast_in_dim3A_240, %and3A_242 : vector<1024x1xi32>
    %squeeze3A_244 = vector.shape_cast %and3A_243 : vector<1024x1xi32> to vector<1024xi32>
    %mul3A_245 = arith.constant 4096 : i32
    %mul3A_246 = arith.muli %arg0, %mul3A_245 : i32
    %add3A_247 = vector.broadcast %mul3A_246 : i32 to vector<1024xi32>
    %add3A_248 = arith.addi %squeeze3A_244, %add3A_247 : vector<1024xi32>
    %swap3A_249 = arith.constant 8 : index
    %swap3A_250 = arith.constant 0 : index
    %swap3A_251 = vector.load %arg4[%swap3A_249, %swap3A_250] : memref<16x1024xi32, #tpu.memory_space<vmem>>, vector<1x1024xi32>
    %swap3A_252 = vector.shape_cast %swap3A_251 : vector<1x1024xi32> to vector<1024xi32>
    %swap3A_253 = vector.shape_cast %add3A_248 : vector<1024xi32> to vector<1x1024xi32>
    tpu.vector_store %arg4[%swap3A_249, %swap3A_250], %swap3A_253 {strides = array<i32>} : memref<16x1024xi32, #tpu.memory_space<vmem>>, vector<1x1024xi32>,
    %eq3A_254 = vector.broadcast %broadcast_in_dim3A_240 : vector<1024x1xi32> to vector<1024x512xi32>
    %eq3A_255 = arith.cmpi eq, %select_n3A_233, %eq3A_254 : vector<1024x512xi32>
    %select_n3A_256 = arith.select %eq3A_255, %select_n3A_234, %select_n3A_233 : vector<1024x512xi1>, vector<1024x512xi32>
    %select_n3A_257 = arith.select %eq3A_255, %select_n3A_237, %select_n3A_234 : vector<1024x512xi1>, vector<1024x512xi32>
    %jit3A_258 = arith.constant 2147483647 : i32
    %broadcast_in_dim3A_259 = vector.broadcast %jit3A_258 : i32 to vector<1024x512xi32>
    %select_n3A_260 = arith.select %eq3A_255, %broadcast_in_dim3A_259, %select_n3A_237 : vector<1024x512xi1>, vector<1024x512xi32>
    %reduce_min3A_261 = arith.constant dense<2147483647> : vector<1024xi32>
    %reduce_min3A_262 = vector.multi_reduction <minsi>, %select_n3A_256, %reduce_min3A_261 [1] : vector<1024x512xi32> to vector<1024xi32>
    %broadcast_in_dim3A_263 = vector.shape_cast %reduce_min3A_262 : vector<1024xi32> to vector<1024x1xi32>
    %and3A_264 = arith.constant 4095 : i32
    %and3A_265 = vector.broadcast %and3A_264 : i32 to vector<1024x1xi32>
    %and3A_266 = arith.andi %broadcast_in_dim3A_263, %and3A_265 : vector<1024x1xi32>
    %squeeze3A_267 = vector.shape_cast %and3A_266 : vector<1024x1xi32> to vector<1024xi32>
    %mul3A_268 = arith.constant 4096 : i32
    %mul3A_269 = arith.muli %arg0, %mul3A_268 : i32
    %add3A_270 = vector.broadcast %mul3A_269 : i32 to vector<1024xi32>
    %add3A_271 = arith.addi %squeeze3A_267, %add3A_270 : vector<1024xi32>
    %swap3A_272 = arith.constant 9 : index
    %swap3A_273 = arith.constant 0 : index
    %swap3A_274 = vector.load %arg4[%swap3A_272, %swap3A_273] : memref<16x1024xi32, #tpu.memory_space<vmem>>, vector<1x1024xi32>
    %swap3A_275 = vector.shape_cast %swap3A_274 : vector<1x1024xi32> to vector<1024xi32>
    %swap3A_276 = vector.shape_cast %add3A_271 : vector<1024xi32> to vector<1x1024xi32>
    tpu.vector_store %arg4[%swap3A_272, %swap3A_273], %swap3A_276 {strides = array<i32>} : memref<16x1024xi32, #tpu.memory_space<vmem>>, vector<1x1024xi32>,
    %eq3A_277 = vector.broadcast %broadcast_in_dim3A_263 : vector<1024x1xi32> to vector<1024x512xi32>
    %eq3A_278 = arith.cmpi eq, %select_n3A_256, %eq3A_277 : vector<1024x512xi32>
    %select_n3A_279 = arith.select %eq3A_278, %select_n3A_257, %select_n3A_256 : vector<1024x512xi1>, vector<1024x512xi32>
    %select_n3A_280 = arith.select %eq3A_278, %select_n3A_260, %select_n3A_257 : vector<1024x512xi1>, vector<1024x512xi32>
    %jit3A_281 = arith.constant 2147483647 : i32
    %broadcast_in_dim3A_282 = vector.broadcast %jit3A_281 : i32 to vector<1024x512xi32>
    %select_n3A_283 = arith.select %eq3A_278, %broadcast_in_dim3A_282, %select_n3A_260 : vector<1024x512xi1>, vector<1024x512xi32>
    %reduce_min3A_284 = arith.constant dense<2147483647> : vector<1024xi32>
    %reduce_min3A_285 = vector.multi_reduction <minsi>, %select_n3A_279, %reduce_min3A_284 [1] : vector<1024x512xi32> to vector<1024xi32>
    %broadcast_in_dim3A_286 = vector.shape_cast %reduce_min3A_285 : vector<1024xi32> to vector<1024x1xi32>
    %and3A_287 = arith.constant 4095 : i32
    %and3A_288 = vector.broadcast %and3A_287 : i32 to vector<1024x1xi32>
    %and3A_289 = arith.andi %broadcast_in_dim3A_286, %and3A_288 : vector<1024x1xi32>
    %squeeze3A_290 = vector.shape_cast %and3A_289 : vector<1024x1xi32> to vector<1024xi32>
    %mul3A_291 = arith.constant 4096 : i32
    %mul3A_292 = arith.muli %arg0, %mul3A_291 : i32
    %add3A_293 = vector.broadcast %mul3A_292 : i32 to vector<1024xi32>
    %add3A_294 = arith.addi %squeeze3A_290, %add3A_293 : vector<1024xi32>
    %swap3A_295 = arith.constant 10 : index
    %swap3A_296 = arith.constant 0 : index
    %swap3A_297 = vector.load %arg4[%swap3A_295, %swap3A_296] : memref<16x1024xi32, #tpu.memory_space<vmem>>, vector<1x1024xi32>
    %swap3A_298 = vector.shape_cast %swap3A_297 : vector<1x1024xi32> to vector<1024xi32>
    %swap3A_299 = vector.shape_cast %add3A_294 : vector<1024xi32> to vector<1x1024xi32>
    tpu.vector_store %arg4[%swap3A_295, %swap3A_296], %swap3A_299 {strides = array<i32>} : memref<16x1024xi32, #tpu.memory_space<vmem>>, vector<1x1024xi32>,
    %eq3A_300 = vector.broadcast %broadcast_in_dim3A_286 : vector<1024x1xi32> to vector<1024x512xi32>
    %eq3A_301 = arith.cmpi eq, %select_n3A_279, %eq3A_300 : vector<1024x512xi32>
    %select_n3A_302 = arith.select %eq3A_301, %select_n3A_280, %select_n3A_279 : vector<1024x512xi1>, vector<1024x512xi32>
    %select_n3A_303 = arith.select %eq3A_301, %select_n3A_283, %select_n3A_280 : vector<1024x512xi1>, vector<1024x512xi32>
    %jit3A_304 = arith.constant 2147483647 : i32
    %broadcast_in_dim3A_305 = vector.broadcast %jit3A_304 : i32 to vector<1024x512xi32>
    %select_n3A_306 = arith.select %eq3A_301, %broadcast_in_dim3A_305, %select_n3A_283 : vector<1024x512xi1>, vector<1024x512xi32>
    %reduce_min3A_307 = arith.constant dense<2147483647> : vector<1024xi32>
    %reduce_min3A_308 = vector.multi_reduction <minsi>, %select_n3A_302, %reduce_min3A_307 [1] : vector<1024x512xi32> to vector<1024xi32>
    %broadcast_in_dim3A_309 = vector.shape_cast %reduce_min3A_308 : vector<1024xi32> to vector<1024x1xi32>
    %and3A_310 = arith.constant 4095 : i32
    %and3A_311 = vector.broadcast %and3A_310 : i32 to vector<1024x1xi32>
    %and3A_312 = arith.andi %broadcast_in_dim3A_309, %and3A_311 : vector<1024x1xi32>
    %squeeze3A_313 = vector.shape_cast %and3A_312 : vector<1024x1xi32> to vector<1024xi32>
    %mul3A_314 = arith.constant 4096 : i32
    %mul3A_315 = arith.muli %arg0, %mul3A_314 : i32
    %add3A_316 = vector.broadcast %mul3A_315 : i32 to vector<1024xi32>
    %add3A_317 = arith.addi %squeeze3A_313, %add3A_316 : vector<1024xi32>
    %swap3A_318 = arith.constant 11 : index
    %swap3A_319 = arith.constant 0 : index
    %swap3A_320 = vector.load %arg4[%swap3A_318, %swap3A_319] : memref<16x1024xi32, #tpu.memory_space<vmem>>, vector<1x1024xi32>
    %swap3A_321 = vector.shape_cast %swap3A_320 : vector<1x1024xi32> to vector<1024xi32>
    %swap3A_322 = vector.shape_cast %add3A_317 : vector<1024xi32> to vector<1x1024xi32>
    tpu.vector_store %arg4[%swap3A_318, %swap3A_319], %swap3A_322 {strides = array<i32>} : memref<16x1024xi32, #tpu.memory_space<vmem>>, vector<1x1024xi32>,
    %eq3A_323 = vector.broadcast %broadcast_in_dim3A_309 : vector<1024x1xi32> to vector<1024x512xi32>
    %eq3A_324 = arith.cmpi eq, %select_n3A_302, %eq3A_323 : vector<1024x512xi32>
    %select_n3A_325 = arith.select %eq3A_324, %select_n3A_303, %select_n3A_302 : vector<1024x512xi1>, vector<1024x512xi32>
    %select_n3A_326 = arith.select %eq3A_324, %select_n3A_306, %select_n3A_303 : vector<1024x512xi1>, vector<1024x512xi32>
    %jit3A_327 = arith.constant 2147483647 : i32
    %broadcast_in_dim3A_328 = vector.broadcast %jit3A_327 : i32 to vector<1024x512xi32>
    %select_n3A_329 = arith.select %eq3A_324, %broadcast_in_dim3A_328, %select_n3A_306 : vector<1024x512xi1>, vector<1024x512xi32>
    %reduce_min3A_330 = arith.constant dense<2147483647> : vector<1024xi32>
    %reduce_min3A_331 = vector.multi_reduction <minsi>, %select_n3A_325, %reduce_min3A_330 [1] : vector<1024x512xi32> to vector<1024xi32>
    %broadcast_in_dim3A_332 = vector.shape_cast %reduce_min3A_331 : vector<1024xi32> to vector<1024x1xi32>
    %and3A_333 = arith.constant 4095 : i32
    %and3A_334 = vector.broadcast %and3A_333 : i32 to vector<1024x1xi32>
    %and3A_335 = arith.andi %broadcast_in_dim3A_332, %and3A_334 : vector<1024x1xi32>
    %squeeze3A_336 = vector.shape_cast %and3A_335 : vector<1024x1xi32> to vector<1024xi32>
    %mul3A_337 = arith.constant 4096 : i32
    %mul3A_338 = arith.muli %arg0, %mul3A_337 : i32
    %add3A_339 = vector.broadcast %mul3A_338 : i32 to vector<1024xi32>
    %add3A_340 = arith.addi %squeeze3A_336, %add3A_339 : vector<1024xi32>
    %swap3A_341 = arith.constant 12 : index
    %swap3A_342 = arith.constant 0 : index
    %swap3A_343 = vector.load %arg4[%swap3A_341, %swap3A_342] : memref<16x1024xi32, #tpu.memory_space<vmem>>, vector<1x1024xi32>
    %swap3A_344 = vector.shape_cast %swap3A_343 : vector<1x1024xi32> to vector<1024xi32>
    %swap3A_345 = vector.shape_cast %add3A_340 : vector<1024xi32> to vector<1x1024xi32>
    tpu.vector_store %arg4[%swap3A_341, %swap3A_342], %swap3A_345 {strides = array<i32>} : memref<16x1024xi32, #tpu.memory_space<vmem>>, vector<1x1024xi32>,
    %eq3A_346 = vector.broadcast %broadcast_in_dim3A_332 : vector<1024x1xi32> to vector<1024x512xi32>
    %eq3A_347 = arith.cmpi eq, %select_n3A_325, %eq3A_346 : vector<1024x512xi32>
    %select_n3A_348 = arith.select %eq3A_347, %select_n3A_326, %select_n3A_325 : vector<1024x512xi1>, vector<1024x512xi32>
    %select_n3A_349 = arith.select %eq3A_347, %select_n3A_329, %select_n3A_326 : vector<1024x512xi1>, vector<1024x512xi32>
    %jit3A_350 = arith.constant 2147483647 : i32
    %broadcast_in_dim3A_351 = vector.broadcast %jit3A_350 : i32 to vector<1024x512xi32>
    %select_n3A_352 = arith.select %eq3A_347, %broadcast_in_dim3A_351, %select_n3A_329 : vector<1024x512xi1>, vector<1024x512xi32>
    %reduce_min3A_353 = arith.constant dense<2147483647> : vector<1024xi32>
    %reduce_min3A_354 = vector.multi_reduction <minsi>, %select_n3A_348, %reduce_min3A_353 [1] : vector<1024x512xi32> to vector<1024xi32>
    %broadcast_in_dim3A_355 = vector.shape_cast %reduce_min3A_354 : vector<1024xi32> to vector<1024x1xi32>
    %and3A_356 = arith.constant 4095 : i32
    %and3A_357 = vector.broadcast %and3A_356 : i32 to vector<1024x1xi32>
    %and3A_358 = arith.andi %broadcast_in_dim3A_355, %and3A_357 : vector<1024x1xi32>
    %squeeze3A_359 = vector.shape_cast %and3A_358 : vector<1024x1xi32> to vector<1024xi32>
    %mul3A_360 = arith.constant 4096 : i32
    %mul3A_361 = arith.muli %arg0, %mul3A_360 : i32
    %add3A_362 = vector.broadcast %mul3A_361 : i32 to vector<1024xi32>
    %add3A_363 = arith.addi %squeeze3A_359, %add3A_362 : vector<1024xi32>
    %swap3A_364 = arith.constant 13 : index
    %swap3A_365 = arith.constant 0 : index
    %swap3A_366 = vector.load %arg4[%swap3A_364, %swap3A_365] : memref<16x1024xi32, #tpu.memory_space<vmem>>, vector<1x1024xi32>
    %swap3A_367 = vector.shape_cast %swap3A_366 : vector<1x1024xi32> to vector<1024xi32>
    %swap3A_368 = vector.shape_cast %add3A_363 : vector<1024xi32> to vector<1x1024xi32>
    tpu.vector_store %arg4[%swap3A_364, %swap3A_365], %swap3A_368 {strides = array<i32>} : memref<16x1024xi32, #tpu.memory_space<vmem>>, vector<1x1024xi32>,
    %eq3A_369 = vector.broadcast %broadcast_in_dim3A_355 : vector<1024x1xi32> to vector<1024x512xi32>
    %eq3A_370 = arith.cmpi eq, %select_n3A_348, %eq3A_369 : vector<1024x512xi32>
    %select_n3A_371 = arith.select %eq3A_370, %select_n3A_349, %select_n3A_348 : vector<1024x512xi1>, vector<1024x512xi32>
    %select_n3A_372 = arith.select %eq3A_370, %select_n3A_352, %select_n3A_349 : vector<1024x512xi1>, vector<1024x512xi32>
    %reduce_min3A_373 = arith.constant dense<2147483647> : vector<1024xi32>
    %reduce_min3A_374 = vector.multi_reduction <minsi>, %select_n3A_371, %reduce_min3A_373 [1] : vector<1024x512xi32> to vector<1024xi32>
    %broadcast_in_dim3A_375 = vector.shape_cast %reduce_min3A_374 : vector<1024xi32> to vector<1024x1xi32>
    %and3A_376 = arith.constant 4095 : i32
    %and3A_377 = vector.broadcast %and3A_376 : i32 to vector<1024x1xi32>
    %and3A_378 = arith.andi %broadcast_in_dim3A_375, %and3A_377 : vector<1024x1xi32>
    %squeeze3A_379 = vector.shape_cast %and3A_378 : vector<1024x1xi32> to vector<1024xi32>
    %mul3A_380 = arith.constant 4096 : i32
    %mul3A_381 = arith.muli %arg0, %mul3A_380 : i32
    %add3A_382 = vector.broadcast %mul3A_381 : i32 to vector<1024xi32>
    %add3A_383 = arith.addi %squeeze3A_379, %add3A_382 : vector<1024xi32>
    %swap3A_384 = arith.constant 14 : index
    %swap3A_385 = arith.constant 0 : index
    %swap3A_386 = vector.load %arg4[%swap3A_384, %swap3A_385] : memref<16x1024xi32, #tpu.memory_space<vmem>>, vector<1x1024xi32>
    %swap3A_387 = vector.shape_cast %swap3A_386 : vector<1x1024xi32> to vector<1024xi32>
    %swap3A_388 = vector.shape_cast %add3A_383 : vector<1024xi32> to vector<1x1024xi32>
    tpu.vector_store %arg4[%swap3A_384, %swap3A_385], %swap3A_388 {strides = array<i32>} : memref<16x1024xi32, #tpu.memory_space<vmem>>, vector<1x1024xi32>,
    %eq3A_389 = vector.broadcast %broadcast_in_dim3A_375 : vector<1024x1xi32> to vector<1024x512xi32>
    %eq3A_390 = arith.cmpi eq, %select_n3A_371, %eq3A_389 : vector<1024x512xi32>
    %select_n3A_391 = arith.select %eq3A_390, %select_n3A_372, %select_n3A_371 : vector<1024x512xi1>, vector<1024x512xi32>
    %reduce_min3A_392 = arith.constant dense<2147483647> : vector<1024xi32>
    %reduce_min3A_393 = vector.multi_reduction <minsi>, %select_n3A_391, %reduce_min3A_392 [1] : vector<1024x512xi32> to vector<1024xi32>
    %broadcast_in_dim3A_394 = vector.shape_cast %reduce_min3A_393 : vector<1024xi32> to vector<1024x1xi32>
    %and3A_395 = arith.constant 4095 : i32
    %and3A_396 = vector.broadcast %and3A_395 : i32 to vector<1024x1xi32>
    %and3A_397 = arith.andi %broadcast_in_dim3A_394, %and3A_396 : vector<1024x1xi32>
    %squeeze3A_398 = vector.shape_cast %and3A_397 : vector<1024x1xi32> to vector<1024xi32>
    %mul3A_399 = arith.constant 4096 : i32
    %mul3A_400 = arith.muli %arg0, %mul3A_399 : i32
    %add3A_401 = vector.broadcast %mul3A_400 : i32 to vector<1024xi32>
    %add3A_402 = arith.addi %squeeze3A_398, %add3A_401 : vector<1024xi32>
    %swap3A_403 = arith.constant 15 : index
    %swap3A_404 = arith.constant 0 : index
    %swap3A_405 = vector.load %arg4[%swap3A_403, %swap3A_404] : memref<16x1024xi32, #tpu.memory_space<vmem>>, vector<1x1024xi32>
    %swap3A_406 = vector.shape_cast %swap3A_405 : vector<1x1024xi32> to vector<1024xi32>
    %swap3A_407 = vector.shape_cast %add3A_402 : vector<1024xi32> to vector<1x1024xi32>
    tpu.vector_store %arg4[%swap3A_403, %swap3A_404], %swap3A_407 {strides = array<i32>} : memref<16x1024xi32, #tpu.memory_space<vmem>>, vector<1x1024xi32>,
    return
  }
  func.func @transform_0(%arg0: i32, %arg1: i32) -> (i32, i32, i32) {
    %c0_i32 = arith.constant 0 : i32
    %c0_i32_0 = arith.constant 0 : i32
    return %arg0, %arg1, %c0_i32 : i32, i32, i32
  }
  func.func @transform_1(%arg0: i32, %arg1: i32) -> (i32, i32, i32) {
    %c0_i32 = arith.constant 0 : i32
    %c0_i32_0 = arith.constant 0 : i32
    %c0_i32_1 = arith.constant 0 : i32
    return %arg0, %c0_i32, %c0_i32_0 : i32, i32, i32
  }
  func.func @transform_2(%arg0: i32, %arg1: i32) -> (i32, i32) {
    %mul3A = arith.constant 4 : i32
    %mul3A_0 = arith.muli %arg0, %mul3A : i32
    %add3A = arith.addi %mul3A_0, %arg1 : i32
    %c0_i32 = arith.constant 0 : i32
    %c0_i32_1 = arith.constant 0 : i32
    return %c0_i32, %add3A : i32, i32
  }
  func.func @transform_3(%arg0: i32, %arg1: i32) -> (i32, i32, i32) {
    %c0_i32 = arith.constant 0 : i32
    %c0_i32_0 = arith.constant 0 : i32
    return %arg0, %arg1, %c0_i32 : i32, i32, i32
  }
}

module attributes {stable_mosaic.version = 14 : i64} {
  func.func @_lin2_body(%arg0: i32, %arg1: memref<2048x64xf32, #tpu.memory_space<vmem>>, %arg2: memref<64x64xf32, #tpu.memory_space<vmem>>, %arg3: memref<64x128xf32, #tpu.memory_space<vmem>>, %arg4: memref<2048x64xf32, #tpu.memory_space<vmem>>, %arg5: memref<2048x128xf32, #tpu.memory_space<vmem>>) attributes {dimension_semantics = [#tpu.dimension_semantics<arbitrary>], iteration_bounds = array<i64: 8>, scalar_prefetch = 0 : i64, scratch_operands = 0 : i64, tpu.core_type = #tpu.core_type<tc>, window_params = [{transform_indices = @transform_0, window_bounds = array<i64: 2048, 64>}, {pipeline_mode = #tpu.pipeline_mode<synchronous>, transform_indices = @transform_1, window_bounds = array<i64: 64, 64>}, {pipeline_mode = #tpu.pipeline_mode<synchronous>, transform_indices = @transform_2, window_bounds = array<i64: 64, 128>}, {transform_indices = @transform_3, window_bounds = array<i64: 2048, 64>}, {transform_indices = @transform_4, window_bounds = array<i64: 2048, 128>}]} {
    %get3A = arith.constant 0 : index
    %get3A_0 = arith.constant 0 : index
    %get3A_1 = vector.load %arg1[%get3A, %get3A_0] : memref<2048x64xf32, #tpu.memory_space<vmem>>, vector<2048x64xf32>
    %get3A_2 = arith.constant 0 : index
    %get3A_3 = arith.constant 0 : index
    %get3A_4 = vector.load %arg2[%get3A_2, %get3A_3] : memref<64x64xf32, #tpu.memory_space<vmem>>, vector<64x64xf32>
    %dot_general3A = arith.constant dense<0.000000e+00> : vector<2048x64xf32>
    %dot_general3A_5 = tpu.matmul %get3A_1, %get3A_4, %dot_general3A {dimension_numbers = #tpu.dot_dimension_numbers<[1], [0], [0], [1], [0, 0, 1, 1], [], []>, transpose_lhs_hint = false} : vector<2048x64xf32>, vector<64x64xf32>, vector<2048x64xf32> -> vector<2048x64xf32>
    %swap3A = arith.constant 0 : index
    %swap3A_6 = arith.constant 0 : index
    %swap3A_7 = vector.load %arg4[%swap3A, %swap3A_6] : memref<2048x64xf32, #tpu.memory_space<vmem>>, vector<2048x64xf32>
    tpu.vector_store %arg4[%swap3A, %swap3A_6], %dot_general3A_5 {strides = array<i32>} : memref<2048x64xf32, #tpu.memory_space<vmem>>, vector<2048x64xf32>,
    %get3A_8 = arith.constant 0 : index
    %get3A_9 = arith.constant 0 : index
    %get3A_10 = vector.load %arg3[%get3A_8, %get3A_9] : memref<64x128xf32, #tpu.memory_space<vmem>>, vector<64x128xf32>
    %dot_general3A_11 = arith.constant dense<0.000000e+00> : vector<2048x128xf32>
    %dot_general3A_12 = tpu.matmul %get3A_1, %get3A_10, %dot_general3A_11 {dimension_numbers = #tpu.dot_dimension_numbers<[1], [0], [0], [1], [0, 0, 1, 1], [], []>, transpose_lhs_hint = false} : vector<2048x64xf32>, vector<64x128xf32>, vector<2048x128xf32> -> vector<2048x128xf32>
    %swap3A_13 = arith.constant 0 : index
    %swap3A_14 = arith.constant 0 : index
    %swap3A_15 = vector.load %arg5[%swap3A_13, %swap3A_14] : memref<2048x128xf32, #tpu.memory_space<vmem>>, vector<2048x128xf32>
    tpu.vector_store %arg5[%swap3A_13, %swap3A_14], %dot_general3A_12 {strides = array<i32>} : memref<2048x128xf32, #tpu.memory_space<vmem>>, vector<2048x128xf32>,
    return
  }
  func.func @transform_0(%arg0: i32) -> (i32, i32) {
    %c0_i32 = arith.constant 0 : i32
    %c0_i32_0 = arith.constant 0 : i32
    return %arg0, %c0_i32 : i32, i32
  }
  func.func @transform_1(%arg0: i32) -> (i32, i32) {
    %c0_i32 = arith.constant 0 : i32
    %c0_i32_0 = arith.constant 0 : i32
    %c0_i32_1 = arith.constant 0 : i32
    return %c0_i32, %c0_i32_0 : i32, i32
  }
  func.func @transform_2(%arg0: i32) -> (i32, i32) {
    %c0_i32 = arith.constant 0 : i32
    %c0_i32_0 = arith.constant 0 : i32
    %c0_i32_1 = arith.constant 0 : i32
    return %c0_i32, %c0_i32_0 : i32, i32
  }
  func.func @transform_3(%arg0: i32) -> (i32, i32) {
    %c0_i32 = arith.constant 0 : i32
    %c0_i32_0 = arith.constant 0 : i32
    return %arg0, %c0_i32 : i32, i32
  }
  func.func @transform_4(%arg0: i32) -> (i32, i32) {
    %c0_i32 = arith.constant 0 : i32
    %c0_i32_0 = arith.constant 0 : i32
    return %arg0, %c0_i32 : i32, i32
  }
}

module attributes {stable_mosaic.version = 14 : i64} {
  func.func @_fps_body(%arg0: memref<4x4096xf32, #tpu.memory_space<vmem>>, %arg1: memref<4x4096xf32, #tpu.memory_space<vmem>>, %arg2: memref<4x4096xf32, #tpu.memory_space<vmem>>, %arg3: memref<4x512xi32, #tpu.memory_space<vmem>>, %arg4: memref<4x512xf32, #tpu.memory_space<vmem>>, %arg5: memref<4x512xf32, #tpu.memory_space<vmem>>, %arg6: memref<4x512xf32, #tpu.memory_space<vmem>>) attributes {dimension_semantics = [], scalar_prefetch = 0 : i64, scratch_operands = 0 : i64, tpu.core_type = #tpu.core_type<tc>} {
    %get3A = arith.constant 0 : index
    %get3A_0 = arith.constant 0 : index
    %get3A_1 = vector.load %arg0[%get3A, %get3A_0] : memref<4x4096xf32, #tpu.memory_space<vmem>>, vector<4x4096xf32>
    %get3A_2 = arith.constant 0 : index
    %get3A_3 = arith.constant 0 : index
    %get3A_4 = vector.load %arg1[%get3A_2, %get3A_3] : memref<4x4096xf32, #tpu.memory_space<vmem>>, vector<4x4096xf32>
    %get3A_5 = arith.constant 0 : index
    %get3A_6 = arith.constant 0 : index
    %get3A_7 = vector.load %arg2[%get3A_5, %get3A_6] : memref<4x4096xf32, #tpu.memory_space<vmem>>, vector<4x4096xf32>
    %iota3A = tpu.iota {dimensions = array<i32: 1>} : vector<4x4096xi32>
    %iota3A_8 = tpu.iota {dimensions = array<i32: 1>} : vector<4x512xi32>
    %broadcast_in_dim3A = arith.constant 3.000000e+38 : f32
    %broadcast_in_dim3A_9 = vector.broadcast %broadcast_in_dim3A : f32 to vector<4x4096xf32>
    %broadcast_in_dim3A_10 = arith.constant 0 : i32
    %broadcast_in_dim3A_11 = vector.broadcast %broadcast_in_dim3A_10 : i32 to vector<4xi32>
    %broadcast_in_dim3A_12 = arith.constant 0 : i32
    %broadcast_in_dim3A_13 = vector.broadcast %broadcast_in_dim3A_12 : i32 to vector<4x512xi32>
    %broadcast_in_dim3A_14 = arith.constant 0.000000e+00 : f32
    %broadcast_in_dim3A_15 = vector.broadcast %broadcast_in_dim3A_14 : f32 to vector<4x512xf32>
    %broadcast_in_dim3A_16 = arith.constant 0.000000e+00 : f32
    %broadcast_in_dim3A_17 = vector.broadcast %broadcast_in_dim3A_16 : f32 to vector<4x512xf32>
    %broadcast_in_dim3A_18 = arith.constant 0.000000e+00 : f32
    %broadcast_in_dim3A_19 = vector.broadcast %broadcast_in_dim3A_18 : f32 to vector<4x512xf32>
    %scan3A = arith.constant 0 : i32
    %scan3A_20 = arith.constant 512 : i32
    %scan3A_21 = arith.addi %scan3A, %scan3A_20 : i32
    %scan3A_22 = arith.constant 1 : i32
    %scan3A_23:6 = scf.for %scan3A_39 = %scan3A to %scan3A_21 step %scan3A_22 iter_args(%scan3A_40 = %broadcast_in_dim3A_9, %scan3A_41 = %broadcast_in_dim3A_11, %scan3A_42 = %broadcast_in_dim3A_13, %scan3A_43 = %broadcast_in_dim3A_15, %scan3A_44 = %broadcast_in_dim3A_17, %scan3A_45 = %broadcast_in_dim3A_19) -> (vector<4x4096xf32>, vector<4xi32>, vector<4x512xi32>, vector<4x512xf32>, vector<4x512xf32>, vector<4x512xf32>)  : i32 {
      %eq3A = vector.broadcast %scan3A_39 : i32 to vector<4x512xi32>
      %eq3A_46 = arith.cmpi eq, %iota3A_8, %eq3A : vector<4x512xi32>
      %broadcast_in_dim3A_47 = vector.shape_cast %scan3A_41 : vector<4xi32> to vector<4x1xi32>
      %broadcast_in_dim3A_48 = vector.shape_cast %broadcast_in_dim3A_47 : vector<4x1xi32> to vector<4x1xi32>
      %broadcast_in_dim3A_49 = vector.broadcast %broadcast_in_dim3A_48 : vector<4x1xi32> to vector<4x512xi32>
      %select_n3A = arith.select %eq3A_46, %broadcast_in_dim3A_49, %scan3A_42 : vector<4x512xi1>, vector<4x512xi32>
      %broadcast_in_dim3A_50 = vector.shape_cast %scan3A_41 : vector<4xi32> to vector<4x1xi32>
      %eq3A_51 = vector.broadcast %broadcast_in_dim3A_50 : vector<4x1xi32> to vector<4x4096xi32>
      %eq3A_52 = arith.cmpi eq, %iota3A, %eq3A_51 : vector<4x4096xi32>
      %jit3A = arith.constant 0.000000e+00 : f32
      %broadcast_in_dim3A_53 = vector.broadcast %jit3A : f32 to vector<4x4096xf32>
      %select_n3A_54 = arith.select %eq3A_52, %get3A_1, %broadcast_in_dim3A_53 : vector<4x4096xi1>, vector<4x4096xf32>
      %reduce_sum3A = arith.constant dense<0.000000e+00> : vector<4xf32>
      %reduce_sum3A_55 = vector.multi_reduction <add>, %select_n3A_54, %reduce_sum3A [1] : vector<4x4096xf32> to vector<4xf32>
      %broadcast_in_dim3A_56 = vector.shape_cast %reduce_sum3A_55 : vector<4xf32> to vector<4x1xf32>
      %jit3A_57 = arith.constant 0.000000e+00 : f32
      %broadcast_in_dim3A_58 = vector.broadcast %jit3A_57 : f32 to vector<4x4096xf32>
      %select_n3A_59 = arith.select %eq3A_52, %get3A_4, %broadcast_in_dim3A_58 : vector<4x4096xi1>, vector<4x4096xf32>
      %reduce_sum3A_60 = arith.constant dense<0.000000e+00> : vector<4xf32>
      %reduce_sum3A_61 = vector.multi_reduction <add>, %select_n3A_59, %reduce_sum3A_60 [1] : vector<4x4096xf32> to vector<4xf32>
      %broadcast_in_dim3A_62 = vector.shape_cast %reduce_sum3A_61 : vector<4xf32> to vector<4x1xf32>
      %jit3A_63 = arith.constant 0.000000e+00 : f32
      %broadcast_in_dim3A_64 = vector.broadcast %jit3A_63 : f32 to vector<4x4096xf32>
      %select_n3A_65 = arith.select %eq3A_52, %get3A_7, %broadcast_in_dim3A_64 : vector<4x4096xi1>, vector<4x4096xf32>
      %reduce_sum3A_66 = arith.constant dense<0.000000e+00> : vector<4xf32>
      %reduce_sum3A_67 = vector.multi_reduction <add>, %select_n3A_65, %reduce_sum3A_66 [1] : vector<4x4096xf32> to vector<4xf32>
      %broadcast_in_dim3A_68 = vector.shape_cast %reduce_sum3A_67 : vector<4xf32> to vector<4x1xf32>
      %broadcast_in_dim3A_69 = vector.shape_cast %broadcast_in_dim3A_56 : vector<4x1xf32> to vector<4x1xf32>
      %broadcast_in_dim3A_70 = vector.broadcast %broadcast_in_dim3A_69 : vector<4x1xf32> to vector<4x512xf32>
      %select_n3A_71 = arith.select %eq3A_46, %broadcast_in_dim3A_70, %scan3A_43 : vector<4x512xi1>, vector<4x512xf32>
      %broadcast_in_dim3A_72 = vector.shape_cast %broadcast_in_dim3A_62 : vector<4x1xf32> to vector<4x1xf32>
      %broadcast_in_dim3A_73 = vector.broadcast %broadcast_in_dim3A_72 : vector<4x1xf32> to vector<4x512xf32>
      %select_n3A_74 = arith.select %eq3A_46, %broadcast_in_dim3A_73, %scan3A_44 : vector<4x512xi1>, vector<4x512xf32>
      %broadcast_in_dim3A_75 = vector.shape_cast %broadcast_in_dim3A_68 : vector<4x1xf32> to vector<4x1xf32>
      %broadcast_in_dim3A_76 = vector.broadcast %broadcast_in_dim3A_75 : vector<4x1xf32> to vector<4x512xf32>
      %select_n3A_77 = arith.select %eq3A_46, %broadcast_in_dim3A_76, %scan3A_45 : vector<4x512xi1>, vector<4x512xf32>
      %sub3A = vector.broadcast %broadcast_in_dim3A_56 : vector<4x1xf32> to vector<4x4096xf32>
      %sub3A_78 = arith.subf %get3A_1, %sub3A : vector<4x4096xf32>
      %integer_pow3A = arith.mulf %sub3A_78, %sub3A_78 : vector<4x4096xf32>
      %sub3A_79 = vector.broadcast %broadcast_in_dim3A_62 : vector<4x1xf32> to vector<4x4096xf32>
      %sub3A_80 = arith.subf %get3A_4, %sub3A_79 : vector<4x4096xf32>
      %integer_pow3A_81 = arith.mulf %sub3A_80, %sub3A_80 : vector<4x4096xf32>
      %add3A_82 = arith.addf %integer_pow3A, %integer_pow3A_81 : vector<4x4096xf32>
      %sub3A_83 = vector.broadcast %broadcast_in_dim3A_68 : vector<4x1xf32> to vector<4x4096xf32>
      %sub3A_84 = arith.subf %get3A_7, %sub3A_83 : vector<4x4096xf32>
      %integer_pow3A_85 = arith.mulf %sub3A_84, %sub3A_84 : vector<4x4096xf32>
      %add3A_86 = arith.addf %add3A_82, %integer_pow3A_85 : vector<4x4096xf32>
      %min3A = arith.minimumf %scan3A_40, %add3A_86 : vector<4x4096xf32>
      %reduce_max3A = arith.constant dense<0xFF800000> : vector<4xf32>
      %reduce_max3A_87 = vector.multi_reduction <maximumf>, %min3A, %reduce_max3A [1] : vector<4x4096xf32> to vector<4xf32>
      %broadcast_in_dim3A_88 = vector.shape_cast %reduce_max3A_87 : vector<4xf32> to vector<4x1xf32>
      %eq3A_89 = vector.broadcast %broadcast_in_dim3A_88 : vector<4x1xf32> to vector<4x4096xf32>
      %eq3A_90 = arith.cmpf oeq, %min3A, %eq3A_89 : vector<4x4096xf32>
      %jit3A_91 = arith.constant 1073741824 : i32
      %broadcast_in_dim3A_92 = vector.broadcast %jit3A_91 : i32 to vector<4x4096xi32>
      %select_n3A_93 = arith.select %eq3A_90, %iota3A, %broadcast_in_dim3A_92 : vector<4x4096xi1>, vector<4x4096xi32>
      %reduce_min3A = arith.constant dense<2147483647> : vector<4xi32>
      %reduce_min3A_94 = vector.multi_reduction <minsi>, %select_n3A_93, %reduce_min3A [1] : vector<4x4096xi32> to vector<4xi32>
      scf.yield %min3A, %reduce_min3A_94, %select_n3A, %select_n3A_71, %select_n3A_74, %select_n3A_77 : vector<4x4096xf32>, vector<4xi32>, vector<4x512xi32>, vector<4x512xf32>, vector<4x512xf32>, vector<4x512xf32>
    }
    %scan3A_24 = arith.constant 512 : i32
    %iota3A_25 = tpu.iota {dimensions = array<i32: 0>} : vector<4x512xi32>
    %mul3A = arith.constant 4096 : i32
    %mul3A_26 = vector.broadcast %mul3A : i32 to vector<4x512xi32>
    %mul3A_27 = arith.muli %iota3A_25, %mul3A_26 : vector<4x512xi32>
    %add3A = arith.addi %scan3A_23#2, %mul3A_27 : vector<4x512xi32>
    %swap3A = arith.constant 0 : index
    %swap3A_28 = arith.constant 0 : index
    %swap3A_29 = vector.load %arg3[%swap3A, %swap3A_28] : memref<4x512xi32, #tpu.memory_space<vmem>>, vector<4x512xi32>
    tpu.vector_store %arg3[%swap3A, %swap3A_28], %add3A {strides = array<i32>} : memref<4x512xi32, #tpu.memory_space<vmem>>, vector<4x512xi32>,
    %swap3A_30 = arith.constant 0 : index
    %swap3A_31 = arith.constant 0 : index
    %swap3A_32 = vector.load %arg4[%swap3A_30, %swap3A_31] : memref<4x512xf32, #tpu.memory_space<vmem>>, vector<4x512xf32>
    tpu.vector_store %arg4[%swap3A_30, %swap3A_31], %scan3A_23#3 {strides = array<i32>} : memref<4x512xf32, #tpu.memory_space<vmem>>, vector<4x512xf32>,
    %swap3A_33 = arith.constant 0 : index
    %swap3A_34 = arith.constant 0 : index
    %swap3A_35 = vector.load %arg5[%swap3A_33, %swap3A_34] : memref<4x512xf32, #tpu.memory_space<vmem>>, vector<4x512xf32>
    tpu.vector_store %arg5[%swap3A_33, %swap3A_34], %scan3A_23#4 {strides = array<i32>} : memref<4x512xf32, #tpu.memory_space<vmem>>, vector<4x512xf32>,
    %swap3A_36 = arith.constant 0 : index
    %swap3A_37 = arith.constant 0 : index
    %swap3A_38 = vector.load %arg6[%swap3A_36, %swap3A_37] : memref<4x512xf32, #tpu.memory_space<vmem>>, vector<4x512xf32>
    tpu.vector_store %arg6[%swap3A_36, %swap3A_37], %scan3A_23#5 {strides = array<i32>} : memref<4x512xf32, #tpu.memory_space<vmem>>, vector<4x512xf32>,
    return
  }
}

module attributes {stable_mosaic.version = 14 : i64} {
  func.func @_edge_body(%arg0: i32, %arg1: i32, %arg2: memref<1024x64xf32, #tpu.memory_space<vmem>>, %arg3: memref<1x1024x128xf32, #tpu.memory_space<vmem>>, %arg4: memref<64x128xf32, #tpu.memory_space<vmem>>, %arg5: memref<1024x128xf32, #tpu.memory_space<vmem>>) attributes {dimension_semantics = [#tpu.dimension_semantics<arbitrary>, #tpu.dimension_semantics<arbitrary>], iteration_bounds = array<i64: 16, 16>, scalar_prefetch = 0 : i64, scratch_operands = 0 : i64, tpu.core_type = #tpu.core_type<tc>, window_params = [{transform_indices = @transform_0, window_bounds = array<i64: 1024, 64>}, {transform_indices = @transform_1, window_bounds = array<i64: 1, 1024, 128>}, {pipeline_mode = #tpu.pipeline_mode<synchronous>, transform_indices = @transform_2, window_bounds = array<i64: 64, 128>}, {transform_indices = @transform_3, window_bounds = array<i64: 1024, 128>}]} {
    %get3A = arith.constant 0 : index
    %get3A_0 = arith.constant 0 : index
    %get3A_1 = vector.load %arg2[%get3A, %get3A_0] : memref<1024x64xf32, #tpu.memory_space<vmem>>, vector<1024x64xf32>
    %get3A_2 = arith.constant 0 : index
    %get3A_3 = arith.constant 0 : index
    %get3A_4 = arith.constant 0 : index
    %get3A_5 = vector.load %arg3[%get3A_2, %get3A_3, %get3A_4] : memref<1x1024x128xf32, #tpu.memory_space<vmem>>, vector<1x1024x128xf32>
    %get3A_6 = vector.shape_cast %get3A_5 : vector<1x1024x128xf32> to vector<1024x128xf32>
    %slice3A = vector.extract_strided_slice %get3A_6 {offsets = [0, 0], sizes = [1024, 64], strides = [1, 1]} : vector<1024x128xf32> to vector<1024x64xf32>
    %add3A = arith.addf %get3A_1, %slice3A : vector<1024x64xf32>
    %max3A = arith.constant 0.000000e+00 : f32
    %max3A_7 = vector.broadcast %max3A : f32 to vector<1024x64xf32>
    %max3A_8 = arith.maximumf %add3A, %max3A_7 : vector<1024x64xf32>
    %get3A_9 = arith.constant 0 : index
    %get3A_10 = arith.constant 0 : index
    %get3A_11 = vector.load %arg4[%get3A_9, %get3A_10] : memref<64x128xf32, #tpu.memory_space<vmem>>, vector<64x128xf32>
    %dot_general3A = arith.constant dense<0.000000e+00> : vector<1024x128xf32>
    %dot_general3A_12 = tpu.matmul %max3A_8, %get3A_11, %dot_general3A {dimension_numbers = #tpu.dot_dimension_numbers<[1], [0], [0], [1], [0, 0, 1, 1], [], []>, transpose_lhs_hint = false} : vector<1024x64xf32>, vector<64x128xf32>, vector<1024x128xf32> -> vector<1024x128xf32>
    %max3A_13 = arith.constant 0.000000e+00 : f32
    %max3A_14 = vector.broadcast %max3A_13 : f32 to vector<1024x128xf32>
    %max3A_15 = arith.maximumf %dot_general3A_12, %max3A_14 : vector<1024x128xf32>
    %eq3A = arith.constant 0 : i32
    %eq3A_16 = arith.cmpi eq, %arg1, %eq3A : i32
    %convert_element_type3A = arith.extui %eq3A_16 : i1 to i32
    %cond3A = arith.constant 0 : i32
    %cond3A_17 = arith.cmpi ne, %convert_element_type3A, %cond3A : i32
    scf.if %cond3A_17 {
      %swap3A = arith.constant 0 : index
      %swap3A_22 = arith.constant 0 : index
      %swap3A_23 = vector.load %arg5[%swap3A, %swap3A_22] : memref<1024x128xf32, #tpu.memory_space<vmem>>, vector<1024x128xf32>
      tpu.vector_store %arg5[%swap3A, %swap3A_22], %max3A_15 {strides = array<i32>} : memref<1024x128xf32, #tpu.memory_space<vmem>>, vector<1024x128xf32>,
    } else {
    }
    %gt3A = arith.constant 0 : i32
    %gt3A_18 = arith.cmpi sgt, %arg1, %gt3A : i32
    %convert_element_type3A_19 = arith.extui %gt3A_18 : i1 to i32
    %cond3A_20 = arith.constant 0 : i32
    %cond3A_21 = arith.cmpi ne, %convert_element_type3A_19, %cond3A_20 : i32
    scf.if %cond3A_21 {
      %get3A_22 = arith.constant 0 : index
      %get3A_23 = arith.constant 0 : index
      %get3A_24 = vector.load %arg5[%get3A_22, %get3A_23] : memref<1024x128xf32, #tpu.memory_space<vmem>>, vector<1024x128xf32>
      %max3A_25 = arith.maximumf %get3A_24, %max3A_15 : vector<1024x128xf32>
      %swap3A = arith.constant 0 : index
      %swap3A_26 = arith.constant 0 : index
      %swap3A_27 = vector.load %arg5[%swap3A, %swap3A_26] : memref<1024x128xf32, #tpu.memory_space<vmem>>, vector<1024x128xf32>
      tpu.vector_store %arg5[%swap3A, %swap3A_26], %max3A_25 {strides = array<i32>} : memref<1024x128xf32, #tpu.memory_space<vmem>>, vector<1024x128xf32>,
    } else {
    }
    return
  }
  func.func @transform_0(%arg0: i32, %arg1: i32) -> (i32, i32) {
    %c0_i32 = arith.constant 0 : i32
    %c0_i32_0 = arith.constant 0 : i32
    return %arg0, %c0_i32 : i32, i32
  }
  func.func @transform_1(%arg0: i32, %arg1: i32) -> (i32, i32, i32) {
    %c0_i32 = arith.constant 0 : i32
    %c0_i32_0 = arith.constant 0 : i32
    return %arg1, %arg0, %c0_i32 : i32, i32, i32
  }
  func.func @transform_2(%arg0: i32, %arg1: i32) -> (i32, i32) {
    %c0_i32 = arith.constant 0 : i32
    %c0_i32_0 = arith.constant 0 : i32
    %c0_i32_1 = arith.constant 0 : i32
    return %c0_i32, %c0_i32_0 : i32, i32
  }
  func.func @transform_3(%arg0: i32, %arg1: i32) -> (i32, i32) {
    %c0_i32 = arith.constant 0 : i32
    %c0_i32_0 = arith.constant 0 : i32
    return %arg0, %c0_i32 : i32, i32
  }
}

module attributes {stable_mosaic.version = 14 : i64} {
  func.func @_knn_body(%arg0: i32, %arg1: i32, %arg2: memref<1x512x4xf32, #tpu.memory_space<vmem>>, %arg3: memref<1x8x512xf32, #tpu.memory_space<vmem>>, %arg4: memref<16x512xi32, #tpu.memory_space<vmem>>, %arg5: memref<1x512x16xf32, #tpu.memory_space<vmem>>) attributes {dimension_semantics = [#tpu.dimension_semantics<arbitrary>, #tpu.dimension_semantics<arbitrary>], iteration_bounds = array<i64: 4, 1>, scalar_prefetch = 0 : i64, scratch_operands = 0 : i64, tpu.core_type = #tpu.core_type<tc>, window_params = [{transform_indices = @transform_0, window_bounds = array<i64: 1, 512, 4>}, {transform_indices = @transform_1, window_bounds = array<i64: 1, 8, 512>}, {transform_indices = @transform_2, window_bounds = array<i64: 16, 512>}, {transform_indices = @transform_3, window_bounds = array<i64: 1, 512, 16>}]} {
    %get3A = arith.constant 0 : index
    %get3A_0 = arith.constant 0 : index
    %get3A_1 = arith.constant 0 : index
    %get3A_2 = vector.load %arg2[%get3A, %get3A_0, %get3A_1] : memref<1x512x4xf32, #tpu.memory_space<vmem>>, vector<1x512x4xf32>
    %get3A_3 = vector.shape_cast %get3A_2 : vector<1x512x4xf32> to vector<512x4xf32>
    %get3A_4 = arith.constant 0 : index
    %get3A_5 = arith.constant 0 : index
    %get3A_6 = arith.constant 0 : index
    %get3A_7 = vector.load %arg3[%get3A_4, %get3A_5, %get3A_6] : memref<1x8x512xf32, #tpu.memory_space<vmem>>, vector<1x8x512xf32>
    %get3A_8 = vector.shape_cast %get3A_7 : vector<1x8x512xf32> to vector<8x512xf32>
    %slice3A = vector.extract_strided_slice %get3A_8 {offsets = [0, 0], sizes = [4, 512], strides = [1, 1]} : vector<8x512xf32> to vector<4x512xf32>
    %mul3A = arith.mulf %get3A_3, %get3A_3 : vector<512x4xf32>
    %reduce_sum3A = arith.constant dense<0.000000e+00> : vector<512xf32>
    %reduce_sum3A_9 = vector.multi_reduction <add>, %mul3A, %reduce_sum3A [1] : vector<512x4xf32> to vector<512xf32>
    %broadcast_in_dim3A = vector.shape_cast %reduce_sum3A_9 : vector<512xf32> to vector<512x1xf32>
    %mul3A_10 = arith.mulf %slice3A, %slice3A : vector<4x512xf32>
    %reduce_sum3A_11 = arith.constant dense<0.000000e+00> : vector<512xf32>
    %reduce_sum3A_12 = vector.multi_reduction <add>, %mul3A_10, %reduce_sum3A_11 [0] : vector<4x512xf32> to vector<512xf32>
    %broadcast_in_dim3A_13 = vector.shape_cast %reduce_sum3A_12 : vector<512xf32> to vector<1x512xf32>
    %dot_general3A = arith.constant dense<0.000000e+00> : vector<512x512xf32>
    %dot_general3A_14 = tpu.matmul %get3A_3, %slice3A, %dot_general3A {dimension_numbers = #tpu.dot_dimension_numbers<[1], [0], [0], [1], [0, 0, 1, 1], [], []>, transpose_lhs_hint = false} : vector<512x4xf32>, vector<4x512xf32>, vector<512x512xf32> -> vector<512x512xf32>
    %add3A = vector.broadcast %broadcast_in_dim3A : vector<512x1xf32> to vector<512x512xf32>
    %add3A_15 = vector.broadcast %broadcast_in_dim3A_13 : vector<1x512xf32> to vector<512x512xf32>
    %add3A_16 = arith.addf %add3A, %add3A_15 : vector<512x512xf32>
    %mul3A_17 = arith.constant 2.000000e+00 : f32
    %mul3A_18 = vector.broadcast %mul3A_17 : f32 to vector<512x512xf32>
    %mul3A_19 = arith.mulf %mul3A_18, %dot_general3A_14 : vector<512x512xf32>
    %sub3A = arith.subf %add3A_16, %mul3A_19 : vector<512x512xf32>
    %max3A = arith.constant 0.000000e+00 : f32
    %max3A_20 = vector.broadcast %max3A : f32 to vector<512x512xf32>
    %max3A_21 = arith.maximumf %sub3A, %max3A_20 : vector<512x512xf32>
    %iota3A = tpu.iota {dimensions = array<i32: 1>} : vector<512x512xi32>
    %bitcast_convert_type3A = tpu.bitcast %max3A_21 : vector<512x512xf32> -> vector<512x512xi32>
    %and3A = arith.constant -4096 : i32
    %and3A_22 = vector.broadcast %and3A : i32 to vector<512x512xi32>
    %and3A_23 = arith.andi %bitcast_convert_type3A, %and3A_22 : vector<512x512xi32>
    %or3A = arith.ori %and3A_23, %iota3A : vector<512x512xi32>
    %reduce_min3A = arith.constant dense<2147483647> : vector<512xi32>
    %reduce_min3A_24 = vector.multi_reduction <minsi>, %or3A, %reduce_min3A [1] : vector<512x512xi32> to vector<512xi32>
    %broadcast_in_dim3A_25 = vector.shape_cast %reduce_min3A_24 : vector<512xi32> to vector<512x1xi32>
    %and3A_26 = arith.constant 4095 : i32
    %and3A_27 = vector.broadcast %and3A_26 : i32 to vector<512x1xi32>
    %and3A_28 = arith.andi %broadcast_in_dim3A_25, %and3A_27 : vector<512x1xi32>
    %squeeze3A = vector.shape_cast %and3A_28 : vector<512x1xi32> to vector<512xi32>
    %mul3A_29 = arith.constant 512 : i32
    %mul3A_30 = arith.muli %arg0, %mul3A_29 : i32
    %add3A_31 = vector.broadcast %mul3A_30 : i32 to vector<512xi32>
    %add3A_32 = arith.addi %squeeze3A, %add3A_31 : vector<512xi32>
    %swap3A = arith.constant 0 : index
    %swap3A_33 = arith.constant 0 : index
    %swap3A_34 = vector.load %arg4[%swap3A, %swap3A_33] : memref<16x512xi32, #tpu.memory_space<vmem>>, vector<1x512xi32>
    %swap3A_35 = vector.shape_cast %swap3A_34 : vector<1x512xi32> to vector<512xi32>
    %swap3A_36 = vector.shape_cast %add3A_32 : vector<512xi32> to vector<1x512xi32>
    tpu.vector_store %arg4[%swap3A, %swap3A_33], %swap3A_36 {strides = array<i32>} : memref<16x512xi32, #tpu.memory_space<vmem>>, vector<1x512xi32>,
    %eq3A = vector.broadcast %broadcast_in_dim3A_25 : vector<512x1xi32> to vector<512x512xi32>
    %eq3A_37 = arith.cmpi eq, %or3A, %eq3A : vector<512x512xi32>
    %jit3A = arith.constant 2147480063 : i32
    %broadcast_in_dim3A_38 = vector.broadcast %jit3A : i32 to vector<512x512xi32>
    %select_n3A = arith.select %eq3A_37, %broadcast_in_dim3A_38, %or3A : vector<512x512xi1>, vector<512x512xi32>
    %reduce_min3A_39 = arith.constant dense<2147483647> : vector<512xi32>
    %reduce_min3A_40 = vector.multi_reduction <minsi>, %select_n3A, %reduce_min3A_39 [1] : vector<512x512xi32> to vector<512xi32>
    %broadcast_in_dim3A_41 = vector.shape_cast %reduce_min3A_40 : vector<512xi32> to vector<512x1xi32>
    %and3A_42 = arith.constant 4095 : i32
    %and3A_43 = vector.broadcast %and3A_42 : i32 to vector<512x1xi32>
    %and3A_44 = arith.andi %broadcast_in_dim3A_41, %and3A_43 : vector<512x1xi32>
    %squeeze3A_45 = vector.shape_cast %and3A_44 : vector<512x1xi32> to vector<512xi32>
    %mul3A_46 = arith.constant 512 : i32
    %mul3A_47 = arith.muli %arg0, %mul3A_46 : i32
    %add3A_48 = vector.broadcast %mul3A_47 : i32 to vector<512xi32>
    %add3A_49 = arith.addi %squeeze3A_45, %add3A_48 : vector<512xi32>
    %swap3A_50 = arith.constant 1 : index
    %swap3A_51 = arith.constant 0 : index
    %swap3A_52 = vector.load %arg4[%swap3A_50, %swap3A_51] : memref<16x512xi32, #tpu.memory_space<vmem>>, vector<1x512xi32>
    %swap3A_53 = vector.shape_cast %swap3A_52 : vector<1x512xi32> to vector<512xi32>
    %swap3A_54 = vector.shape_cast %add3A_49 : vector<512xi32> to vector<1x512xi32>
    tpu.vector_store %arg4[%swap3A_50, %swap3A_51], %swap3A_54 {strides = array<i32>} : memref<16x512xi32, #tpu.memory_space<vmem>>, vector<1x512xi32>,
    %eq3A_55 = vector.broadcast %broadcast_in_dim3A_41 : vector<512x1xi32> to vector<512x512xi32>
    %eq3A_56 = arith.cmpi eq, %select_n3A, %eq3A_55 : vector<512x512xi32>
    %jit3A_57 = arith.constant 2147480063 : i32
    %broadcast_in_dim3A_58 = vector.broadcast %jit3A_57 : i32 to vector<512x512xi32>
    %select_n3A_59 = arith.select %eq3A_56, %broadcast_in_dim3A_58, %select_n3A : vector<512x512xi1>, vector<512x512xi32>
    %reduce_min3A_60 = arith.constant dense<2147483647> : vector<512xi32>
    %reduce_min3A_61 = vector.multi_reduction <minsi>, %select_n3A_59, %reduce_min3A_60 [1] : vector<512x512xi32> to vector<512xi32>
    %broadcast_in_dim3A_62 = vector.shape_cast %reduce_min3A_61 : vector<512xi32> to vector<512x1xi32>
    %and3A_63 = arith.constant 4095 : i32
    %and3A_64 = vector.broadcast %and3A_63 : i32 to vector<512x1xi32>
    %and3A_65 = arith.andi %broadcast_in_dim3A_62, %and3A_64 : vector<512x1xi32>
    %squeeze3A_66 = vector.shape_cast %and3A_65 : vector<512x1xi32> to vector<512xi32>
    %mul3A_67 = arith.constant 512 : i32
    %mul3A_68 = arith.muli %arg0, %mul3A_67 : i32
    %add3A_69 = vector.broadcast %mul3A_68 : i32 to vector<512xi32>
    %add3A_70 = arith.addi %squeeze3A_66, %add3A_69 : vector<512xi32>
    %swap3A_71 = arith.constant 2 : index
    %swap3A_72 = arith.constant 0 : index
    %swap3A_73 = vector.load %arg4[%swap3A_71, %swap3A_72] : memref<16x512xi32, #tpu.memory_space<vmem>>, vector<1x512xi32>
    %swap3A_74 = vector.shape_cast %swap3A_73 : vector<1x512xi32> to vector<512xi32>
    %swap3A_75 = vector.shape_cast %add3A_70 : vector<512xi32> to vector<1x512xi32>
    tpu.vector_store %arg4[%swap3A_71, %swap3A_72], %swap3A_75 {strides = array<i32>} : memref<16x512xi32, #tpu.memory_space<vmem>>, vector<1x512xi32>,
    %eq3A_76 = vector.broadcast %broadcast_in_dim3A_62 : vector<512x1xi32> to vector<512x512xi32>
    %eq3A_77 = arith.cmpi eq, %select_n3A_59, %eq3A_76 : vector<512x512xi32>
    %jit3A_78 = arith.constant 2147480063 : i32
    %broadcast_in_dim3A_79 = vector.broadcast %jit3A_78 : i32 to vector<512x512xi32>
    %select_n3A_80 = arith.select %eq3A_77, %broadcast_in_dim3A_79, %select_n3A_59 : vector<512x512xi1>, vector<512x512xi32>
    %reduce_min3A_81 = arith.constant dense<2147483647> : vector<512xi32>
    %reduce_min3A_82 = vector.multi_reduction <minsi>, %select_n3A_80, %reduce_min3A_81 [1] : vector<512x512xi32> to vector<512xi32>
    %broadcast_in_dim3A_83 = vector.shape_cast %reduce_min3A_82 : vector<512xi32> to vector<512x1xi32>
    %and3A_84 = arith.constant 4095 : i32
    %and3A_85 = vector.broadcast %and3A_84 : i32 to vector<512x1xi32>
    %and3A_86 = arith.andi %broadcast_in_dim3A_83, %and3A_85 : vector<512x1xi32>
    %squeeze3A_87 = vector.shape_cast %and3A_86 : vector<512x1xi32> to vector<512xi32>
    %mul3A_88 = arith.constant 512 : i32
    %mul3A_89 = arith.muli %arg0, %mul3A_88 : i32
    %add3A_90 = vector.broadcast %mul3A_89 : i32 to vector<512xi32>
    %add3A_91 = arith.addi %squeeze3A_87, %add3A_90 : vector<512xi32>
    %swap3A_92 = arith.constant 3 : index
    %swap3A_93 = arith.constant 0 : index
    %swap3A_94 = vector.load %arg4[%swap3A_92, %swap3A_93] : memref<16x512xi32, #tpu.memory_space<vmem>>, vector<1x512xi32>
    %swap3A_95 = vector.shape_cast %swap3A_94 : vector<1x512xi32> to vector<512xi32>
    %swap3A_96 = vector.shape_cast %add3A_91 : vector<512xi32> to vector<1x512xi32>
    tpu.vector_store %arg4[%swap3A_92, %swap3A_93], %swap3A_96 {strides = array<i32>} : memref<16x512xi32, #tpu.memory_space<vmem>>, vector<1x512xi32>,
    %eq3A_97 = vector.broadcast %broadcast_in_dim3A_83 : vector<512x1xi32> to vector<512x512xi32>
    %eq3A_98 = arith.cmpi eq, %select_n3A_80, %eq3A_97 : vector<512x512xi32>
    %jit3A_99 = arith.constant 2147480063 : i32
    %broadcast_in_dim3A_100 = vector.broadcast %jit3A_99 : i32 to vector<512x512xi32>
    %select_n3A_101 = arith.select %eq3A_98, %broadcast_in_dim3A_100, %select_n3A_80 : vector<512x512xi1>, vector<512x512xi32>
    %reduce_min3A_102 = arith.constant dense<2147483647> : vector<512xi32>
    %reduce_min3A_103 = vector.multi_reduction <minsi>, %select_n3A_101, %reduce_min3A_102 [1] : vector<512x512xi32> to vector<512xi32>
    %broadcast_in_dim3A_104 = vector.shape_cast %reduce_min3A_103 : vector<512xi32> to vector<512x1xi32>
    %and3A_105 = arith.constant 4095 : i32
    %and3A_106 = vector.broadcast %and3A_105 : i32 to vector<512x1xi32>
    %and3A_107 = arith.andi %broadcast_in_dim3A_104, %and3A_106 : vector<512x1xi32>
    %squeeze3A_108 = vector.shape_cast %and3A_107 : vector<512x1xi32> to vector<512xi32>
    %mul3A_109 = arith.constant 512 : i32
    %mul3A_110 = arith.muli %arg0, %mul3A_109 : i32
    %add3A_111 = vector.broadcast %mul3A_110 : i32 to vector<512xi32>
    %add3A_112 = arith.addi %squeeze3A_108, %add3A_111 : vector<512xi32>
    %swap3A_113 = arith.constant 4 : index
    %swap3A_114 = arith.constant 0 : index
    %swap3A_115 = vector.load %arg4[%swap3A_113, %swap3A_114] : memref<16x512xi32, #tpu.memory_space<vmem>>, vector<1x512xi32>
    %swap3A_116 = vector.shape_cast %swap3A_115 : vector<1x512xi32> to vector<512xi32>
    %swap3A_117 = vector.shape_cast %add3A_112 : vector<512xi32> to vector<1x512xi32>
    tpu.vector_store %arg4[%swap3A_113, %swap3A_114], %swap3A_117 {strides = array<i32>} : memref<16x512xi32, #tpu.memory_space<vmem>>, vector<1x512xi32>,
    %eq3A_118 = vector.broadcast %broadcast_in_dim3A_104 : vector<512x1xi32> to vector<512x512xi32>
    %eq3A_119 = arith.cmpi eq, %select_n3A_101, %eq3A_118 : vector<512x512xi32>
    %jit3A_120 = arith.constant 2147480063 : i32
    %broadcast_in_dim3A_121 = vector.broadcast %jit3A_120 : i32 to vector<512x512xi32>
    %select_n3A_122 = arith.select %eq3A_119, %broadcast_in_dim3A_121, %select_n3A_101 : vector<512x512xi1>, vector<512x512xi32>
    %reduce_min3A_123 = arith.constant dense<2147483647> : vector<512xi32>
    %reduce_min3A_124 = vector.multi_reduction <minsi>, %select_n3A_122, %reduce_min3A_123 [1] : vector<512x512xi32> to vector<512xi32>
    %broadcast_in_dim3A_125 = vector.shape_cast %reduce_min3A_124 : vector<512xi32> to vector<512x1xi32>
    %and3A_126 = arith.constant 4095 : i32
    %and3A_127 = vector.broadcast %and3A_126 : i32 to vector<512x1xi32>
    %and3A_128 = arith.andi %broadcast_in_dim3A_125, %and3A_127 : vector<512x1xi32>
    %squeeze3A_129 = vector.shape_cast %and3A_128 : vector<512x1xi32> to vector<512xi32>
    %mul3A_130 = arith.constant 512 : i32
    %mul3A_131 = arith.muli %arg0, %mul3A_130 : i32
    %add3A_132 = vector.broadcast %mul3A_131 : i32 to vector<512xi32>
    %add3A_133 = arith.addi %squeeze3A_129, %add3A_132 : vector<512xi32>
    %swap3A_134 = arith.constant 5 : index
    %swap3A_135 = arith.constant 0 : index
    %swap3A_136 = vector.load %arg4[%swap3A_134, %swap3A_135] : memref<16x512xi32, #tpu.memory_space<vmem>>, vector<1x512xi32>
    %swap3A_137 = vector.shape_cast %swap3A_136 : vector<1x512xi32> to vector<512xi32>
    %swap3A_138 = vector.shape_cast %add3A_133 : vector<512xi32> to vector<1x512xi32>
    tpu.vector_store %arg4[%swap3A_134, %swap3A_135], %swap3A_138 {strides = array<i32>} : memref<16x512xi32, #tpu.memory_space<vmem>>, vector<1x512xi32>,
    %eq3A_139 = vector.broadcast %broadcast_in_dim3A_125 : vector<512x1xi32> to vector<512x512xi32>
    %eq3A_140 = arith.cmpi eq, %select_n3A_122, %eq3A_139 : vector<512x512xi32>
    %jit3A_141 = arith.constant 2147480063 : i32
    %broadcast_in_dim3A_142 = vector.broadcast %jit3A_141 : i32 to vector<512x512xi32>
    %select_n3A_143 = arith.select %eq3A_140, %broadcast_in_dim3A_142, %select_n3A_122 : vector<512x512xi1>, vector<512x512xi32>
    %reduce_min3A_144 = arith.constant dense<2147483647> : vector<512xi32>
    %reduce_min3A_145 = vector.multi_reduction <minsi>, %select_n3A_143, %reduce_min3A_144 [1] : vector<512x512xi32> to vector<512xi32>
    %broadcast_in_dim3A_146 = vector.shape_cast %reduce_min3A_145 : vector<512xi32> to vector<512x1xi32>
    %and3A_147 = arith.constant 4095 : i32
    %and3A_148 = vector.broadcast %and3A_147 : i32 to vector<512x1xi32>
    %and3A_149 = arith.andi %broadcast_in_dim3A_146, %and3A_148 : vector<512x1xi32>
    %squeeze3A_150 = vector.shape_cast %and3A_149 : vector<512x1xi32> to vector<512xi32>
    %mul3A_151 = arith.constant 512 : i32
    %mul3A_152 = arith.muli %arg0, %mul3A_151 : i32
    %add3A_153 = vector.broadcast %mul3A_152 : i32 to vector<512xi32>
    %add3A_154 = arith.addi %squeeze3A_150, %add3A_153 : vector<512xi32>
    %swap3A_155 = arith.constant 6 : index
    %swap3A_156 = arith.constant 0 : index
    %swap3A_157 = vector.load %arg4[%swap3A_155, %swap3A_156] : memref<16x512xi32, #tpu.memory_space<vmem>>, vector<1x512xi32>
    %swap3A_158 = vector.shape_cast %swap3A_157 : vector<1x512xi32> to vector<512xi32>
    %swap3A_159 = vector.shape_cast %add3A_154 : vector<512xi32> to vector<1x512xi32>
    tpu.vector_store %arg4[%swap3A_155, %swap3A_156], %swap3A_159 {strides = array<i32>} : memref<16x512xi32, #tpu.memory_space<vmem>>, vector<1x512xi32>,
    %eq3A_160 = vector.broadcast %broadcast_in_dim3A_146 : vector<512x1xi32> to vector<512x512xi32>
    %eq3A_161 = arith.cmpi eq, %select_n3A_143, %eq3A_160 : vector<512x512xi32>
    %jit3A_162 = arith.constant 2147480063 : i32
    %broadcast_in_dim3A_163 = vector.broadcast %jit3A_162 : i32 to vector<512x512xi32>
    %select_n3A_164 = arith.select %eq3A_161, %broadcast_in_dim3A_163, %select_n3A_143 : vector<512x512xi1>, vector<512x512xi32>
    %reduce_min3A_165 = arith.constant dense<2147483647> : vector<512xi32>
    %reduce_min3A_166 = vector.multi_reduction <minsi>, %select_n3A_164, %reduce_min3A_165 [1] : vector<512x512xi32> to vector<512xi32>
    %broadcast_in_dim3A_167 = vector.shape_cast %reduce_min3A_166 : vector<512xi32> to vector<512x1xi32>
    %and3A_168 = arith.constant 4095 : i32
    %and3A_169 = vector.broadcast %and3A_168 : i32 to vector<512x1xi32>
    %and3A_170 = arith.andi %broadcast_in_dim3A_167, %and3A_169 : vector<512x1xi32>
    %squeeze3A_171 = vector.shape_cast %and3A_170 : vector<512x1xi32> to vector<512xi32>
    %mul3A_172 = arith.constant 512 : i32
    %mul3A_173 = arith.muli %arg0, %mul3A_172 : i32
    %add3A_174 = vector.broadcast %mul3A_173 : i32 to vector<512xi32>
    %add3A_175 = arith.addi %squeeze3A_171, %add3A_174 : vector<512xi32>
    %swap3A_176 = arith.constant 7 : index
    %swap3A_177 = arith.constant 0 : index
    %swap3A_178 = vector.load %arg4[%swap3A_176, %swap3A_177] : memref<16x512xi32, #tpu.memory_space<vmem>>, vector<1x512xi32>
    %swap3A_179 = vector.shape_cast %swap3A_178 : vector<1x512xi32> to vector<512xi32>
    %swap3A_180 = vector.shape_cast %add3A_175 : vector<512xi32> to vector<1x512xi32>
    tpu.vector_store %arg4[%swap3A_176, %swap3A_177], %swap3A_180 {strides = array<i32>} : memref<16x512xi32, #tpu.memory_space<vmem>>, vector<1x512xi32>,
    %eq3A_181 = vector.broadcast %broadcast_in_dim3A_167 : vector<512x1xi32> to vector<512x512xi32>
    %eq3A_182 = arith.cmpi eq, %select_n3A_164, %eq3A_181 : vector<512x512xi32>
    %jit3A_183 = arith.constant 2147480063 : i32
    %broadcast_in_dim3A_184 = vector.broadcast %jit3A_183 : i32 to vector<512x512xi32>
    %select_n3A_185 = arith.select %eq3A_182, %broadcast_in_dim3A_184, %select_n3A_164 : vector<512x512xi1>, vector<512x512xi32>
    %reduce_min3A_186 = arith.constant dense<2147483647> : vector<512xi32>
    %reduce_min3A_187 = vector.multi_reduction <minsi>, %select_n3A_185, %reduce_min3A_186 [1] : vector<512x512xi32> to vector<512xi32>
    %broadcast_in_dim3A_188 = vector.shape_cast %reduce_min3A_187 : vector<512xi32> to vector<512x1xi32>
    %and3A_189 = arith.constant 4095 : i32
    %and3A_190 = vector.broadcast %and3A_189 : i32 to vector<512x1xi32>
    %and3A_191 = arith.andi %broadcast_in_dim3A_188, %and3A_190 : vector<512x1xi32>
    %squeeze3A_192 = vector.shape_cast %and3A_191 : vector<512x1xi32> to vector<512xi32>
    %mul3A_193 = arith.constant 512 : i32
    %mul3A_194 = arith.muli %arg0, %mul3A_193 : i32
    %add3A_195 = vector.broadcast %mul3A_194 : i32 to vector<512xi32>
    %add3A_196 = arith.addi %squeeze3A_192, %add3A_195 : vector<512xi32>
    %swap3A_197 = arith.constant 8 : index
    %swap3A_198 = arith.constant 0 : index
    %swap3A_199 = vector.load %arg4[%swap3A_197, %swap3A_198] : memref<16x512xi32, #tpu.memory_space<vmem>>, vector<1x512xi32>
    %swap3A_200 = vector.shape_cast %swap3A_199 : vector<1x512xi32> to vector<512xi32>
    %swap3A_201 = vector.shape_cast %add3A_196 : vector<512xi32> to vector<1x512xi32>
    tpu.vector_store %arg4[%swap3A_197, %swap3A_198], %swap3A_201 {strides = array<i32>} : memref<16x512xi32, #tpu.memory_space<vmem>>, vector<1x512xi32>,
    %eq3A_202 = vector.broadcast %broadcast_in_dim3A_188 : vector<512x1xi32> to vector<512x512xi32>
    %eq3A_203 = arith.cmpi eq, %select_n3A_185, %eq3A_202 : vector<512x512xi32>
    %jit3A_204 = arith.constant 2147480063 : i32
    %broadcast_in_dim3A_205 = vector.broadcast %jit3A_204 : i32 to vector<512x512xi32>
    %select_n3A_206 = arith.select %eq3A_203, %broadcast_in_dim3A_205, %select_n3A_185 : vector<512x512xi1>, vector<512x512xi32>
    %reduce_min3A_207 = arith.constant dense<2147483647> : vector<512xi32>
    %reduce_min3A_208 = vector.multi_reduction <minsi>, %select_n3A_206, %reduce_min3A_207 [1] : vector<512x512xi32> to vector<512xi32>
    %broadcast_in_dim3A_209 = vector.shape_cast %reduce_min3A_208 : vector<512xi32> to vector<512x1xi32>
    %and3A_210 = arith.constant 4095 : i32
    %and3A_211 = vector.broadcast %and3A_210 : i32 to vector<512x1xi32>
    %and3A_212 = arith.andi %broadcast_in_dim3A_209, %and3A_211 : vector<512x1xi32>
    %squeeze3A_213 = vector.shape_cast %and3A_212 : vector<512x1xi32> to vector<512xi32>
    %mul3A_214 = arith.constant 512 : i32
    %mul3A_215 = arith.muli %arg0, %mul3A_214 : i32
    %add3A_216 = vector.broadcast %mul3A_215 : i32 to vector<512xi32>
    %add3A_217 = arith.addi %squeeze3A_213, %add3A_216 : vector<512xi32>
    %swap3A_218 = arith.constant 9 : index
    %swap3A_219 = arith.constant 0 : index
    %swap3A_220 = vector.load %arg4[%swap3A_218, %swap3A_219] : memref<16x512xi32, #tpu.memory_space<vmem>>, vector<1x512xi32>
    %swap3A_221 = vector.shape_cast %swap3A_220 : vector<1x512xi32> to vector<512xi32>
    %swap3A_222 = vector.shape_cast %add3A_217 : vector<512xi32> to vector<1x512xi32>
    tpu.vector_store %arg4[%swap3A_218, %swap3A_219], %swap3A_222 {strides = array<i32>} : memref<16x512xi32, #tpu.memory_space<vmem>>, vector<1x512xi32>,
    %eq3A_223 = vector.broadcast %broadcast_in_dim3A_209 : vector<512x1xi32> to vector<512x512xi32>
    %eq3A_224 = arith.cmpi eq, %select_n3A_206, %eq3A_223 : vector<512x512xi32>
    %jit3A_225 = arith.constant 2147480063 : i32
    %broadcast_in_dim3A_226 = vector.broadcast %jit3A_225 : i32 to vector<512x512xi32>
    %select_n3A_227 = arith.select %eq3A_224, %broadcast_in_dim3A_226, %select_n3A_206 : vector<512x512xi1>, vector<512x512xi32>
    %reduce_min3A_228 = arith.constant dense<2147483647> : vector<512xi32>
    %reduce_min3A_229 = vector.multi_reduction <minsi>, %select_n3A_227, %reduce_min3A_228 [1] : vector<512x512xi32> to vector<512xi32>
    %broadcast_in_dim3A_230 = vector.shape_cast %reduce_min3A_229 : vector<512xi32> to vector<512x1xi32>
    %and3A_231 = arith.constant 4095 : i32
    %and3A_232 = vector.broadcast %and3A_231 : i32 to vector<512x1xi32>
    %and3A_233 = arith.andi %broadcast_in_dim3A_230, %and3A_232 : vector<512x1xi32>
    %squeeze3A_234 = vector.shape_cast %and3A_233 : vector<512x1xi32> to vector<512xi32>
    %mul3A_235 = arith.constant 512 : i32
    %mul3A_236 = arith.muli %arg0, %mul3A_235 : i32
    %add3A_237 = vector.broadcast %mul3A_236 : i32 to vector<512xi32>
    %add3A_238 = arith.addi %squeeze3A_234, %add3A_237 : vector<512xi32>
    %swap3A_239 = arith.constant 10 : index
    %swap3A_240 = arith.constant 0 : index
    %swap3A_241 = vector.load %arg4[%swap3A_239, %swap3A_240] : memref<16x512xi32, #tpu.memory_space<vmem>>, vector<1x512xi32>
    %swap3A_242 = vector.shape_cast %swap3A_241 : vector<1x512xi32> to vector<512xi32>
    %swap3A_243 = vector.shape_cast %add3A_238 : vector<512xi32> to vector<1x512xi32>
    tpu.vector_store %arg4[%swap3A_239, %swap3A_240], %swap3A_243 {strides = array<i32>} : memref<16x512xi32, #tpu.memory_space<vmem>>, vector<1x512xi32>,
    %eq3A_244 = vector.broadcast %broadcast_in_dim3A_230 : vector<512x1xi32> to vector<512x512xi32>
    %eq3A_245 = arith.cmpi eq, %select_n3A_227, %eq3A_244 : vector<512x512xi32>
    %jit3A_246 = arith.constant 2147480063 : i32
    %broadcast_in_dim3A_247 = vector.broadcast %jit3A_246 : i32 to vector<512x512xi32>
    %select_n3A_248 = arith.select %eq3A_245, %broadcast_in_dim3A_247, %select_n3A_227 : vector<512x512xi1>, vector<512x512xi32>
    %reduce_min3A_249 = arith.constant dense<2147483647> : vector<512xi32>
    %reduce_min3A_250 = vector.multi_reduction <minsi>, %select_n3A_248, %reduce_min3A_249 [1] : vector<512x512xi32> to vector<512xi32>
    %broadcast_in_dim3A_251 = vector.shape_cast %reduce_min3A_250 : vector<512xi32> to vector<512x1xi32>
    %and3A_252 = arith.constant 4095 : i32
    %and3A_253 = vector.broadcast %and3A_252 : i32 to vector<512x1xi32>
    %and3A_254 = arith.andi %broadcast_in_dim3A_251, %and3A_253 : vector<512x1xi32>
    %squeeze3A_255 = vector.shape_cast %and3A_254 : vector<512x1xi32> to vector<512xi32>
    %mul3A_256 = arith.constant 512 : i32
    %mul3A_257 = arith.muli %arg0, %mul3A_256 : i32
    %add3A_258 = vector.broadcast %mul3A_257 : i32 to vector<512xi32>
    %add3A_259 = arith.addi %squeeze3A_255, %add3A_258 : vector<512xi32>
    %swap3A_260 = arith.constant 11 : index
    %swap3A_261 = arith.constant 0 : index
    %swap3A_262 = vector.load %arg4[%swap3A_260, %swap3A_261] : memref<16x512xi32, #tpu.memory_space<vmem>>, vector<1x512xi32>
    %swap3A_263 = vector.shape_cast %swap3A_262 : vector<1x512xi32> to vector<512xi32>
    %swap3A_264 = vector.shape_cast %add3A_259 : vector<512xi32> to vector<1x512xi32>
    tpu.vector_store %arg4[%swap3A_260, %swap3A_261], %swap3A_264 {strides = array<i32>} : memref<16x512xi32, #tpu.memory_space<vmem>>, vector<1x512xi32>,
    %eq3A_265 = vector.broadcast %broadcast_in_dim3A_251 : vector<512x1xi32> to vector<512x512xi32>
    %eq3A_266 = arith.cmpi eq, %select_n3A_248, %eq3A_265 : vector<512x512xi32>
    %jit3A_267 = arith.constant 2147480063 : i32
    %broadcast_in_dim3A_268 = vector.broadcast %jit3A_267 : i32 to vector<512x512xi32>
    %select_n3A_269 = arith.select %eq3A_266, %broadcast_in_dim3A_268, %select_n3A_248 : vector<512x512xi1>, vector<512x512xi32>
    %reduce_min3A_270 = arith.constant dense<2147483647> : vector<512xi32>
    %reduce_min3A_271 = vector.multi_reduction <minsi>, %select_n3A_269, %reduce_min3A_270 [1] : vector<512x512xi32> to vector<512xi32>
    %broadcast_in_dim3A_272 = vector.shape_cast %reduce_min3A_271 : vector<512xi32> to vector<512x1xi32>
    %and3A_273 = arith.constant 4095 : i32
    %and3A_274 = vector.broadcast %and3A_273 : i32 to vector<512x1xi32>
    %and3A_275 = arith.andi %broadcast_in_dim3A_272, %and3A_274 : vector<512x1xi32>
    %squeeze3A_276 = vector.shape_cast %and3A_275 : vector<512x1xi32> to vector<512xi32>
    %mul3A_277 = arith.constant 512 : i32
    %mul3A_278 = arith.muli %arg0, %mul3A_277 : i32
    %add3A_279 = vector.broadcast %mul3A_278 : i32 to vector<512xi32>
    %add3A_280 = arith.addi %squeeze3A_276, %add3A_279 : vector<512xi32>
    %swap3A_281 = arith.constant 12 : index
    %swap3A_282 = arith.constant 0 : index
    %swap3A_283 = vector.load %arg4[%swap3A_281, %swap3A_282] : memref<16x512xi32, #tpu.memory_space<vmem>>, vector<1x512xi32>
    %swap3A_284 = vector.shape_cast %swap3A_283 : vector<1x512xi32> to vector<512xi32>
    %swap3A_285 = vector.shape_cast %add3A_280 : vector<512xi32> to vector<1x512xi32>
    tpu.vector_store %arg4[%swap3A_281, %swap3A_282], %swap3A_285 {strides = array<i32>} : memref<16x512xi32, #tpu.memory_space<vmem>>, vector<1x512xi32>,
    %eq3A_286 = vector.broadcast %broadcast_in_dim3A_272 : vector<512x1xi32> to vector<512x512xi32>
    %eq3A_287 = arith.cmpi eq, %select_n3A_269, %eq3A_286 : vector<512x512xi32>
    %jit3A_288 = arith.constant 2147480063 : i32
    %broadcast_in_dim3A_289 = vector.broadcast %jit3A_288 : i32 to vector<512x512xi32>
    %select_n3A_290 = arith.select %eq3A_287, %broadcast_in_dim3A_289, %select_n3A_269 : vector<512x512xi1>, vector<512x512xi32>
    %reduce_min3A_291 = arith.constant dense<2147483647> : vector<512xi32>
    %reduce_min3A_292 = vector.multi_reduction <minsi>, %select_n3A_290, %reduce_min3A_291 [1] : vector<512x512xi32> to vector<512xi32>
    %broadcast_in_dim3A_293 = vector.shape_cast %reduce_min3A_292 : vector<512xi32> to vector<512x1xi32>
    %and3A_294 = arith.constant 4095 : i32
    %and3A_295 = vector.broadcast %and3A_294 : i32 to vector<512x1xi32>
    %and3A_296 = arith.andi %broadcast_in_dim3A_293, %and3A_295 : vector<512x1xi32>
    %squeeze3A_297 = vector.shape_cast %and3A_296 : vector<512x1xi32> to vector<512xi32>
    %mul3A_298 = arith.constant 512 : i32
    %mul3A_299 = arith.muli %arg0, %mul3A_298 : i32
    %add3A_300 = vector.broadcast %mul3A_299 : i32 to vector<512xi32>
    %add3A_301 = arith.addi %squeeze3A_297, %add3A_300 : vector<512xi32>
    %swap3A_302 = arith.constant 13 : index
    %swap3A_303 = arith.constant 0 : index
    %swap3A_304 = vector.load %arg4[%swap3A_302, %swap3A_303] : memref<16x512xi32, #tpu.memory_space<vmem>>, vector<1x512xi32>
    %swap3A_305 = vector.shape_cast %swap3A_304 : vector<1x512xi32> to vector<512xi32>
    %swap3A_306 = vector.shape_cast %add3A_301 : vector<512xi32> to vector<1x512xi32>
    tpu.vector_store %arg4[%swap3A_302, %swap3A_303], %swap3A_306 {strides = array<i32>} : memref<16x512xi32, #tpu.memory_space<vmem>>, vector<1x512xi32>,
    %eq3A_307 = vector.broadcast %broadcast_in_dim3A_293 : vector<512x1xi32> to vector<512x512xi32>
    %eq3A_308 = arith.cmpi eq, %select_n3A_290, %eq3A_307 : vector<512x512xi32>
    %jit3A_309 = arith.constant 2147480063 : i32
    %broadcast_in_dim3A_310 = vector.broadcast %jit3A_309 : i32 to vector<512x512xi32>
    %select_n3A_311 = arith.select %eq3A_308, %broadcast_in_dim3A_310, %select_n3A_290 : vector<512x512xi1>, vector<512x512xi32>
    %reduce_min3A_312 = arith.constant dense<2147483647> : vector<512xi32>
    %reduce_min3A_313 = vector.multi_reduction <minsi>, %select_n3A_311, %reduce_min3A_312 [1] : vector<512x512xi32> to vector<512xi32>
    %broadcast_in_dim3A_314 = vector.shape_cast %reduce_min3A_313 : vector<512xi32> to vector<512x1xi32>
    %and3A_315 = arith.constant 4095 : i32
    %and3A_316 = vector.broadcast %and3A_315 : i32 to vector<512x1xi32>
    %and3A_317 = arith.andi %broadcast_in_dim3A_314, %and3A_316 : vector<512x1xi32>
    %squeeze3A_318 = vector.shape_cast %and3A_317 : vector<512x1xi32> to vector<512xi32>
    %mul3A_319 = arith.constant 512 : i32
    %mul3A_320 = arith.muli %arg0, %mul3A_319 : i32
    %add3A_321 = vector.broadcast %mul3A_320 : i32 to vector<512xi32>
    %add3A_322 = arith.addi %squeeze3A_318, %add3A_321 : vector<512xi32>
    %swap3A_323 = arith.constant 14 : index
    %swap3A_324 = arith.constant 0 : index
    %swap3A_325 = vector.load %arg4[%swap3A_323, %swap3A_324] : memref<16x512xi32, #tpu.memory_space<vmem>>, vector<1x512xi32>
    %swap3A_326 = vector.shape_cast %swap3A_325 : vector<1x512xi32> to vector<512xi32>
    %swap3A_327 = vector.shape_cast %add3A_322 : vector<512xi32> to vector<1x512xi32>
    tpu.vector_store %arg4[%swap3A_323, %swap3A_324], %swap3A_327 {strides = array<i32>} : memref<16x512xi32, #tpu.memory_space<vmem>>, vector<1x512xi32>,
    %eq3A_328 = vector.broadcast %broadcast_in_dim3A_314 : vector<512x1xi32> to vector<512x512xi32>
    %eq3A_329 = arith.cmpi eq, %select_n3A_311, %eq3A_328 : vector<512x512xi32>
    %jit3A_330 = arith.constant 2147480063 : i32
    %broadcast_in_dim3A_331 = vector.broadcast %jit3A_330 : i32 to vector<512x512xi32>
    %select_n3A_332 = arith.select %eq3A_329, %broadcast_in_dim3A_331, %select_n3A_311 : vector<512x512xi1>, vector<512x512xi32>
    %reduce_min3A_333 = arith.constant dense<2147483647> : vector<512xi32>
    %reduce_min3A_334 = vector.multi_reduction <minsi>, %select_n3A_332, %reduce_min3A_333 [1] : vector<512x512xi32> to vector<512xi32>
    %broadcast_in_dim3A_335 = vector.shape_cast %reduce_min3A_334 : vector<512xi32> to vector<512x1xi32>
    %and3A_336 = arith.constant 4095 : i32
    %and3A_337 = vector.broadcast %and3A_336 : i32 to vector<512x1xi32>
    %and3A_338 = arith.andi %broadcast_in_dim3A_335, %and3A_337 : vector<512x1xi32>
    %squeeze3A_339 = vector.shape_cast %and3A_338 : vector<512x1xi32> to vector<512xi32>
    %mul3A_340 = arith.constant 512 : i32
    %mul3A_341 = arith.muli %arg0, %mul3A_340 : i32
    %add3A_342 = vector.broadcast %mul3A_341 : i32 to vector<512xi32>
    %add3A_343 = arith.addi %squeeze3A_339, %add3A_342 : vector<512xi32>
    %swap3A_344 = arith.constant 15 : index
    %swap3A_345 = arith.constant 0 : index
    %swap3A_346 = vector.load %arg4[%swap3A_344, %swap3A_345] : memref<16x512xi32, #tpu.memory_space<vmem>>, vector<1x512xi32>
    %swap3A_347 = vector.shape_cast %swap3A_346 : vector<1x512xi32> to vector<512xi32>
    %swap3A_348 = vector.shape_cast %add3A_343 : vector<512xi32> to vector<1x512xi32>
    tpu.vector_store %arg4[%swap3A_344, %swap3A_345], %swap3A_348 {strides = array<i32>} : memref<16x512xi32, #tpu.memory_space<vmem>>, vector<1x512xi32>,
    return
  }
  func.func @transform_0(%arg0: i32, %arg1: i32) -> (i32, i32, i32) {
    %c0_i32 = arith.constant 0 : i32
    %c0_i32_0 = arith.constant 0 : i32
    return %arg0, %arg1, %c0_i32 : i32, i32, i32
  }
  func.func @transform_1(%arg0: i32, %arg1: i32) -> (i32, i32, i32) {
    %c0_i32 = arith.constant 0 : i32
    %c0_i32_0 = arith.constant 0 : i32
    %c0_i32_1 = arith.constant 0 : i32
    return %arg0, %c0_i32, %c0_i32_0 : i32, i32, i32
  }
  func.func @transform_2(%arg0: i32, %arg1: i32) -> (i32, i32) {
    %mul3A = arith.constant 1 : i32
    %mul3A_0 = arith.muli %arg0, %mul3A : i32
    %add3A = arith.addi %mul3A_0, %arg1 : i32
    %c0_i32 = arith.constant 0 : i32
    %c0_i32_1 = arith.constant 0 : i32
    return %c0_i32, %add3A : i32, i32
  }
  func.func @transform_3(%arg0: i32, %arg1: i32) -> (i32, i32, i32) {
    %c0_i32 = arith.constant 0 : i32
    %c0_i32_0 = arith.constant 0 : i32
    return %arg0, %arg1, %c0_i32 : i32, i32, i32
  }
}

module attributes {stable_mosaic.version = 14 : i64} {
  func.func @_lin2_body(%arg0: i32, %arg1: memref<2048x128xf32, #tpu.memory_space<vmem>>, %arg2: memref<128x128xf32, #tpu.memory_space<vmem>>, %arg3: memref<128x128xf32, #tpu.memory_space<vmem>>, %arg4: memref<2048x128xf32, #tpu.memory_space<vmem>>, %arg5: memref<2048x128xf32, #tpu.memory_space<vmem>>) attributes {dimension_semantics = [#tpu.dimension_semantics<arbitrary>], iteration_bounds = array<i64: 1>, scalar_prefetch = 0 : i64, scratch_operands = 0 : i64, tpu.core_type = #tpu.core_type<tc>, window_params = [{transform_indices = @transform_0, window_bounds = array<i64: 2048, 128>}, {pipeline_mode = #tpu.pipeline_mode<synchronous>, transform_indices = @transform_1, window_bounds = array<i64: 128, 128>}, {pipeline_mode = #tpu.pipeline_mode<synchronous>, transform_indices = @transform_2, window_bounds = array<i64: 128, 128>}, {transform_indices = @transform_3, window_bounds = array<i64: 2048, 128>}, {transform_indices = @transform_4, window_bounds = array<i64: 2048, 128>}]} {
    %get3A = arith.constant 0 : index
    %get3A_0 = arith.constant 0 : index
    %get3A_1 = vector.load %arg1[%get3A, %get3A_0] : memref<2048x128xf32, #tpu.memory_space<vmem>>, vector<2048x128xf32>
    %get3A_2 = arith.constant 0 : index
    %get3A_3 = arith.constant 0 : index
    %get3A_4 = vector.load %arg2[%get3A_2, %get3A_3] : memref<128x128xf32, #tpu.memory_space<vmem>>, vector<128x128xf32>
    %dot_general3A = arith.constant dense<0.000000e+00> : vector<2048x128xf32>
    %dot_general3A_5 = tpu.matmul %get3A_1, %get3A_4, %dot_general3A {dimension_numbers = #tpu.dot_dimension_numbers<[1], [0], [0], [1], [0, 0, 1, 1], [], []>, transpose_lhs_hint = false} : vector<2048x128xf32>, vector<128x128xf32>, vector<2048x128xf32> -> vector<2048x128xf32>
    %swap3A = arith.constant 0 : index
    %swap3A_6 = arith.constant 0 : index
    %swap3A_7 = vector.load %arg4[%swap3A, %swap3A_6] : memref<2048x128xf32, #tpu.memory_space<vmem>>, vector<2048x128xf32>
    tpu.vector_store %arg4[%swap3A, %swap3A_6], %dot_general3A_5 {strides = array<i32>} : memref<2048x128xf32, #tpu.memory_space<vmem>>, vector<2048x128xf32>,
    %get3A_8 = arith.constant 0 : index
    %get3A_9 = arith.constant 0 : index
    %get3A_10 = vector.load %arg3[%get3A_8, %get3A_9] : memref<128x128xf32, #tpu.memory_space<vmem>>, vector<128x128xf32>
    %dot_general3A_11 = arith.constant dense<0.000000e+00> : vector<2048x128xf32>
    %dot_general3A_12 = tpu.matmul %get3A_1, %get3A_10, %dot_general3A_11 {dimension_numbers = #tpu.dot_dimension_numbers<[1], [0], [0], [1], [0, 0, 1, 1], [], []>, transpose_lhs_hint = false} : vector<2048x128xf32>, vector<128x128xf32>, vector<2048x128xf32> -> vector<2048x128xf32>
    %swap3A_13 = arith.constant 0 : index
    %swap3A_14 = arith.constant 0 : index
    %swap3A_15 = vector.load %arg5[%swap3A_13, %swap3A_14] : memref<2048x128xf32, #tpu.memory_space<vmem>>, vector<2048x128xf32>
    tpu.vector_store %arg5[%swap3A_13, %swap3A_14], %dot_general3A_12 {strides = array<i32>} : memref<2048x128xf32, #tpu.memory_space<vmem>>, vector<2048x128xf32>,
    return
  }
  func.func @transform_0(%arg0: i32) -> (i32, i32) {
    %c0_i32 = arith.constant 0 : i32
    %c0_i32_0 = arith.constant 0 : i32
    return %arg0, %c0_i32 : i32, i32
  }
  func.func @transform_1(%arg0: i32) -> (i32, i32) {
    %c0_i32 = arith.constant 0 : i32
    %c0_i32_0 = arith.constant 0 : i32
    %c0_i32_1 = arith.constant 0 : i32
    return %c0_i32, %c0_i32_0 : i32, i32
  }
  func.func @transform_2(%arg0: i32) -> (i32, i32) {
    %c0_i32 = arith.constant 0 : i32
    %c0_i32_0 = arith.constant 0 : i32
    %c0_i32_1 = arith.constant 0 : i32
    return %c0_i32, %c0_i32_0 : i32, i32
  }
  func.func @transform_3(%arg0: i32) -> (i32, i32) {
    %c0_i32 = arith.constant 0 : i32
    %c0_i32_0 = arith.constant 0 : i32
    return %arg0, %c0_i32 : i32, i32
  }
  func.func @transform_4(%arg0: i32) -> (i32, i32) {
    %c0_i32 = arith.constant 0 : i32
    %c0_i32_0 = arith.constant 0 : i32
    return %arg0, %c0_i32 : i32, i32
  }
}

module attributes {stable_mosaic.version = 14 : i64} {
  func.func @_fps_body(%arg0: memref<4x512xf32, #tpu.memory_space<vmem>>, %arg1: memref<4x512xf32, #tpu.memory_space<vmem>>, %arg2: memref<4x512xf32, #tpu.memory_space<vmem>>, %arg3: memref<4x128xi32, #tpu.memory_space<vmem>>, %arg4: memref<4x128xf32, #tpu.memory_space<vmem>>, %arg5: memref<4x128xf32, #tpu.memory_space<vmem>>, %arg6: memref<4x128xf32, #tpu.memory_space<vmem>>) attributes {dimension_semantics = [], scalar_prefetch = 0 : i64, scratch_operands = 0 : i64, tpu.core_type = #tpu.core_type<tc>} {
    %get3A = arith.constant 0 : index
    %get3A_0 = arith.constant 0 : index
    %get3A_1 = vector.load %arg0[%get3A, %get3A_0] : memref<4x512xf32, #tpu.memory_space<vmem>>, vector<4x512xf32>
    %get3A_2 = arith.constant 0 : index
    %get3A_3 = arith.constant 0 : index
    %get3A_4 = vector.load %arg1[%get3A_2, %get3A_3] : memref<4x512xf32, #tpu.memory_space<vmem>>, vector<4x512xf32>
    %get3A_5 = arith.constant 0 : index
    %get3A_6 = arith.constant 0 : index
    %get3A_7 = vector.load %arg2[%get3A_5, %get3A_6] : memref<4x512xf32, #tpu.memory_space<vmem>>, vector<4x512xf32>
    %iota3A = tpu.iota {dimensions = array<i32: 1>} : vector<4x512xi32>
    %iota3A_8 = tpu.iota {dimensions = array<i32: 1>} : vector<4x128xi32>
    %broadcast_in_dim3A = arith.constant 3.000000e+38 : f32
    %broadcast_in_dim3A_9 = vector.broadcast %broadcast_in_dim3A : f32 to vector<4x512xf32>
    %broadcast_in_dim3A_10 = arith.constant 0 : i32
    %broadcast_in_dim3A_11 = vector.broadcast %broadcast_in_dim3A_10 : i32 to vector<4xi32>
    %broadcast_in_dim3A_12 = arith.constant 0 : i32
    %broadcast_in_dim3A_13 = vector.broadcast %broadcast_in_dim3A_12 : i32 to vector<4x128xi32>
    %broadcast_in_dim3A_14 = arith.constant 0.000000e+00 : f32
    %broadcast_in_dim3A_15 = vector.broadcast %broadcast_in_dim3A_14 : f32 to vector<4x128xf32>
    %broadcast_in_dim3A_16 = arith.constant 0.000000e+00 : f32
    %broadcast_in_dim3A_17 = vector.broadcast %broadcast_in_dim3A_16 : f32 to vector<4x128xf32>
    %broadcast_in_dim3A_18 = arith.constant 0.000000e+00 : f32
    %broadcast_in_dim3A_19 = vector.broadcast %broadcast_in_dim3A_18 : f32 to vector<4x128xf32>
    %scan3A = arith.constant 0 : i32
    %scan3A_20 = arith.constant 128 : i32
    %scan3A_21 = arith.addi %scan3A, %scan3A_20 : i32
    %scan3A_22 = arith.constant 1 : i32
    %scan3A_23:6 = scf.for %scan3A_39 = %scan3A to %scan3A_21 step %scan3A_22 iter_args(%scan3A_40 = %broadcast_in_dim3A_9, %scan3A_41 = %broadcast_in_dim3A_11, %scan3A_42 = %broadcast_in_dim3A_13, %scan3A_43 = %broadcast_in_dim3A_15, %scan3A_44 = %broadcast_in_dim3A_17, %scan3A_45 = %broadcast_in_dim3A_19) -> (vector<4x512xf32>, vector<4xi32>, vector<4x128xi32>, vector<4x128xf32>, vector<4x128xf32>, vector<4x128xf32>)  : i32 {
      %eq3A = vector.broadcast %scan3A_39 : i32 to vector<4x128xi32>
      %eq3A_46 = arith.cmpi eq, %iota3A_8, %eq3A : vector<4x128xi32>
      %broadcast_in_dim3A_47 = vector.shape_cast %scan3A_41 : vector<4xi32> to vector<4x1xi32>
      %broadcast_in_dim3A_48 = vector.shape_cast %broadcast_in_dim3A_47 : vector<4x1xi32> to vector<4x1xi32>
      %broadcast_in_dim3A_49 = vector.broadcast %broadcast_in_dim3A_48 : vector<4x1xi32> to vector<4x128xi32>
      %select_n3A = arith.select %eq3A_46, %broadcast_in_dim3A_49, %scan3A_42 : vector<4x128xi1>, vector<4x128xi32>
      %broadcast_in_dim3A_50 = vector.shape_cast %scan3A_41 : vector<4xi32> to vector<4x1xi32>
      %eq3A_51 = vector.broadcast %broadcast_in_dim3A_50 : vector<4x1xi32> to vector<4x512xi32>
      %eq3A_52 = arith.cmpi eq, %iota3A, %eq3A_51 : vector<4x512xi32>
      %jit3A = arith.constant 0.000000e+00 : f32
      %broadcast_in_dim3A_53 = vector.broadcast %jit3A : f32 to vector<4x512xf32>
      %select_n3A_54 = arith.select %eq3A_52, %get3A_1, %broadcast_in_dim3A_53 : vector<4x512xi1>, vector<4x512xf32>
      %reduce_sum3A = arith.constant dense<0.000000e+00> : vector<4xf32>
      %reduce_sum3A_55 = vector.multi_reduction <add>, %select_n3A_54, %reduce_sum3A [1] : vector<4x512xf32> to vector<4xf32>
      %broadcast_in_dim3A_56 = vector.shape_cast %reduce_sum3A_55 : vector<4xf32> to vector<4x1xf32>
      %jit3A_57 = arith.constant 0.000000e+00 : f32
      %broadcast_in_dim3A_58 = vector.broadcast %jit3A_57 : f32 to vector<4x512xf32>
      %select_n3A_59 = arith.select %eq3A_52, %get3A_4, %broadcast_in_dim3A_58 : vector<4x512xi1>, vector<4x512xf32>
      %reduce_sum3A_60 = arith.constant dense<0.000000e+00> : vector<4xf32>
      %reduce_sum3A_61 = vector.multi_reduction <add>, %select_n3A_59, %reduce_sum3A_60 [1] : vector<4x512xf32> to vector<4xf32>
      %broadcast_in_dim3A_62 = vector.shape_cast %reduce_sum3A_61 : vector<4xf32> to vector<4x1xf32>
      %jit3A_63 = arith.constant 0.000000e+00 : f32
      %broadcast_in_dim3A_64 = vector.broadcast %jit3A_63 : f32 to vector<4x512xf32>
      %select_n3A_65 = arith.select %eq3A_52, %get3A_7, %broadcast_in_dim3A_64 : vector<4x512xi1>, vector<4x512xf32>
      %reduce_sum3A_66 = arith.constant dense<0.000000e+00> : vector<4xf32>
      %reduce_sum3A_67 = vector.multi_reduction <add>, %select_n3A_65, %reduce_sum3A_66 [1] : vector<4x512xf32> to vector<4xf32>
      %broadcast_in_dim3A_68 = vector.shape_cast %reduce_sum3A_67 : vector<4xf32> to vector<4x1xf32>
      %broadcast_in_dim3A_69 = vector.shape_cast %broadcast_in_dim3A_56 : vector<4x1xf32> to vector<4x1xf32>
      %broadcast_in_dim3A_70 = vector.broadcast %broadcast_in_dim3A_69 : vector<4x1xf32> to vector<4x128xf32>
      %select_n3A_71 = arith.select %eq3A_46, %broadcast_in_dim3A_70, %scan3A_43 : vector<4x128xi1>, vector<4x128xf32>
      %broadcast_in_dim3A_72 = vector.shape_cast %broadcast_in_dim3A_62 : vector<4x1xf32> to vector<4x1xf32>
      %broadcast_in_dim3A_73 = vector.broadcast %broadcast_in_dim3A_72 : vector<4x1xf32> to vector<4x128xf32>
      %select_n3A_74 = arith.select %eq3A_46, %broadcast_in_dim3A_73, %scan3A_44 : vector<4x128xi1>, vector<4x128xf32>
      %broadcast_in_dim3A_75 = vector.shape_cast %broadcast_in_dim3A_68 : vector<4x1xf32> to vector<4x1xf32>
      %broadcast_in_dim3A_76 = vector.broadcast %broadcast_in_dim3A_75 : vector<4x1xf32> to vector<4x128xf32>
      %select_n3A_77 = arith.select %eq3A_46, %broadcast_in_dim3A_76, %scan3A_45 : vector<4x128xi1>, vector<4x128xf32>
      %sub3A = vector.broadcast %broadcast_in_dim3A_56 : vector<4x1xf32> to vector<4x512xf32>
      %sub3A_78 = arith.subf %get3A_1, %sub3A : vector<4x512xf32>
      %integer_pow3A = arith.mulf %sub3A_78, %sub3A_78 : vector<4x512xf32>
      %sub3A_79 = vector.broadcast %broadcast_in_dim3A_62 : vector<4x1xf32> to vector<4x512xf32>
      %sub3A_80 = arith.subf %get3A_4, %sub3A_79 : vector<4x512xf32>
      %integer_pow3A_81 = arith.mulf %sub3A_80, %sub3A_80 : vector<4x512xf32>
      %add3A_82 = arith.addf %integer_pow3A, %integer_pow3A_81 : vector<4x512xf32>
      %sub3A_83 = vector.broadcast %broadcast_in_dim3A_68 : vector<4x1xf32> to vector<4x512xf32>
      %sub3A_84 = arith.subf %get3A_7, %sub3A_83 : vector<4x512xf32>
      %integer_pow3A_85 = arith.mulf %sub3A_84, %sub3A_84 : vector<4x512xf32>
      %add3A_86 = arith.addf %add3A_82, %integer_pow3A_85 : vector<4x512xf32>
      %min3A = arith.minimumf %scan3A_40, %add3A_86 : vector<4x512xf32>
      %reduce_max3A = arith.constant dense<0xFF800000> : vector<4xf32>
      %reduce_max3A_87 = vector.multi_reduction <maximumf>, %min3A, %reduce_max3A [1] : vector<4x512xf32> to vector<4xf32>
      %broadcast_in_dim3A_88 = vector.shape_cast %reduce_max3A_87 : vector<4xf32> to vector<4x1xf32>
      %eq3A_89 = vector.broadcast %broadcast_in_dim3A_88 : vector<4x1xf32> to vector<4x512xf32>
      %eq3A_90 = arith.cmpf oeq, %min3A, %eq3A_89 : vector<4x512xf32>
      %jit3A_91 = arith.constant 1073741824 : i32
      %broadcast_in_dim3A_92 = vector.broadcast %jit3A_91 : i32 to vector<4x512xi32>
      %select_n3A_93 = arith.select %eq3A_90, %iota3A, %broadcast_in_dim3A_92 : vector<4x512xi1>, vector<4x512xi32>
      %reduce_min3A = arith.constant dense<2147483647> : vector<4xi32>
      %reduce_min3A_94 = vector.multi_reduction <minsi>, %select_n3A_93, %reduce_min3A [1] : vector<4x512xi32> to vector<4xi32>
      scf.yield %min3A, %reduce_min3A_94, %select_n3A, %select_n3A_71, %select_n3A_74, %select_n3A_77 : vector<4x512xf32>, vector<4xi32>, vector<4x128xi32>, vector<4x128xf32>, vector<4x128xf32>, vector<4x128xf32>
    }
    %scan3A_24 = arith.constant 128 : i32
    %iota3A_25 = tpu.iota {dimensions = array<i32: 0>} : vector<4x128xi32>
    %mul3A = arith.constant 512 : i32
    %mul3A_26 = vector.broadcast %mul3A : i32 to vector<4x128xi32>
    %mul3A_27 = arith.muli %iota3A_25, %mul3A_26 : vector<4x128xi32>
    %add3A = arith.addi %scan3A_23#2, %mul3A_27 : vector<4x128xi32>
    %swap3A = arith.constant 0 : index
    %swap3A_28 = arith.constant 0 : index
    %swap3A_29 = vector.load %arg3[%swap3A, %swap3A_28] : memref<4x128xi32, #tpu.memory_space<vmem>>, vector<4x128xi32>
    tpu.vector_store %arg3[%swap3A, %swap3A_28], %add3A {strides = array<i32>} : memref<4x128xi32, #tpu.memory_space<vmem>>, vector<4x128xi32>,
    %swap3A_30 = arith.constant 0 : index
    %swap3A_31 = arith.constant 0 : index
    %swap3A_32 = vector.load %arg4[%swap3A_30, %swap3A_31] : memref<4x128xf32, #tpu.memory_space<vmem>>, vector<4x128xf32>
    tpu.vector_store %arg4[%swap3A_30, %swap3A_31], %scan3A_23#3 {strides = array<i32>} : memref<4x128xf32, #tpu.memory_space<vmem>>, vector<4x128xf32>,
    %swap3A_33 = arith.constant 0 : index
    %swap3A_34 = arith.constant 0 : index
    %swap3A_35 = vector.load %arg5[%swap3A_33, %swap3A_34] : memref<4x128xf32, #tpu.memory_space<vmem>>, vector<4x128xf32>
    tpu.vector_store %arg5[%swap3A_33, %swap3A_34], %scan3A_23#4 {strides = array<i32>} : memref<4x128xf32, #tpu.memory_space<vmem>>, vector<4x128xf32>,
    %swap3A_36 = arith.constant 0 : index
    %swap3A_37 = arith.constant 0 : index
    %swap3A_38 = vector.load %arg6[%swap3A_36, %swap3A_37] : memref<4x128xf32, #tpu.memory_space<vmem>>, vector<4x128xf32>
    tpu.vector_store %arg6[%swap3A_36, %swap3A_37], %scan3A_23#5 {strides = array<i32>} : memref<4x128xf32, #tpu.memory_space<vmem>>, vector<4x128xf32>,
    return
  }
}

module attributes {stable_mosaic.version = 14 : i64} {
  func.func @_edge_body(%arg0: i32, %arg1: i32, %arg2: memref<1024x128xf32, #tpu.memory_space<vmem>>, %arg3: memref<1x1024x128xf32, #tpu.memory_space<vmem>>, %arg4: memref<128x128xf32, #tpu.memory_space<vmem>>, %arg5: memref<1024x128xf32, #tpu.memory_space<vmem>>) attributes {dimension_semantics = [#tpu.dimension_semantics<arbitrary>, #tpu.dimension_semantics<arbitrary>], iteration_bounds = array<i64: 2, 16>, scalar_prefetch = 0 : i64, scratch_operands = 0 : i64, tpu.core_type = #tpu.core_type<tc>, window_params = [{transform_indices = @transform_0, window_bounds = array<i64: 1024, 128>}, {transform_indices = @transform_1, window_bounds = array<i64: 1, 1024, 128>}, {pipeline_mode = #tpu.pipeline_mode<synchronous>, transform_indices = @transform_2, window_bounds = array<i64: 128, 128>}, {transform_indices = @transform_3, window_bounds = array<i64: 1024, 128>}]} {
    %get3A = arith.constant 0 : index
    %get3A_0 = arith.constant 0 : index
    %get3A_1 = vector.load %arg2[%get3A, %get3A_0] : memref<1024x128xf32, #tpu.memory_space<vmem>>, vector<1024x128xf32>
    %get3A_2 = arith.constant 0 : index
    %get3A_3 = arith.constant 0 : index
    %get3A_4 = arith.constant 0 : index
    %get3A_5 = vector.load %arg3[%get3A_2, %get3A_3, %get3A_4] : memref<1x1024x128xf32, #tpu.memory_space<vmem>>, vector<1x1024x128xf32>
    %get3A_6 = vector.shape_cast %get3A_5 : vector<1x1024x128xf32> to vector<1024x128xf32>
    %add3A = arith.addf %get3A_1, %get3A_6 : vector<1024x128xf32>
    %max3A = arith.constant 0.000000e+00 : f32
    %max3A_7 = vector.broadcast %max3A : f32 to vector<1024x128xf32>
    %max3A_8 = arith.maximumf %add3A, %max3A_7 : vector<1024x128xf32>
    %get3A_9 = arith.constant 0 : index
    %get3A_10 = arith.constant 0 : index
    %get3A_11 = vector.load %arg4[%get3A_9, %get3A_10] : memref<128x128xf32, #tpu.memory_space<vmem>>, vector<128x128xf32>
    %dot_general3A = arith.constant dense<0.000000e+00> : vector<1024x128xf32>
    %dot_general3A_12 = tpu.matmul %max3A_8, %get3A_11, %dot_general3A {dimension_numbers = #tpu.dot_dimension_numbers<[1], [0], [0], [1], [0, 0, 1, 1], [], []>, transpose_lhs_hint = false} : vector<1024x128xf32>, vector<128x128xf32>, vector<1024x128xf32> -> vector<1024x128xf32>
    %max3A_13 = arith.constant 0.000000e+00 : f32
    %max3A_14 = vector.broadcast %max3A_13 : f32 to vector<1024x128xf32>
    %max3A_15 = arith.maximumf %dot_general3A_12, %max3A_14 : vector<1024x128xf32>
    %eq3A = arith.constant 0 : i32
    %eq3A_16 = arith.cmpi eq, %arg1, %eq3A : i32
    %convert_element_type3A = arith.extui %eq3A_16 : i1 to i32
    %cond3A = arith.constant 0 : i32
    %cond3A_17 = arith.cmpi ne, %convert_element_type3A, %cond3A : i32
    scf.if %cond3A_17 {
      %swap3A = arith.constant 0 : index
      %swap3A_22 = arith.constant 0 : index
      %swap3A_23 = vector.load %arg5[%swap3A, %swap3A_22] : memref<1024x128xf32, #tpu.memory_space<vmem>>, vector<1024x128xf32>
      tpu.vector_store %arg5[%swap3A, %swap3A_22], %max3A_15 {strides = array<i32>} : memref<1024x128xf32, #tpu.memory_space<vmem>>, vector<1024x128xf32>,
    } else {
    }
    %gt3A = arith.constant 0 : i32
    %gt3A_18 = arith.cmpi sgt, %arg1, %gt3A : i32
    %convert_element_type3A_19 = arith.extui %gt3A_18 : i1 to i32
    %cond3A_20 = arith.constant 0 : i32
    %cond3A_21 = arith.cmpi ne, %convert_element_type3A_19, %cond3A_20 : i32
    scf.if %cond3A_21 {
      %get3A_22 = arith.constant 0 : index
      %get3A_23 = arith.constant 0 : index
      %get3A_24 = vector.load %arg5[%get3A_22, %get3A_23] : memref<1024x128xf32, #tpu.memory_space<vmem>>, vector<1024x128xf32>
      %max3A_25 = arith.maximumf %get3A_24, %max3A_15 : vector<1024x128xf32>
      %swap3A = arith.constant 0 : index
      %swap3A_26 = arith.constant 0 : index
      %swap3A_27 = vector.load %arg5[%swap3A, %swap3A_26] : memref<1024x128xf32, #tpu.memory_space<vmem>>, vector<1024x128xf32>
      tpu.vector_store %arg5[%swap3A, %swap3A_26], %max3A_25 {strides = array<i32>} : memref<1024x128xf32, #tpu.memory_space<vmem>>, vector<1024x128xf32>,
    } else {
    }
    return
  }
  func.func @transform_0(%arg0: i32, %arg1: i32) -> (i32, i32) {
    %c0_i32 = arith.constant 0 : i32
    %c0_i32_0 = arith.constant 0 : i32
    return %arg0, %c0_i32 : i32, i32
  }
  func.func @transform_1(%arg0: i32, %arg1: i32) -> (i32, i32, i32) {
    %c0_i32 = arith.constant 0 : i32
    %c0_i32_0 = arith.constant 0 : i32
    return %arg1, %arg0, %c0_i32 : i32, i32, i32
  }
  func.func @transform_2(%arg0: i32, %arg1: i32) -> (i32, i32) {
    %c0_i32 = arith.constant 0 : i32
    %c0_i32_0 = arith.constant 0 : i32
    %c0_i32_1 = arith.constant 0 : i32
    return %c0_i32, %c0_i32_0 : i32, i32
  }
  func.func @transform_3(%arg0: i32, %arg1: i32) -> (i32, i32) {
    %c0_i32 = arith.constant 0 : i32
    %c0_i32_0 = arith.constant 0 : i32
    return %arg0, %c0_i32 : i32, i32
  }
}

module attributes {stable_mosaic.version = 14 : i64} {
  func.func @_knn_body(%arg0: i32, %arg1: i32, %arg2: memref<1x128x4xf32, #tpu.memory_space<vmem>>, %arg3: memref<1x8x128xf32, #tpu.memory_space<vmem>>, %arg4: memref<16x128xi32, #tpu.memory_space<vmem>>, %arg5: memref<1x128x16xf32, #tpu.memory_space<vmem>>) attributes {dimension_semantics = [#tpu.dimension_semantics<arbitrary>, #tpu.dimension_semantics<arbitrary>], iteration_bounds = array<i64: 4, 1>, scalar_prefetch = 0 : i64, scratch_operands = 0 : i64, tpu.core_type = #tpu.core_type<tc>, window_params = [{transform_indices = @transform_0, window_bounds = array<i64: 1, 128, 4>}, {transform_indices = @transform_1, window_bounds = array<i64: 1, 8, 128>}, {transform_indices = @transform_2, window_bounds = array<i64: 16, 128>}, {transform_indices = @transform_3, window_bounds = array<i64: 1, 128, 16>}]} {
    %get3A = arith.constant 0 : index
    %get3A_0 = arith.constant 0 : index
    %get3A_1 = arith.constant 0 : index
    %get3A_2 = vector.load %arg2[%get3A, %get3A_0, %get3A_1] : memref<1x128x4xf32, #tpu.memory_space<vmem>>, vector<1x128x4xf32>
    %get3A_3 = vector.shape_cast %get3A_2 : vector<1x128x4xf32> to vector<128x4xf32>
    %get3A_4 = arith.constant 0 : index
    %get3A_5 = arith.constant 0 : index
    %get3A_6 = arith.constant 0 : index
    %get3A_7 = vector.load %arg3[%get3A_4, %get3A_5, %get3A_6] : memref<1x8x128xf32, #tpu.memory_space<vmem>>, vector<1x8x128xf32>
    %get3A_8 = vector.shape_cast %get3A_7 : vector<1x8x128xf32> to vector<8x128xf32>
    %slice3A = vector.extract_strided_slice %get3A_8 {offsets = [0, 0], sizes = [4, 128], strides = [1, 1]} : vector<8x128xf32> to vector<4x128xf32>
    %mul3A = arith.mulf %get3A_3, %get3A_3 : vector<128x4xf32>
    %reduce_sum3A = arith.constant dense<0.000000e+00> : vector<128xf32>
    %reduce_sum3A_9 = vector.multi_reduction <add>, %mul3A, %reduce_sum3A [1] : vector<128x4xf32> to vector<128xf32>
    %broadcast_in_dim3A = vector.shape_cast %reduce_sum3A_9 : vector<128xf32> to vector<128x1xf32>
    %mul3A_10 = arith.mulf %slice3A, %slice3A : vector<4x128xf32>
    %reduce_sum3A_11 = arith.constant dense<0.000000e+00> : vector<128xf32>
    %reduce_sum3A_12 = vector.multi_reduction <add>, %mul3A_10, %reduce_sum3A_11 [0] : vector<4x128xf32> to vector<128xf32>
    %broadcast_in_dim3A_13 = vector.shape_cast %reduce_sum3A_12 : vector<128xf32> to vector<1x128xf32>
    %dot_general3A = arith.constant dense<0.000000e+00> : vector<128x128xf32>
    %dot_general3A_14 = tpu.matmul %get3A_3, %slice3A, %dot_general3A {dimension_numbers = #tpu.dot_dimension_numbers<[1], [0], [0], [1], [0, 0, 1, 1], [], []>, transpose_lhs_hint = false} : vector<128x4xf32>, vector<4x128xf32>, vector<128x128xf32> -> vector<128x128xf32>
    %add3A = vector.broadcast %broadcast_in_dim3A : vector<128x1xf32> to vector<128x128xf32>
    %add3A_15 = vector.broadcast %broadcast_in_dim3A_13 : vector<1x128xf32> to vector<128x128xf32>
    %add3A_16 = arith.addf %add3A, %add3A_15 : vector<128x128xf32>
    %mul3A_17 = arith.constant 2.000000e+00 : f32
    %mul3A_18 = vector.broadcast %mul3A_17 : f32 to vector<128x128xf32>
    %mul3A_19 = arith.mulf %mul3A_18, %dot_general3A_14 : vector<128x128xf32>
    %sub3A = arith.subf %add3A_16, %mul3A_19 : vector<128x128xf32>
    %max3A = arith.constant 0.000000e+00 : f32
    %max3A_20 = vector.broadcast %max3A : f32 to vector<128x128xf32>
    %max3A_21 = arith.maximumf %sub3A, %max3A_20 : vector<128x128xf32>
    %iota3A = tpu.iota {dimensions = array<i32: 1>} : vector<128x128xi32>
    %bitcast_convert_type3A = tpu.bitcast %max3A_21 : vector<128x128xf32> -> vector<128x128xi32>
    %and3A = arith.constant -4096 : i32
    %and3A_22 = vector.broadcast %and3A : i32 to vector<128x128xi32>
    %and3A_23 = arith.andi %bitcast_convert_type3A, %and3A_22 : vector<128x128xi32>
    %or3A = arith.ori %and3A_23, %iota3A : vector<128x128xi32>
    %reduce_min3A = arith.constant dense<2147483647> : vector<128xi32>
    %reduce_min3A_24 = vector.multi_reduction <minsi>, %or3A, %reduce_min3A [1] : vector<128x128xi32> to vector<128xi32>
    %broadcast_in_dim3A_25 = vector.shape_cast %reduce_min3A_24 : vector<128xi32> to vector<128x1xi32>
    %and3A_26 = arith.constant 4095 : i32
    %and3A_27 = vector.broadcast %and3A_26 : i32 to vector<128x1xi32>
    %and3A_28 = arith.andi %broadcast_in_dim3A_25, %and3A_27 : vector<128x1xi32>
    %squeeze3A = vector.shape_cast %and3A_28 : vector<128x1xi32> to vector<128xi32>
    %mul3A_29 = arith.constant 128 : i32
    %mul3A_30 = arith.muli %arg0, %mul3A_29 : i32
    %add3A_31 = vector.broadcast %mul3A_30 : i32 to vector<128xi32>
    %add3A_32 = arith.addi %squeeze3A, %add3A_31 : vector<128xi32>
    %swap3A = arith.constant 0 : index
    %swap3A_33 = arith.constant 0 : index
    %swap3A_34 = vector.load %arg4[%swap3A, %swap3A_33] : memref<16x128xi32, #tpu.memory_space<vmem>>, vector<1x128xi32>
    %swap3A_35 = vector.shape_cast %swap3A_34 : vector<1x128xi32> to vector<128xi32>
    %swap3A_36 = vector.shape_cast %add3A_32 : vector<128xi32> to vector<1x128xi32>
    tpu.vector_store %arg4[%swap3A, %swap3A_33], %swap3A_36 {strides = array<i32>} : memref<16x128xi32, #tpu.memory_space<vmem>>, vector<1x128xi32>,
    %eq3A = vector.broadcast %broadcast_in_dim3A_25 : vector<128x1xi32> to vector<128x128xi32>
    %eq3A_37 = arith.cmpi eq, %or3A, %eq3A : vector<128x128xi32>
    %jit3A = arith.constant 2147479679 : i32
    %broadcast_in_dim3A_38 = vector.broadcast %jit3A : i32 to vector<128x128xi32>
    %select_n3A = arith.select %eq3A_37, %broadcast_in_dim3A_38, %or3A : vector<128x128xi1>, vector<128x128xi32>
    %reduce_min3A_39 = arith.constant dense<2147483647> : vector<128xi32>
    %reduce_min3A_40 = vector.multi_reduction <minsi>, %select_n3A, %reduce_min3A_39 [1] : vector<128x128xi32> to vector<128xi32>
    %broadcast_in_dim3A_41 = vector.shape_cast %reduce_min3A_40 : vector<128xi32> to vector<128x1xi32>
    %and3A_42 = arith.constant 4095 : i32
    %and3A_43 = vector.broadcast %and3A_42 : i32 to vector<128x1xi32>
    %and3A_44 = arith.andi %broadcast_in_dim3A_41, %and3A_43 : vector<128x1xi32>
    %squeeze3A_45 = vector.shape_cast %and3A_44 : vector<128x1xi32> to vector<128xi32>
    %mul3A_46 = arith.constant 128 : i32
    %mul3A_47 = arith.muli %arg0, %mul3A_46 : i32
    %add3A_48 = vector.broadcast %mul3A_47 : i32 to vector<128xi32>
    %add3A_49 = arith.addi %squeeze3A_45, %add3A_48 : vector<128xi32>
    %swap3A_50 = arith.constant 1 : index
    %swap3A_51 = arith.constant 0 : index
    %swap3A_52 = vector.load %arg4[%swap3A_50, %swap3A_51] : memref<16x128xi32, #tpu.memory_space<vmem>>, vector<1x128xi32>
    %swap3A_53 = vector.shape_cast %swap3A_52 : vector<1x128xi32> to vector<128xi32>
    %swap3A_54 = vector.shape_cast %add3A_49 : vector<128xi32> to vector<1x128xi32>
    tpu.vector_store %arg4[%swap3A_50, %swap3A_51], %swap3A_54 {strides = array<i32>} : memref<16x128xi32, #tpu.memory_space<vmem>>, vector<1x128xi32>,
    %eq3A_55 = vector.broadcast %broadcast_in_dim3A_41 : vector<128x1xi32> to vector<128x128xi32>
    %eq3A_56 = arith.cmpi eq, %select_n3A, %eq3A_55 : vector<128x128xi32>
    %jit3A_57 = arith.constant 2147479679 : i32
    %broadcast_in_dim3A_58 = vector.broadcast %jit3A_57 : i32 to vector<128x128xi32>
    %select_n3A_59 = arith.select %eq3A_56, %broadcast_in_dim3A_58, %select_n3A : vector<128x128xi1>, vector<128x128xi32>
    %reduce_min3A_60 = arith.constant dense<2147483647> : vector<128xi32>
    %reduce_min3A_61 = vector.multi_reduction <minsi>, %select_n3A_59, %reduce_min3A_60 [1] : vector<128x128xi32> to vector<128xi32>
    %broadcast_in_dim3A_62 = vector.shape_cast %reduce_min3A_61 : vector<128xi32> to vector<128x1xi32>
    %and3A_63 = arith.constant 4095 : i32
    %and3A_64 = vector.broadcast %and3A_63 : i32 to vector<128x1xi32>
    %and3A_65 = arith.andi %broadcast_in_dim3A_62, %and3A_64 : vector<128x1xi32>
    %squeeze3A_66 = vector.shape_cast %and3A_65 : vector<128x1xi32> to vector<128xi32>
    %mul3A_67 = arith.constant 128 : i32
    %mul3A_68 = arith.muli %arg0, %mul3A_67 : i32
    %add3A_69 = vector.broadcast %mul3A_68 : i32 to vector<128xi32>
    %add3A_70 = arith.addi %squeeze3A_66, %add3A_69 : vector<128xi32>
    %swap3A_71 = arith.constant 2 : index
    %swap3A_72 = arith.constant 0 : index
    %swap3A_73 = vector.load %arg4[%swap3A_71, %swap3A_72] : memref<16x128xi32, #tpu.memory_space<vmem>>, vector<1x128xi32>
    %swap3A_74 = vector.shape_cast %swap3A_73 : vector<1x128xi32> to vector<128xi32>
    %swap3A_75 = vector.shape_cast %add3A_70 : vector<128xi32> to vector<1x128xi32>
    tpu.vector_store %arg4[%swap3A_71, %swap3A_72], %swap3A_75 {strides = array<i32>} : memref<16x128xi32, #tpu.memory_space<vmem>>, vector<1x128xi32>,
    %eq3A_76 = vector.broadcast %broadcast_in_dim3A_62 : vector<128x1xi32> to vector<128x128xi32>
    %eq3A_77 = arith.cmpi eq, %select_n3A_59, %eq3A_76 : vector<128x128xi32>
    %jit3A_78 = arith.constant 2147479679 : i32
    %broadcast_in_dim3A_79 = vector.broadcast %jit3A_78 : i32 to vector<128x128xi32>
    %select_n3A_80 = arith.select %eq3A_77, %broadcast_in_dim3A_79, %select_n3A_59 : vector<128x128xi1>, vector<128x128xi32>
    %reduce_min3A_81 = arith.constant dense<2147483647> : vector<128xi32>
    %reduce_min3A_82 = vector.multi_reduction <minsi>, %select_n3A_80, %reduce_min3A_81 [1] : vector<128x128xi32> to vector<128xi32>
    %broadcast_in_dim3A_83 = vector.shape_cast %reduce_min3A_82 : vector<128xi32> to vector<128x1xi32>
    %and3A_84 = arith.constant 4095 : i32
    %and3A_85 = vector.broadcast %and3A_84 : i32 to vector<128x1xi32>
    %and3A_86 = arith.andi %broadcast_in_dim3A_83, %and3A_85 : vector<128x1xi32>
    %squeeze3A_87 = vector.shape_cast %and3A_86 : vector<128x1xi32> to vector<128xi32>
    %mul3A_88 = arith.constant 128 : i32
    %mul3A_89 = arith.muli %arg0, %mul3A_88 : i32
    %add3A_90 = vector.broadcast %mul3A_89 : i32 to vector<128xi32>
    %add3A_91 = arith.addi %squeeze3A_87, %add3A_90 : vector<128xi32>
    %swap3A_92 = arith.constant 3 : index
    %swap3A_93 = arith.constant 0 : index
    %swap3A_94 = vector.load %arg4[%swap3A_92, %swap3A_93] : memref<16x128xi32, #tpu.memory_space<vmem>>, vector<1x128xi32>
    %swap3A_95 = vector.shape_cast %swap3A_94 : vector<1x128xi32> to vector<128xi32>
    %swap3A_96 = vector.shape_cast %add3A_91 : vector<128xi32> to vector<1x128xi32>
    tpu.vector_store %arg4[%swap3A_92, %swap3A_93], %swap3A_96 {strides = array<i32>} : memref<16x128xi32, #tpu.memory_space<vmem>>, vector<1x128xi32>,
    %eq3A_97 = vector.broadcast %broadcast_in_dim3A_83 : vector<128x1xi32> to vector<128x128xi32>
    %eq3A_98 = arith.cmpi eq, %select_n3A_80, %eq3A_97 : vector<128x128xi32>
    %jit3A_99 = arith.constant 2147479679 : i32
    %broadcast_in_dim3A_100 = vector.broadcast %jit3A_99 : i32 to vector<128x128xi32>
    %select_n3A_101 = arith.select %eq3A_98, %broadcast_in_dim3A_100, %select_n3A_80 : vector<128x128xi1>, vector<128x128xi32>
    %reduce_min3A_102 = arith.constant dense<2147483647> : vector<128xi32>
    %reduce_min3A_103 = vector.multi_reduction <minsi>, %select_n3A_101, %reduce_min3A_102 [1] : vector<128x128xi32> to vector<128xi32>
    %broadcast_in_dim3A_104 = vector.shape_cast %reduce_min3A_103 : vector<128xi32> to vector<128x1xi32>
    %and3A_105 = arith.constant 4095 : i32
    %and3A_106 = vector.broadcast %and3A_105 : i32 to vector<128x1xi32>
    %and3A_107 = arith.andi %broadcast_in_dim3A_104, %and3A_106 : vector<128x1xi32>
    %squeeze3A_108 = vector.shape_cast %and3A_107 : vector<128x1xi32> to vector<128xi32>
    %mul3A_109 = arith.constant 128 : i32
    %mul3A_110 = arith.muli %arg0, %mul3A_109 : i32
    %add3A_111 = vector.broadcast %mul3A_110 : i32 to vector<128xi32>
    %add3A_112 = arith.addi %squeeze3A_108, %add3A_111 : vector<128xi32>
    %swap3A_113 = arith.constant 4 : index
    %swap3A_114 = arith.constant 0 : index
    %swap3A_115 = vector.load %arg4[%swap3A_113, %swap3A_114] : memref<16x128xi32, #tpu.memory_space<vmem>>, vector<1x128xi32>
    %swap3A_116 = vector.shape_cast %swap3A_115 : vector<1x128xi32> to vector<128xi32>
    %swap3A_117 = vector.shape_cast %add3A_112 : vector<128xi32> to vector<1x128xi32>
    tpu.vector_store %arg4[%swap3A_113, %swap3A_114], %swap3A_117 {strides = array<i32>} : memref<16x128xi32, #tpu.memory_space<vmem>>, vector<1x128xi32>,
    %eq3A_118 = vector.broadcast %broadcast_in_dim3A_104 : vector<128x1xi32> to vector<128x128xi32>
    %eq3A_119 = arith.cmpi eq, %select_n3A_101, %eq3A_118 : vector<128x128xi32>
    %jit3A_120 = arith.constant 2147479679 : i32
    %broadcast_in_dim3A_121 = vector.broadcast %jit3A_120 : i32 to vector<128x128xi32>
    %select_n3A_122 = arith.select %eq3A_119, %broadcast_in_dim3A_121, %select_n3A_101 : vector<128x128xi1>, vector<128x128xi32>
    %reduce_min3A_123 = arith.constant dense<2147483647> : vector<128xi32>
    %reduce_min3A_124 = vector.multi_reduction <minsi>, %select_n3A_122, %reduce_min3A_123 [1] : vector<128x128xi32> to vector<128xi32>
    %broadcast_in_dim3A_125 = vector.shape_cast %reduce_min3A_124 : vector<128xi32> to vector<128x1xi32>
    %and3A_126 = arith.constant 4095 : i32
    %and3A_127 = vector.broadcast %and3A_126 : i32 to vector<128x1xi32>
    %and3A_128 = arith.andi %broadcast_in_dim3A_125, %and3A_127 : vector<128x1xi32>
    %squeeze3A_129 = vector.shape_cast %and3A_128 : vector<128x1xi32> to vector<128xi32>
    %mul3A_130 = arith.constant 128 : i32
    %mul3A_131 = arith.muli %arg0, %mul3A_130 : i32
    %add3A_132 = vector.broadcast %mul3A_131 : i32 to vector<128xi32>
    %add3A_133 = arith.addi %squeeze3A_129, %add3A_132 : vector<128xi32>
    %swap3A_134 = arith.constant 5 : index
    %swap3A_135 = arith.constant 0 : index
    %swap3A_136 = vector.load %arg4[%swap3A_134, %swap3A_135] : memref<16x128xi32, #tpu.memory_space<vmem>>, vector<1x128xi32>
    %swap3A_137 = vector.shape_cast %swap3A_136 : vector<1x128xi32> to vector<128xi32>
    %swap3A_138 = vector.shape_cast %add3A_133 : vector<128xi32> to vector<1x128xi32>
    tpu.vector_store %arg4[%swap3A_134, %swap3A_135], %swap3A_138 {strides = array<i32>} : memref<16x128xi32, #tpu.memory_space<vmem>>, vector<1x128xi32>,
    %eq3A_139 = vector.broadcast %broadcast_in_dim3A_125 : vector<128x1xi32> to vector<128x128xi32>
    %eq3A_140 = arith.cmpi eq, %select_n3A_122, %eq3A_139 : vector<128x128xi32>
    %jit3A_141 = arith.constant 2147479679 : i32
    %broadcast_in_dim3A_142 = vector.broadcast %jit3A_141 : i32 to vector<128x128xi32>
    %select_n3A_143 = arith.select %eq3A_140, %broadcast_in_dim3A_142, %select_n3A_122 : vector<128x128xi1>, vector<128x128xi32>
    %reduce_min3A_144 = arith.constant dense<2147483647> : vector<128xi32>
    %reduce_min3A_145 = vector.multi_reduction <minsi>, %select_n3A_143, %reduce_min3A_144 [1] : vector<128x128xi32> to vector<128xi32>
    %broadcast_in_dim3A_146 = vector.shape_cast %reduce_min3A_145 : vector<128xi32> to vector<128x1xi32>
    %and3A_147 = arith.constant 4095 : i32
    %and3A_148 = vector.broadcast %and3A_147 : i32 to vector<128x1xi32>
    %and3A_149 = arith.andi %broadcast_in_dim3A_146, %and3A_148 : vector<128x1xi32>
    %squeeze3A_150 = vector.shape_cast %and3A_149 : vector<128x1xi32> to vector<128xi32>
    %mul3A_151 = arith.constant 128 : i32
    %mul3A_152 = arith.muli %arg0, %mul3A_151 : i32
    %add3A_153 = vector.broadcast %mul3A_152 : i32 to vector<128xi32>
    %add3A_154 = arith.addi %squeeze3A_150, %add3A_153 : vector<128xi32>
    %swap3A_155 = arith.constant 6 : index
    %swap3A_156 = arith.constant 0 : index
    %swap3A_157 = vector.load %arg4[%swap3A_155, %swap3A_156] : memref<16x128xi32, #tpu.memory_space<vmem>>, vector<1x128xi32>
    %swap3A_158 = vector.shape_cast %swap3A_157 : vector<1x128xi32> to vector<128xi32>
    %swap3A_159 = vector.shape_cast %add3A_154 : vector<128xi32> to vector<1x128xi32>
    tpu.vector_store %arg4[%swap3A_155, %swap3A_156], %swap3A_159 {strides = array<i32>} : memref<16x128xi32, #tpu.memory_space<vmem>>, vector<1x128xi32>,
    %eq3A_160 = vector.broadcast %broadcast_in_dim3A_146 : vector<128x1xi32> to vector<128x128xi32>
    %eq3A_161 = arith.cmpi eq, %select_n3A_143, %eq3A_160 : vector<128x128xi32>
    %jit3A_162 = arith.constant 2147479679 : i32
    %broadcast_in_dim3A_163 = vector.broadcast %jit3A_162 : i32 to vector<128x128xi32>
    %select_n3A_164 = arith.select %eq3A_161, %broadcast_in_dim3A_163, %select_n3A_143 : vector<128x128xi1>, vector<128x128xi32>
    %reduce_min3A_165 = arith.constant dense<2147483647> : vector<128xi32>
    %reduce_min3A_166 = vector.multi_reduction <minsi>, %select_n3A_164, %reduce_min3A_165 [1] : vector<128x128xi32> to vector<128xi32>
    %broadcast_in_dim3A_167 = vector.shape_cast %reduce_min3A_166 : vector<128xi32> to vector<128x1xi32>
    %and3A_168 = arith.constant 4095 : i32
    %and3A_169 = vector.broadcast %and3A_168 : i32 to vector<128x1xi32>
    %and3A_170 = arith.andi %broadcast_in_dim3A_167, %and3A_169 : vector<128x1xi32>
    %squeeze3A_171 = vector.shape_cast %and3A_170 : vector<128x1xi32> to vector<128xi32>
    %mul3A_172 = arith.constant 128 : i32
    %mul3A_173 = arith.muli %arg0, %mul3A_172 : i32
    %add3A_174 = vector.broadcast %mul3A_173 : i32 to vector<128xi32>
    %add3A_175 = arith.addi %squeeze3A_171, %add3A_174 : vector<128xi32>
    %swap3A_176 = arith.constant 7 : index
    %swap3A_177 = arith.constant 0 : index
    %swap3A_178 = vector.load %arg4[%swap3A_176, %swap3A_177] : memref<16x128xi32, #tpu.memory_space<vmem>>, vector<1x128xi32>
    %swap3A_179 = vector.shape_cast %swap3A_178 : vector<1x128xi32> to vector<128xi32>
    %swap3A_180 = vector.shape_cast %add3A_175 : vector<128xi32> to vector<1x128xi32>
    tpu.vector_store %arg4[%swap3A_176, %swap3A_177], %swap3A_180 {strides = array<i32>} : memref<16x128xi32, #tpu.memory_space<vmem>>, vector<1x128xi32>,
    %eq3A_181 = vector.broadcast %broadcast_in_dim3A_167 : vector<128x1xi32> to vector<128x128xi32>
    %eq3A_182 = arith.cmpi eq, %select_n3A_164, %eq3A_181 : vector<128x128xi32>
    %jit3A_183 = arith.constant 2147479679 : i32
    %broadcast_in_dim3A_184 = vector.broadcast %jit3A_183 : i32 to vector<128x128xi32>
    %select_n3A_185 = arith.select %eq3A_182, %broadcast_in_dim3A_184, %select_n3A_164 : vector<128x128xi1>, vector<128x128xi32>
    %reduce_min3A_186 = arith.constant dense<2147483647> : vector<128xi32>
    %reduce_min3A_187 = vector.multi_reduction <minsi>, %select_n3A_185, %reduce_min3A_186 [1] : vector<128x128xi32> to vector<128xi32>
    %broadcast_in_dim3A_188 = vector.shape_cast %reduce_min3A_187 : vector<128xi32> to vector<128x1xi32>
    %and3A_189 = arith.constant 4095 : i32
    %and3A_190 = vector.broadcast %and3A_189 : i32 to vector<128x1xi32>
    %and3A_191 = arith.andi %broadcast_in_dim3A_188, %and3A_190 : vector<128x1xi32>
    %squeeze3A_192 = vector.shape_cast %and3A_191 : vector<128x1xi32> to vector<128xi32>
    %mul3A_193 = arith.constant 128 : i32
    %mul3A_194 = arith.muli %arg0, %mul3A_193 : i32
    %add3A_195 = vector.broadcast %mul3A_194 : i32 to vector<128xi32>
    %add3A_196 = arith.addi %squeeze3A_192, %add3A_195 : vector<128xi32>
    %swap3A_197 = arith.constant 8 : index
    %swap3A_198 = arith.constant 0 : index
    %swap3A_199 = vector.load %arg4[%swap3A_197, %swap3A_198] : memref<16x128xi32, #tpu.memory_space<vmem>>, vector<1x128xi32>
    %swap3A_200 = vector.shape_cast %swap3A_199 : vector<1x128xi32> to vector<128xi32>
    %swap3A_201 = vector.shape_cast %add3A_196 : vector<128xi32> to vector<1x128xi32>
    tpu.vector_store %arg4[%swap3A_197, %swap3A_198], %swap3A_201 {strides = array<i32>} : memref<16x128xi32, #tpu.memory_space<vmem>>, vector<1x128xi32>,
    %eq3A_202 = vector.broadcast %broadcast_in_dim3A_188 : vector<128x1xi32> to vector<128x128xi32>
    %eq3A_203 = arith.cmpi eq, %select_n3A_185, %eq3A_202 : vector<128x128xi32>
    %jit3A_204 = arith.constant 2147479679 : i32
    %broadcast_in_dim3A_205 = vector.broadcast %jit3A_204 : i32 to vector<128x128xi32>
    %select_n3A_206 = arith.select %eq3A_203, %broadcast_in_dim3A_205, %select_n3A_185 : vector<128x128xi1>, vector<128x128xi32>
    %reduce_min3A_207 = arith.constant dense<2147483647> : vector<128xi32>
    %reduce_min3A_208 = vector.multi_reduction <minsi>, %select_n3A_206, %reduce_min3A_207 [1] : vector<128x128xi32> to vector<128xi32>
    %broadcast_in_dim3A_209 = vector.shape_cast %reduce_min3A_208 : vector<128xi32> to vector<128x1xi32>
    %and3A_210 = arith.constant 4095 : i32
    %and3A_211 = vector.broadcast %and3A_210 : i32 to vector<128x1xi32>
    %and3A_212 = arith.andi %broadcast_in_dim3A_209, %and3A_211 : vector<128x1xi32>
    %squeeze3A_213 = vector.shape_cast %and3A_212 : vector<128x1xi32> to vector<128xi32>
    %mul3A_214 = arith.constant 128 : i32
    %mul3A_215 = arith.muli %arg0, %mul3A_214 : i32
    %add3A_216 = vector.broadcast %mul3A_215 : i32 to vector<128xi32>
    %add3A_217 = arith.addi %squeeze3A_213, %add3A_216 : vector<128xi32>
    %swap3A_218 = arith.constant 9 : index
    %swap3A_219 = arith.constant 0 : index
    %swap3A_220 = vector.load %arg4[%swap3A_218, %swap3A_219] : memref<16x128xi32, #tpu.memory_space<vmem>>, vector<1x128xi32>
    %swap3A_221 = vector.shape_cast %swap3A_220 : vector<1x128xi32> to vector<128xi32>
    %swap3A_222 = vector.shape_cast %add3A_217 : vector<128xi32> to vector<1x128xi32>
    tpu.vector_store %arg4[%swap3A_218, %swap3A_219], %swap3A_222 {strides = array<i32>} : memref<16x128xi32, #tpu.memory_space<vmem>>, vector<1x128xi32>,
    %eq3A_223 = vector.broadcast %broadcast_in_dim3A_209 : vector<128x1xi32> to vector<128x128xi32>
    %eq3A_224 = arith.cmpi eq, %select_n3A_206, %eq3A_223 : vector<128x128xi32>
    %jit3A_225 = arith.constant 2147479679 : i32
    %broadcast_in_dim3A_226 = vector.broadcast %jit3A_225 : i32 to vector<128x128xi32>
    %select_n3A_227 = arith.select %eq3A_224, %broadcast_in_dim3A_226, %select_n3A_206 : vector<128x128xi1>, vector<128x128xi32>
    %reduce_min3A_228 = arith.constant dense<2147483647> : vector<128xi32>
    %reduce_min3A_229 = vector.multi_reduction <minsi>, %select_n3A_227, %reduce_min3A_228 [1] : vector<128x128xi32> to vector<128xi32>
    %broadcast_in_dim3A_230 = vector.shape_cast %reduce_min3A_229 : vector<128xi32> to vector<128x1xi32>
    %and3A_231 = arith.constant 4095 : i32
    %and3A_232 = vector.broadcast %and3A_231 : i32 to vector<128x1xi32>
    %and3A_233 = arith.andi %broadcast_in_dim3A_230, %and3A_232 : vector<128x1xi32>
    %squeeze3A_234 = vector.shape_cast %and3A_233 : vector<128x1xi32> to vector<128xi32>
    %mul3A_235 = arith.constant 128 : i32
    %mul3A_236 = arith.muli %arg0, %mul3A_235 : i32
    %add3A_237 = vector.broadcast %mul3A_236 : i32 to vector<128xi32>
    %add3A_238 = arith.addi %squeeze3A_234, %add3A_237 : vector<128xi32>
    %swap3A_239 = arith.constant 10 : index
    %swap3A_240 = arith.constant 0 : index
    %swap3A_241 = vector.load %arg4[%swap3A_239, %swap3A_240] : memref<16x128xi32, #tpu.memory_space<vmem>>, vector<1x128xi32>
    %swap3A_242 = vector.shape_cast %swap3A_241 : vector<1x128xi32> to vector<128xi32>
    %swap3A_243 = vector.shape_cast %add3A_238 : vector<128xi32> to vector<1x128xi32>
    tpu.vector_store %arg4[%swap3A_239, %swap3A_240], %swap3A_243 {strides = array<i32>} : memref<16x128xi32, #tpu.memory_space<vmem>>, vector<1x128xi32>,
    %eq3A_244 = vector.broadcast %broadcast_in_dim3A_230 : vector<128x1xi32> to vector<128x128xi32>
    %eq3A_245 = arith.cmpi eq, %select_n3A_227, %eq3A_244 : vector<128x128xi32>
    %jit3A_246 = arith.constant 2147479679 : i32
    %broadcast_in_dim3A_247 = vector.broadcast %jit3A_246 : i32 to vector<128x128xi32>
    %select_n3A_248 = arith.select %eq3A_245, %broadcast_in_dim3A_247, %select_n3A_227 : vector<128x128xi1>, vector<128x128xi32>
    %reduce_min3A_249 = arith.constant dense<2147483647> : vector<128xi32>
    %reduce_min3A_250 = vector.multi_reduction <minsi>, %select_n3A_248, %reduce_min3A_249 [1] : vector<128x128xi32> to vector<128xi32>
    %broadcast_in_dim3A_251 = vector.shape_cast %reduce_min3A_250 : vector<128xi32> to vector<128x1xi32>
    %and3A_252 = arith.constant 4095 : i32
    %and3A_253 = vector.broadcast %and3A_252 : i32 to vector<128x1xi32>
    %and3A_254 = arith.andi %broadcast_in_dim3A_251, %and3A_253 : vector<128x1xi32>
    %squeeze3A_255 = vector.shape_cast %and3A_254 : vector<128x1xi32> to vector<128xi32>
    %mul3A_256 = arith.constant 128 : i32
    %mul3A_257 = arith.muli %arg0, %mul3A_256 : i32
    %add3A_258 = vector.broadcast %mul3A_257 : i32 to vector<128xi32>
    %add3A_259 = arith.addi %squeeze3A_255, %add3A_258 : vector<128xi32>
    %swap3A_260 = arith.constant 11 : index
    %swap3A_261 = arith.constant 0 : index
    %swap3A_262 = vector.load %arg4[%swap3A_260, %swap3A_261] : memref<16x128xi32, #tpu.memory_space<vmem>>, vector<1x128xi32>
    %swap3A_263 = vector.shape_cast %swap3A_262 : vector<1x128xi32> to vector<128xi32>
    %swap3A_264 = vector.shape_cast %add3A_259 : vector<128xi32> to vector<1x128xi32>
    tpu.vector_store %arg4[%swap3A_260, %swap3A_261], %swap3A_264 {strides = array<i32>} : memref<16x128xi32, #tpu.memory_space<vmem>>, vector<1x128xi32>,
    %eq3A_265 = vector.broadcast %broadcast_in_dim3A_251 : vector<128x1xi32> to vector<128x128xi32>
    %eq3A_266 = arith.cmpi eq, %select_n3A_248, %eq3A_265 : vector<128x128xi32>
    %jit3A_267 = arith.constant 2147479679 : i32
    %broadcast_in_dim3A_268 = vector.broadcast %jit3A_267 : i32 to vector<128x128xi32>
    %select_n3A_269 = arith.select %eq3A_266, %broadcast_in_dim3A_268, %select_n3A_248 : vector<128x128xi1>, vector<128x128xi32>
    %reduce_min3A_270 = arith.constant dense<2147483647> : vector<128xi32>
    %reduce_min3A_271 = vector.multi_reduction <minsi>, %select_n3A_269, %reduce_min3A_270 [1] : vector<128x128xi32> to vector<128xi32>
    %broadcast_in_dim3A_272 = vector.shape_cast %reduce_min3A_271 : vector<128xi32> to vector<128x1xi32>
    %and3A_273 = arith.constant 4095 : i32
    %and3A_274 = vector.broadcast %and3A_273 : i32 to vector<128x1xi32>
    %and3A_275 = arith.andi %broadcast_in_dim3A_272, %and3A_274 : vector<128x1xi32>
    %squeeze3A_276 = vector.shape_cast %and3A_275 : vector<128x1xi32> to vector<128xi32>
    %mul3A_277 = arith.constant 128 : i32
    %mul3A_278 = arith.muli %arg0, %mul3A_277 : i32
    %add3A_279 = vector.broadcast %mul3A_278 : i32 to vector<128xi32>
    %add3A_280 = arith.addi %squeeze3A_276, %add3A_279 : vector<128xi32>
    %swap3A_281 = arith.constant 12 : index
    %swap3A_282 = arith.constant 0 : index
    %swap3A_283 = vector.load %arg4[%swap3A_281, %swap3A_282] : memref<16x128xi32, #tpu.memory_space<vmem>>, vector<1x128xi32>
    %swap3A_284 = vector.shape_cast %swap3A_283 : vector<1x128xi32> to vector<128xi32>
    %swap3A_285 = vector.shape_cast %add3A_280 : vector<128xi32> to vector<1x128xi32>
    tpu.vector_store %arg4[%swap3A_281, %swap3A_282], %swap3A_285 {strides = array<i32>} : memref<16x128xi32, #tpu.memory_space<vmem>>, vector<1x128xi32>,
    %eq3A_286 = vector.broadcast %broadcast_in_dim3A_272 : vector<128x1xi32> to vector<128x128xi32>
    %eq3A_287 = arith.cmpi eq, %select_n3A_269, %eq3A_286 : vector<128x128xi32>
    %jit3A_288 = arith.constant 2147479679 : i32
    %broadcast_in_dim3A_289 = vector.broadcast %jit3A_288 : i32 to vector<128x128xi32>
    %select_n3A_290 = arith.select %eq3A_287, %broadcast_in_dim3A_289, %select_n3A_269 : vector<128x128xi1>, vector<128x128xi32>
    %reduce_min3A_291 = arith.constant dense<2147483647> : vector<128xi32>
    %reduce_min3A_292 = vector.multi_reduction <minsi>, %select_n3A_290, %reduce_min3A_291 [1] : vector<128x128xi32> to vector<128xi32>
    %broadcast_in_dim3A_293 = vector.shape_cast %reduce_min3A_292 : vector<128xi32> to vector<128x1xi32>
    %and3A_294 = arith.constant 4095 : i32
    %and3A_295 = vector.broadcast %and3A_294 : i32 to vector<128x1xi32>
    %and3A_296 = arith.andi %broadcast_in_dim3A_293, %and3A_295 : vector<128x1xi32>
    %squeeze3A_297 = vector.shape_cast %and3A_296 : vector<128x1xi32> to vector<128xi32>
    %mul3A_298 = arith.constant 128 : i32
    %mul3A_299 = arith.muli %arg0, %mul3A_298 : i32
    %add3A_300 = vector.broadcast %mul3A_299 : i32 to vector<128xi32>
    %add3A_301 = arith.addi %squeeze3A_297, %add3A_300 : vector<128xi32>
    %swap3A_302 = arith.constant 13 : index
    %swap3A_303 = arith.constant 0 : index
    %swap3A_304 = vector.load %arg4[%swap3A_302, %swap3A_303] : memref<16x128xi32, #tpu.memory_space<vmem>>, vector<1x128xi32>
    %swap3A_305 = vector.shape_cast %swap3A_304 : vector<1x128xi32> to vector<128xi32>
    %swap3A_306 = vector.shape_cast %add3A_301 : vector<128xi32> to vector<1x128xi32>
    tpu.vector_store %arg4[%swap3A_302, %swap3A_303], %swap3A_306 {strides = array<i32>} : memref<16x128xi32, #tpu.memory_space<vmem>>, vector<1x128xi32>,
    %eq3A_307 = vector.broadcast %broadcast_in_dim3A_293 : vector<128x1xi32> to vector<128x128xi32>
    %eq3A_308 = arith.cmpi eq, %select_n3A_290, %eq3A_307 : vector<128x128xi32>
    %jit3A_309 = arith.constant 2147479679 : i32
    %broadcast_in_dim3A_310 = vector.broadcast %jit3A_309 : i32 to vector<128x128xi32>
    %select_n3A_311 = arith.select %eq3A_308, %broadcast_in_dim3A_310, %select_n3A_290 : vector<128x128xi1>, vector<128x128xi32>
    %reduce_min3A_312 = arith.constant dense<2147483647> : vector<128xi32>
    %reduce_min3A_313 = vector.multi_reduction <minsi>, %select_n3A_311, %reduce_min3A_312 [1] : vector<128x128xi32> to vector<128xi32>
    %broadcast_in_dim3A_314 = vector.shape_cast %reduce_min3A_313 : vector<128xi32> to vector<128x1xi32>
    %and3A_315 = arith.constant 4095 : i32
    %and3A_316 = vector.broadcast %and3A_315 : i32 to vector<128x1xi32>
    %and3A_317 = arith.andi %broadcast_in_dim3A_314, %and3A_316 : vector<128x1xi32>
    %squeeze3A_318 = vector.shape_cast %and3A_317 : vector<128x1xi32> to vector<128xi32>
    %mul3A_319 = arith.constant 128 : i32
    %mul3A_320 = arith.muli %arg0, %mul3A_319 : i32
    %add3A_321 = vector.broadcast %mul3A_320 : i32 to vector<128xi32>
    %add3A_322 = arith.addi %squeeze3A_318, %add3A_321 : vector<128xi32>
    %swap3A_323 = arith.constant 14 : index
    %swap3A_324 = arith.constant 0 : index
    %swap3A_325 = vector.load %arg4[%swap3A_323, %swap3A_324] : memref<16x128xi32, #tpu.memory_space<vmem>>, vector<1x128xi32>
    %swap3A_326 = vector.shape_cast %swap3A_325 : vector<1x128xi32> to vector<128xi32>
    %swap3A_327 = vector.shape_cast %add3A_322 : vector<128xi32> to vector<1x128xi32>
    tpu.vector_store %arg4[%swap3A_323, %swap3A_324], %swap3A_327 {strides = array<i32>} : memref<16x128xi32, #tpu.memory_space<vmem>>, vector<1x128xi32>,
    %eq3A_328 = vector.broadcast %broadcast_in_dim3A_314 : vector<128x1xi32> to vector<128x128xi32>
    %eq3A_329 = arith.cmpi eq, %select_n3A_311, %eq3A_328 : vector<128x128xi32>
    %jit3A_330 = arith.constant 2147479679 : i32
    %broadcast_in_dim3A_331 = vector.broadcast %jit3A_330 : i32 to vector<128x128xi32>
    %select_n3A_332 = arith.select %eq3A_329, %broadcast_in_dim3A_331, %select_n3A_311 : vector<128x128xi1>, vector<128x128xi32>
    %reduce_min3A_333 = arith.constant dense<2147483647> : vector<128xi32>
    %reduce_min3A_334 = vector.multi_reduction <minsi>, %select_n3A_332, %reduce_min3A_333 [1] : vector<128x128xi32> to vector<128xi32>
    %broadcast_in_dim3A_335 = vector.shape_cast %reduce_min3A_334 : vector<128xi32> to vector<128x1xi32>
    %and3A_336 = arith.constant 4095 : i32
    %and3A_337 = vector.broadcast %and3A_336 : i32 to vector<128x1xi32>
    %and3A_338 = arith.andi %broadcast_in_dim3A_335, %and3A_337 : vector<128x1xi32>
    %squeeze3A_339 = vector.shape_cast %and3A_338 : vector<128x1xi32> to vector<128xi32>
    %mul3A_340 = arith.constant 128 : i32
    %mul3A_341 = arith.muli %arg0, %mul3A_340 : i32
    %add3A_342 = vector.broadcast %mul3A_341 : i32 to vector<128xi32>
    %add3A_343 = arith.addi %squeeze3A_339, %add3A_342 : vector<128xi32>
    %swap3A_344 = arith.constant 15 : index
    %swap3A_345 = arith.constant 0 : index
    %swap3A_346 = vector.load %arg4[%swap3A_344, %swap3A_345] : memref<16x128xi32, #tpu.memory_space<vmem>>, vector<1x128xi32>
    %swap3A_347 = vector.shape_cast %swap3A_346 : vector<1x128xi32> to vector<128xi32>
    %swap3A_348 = vector.shape_cast %add3A_343 : vector<128xi32> to vector<1x128xi32>
    tpu.vector_store %arg4[%swap3A_344, %swap3A_345], %swap3A_348 {strides = array<i32>} : memref<16x128xi32, #tpu.memory_space<vmem>>, vector<1x128xi32>,
    return
  }
  func.func @transform_0(%arg0: i32, %arg1: i32) -> (i32, i32, i32) {
    %c0_i32 = arith.constant 0 : i32
    %c0_i32_0 = arith.constant 0 : i32
    return %arg0, %arg1, %c0_i32 : i32, i32, i32
  }
  func.func @transform_1(%arg0: i32, %arg1: i32) -> (i32, i32, i32) {
    %c0_i32 = arith.constant 0 : i32
    %c0_i32_0 = arith.constant 0 : i32
    %c0_i32_1 = arith.constant 0 : i32
    return %arg0, %c0_i32, %c0_i32_0 : i32, i32, i32
  }
  func.func @transform_2(%arg0: i32, %arg1: i32) -> (i32, i32) {
    %mul3A = arith.constant 1 : i32
    %mul3A_0 = arith.muli %arg0, %mul3A : i32
    %add3A = arith.addi %mul3A_0, %arg1 : i32
    %c0_i32 = arith.constant 0 : i32
    %c0_i32_1 = arith.constant 0 : i32
    return %c0_i32, %add3A : i32, i32
  }
  func.func @transform_3(%arg0: i32, %arg1: i32) -> (i32, i32, i32) {
    %c0_i32 = arith.constant 0 : i32
    %c0_i32_0 = arith.constant 0 : i32
    return %arg0, %arg1, %c0_i32 : i32, i32, i32
  }
}

module attributes {stable_mosaic.version = 14 : i64} {
  func.func @_lin2_body(%arg0: i32, %arg1: memref<512x128xf32, #tpu.memory_space<vmem>>, %arg2: memref<128x128xf32, #tpu.memory_space<vmem>>, %arg3: memref<128x128xf32, #tpu.memory_space<vmem>>, %arg4: memref<512x128xf32, #tpu.memory_space<vmem>>, %arg5: memref<512x128xf32, #tpu.memory_space<vmem>>) attributes {dimension_semantics = [#tpu.dimension_semantics<arbitrary>], iteration_bounds = array<i64: 1>, scalar_prefetch = 0 : i64, scratch_operands = 0 : i64, tpu.core_type = #tpu.core_type<tc>, window_params = [{transform_indices = @transform_0, window_bounds = array<i64: 512, 128>}, {pipeline_mode = #tpu.pipeline_mode<synchronous>, transform_indices = @transform_1, window_bounds = array<i64: 128, 128>}, {pipeline_mode = #tpu.pipeline_mode<synchronous>, transform_indices = @transform_2, window_bounds = array<i64: 128, 128>}, {transform_indices = @transform_3, window_bounds = array<i64: 512, 128>}, {transform_indices = @transform_4, window_bounds = array<i64: 512, 128>}]} {
    %get3A = arith.constant 0 : index
    %get3A_0 = arith.constant 0 : index
    %get3A_1 = vector.load %arg1[%get3A, %get3A_0] : memref<512x128xf32, #tpu.memory_space<vmem>>, vector<512x128xf32>
    %get3A_2 = arith.constant 0 : index
    %get3A_3 = arith.constant 0 : index
    %get3A_4 = vector.load %arg2[%get3A_2, %get3A_3] : memref<128x128xf32, #tpu.memory_space<vmem>>, vector<128x128xf32>
    %dot_general3A = arith.constant dense<0.000000e+00> : vector<512x128xf32>
    %dot_general3A_5 = tpu.matmul %get3A_1, %get3A_4, %dot_general3A {dimension_numbers = #tpu.dot_dimension_numbers<[1], [0], [0], [1], [0, 0, 1, 1], [], []>, transpose_lhs_hint = false} : vector<512x128xf32>, vector<128x128xf32>, vector<512x128xf32> -> vector<512x128xf32>
    %swap3A = arith.constant 0 : index
    %swap3A_6 = arith.constant 0 : index
    %swap3A_7 = vector.load %arg4[%swap3A, %swap3A_6] : memref<512x128xf32, #tpu.memory_space<vmem>>, vector<512x128xf32>
    tpu.vector_store %arg4[%swap3A, %swap3A_6], %dot_general3A_5 {strides = array<i32>} : memref<512x128xf32, #tpu.memory_space<vmem>>, vector<512x128xf32>,
    %get3A_8 = arith.constant 0 : index
    %get3A_9 = arith.constant 0 : index
    %get3A_10 = vector.load %arg3[%get3A_8, %get3A_9] : memref<128x128xf32, #tpu.memory_space<vmem>>, vector<128x128xf32>
    %dot_general3A_11 = arith.constant dense<0.000000e+00> : vector<512x128xf32>
    %dot_general3A_12 = tpu.matmul %get3A_1, %get3A_10, %dot_general3A_11 {dimension_numbers = #tpu.dot_dimension_numbers<[1], [0], [0], [1], [0, 0, 1, 1], [], []>, transpose_lhs_hint = false} : vector<512x128xf32>, vector<128x128xf32>, vector<512x128xf32> -> vector<512x128xf32>
    %swap3A_13 = arith.constant 0 : index
    %swap3A_14 = arith.constant 0 : index
    %swap3A_15 = vector.load %arg5[%swap3A_13, %swap3A_14] : memref<512x128xf32, #tpu.memory_space<vmem>>, vector<512x128xf32>
    tpu.vector_store %arg5[%swap3A_13, %swap3A_14], %dot_general3A_12 {strides = array<i32>} : memref<512x128xf32, #tpu.memory_space<vmem>>, vector<512x128xf32>,
    return
  }
  func.func @transform_0(%arg0: i32) -> (i32, i32) {
    %c0_i32 = arith.constant 0 : i32
    %c0_i32_0 = arith.constant 0 : i32
    return %arg0, %c0_i32 : i32, i32
  }
  func.func @transform_1(%arg0: i32) -> (i32, i32) {
    %c0_i32 = arith.constant 0 : i32
    %c0_i32_0 = arith.constant 0 : i32
    %c0_i32_1 = arith.constant 0 : i32
    return %c0_i32, %c0_i32_0 : i32, i32
  }
  func.func @transform_2(%arg0: i32) -> (i32, i32) {
    %c0_i32 = arith.constant 0 : i32
    %c0_i32_0 = arith.constant 0 : i32
    %c0_i32_1 = arith.constant 0 : i32
    return %c0_i32, %c0_i32_0 : i32, i32
  }
  func.func @transform_3(%arg0: i32) -> (i32, i32) {
    %c0_i32 = arith.constant 0 : i32
    %c0_i32_0 = arith.constant 0 : i32
    return %arg0, %c0_i32 : i32, i32
  }
  func.func @transform_4(%arg0: i32) -> (i32, i32) {
    %c0_i32 = arith.constant 0 : i32
    %c0_i32_0 = arith.constant 0 : i32
    return %arg0, %c0_i32 : i32, i32
  }
}

module attributes {stable_mosaic.version = 14 : i64} {
  func.func @_knn_body(%arg0: i32, %arg1: i32, %arg2: memref<1x512x4xf32, #tpu.memory_space<vmem>>, %arg3: memref<1x8x128xf32, #tpu.memory_space<vmem>>, %arg4: memref<3x512xi32, #tpu.memory_space<vmem>>, %arg5: memref<1x512x3xf32, #tpu.memory_space<vmem>>) attributes {dimension_semantics = [#tpu.dimension_semantics<arbitrary>, #tpu.dimension_semantics<arbitrary>], iteration_bounds = array<i64: 4, 1>, scalar_prefetch = 0 : i64, scratch_operands = 0 : i64, tpu.core_type = #tpu.core_type<tc>, window_params = [{transform_indices = @transform_0, window_bounds = array<i64: 1, 512, 4>}, {transform_indices = @transform_1, window_bounds = array<i64: 1, 8, 128>}, {transform_indices = @transform_2, window_bounds = array<i64: 3, 512>}, {transform_indices = @transform_3, window_bounds = array<i64: 1, 512, 3>}]} {
    %get3A = arith.constant 0 : index
    %get3A_0 = arith.constant 0 : index
    %get3A_1 = arith.constant 0 : index
    %get3A_2 = vector.load %arg2[%get3A, %get3A_0, %get3A_1] : memref<1x512x4xf32, #tpu.memory_space<vmem>>, vector<1x512x4xf32>
    %get3A_3 = vector.shape_cast %get3A_2 : vector<1x512x4xf32> to vector<512x4xf32>
    %get3A_4 = arith.constant 0 : index
    %get3A_5 = arith.constant 0 : index
    %get3A_6 = arith.constant 0 : index
    %get3A_7 = vector.load %arg3[%get3A_4, %get3A_5, %get3A_6] : memref<1x8x128xf32, #tpu.memory_space<vmem>>, vector<1x8x128xf32>
    %get3A_8 = vector.shape_cast %get3A_7 : vector<1x8x128xf32> to vector<8x128xf32>
    %slice3A = vector.extract_strided_slice %get3A_8 {offsets = [0, 0], sizes = [4, 128], strides = [1, 1]} : vector<8x128xf32> to vector<4x128xf32>
    %mul3A = arith.mulf %get3A_3, %get3A_3 : vector<512x4xf32>
    %reduce_sum3A = arith.constant dense<0.000000e+00> : vector<512xf32>
    %reduce_sum3A_9 = vector.multi_reduction <add>, %mul3A, %reduce_sum3A [1] : vector<512x4xf32> to vector<512xf32>
    %broadcast_in_dim3A = vector.shape_cast %reduce_sum3A_9 : vector<512xf32> to vector<512x1xf32>
    %mul3A_10 = arith.mulf %slice3A, %slice3A : vector<4x128xf32>
    %reduce_sum3A_11 = arith.constant dense<0.000000e+00> : vector<128xf32>
    %reduce_sum3A_12 = vector.multi_reduction <add>, %mul3A_10, %reduce_sum3A_11 [0] : vector<4x128xf32> to vector<128xf32>
    %broadcast_in_dim3A_13 = vector.shape_cast %reduce_sum3A_12 : vector<128xf32> to vector<1x128xf32>
    %dot_general3A = arith.constant dense<0.000000e+00> : vector<512x128xf32>
    %dot_general3A_14 = tpu.matmul %get3A_3, %slice3A, %dot_general3A {dimension_numbers = #tpu.dot_dimension_numbers<[1], [0], [0], [1], [0, 0, 1, 1], [], []>, transpose_lhs_hint = false} : vector<512x4xf32>, vector<4x128xf32>, vector<512x128xf32> -> vector<512x128xf32>
    %add3A = vector.broadcast %broadcast_in_dim3A : vector<512x1xf32> to vector<512x128xf32>
    %add3A_15 = vector.broadcast %broadcast_in_dim3A_13 : vector<1x128xf32> to vector<512x128xf32>
    %add3A_16 = arith.addf %add3A, %add3A_15 : vector<512x128xf32>
    %mul3A_17 = arith.constant 2.000000e+00 : f32
    %mul3A_18 = vector.broadcast %mul3A_17 : f32 to vector<512x128xf32>
    %mul3A_19 = arith.mulf %mul3A_18, %dot_general3A_14 : vector<512x128xf32>
    %sub3A = arith.subf %add3A_16, %mul3A_19 : vector<512x128xf32>
    %max3A = arith.constant 0.000000e+00 : f32
    %max3A_20 = vector.broadcast %max3A : f32 to vector<512x128xf32>
    %max3A_21 = arith.maximumf %sub3A, %max3A_20 : vector<512x128xf32>
    %iota3A = tpu.iota {dimensions = array<i32: 1>} : vector<512x128xi32>
    %bitcast_convert_type3A = tpu.bitcast %max3A_21 : vector<512x128xf32> -> vector<512x128xi32>
    %and3A = arith.constant -4096 : i32
    %and3A_22 = vector.broadcast %and3A : i32 to vector<512x128xi32>
    %and3A_23 = arith.andi %bitcast_convert_type3A, %and3A_22 : vector<512x128xi32>
    %or3A = arith.ori %and3A_23, %iota3A : vector<512x128xi32>
    %reduce_min3A = arith.constant dense<2147483647> : vector<512xi32>
    %reduce_min3A_24 = vector.multi_reduction <minsi>, %or3A, %reduce_min3A [1] : vector<512x128xi32> to vector<512xi32>
    %broadcast_in_dim3A_25 = vector.shape_cast %reduce_min3A_24 : vector<512xi32> to vector<512x1xi32>
    %and3A_26 = arith.constant 4095 : i32
    %and3A_27 = vector.broadcast %and3A_26 : i32 to vector<512x1xi32>
    %and3A_28 = arith.andi %broadcast_in_dim3A_25, %and3A_27 : vector<512x1xi32>
    %squeeze3A = vector.shape_cast %and3A_28 : vector<512x1xi32> to vector<512xi32>
    %mul3A_29 = arith.constant 128 : i32
    %mul3A_30 = arith.muli %arg0, %mul3A_29 : i32
    %add3A_31 = vector.broadcast %mul3A_30 : i32 to vector<512xi32>
    %add3A_32 = arith.addi %squeeze3A, %add3A_31 : vector<512xi32>
    %swap3A = arith.constant 0 : index
    %swap3A_33 = arith.constant 0 : index
    %swap3A_34 = vector.load %arg4[%swap3A, %swap3A_33] : memref<3x512xi32, #tpu.memory_space<vmem>>, vector<1x512xi32>
    %swap3A_35 = vector.shape_cast %swap3A_34 : vector<1x512xi32> to vector<512xi32>
    %swap3A_36 = vector.shape_cast %add3A_32 : vector<512xi32> to vector<1x512xi32>
    tpu.vector_store %arg4[%swap3A, %swap3A_33], %swap3A_36 {strides = array<i32>} : memref<3x512xi32, #tpu.memory_space<vmem>>, vector<1x512xi32>,
    %eq3A = vector.broadcast %broadcast_in_dim3A_25 : vector<512x1xi32> to vector<512x128xi32>
    %eq3A_37 = arith.cmpi eq, %or3A, %eq3A : vector<512x128xi32>
    %jit3A = arith.constant 2147479679 : i32
    %broadcast_in_dim3A_38 = vector.broadcast %jit3A : i32 to vector<512x128xi32>
    %select_n3A = arith.select %eq3A_37, %broadcast_in_dim3A_38, %or3A : vector<512x128xi1>, vector<512x128xi32>
    %and3A_39 = arith.constant -4096 : i32
    %and3A_40 = vector.broadcast %and3A_39 : i32 to vector<512x1xi32>
    %and3A_41 = arith.andi %broadcast_in_dim3A_25, %and3A_40 : vector<512x1xi32>
    %bitcast_convert_type3A_42 = tpu.bitcast %and3A_41 : vector<512x1xi32> -> vector<512x1xf32>
    %add3A_43 = arith.constant 9.99999996E-13 : f32
    %add3A_44 = vector.broadcast %add3A_43 : f32 to vector<512x1xf32>
    %add3A_45 = arith.addf %bitcast_convert_type3A_42, %add3A_44 : vector<512x1xf32>
    %sqrt3A = math.sqrt %add3A_45 : vector<512x1xf32>
    %add3A_46 = arith.constant 9.99999993E-9 : f32
    %add3A_47 = vector.broadcast %add3A_46 : f32 to vector<512x1xf32>
    %add3A_48 = arith.addf %sqrt3A, %add3A_47 : vector<512x1xf32>
    %div3A = arith.constant 1.000000e+00 : f32
    %div3A_49 = vector.broadcast %div3A : f32 to vector<512x1xf32>
    %div3A_50 = arith.divf %div3A_49, %add3A_48 : vector<512x1xf32>
    %squeeze3A_51 = vector.shape_cast %div3A_50 : vector<512x1xf32> to vector<512xf32>
    %swap3A_52 = arith.constant 0 : index
    %swap3A_53 = arith.constant 0 : index
    %swap3A_54 = arith.constant 0 : index
    %swap3A_55 = vector.load %arg5[%swap3A_52, %swap3A_53, %swap3A_54] : memref<1x512x3xf32, #tpu.memory_space<vmem>>, vector<1x512x1xf32>
    %swap3A_56 = vector.shape_cast %swap3A_55 : vector<1x512x1xf32> to vector<512xf32>
    %swap3A_57 = vector.shape_cast %squeeze3A_51 : vector<512xf32> to vector<1x512x1xf32>
    tpu.vector_store %arg5[%swap3A_52, %swap3A_53, %swap3A_54], %swap3A_57 {strides = array<i32>} : memref<1x512x3xf32, #tpu.memory_space<vmem>>, vector<1x512x1xf32>,
    %reduce_min3A_58 = arith.constant dense<2147483647> : vector<512xi32>
    %reduce_min3A_59 = vector.multi_reduction <minsi>, %select_n3A, %reduce_min3A_58 [1] : vector<512x128xi32> to vector<512xi32>
    %broadcast_in_dim3A_60 = vector.shape_cast %reduce_min3A_59 : vector<512xi32> to vector<512x1xi32>
    %and3A_61 = arith.constant 4095 : i32
    %and3A_62 = vector.broadcast %and3A_61 : i32 to vector<512x1xi32>
    %and3A_63 = arith.andi %broadcast_in_dim3A_60, %and3A_62 : vector<512x1xi32>
    %squeeze3A_64 = vector.shape_cast %and3A_63 : vector<512x1xi32> to vector<512xi32>
    %mul3A_65 = arith.constant 128 : i32
    %mul3A_66 = arith.muli %arg0, %mul3A_65 : i32
    %add3A_67 = vector.broadcast %mul3A_66 : i32 to vector<512xi32>
    %add3A_68 = arith.addi %squeeze3A_64, %add3A_67 : vector<512xi32>
    %swap3A_69 = arith.constant 1 : index
    %swap3A_70 = arith.constant 0 : index
    %swap3A_71 = vector.load %arg4[%swap3A_69, %swap3A_70] : memref<3x512xi32, #tpu.memory_space<vmem>>, vector<1x512xi32>
    %swap3A_72 = vector.shape_cast %swap3A_71 : vector<1x512xi32> to vector<512xi32>
    %swap3A_73 = vector.shape_cast %add3A_68 : vector<512xi32> to vector<1x512xi32>
    tpu.vector_store %arg4[%swap3A_69, %swap3A_70], %swap3A_73 {strides = array<i32>} : memref<3x512xi32, #tpu.memory_space<vmem>>, vector<1x512xi32>,
    %eq3A_74 = vector.broadcast %broadcast_in_dim3A_60 : vector<512x1xi32> to vector<512x128xi32>
    %eq3A_75 = arith.cmpi eq, %select_n3A, %eq3A_74 : vector<512x128xi32>
    %jit3A_76 = arith.constant 2147479679 : i32
    %broadcast_in_dim3A_77 = vector.broadcast %jit3A_76 : i32 to vector<512x128xi32>
    %select_n3A_78 = arith.select %eq3A_75, %broadcast_in_dim3A_77, %select_n3A : vector<512x128xi1>, vector<512x128xi32>
    %and3A_79 = arith.constant -4096 : i32
    %and3A_80 = vector.broadcast %and3A_79 : i32 to vector<512x1xi32>
    %and3A_81 = arith.andi %broadcast_in_dim3A_60, %and3A_80 : vector<512x1xi32>
    %bitcast_convert_type3A_82 = tpu.bitcast %and3A_81 : vector<512x1xi32> -> vector<512x1xf32>
    %add3A_83 = arith.constant 9.99999996E-13 : f32
    %add3A_84 = vector.broadcast %add3A_83 : f32 to vector<512x1xf32>
    %add3A_85 = arith.addf %bitcast_convert_type3A_82, %add3A_84 : vector<512x1xf32>
    %sqrt3A_86 = math.sqrt %add3A_85 : vector<512x1xf32>
    %add3A_87 = arith.constant 9.99999993E-9 : f32
    %add3A_88 = vector.broadcast %add3A_87 : f32 to vector<512x1xf32>
    %add3A_89 = arith.addf %sqrt3A_86, %add3A_88 : vector<512x1xf32>
    %div3A_90 = arith.constant 1.000000e+00 : f32
    %div3A_91 = vector.broadcast %div3A_90 : f32 to vector<512x1xf32>
    %div3A_92 = arith.divf %div3A_91, %add3A_89 : vector<512x1xf32>
    %squeeze3A_93 = vector.shape_cast %div3A_92 : vector<512x1xf32> to vector<512xf32>
    %swap3A_94 = arith.constant 0 : index
    %swap3A_95 = arith.constant 0 : index
    %swap3A_96 = arith.constant 1 : index
    %swap3A_97 = vector.load %arg5[%swap3A_94, %swap3A_95, %swap3A_96] : memref<1x512x3xf32, #tpu.memory_space<vmem>>, vector<1x512x1xf32>
    %swap3A_98 = vector.shape_cast %swap3A_97 : vector<1x512x1xf32> to vector<512xf32>
    %swap3A_99 = vector.shape_cast %squeeze3A_93 : vector<512xf32> to vector<1x512x1xf32>
    tpu.vector_store %arg5[%swap3A_94, %swap3A_95, %swap3A_96], %swap3A_99 {strides = array<i32>} : memref<1x512x3xf32, #tpu.memory_space<vmem>>, vector<1x512x1xf32>,
    %reduce_min3A_100 = arith.constant dense<2147483647> : vector<512xi32>
    %reduce_min3A_101 = vector.multi_reduction <minsi>, %select_n3A_78, %reduce_min3A_100 [1] : vector<512x128xi32> to vector<512xi32>
    %broadcast_in_dim3A_102 = vector.shape_cast %reduce_min3A_101 : vector<512xi32> to vector<512x1xi32>
    %and3A_103 = arith.constant 4095 : i32
    %and3A_104 = vector.broadcast %and3A_103 : i32 to vector<512x1xi32>
    %and3A_105 = arith.andi %broadcast_in_dim3A_102, %and3A_104 : vector<512x1xi32>
    %squeeze3A_106 = vector.shape_cast %and3A_105 : vector<512x1xi32> to vector<512xi32>
    %mul3A_107 = arith.constant 128 : i32
    %mul3A_108 = arith.muli %arg0, %mul3A_107 : i32
    %add3A_109 = vector.broadcast %mul3A_108 : i32 to vector<512xi32>
    %add3A_110 = arith.addi %squeeze3A_106, %add3A_109 : vector<512xi32>
    %swap3A_111 = arith.constant 2 : index
    %swap3A_112 = arith.constant 0 : index
    %swap3A_113 = vector.load %arg4[%swap3A_111, %swap3A_112] : memref<3x512xi32, #tpu.memory_space<vmem>>, vector<1x512xi32>
    %swap3A_114 = vector.shape_cast %swap3A_113 : vector<1x512xi32> to vector<512xi32>
    %swap3A_115 = vector.shape_cast %add3A_110 : vector<512xi32> to vector<1x512xi32>
    tpu.vector_store %arg4[%swap3A_111, %swap3A_112], %swap3A_115 {strides = array<i32>} : memref<3x512xi32, #tpu.memory_space<vmem>>, vector<1x512xi32>,
    %and3A_116 = arith.constant -4096 : i32
    %and3A_117 = vector.broadcast %and3A_116 : i32 to vector<512x1xi32>
    %and3A_118 = arith.andi %broadcast_in_dim3A_102, %and3A_117 : vector<512x1xi32>
    %bitcast_convert_type3A_119 = tpu.bitcast %and3A_118 : vector<512x1xi32> -> vector<512x1xf32>
    %add3A_120 = arith.constant 9.99999996E-13 : f32
    %add3A_121 = vector.broadcast %add3A_120 : f32 to vector<512x1xf32>
    %add3A_122 = arith.addf %bitcast_convert_type3A_119, %add3A_121 : vector<512x1xf32>
    %sqrt3A_123 = math.sqrt %add3A_122 : vector<512x1xf32>
    %add3A_124 = arith.constant 9.99999993E-9 : f32
    %add3A_125 = vector.broadcast %add3A_124 : f32 to vector<512x1xf32>
    %add3A_126 = arith.addf %sqrt3A_123, %add3A_125 : vector<512x1xf32>
    %div3A_127 = arith.constant 1.000000e+00 : f32
    %div3A_128 = vector.broadcast %div3A_127 : f32 to vector<512x1xf32>
    %div3A_129 = arith.divf %div3A_128, %add3A_126 : vector<512x1xf32>
    %squeeze3A_130 = vector.shape_cast %div3A_129 : vector<512x1xf32> to vector<512xf32>
    %swap3A_131 = arith.constant 0 : index
    %swap3A_132 = arith.constant 0 : index
    %swap3A_133 = arith.constant 2 : index
    %swap3A_134 = vector.load %arg5[%swap3A_131, %swap3A_132, %swap3A_133] : memref<1x512x3xf32, #tpu.memory_space<vmem>>, vector<1x512x1xf32>
    %swap3A_135 = vector.shape_cast %swap3A_134 : vector<1x512x1xf32> to vector<512xf32>
    %swap3A_136 = vector.shape_cast %squeeze3A_130 : vector<512xf32> to vector<1x512x1xf32>
    tpu.vector_store %arg5[%swap3A_131, %swap3A_132, %swap3A_133], %swap3A_136 {strides = array<i32>} : memref<1x512x3xf32, #tpu.memory_space<vmem>>, vector<1x512x1xf32>,
    return
  }
  func.func @transform_0(%arg0: i32, %arg1: i32) -> (i32, i32, i32) {
    %c0_i32 = arith.constant 0 : i32
    %c0_i32_0 = arith.constant 0 : i32
    return %arg0, %arg1, %c0_i32 : i32, i32, i32
  }
  func.func @transform_1(%arg0: i32, %arg1: i32) -> (i32, i32, i32) {
    %c0_i32 = arith.constant 0 : i32
    %c0_i32_0 = arith.constant 0 : i32
    %c0_i32_1 = arith.constant 0 : i32
    return %arg0, %c0_i32, %c0_i32_0 : i32, i32, i32
  }
  func.func @transform_2(%arg0: i32, %arg1: i32) -> (i32, i32) {
    %mul3A = arith.constant 1 : i32
    %mul3A_0 = arith.muli %arg0, %mul3A : i32
    %add3A = arith.addi %mul3A_0, %arg1 : i32
    %c0_i32 = arith.constant 0 : i32
    %c0_i32_1 = arith.constant 0 : i32
    return %c0_i32, %add3A : i32, i32
  }
  func.func @transform_3(%arg0: i32, %arg1: i32) -> (i32, i32, i32) {
    %c0_i32 = arith.constant 0 : i32
    %c0_i32_0 = arith.constant 0 : i32
    return %arg0, %arg1, %c0_i32 : i32, i32, i32
  }
}

module attributes {stable_mosaic.version = 14 : i64} {
  func.func @_edge_body(%arg0: i32, %arg1: i32, %arg2: memref<512x128xf32, #tpu.memory_space<vmem>>, %arg3: memref<1x512x128xf32, #tpu.memory_space<vmem>>, %arg4: memref<128x128xf32, #tpu.memory_space<vmem>>, %arg5: memref<512x128xf32, #tpu.memory_space<vmem>>) attributes {dimension_semantics = [#tpu.dimension_semantics<arbitrary>, #tpu.dimension_semantics<arbitrary>], iteration_bounds = array<i64: 1, 16>, scalar_prefetch = 0 : i64, scratch_operands = 0 : i64, tpu.core_type = #tpu.core_type<tc>, window_params = [{transform_indices = @transform_0, window_bounds = array<i64: 512, 128>}, {transform_indices = @transform_1, window_bounds = array<i64: 1, 512, 128>}, {pipeline_mode = #tpu.pipeline_mode<synchronous>, transform_indices = @transform_2, window_bounds = array<i64: 128, 128>}, {transform_indices = @transform_3, window_bounds = array<i64: 512, 128>}]} {
    %get3A = arith.constant 0 : index
    %get3A_0 = arith.constant 0 : index
    %get3A_1 = vector.load %arg2[%get3A, %get3A_0] : memref<512x128xf32, #tpu.memory_space<vmem>>, vector<512x128xf32>
    %get3A_2 = arith.constant 0 : index
    %get3A_3 = arith.constant 0 : index
    %get3A_4 = arith.constant 0 : index
    %get3A_5 = vector.load %arg3[%get3A_2, %get3A_3, %get3A_4] : memref<1x512x128xf32, #tpu.memory_space<vmem>>, vector<1x512x128xf32>
    %get3A_6 = vector.shape_cast %get3A_5 : vector<1x512x128xf32> to vector<512x128xf32>
    %add3A = arith.addf %get3A_1, %get3A_6 : vector<512x128xf32>
    %max3A = arith.constant 0.000000e+00 : f32
    %max3A_7 = vector.broadcast %max3A : f32 to vector<512x128xf32>
    %max3A_8 = arith.maximumf %add3A, %max3A_7 : vector<512x128xf32>
    %get3A_9 = arith.constant 0 : index
    %get3A_10 = arith.constant 0 : index
    %get3A_11 = vector.load %arg4[%get3A_9, %get3A_10] : memref<128x128xf32, #tpu.memory_space<vmem>>, vector<128x128xf32>
    %dot_general3A = arith.constant dense<0.000000e+00> : vector<512x128xf32>
    %dot_general3A_12 = tpu.matmul %max3A_8, %get3A_11, %dot_general3A {dimension_numbers = #tpu.dot_dimension_numbers<[1], [0], [0], [1], [0, 0, 1, 1], [], []>, transpose_lhs_hint = false} : vector<512x128xf32>, vector<128x128xf32>, vector<512x128xf32> -> vector<512x128xf32>
    %max3A_13 = arith.constant 0.000000e+00 : f32
    %max3A_14 = vector.broadcast %max3A_13 : f32 to vector<512x128xf32>
    %max3A_15 = arith.maximumf %dot_general3A_12, %max3A_14 : vector<512x128xf32>
    %eq3A = arith.constant 0 : i32
    %eq3A_16 = arith.cmpi eq, %arg1, %eq3A : i32
    %convert_element_type3A = arith.extui %eq3A_16 : i1 to i32
    %cond3A = arith.constant 0 : i32
    %cond3A_17 = arith.cmpi ne, %convert_element_type3A, %cond3A : i32
    scf.if %cond3A_17 {
      %swap3A = arith.constant 0 : index
      %swap3A_22 = arith.constant 0 : index
      %swap3A_23 = vector.load %arg5[%swap3A, %swap3A_22] : memref<512x128xf32, #tpu.memory_space<vmem>>, vector<512x128xf32>
      tpu.vector_store %arg5[%swap3A, %swap3A_22], %max3A_15 {strides = array<i32>} : memref<512x128xf32, #tpu.memory_space<vmem>>, vector<512x128xf32>,
    } else {
    }
    %gt3A = arith.constant 0 : i32
    %gt3A_18 = arith.cmpi sgt, %arg1, %gt3A : i32
    %convert_element_type3A_19 = arith.extui %gt3A_18 : i1 to i32
    %cond3A_20 = arith.constant 0 : i32
    %cond3A_21 = arith.cmpi ne, %convert_element_type3A_19, %cond3A_20 : i32
    scf.if %cond3A_21 {
      %get3A_22 = arith.constant 0 : index
      %get3A_23 = arith.constant 0 : index
      %get3A_24 = vector.load %arg5[%get3A_22, %get3A_23] : memref<512x128xf32, #tpu.memory_space<vmem>>, vector<512x128xf32>
      %max3A_25 = arith.maximumf %get3A_24, %max3A_15 : vector<512x128xf32>
      %swap3A = arith.constant 0 : index
      %swap3A_26 = arith.constant 0 : index
      %swap3A_27 = vector.load %arg5[%swap3A, %swap3A_26] : memref<512x128xf32, #tpu.memory_space<vmem>>, vector<512x128xf32>
      tpu.vector_store %arg5[%swap3A, %swap3A_26], %max3A_25 {strides = array<i32>} : memref<512x128xf32, #tpu.memory_space<vmem>>, vector<512x128xf32>,
    } else {
    }
    return
  }
  func.func @transform_0(%arg0: i32, %arg1: i32) -> (i32, i32) {
    %c0_i32 = arith.constant 0 : i32
    %c0_i32_0 = arith.constant 0 : i32
    return %arg0, %c0_i32 : i32, i32
  }
  func.func @transform_1(%arg0: i32, %arg1: i32) -> (i32, i32, i32) {
    %c0_i32 = arith.constant 0 : i32
    %c0_i32_0 = arith.constant 0 : i32
    return %arg1, %arg0, %c0_i32 : i32, i32, i32
  }
  func.func @transform_2(%arg0: i32, %arg1: i32) -> (i32, i32) {
    %c0_i32 = arith.constant 0 : i32
    %c0_i32_0 = arith.constant 0 : i32
    %c0_i32_1 = arith.constant 0 : i32
    return %c0_i32, %c0_i32_0 : i32, i32
  }
  func.func @transform_3(%arg0: i32, %arg1: i32) -> (i32, i32) {
    %c0_i32 = arith.constant 0 : i32
    %c0_i32_0 = arith.constant 0 : i32
    return %arg0, %c0_i32 : i32, i32
  }
}

module attributes {stable_mosaic.version = 14 : i64} {
  func.func @_lin_body(%arg0: i32, %arg1: memref<512x128xf32, #tpu.memory_space<vmem>>, %arg2: memref<128x128xf32, #tpu.memory_space<vmem>>, %arg3: memref<512x128xf32, #tpu.memory_space<vmem>>) attributes {dimension_semantics = [#tpu.dimension_semantics<arbitrary>], iteration_bounds = array<i64: 1>, scalar_prefetch = 0 : i64, scratch_operands = 0 : i64, tpu.core_type = #tpu.core_type<tc>, window_params = [{transform_indices = @transform_0, window_bounds = array<i64: 512, 128>}, {pipeline_mode = #tpu.pipeline_mode<synchronous>, transform_indices = @transform_1, window_bounds = array<i64: 128, 128>}, {transform_indices = @transform_2, window_bounds = array<i64: 512, 128>}]} {
    %get3A = arith.constant 0 : index
    %get3A_0 = arith.constant 0 : index
    %get3A_1 = vector.load %arg1[%get3A, %get3A_0] : memref<512x128xf32, #tpu.memory_space<vmem>>, vector<512x128xf32>
    %get3A_2 = arith.constant 0 : index
    %get3A_3 = arith.constant 0 : index
    %get3A_4 = vector.load %arg2[%get3A_2, %get3A_3] : memref<128x128xf32, #tpu.memory_space<vmem>>, vector<128x128xf32>
    %dot_general3A = arith.constant dense<0.000000e+00> : vector<512x128xf32>
    %dot_general3A_5 = tpu.matmul %get3A_1, %get3A_4, %dot_general3A {dimension_numbers = #tpu.dot_dimension_numbers<[1], [0], [0], [1], [0, 0, 1, 1], [], []>, transpose_lhs_hint = false} : vector<512x128xf32>, vector<128x128xf32>, vector<512x128xf32> -> vector<512x128xf32>
    %max3A = arith.constant 0.000000e+00 : f32
    %max3A_6 = vector.broadcast %max3A : f32 to vector<512x128xf32>
    %max3A_7 = arith.maximumf %dot_general3A_5, %max3A_6 : vector<512x128xf32>
    %swap3A = arith.constant 0 : index
    %swap3A_8 = arith.constant 0 : index
    %swap3A_9 = vector.load %arg3[%swap3A, %swap3A_8] : memref<512x128xf32, #tpu.memory_space<vmem>>, vector<512x128xf32>
    tpu.vector_store %arg3[%swap3A, %swap3A_8], %max3A_7 {strides = array<i32>} : memref<512x128xf32, #tpu.memory_space<vmem>>, vector<512x128xf32>,
    return
  }
  func.func @transform_0(%arg0: i32) -> (i32, i32) {
    %c0_i32 = arith.constant 0 : i32
    %c0_i32_0 = arith.constant 0 : i32
    return %arg0, %c0_i32 : i32, i32
  }
  func.func @transform_1(%arg0: i32) -> (i32, i32) {
    %c0_i32 = arith.constant 0 : i32
    %c0_i32_0 = arith.constant 0 : i32
    %c0_i32_1 = arith.constant 0 : i32
    return %c0_i32, %c0_i32_0 : i32, i32
  }
  func.func @transform_2(%arg0: i32) -> (i32, i32) {
    %c0_i32 = arith.constant 0 : i32
    %c0_i32_0 = arith.constant 0 : i32
    return %arg0, %c0_i32 : i32, i32
  }
}

module attributes {stable_mosaic.version = 14 : i64} {
  func.func @_knn_body(%arg0: i32, %arg1: i32, %arg2: memref<1x1024x4xf32, #tpu.memory_space<vmem>>, %arg3: memref<1x8x512xf32, #tpu.memory_space<vmem>>, %arg4: memref<3x1024xi32, #tpu.memory_space<vmem>>, %arg5: memref<1x1024x3xf32, #tpu.memory_space<vmem>>) attributes {dimension_semantics = [#tpu.dimension_semantics<arbitrary>, #tpu.dimension_semantics<arbitrary>], iteration_bounds = array<i64: 4, 4>, scalar_prefetch = 0 : i64, scratch_operands = 0 : i64, tpu.core_type = #tpu.core_type<tc>, window_params = [{transform_indices = @transform_0, window_bounds = array<i64: 1, 1024, 4>}, {transform_indices = @transform_1, window_bounds = array<i64: 1, 8, 512>}, {transform_indices = @transform_2, window_bounds = array<i64: 3, 1024>}, {transform_indices = @transform_3, window_bounds = array<i64: 1, 1024, 3>}]} {
    %get3A = arith.constant 0 : index
    %get3A_0 = arith.constant 0 : index
    %get3A_1 = arith.constant 0 : index
    %get3A_2 = vector.load %arg2[%get3A, %get3A_0, %get3A_1] : memref<1x1024x4xf32, #tpu.memory_space<vmem>>, vector<1x1024x4xf32>
    %get3A_3 = vector.shape_cast %get3A_2 : vector<1x1024x4xf32> to vector<1024x4xf32>
    %get3A_4 = arith.constant 0 : index
    %get3A_5 = arith.constant 0 : index
    %get3A_6 = arith.constant 0 : index
    %get3A_7 = vector.load %arg3[%get3A_4, %get3A_5, %get3A_6] : memref<1x8x512xf32, #tpu.memory_space<vmem>>, vector<1x8x512xf32>
    %get3A_8 = vector.shape_cast %get3A_7 : vector<1x8x512xf32> to vector<8x512xf32>
    %slice3A = vector.extract_strided_slice %get3A_8 {offsets = [0, 0], sizes = [4, 512], strides = [1, 1]} : vector<8x512xf32> to vector<4x512xf32>
    %mul3A = arith.mulf %get3A_3, %get3A_3 : vector<1024x4xf32>
    %reduce_sum3A = arith.constant dense<0.000000e+00> : vector<1024xf32>
    %reduce_sum3A_9 = vector.multi_reduction <add>, %mul3A, %reduce_sum3A [1] : vector<1024x4xf32> to vector<1024xf32>
    %broadcast_in_dim3A = vector.shape_cast %reduce_sum3A_9 : vector<1024xf32> to vector<1024x1xf32>
    %mul3A_10 = arith.mulf %slice3A, %slice3A : vector<4x512xf32>
    %reduce_sum3A_11 = arith.constant dense<0.000000e+00> : vector<512xf32>
    %reduce_sum3A_12 = vector.multi_reduction <add>, %mul3A_10, %reduce_sum3A_11 [0] : vector<4x512xf32> to vector<512xf32>
    %broadcast_in_dim3A_13 = vector.shape_cast %reduce_sum3A_12 : vector<512xf32> to vector<1x512xf32>
    %dot_general3A = arith.constant dense<0.000000e+00> : vector<1024x512xf32>
    %dot_general3A_14 = tpu.matmul %get3A_3, %slice3A, %dot_general3A {dimension_numbers = #tpu.dot_dimension_numbers<[1], [0], [0], [1], [0, 0, 1, 1], [], []>, transpose_lhs_hint = false} : vector<1024x4xf32>, vector<4x512xf32>, vector<1024x512xf32> -> vector<1024x512xf32>
    %add3A = vector.broadcast %broadcast_in_dim3A : vector<1024x1xf32> to vector<1024x512xf32>
    %add3A_15 = vector.broadcast %broadcast_in_dim3A_13 : vector<1x512xf32> to vector<1024x512xf32>
    %add3A_16 = arith.addf %add3A, %add3A_15 : vector<1024x512xf32>
    %mul3A_17 = arith.constant 2.000000e+00 : f32
    %mul3A_18 = vector.broadcast %mul3A_17 : f32 to vector<1024x512xf32>
    %mul3A_19 = arith.mulf %mul3A_18, %dot_general3A_14 : vector<1024x512xf32>
    %sub3A = arith.subf %add3A_16, %mul3A_19 : vector<1024x512xf32>
    %max3A = arith.constant 0.000000e+00 : f32
    %max3A_20 = vector.broadcast %max3A : f32 to vector<1024x512xf32>
    %max3A_21 = arith.maximumf %sub3A, %max3A_20 : vector<1024x512xf32>
    %iota3A = tpu.iota {dimensions = array<i32: 1>} : vector<1024x512xi32>
    %bitcast_convert_type3A = tpu.bitcast %max3A_21 : vector<1024x512xf32> -> vector<1024x512xi32>
    %and3A = arith.constant -4096 : i32
    %and3A_22 = vector.broadcast %and3A : i32 to vector<1024x512xi32>
    %and3A_23 = arith.andi %bitcast_convert_type3A, %and3A_22 : vector<1024x512xi32>
    %or3A = arith.ori %and3A_23, %iota3A : vector<1024x512xi32>
    %reduce_min3A = arith.constant dense<2147483647> : vector<1024xi32>
    %reduce_min3A_24 = vector.multi_reduction <minsi>, %or3A, %reduce_min3A [1] : vector<1024x512xi32> to vector<1024xi32>
    %broadcast_in_dim3A_25 = vector.shape_cast %reduce_min3A_24 : vector<1024xi32> to vector<1024x1xi32>
    %and3A_26 = arith.constant 4095 : i32
    %and3A_27 = vector.broadcast %and3A_26 : i32 to vector<1024x1xi32>
    %and3A_28 = arith.andi %broadcast_in_dim3A_25, %and3A_27 : vector<1024x1xi32>
    %squeeze3A = vector.shape_cast %and3A_28 : vector<1024x1xi32> to vector<1024xi32>
    %mul3A_29 = arith.constant 512 : i32
    %mul3A_30 = arith.muli %arg0, %mul3A_29 : i32
    %add3A_31 = vector.broadcast %mul3A_30 : i32 to vector<1024xi32>
    %add3A_32 = arith.addi %squeeze3A, %add3A_31 : vector<1024xi32>
    %swap3A = arith.constant 0 : index
    %swap3A_33 = arith.constant 0 : index
    %swap3A_34 = vector.load %arg4[%swap3A, %swap3A_33] : memref<3x1024xi32, #tpu.memory_space<vmem>>, vector<1x1024xi32>
    %swap3A_35 = vector.shape_cast %swap3A_34 : vector<1x1024xi32> to vector<1024xi32>
    %swap3A_36 = vector.shape_cast %add3A_32 : vector<1024xi32> to vector<1x1024xi32>
    tpu.vector_store %arg4[%swap3A, %swap3A_33], %swap3A_36 {strides = array<i32>} : memref<3x1024xi32, #tpu.memory_space<vmem>>, vector<1x1024xi32>,
    %eq3A = vector.broadcast %broadcast_in_dim3A_25 : vector<1024x1xi32> to vector<1024x512xi32>
    %eq3A_37 = arith.cmpi eq, %or3A, %eq3A : vector<1024x512xi32>
    %jit3A = arith.constant 2147480063 : i32
    %broadcast_in_dim3A_38 = vector.broadcast %jit3A : i32 to vector<1024x512xi32>
    %select_n3A = arith.select %eq3A_37, %broadcast_in_dim3A_38, %or3A : vector<1024x512xi1>, vector<1024x512xi32>
    %and3A_39 = arith.constant -4096 : i32
    %and3A_40 = vector.broadcast %and3A_39 : i32 to vector<1024x1xi32>
    %and3A_41 = arith.andi %broadcast_in_dim3A_25, %and3A_40 : vector<1024x1xi32>
    %bitcast_convert_type3A_42 = tpu.bitcast %and3A_41 : vector<1024x1xi32> -> vector<1024x1xf32>
    %add3A_43 = arith.constant 9.99999996E-13 : f32
    %add3A_44 = vector.broadcast %add3A_43 : f32 to vector<1024x1xf32>
    %add3A_45 = arith.addf %bitcast_convert_type3A_42, %add3A_44 : vector<1024x1xf32>
    %sqrt3A = math.sqrt %add3A_45 : vector<1024x1xf32>
    %add3A_46 = arith.constant 9.99999993E-9 : f32
    %add3A_47 = vector.broadcast %add3A_46 : f32 to vector<1024x1xf32>
    %add3A_48 = arith.addf %sqrt3A, %add3A_47 : vector<1024x1xf32>
    %div3A = arith.constant 1.000000e+00 : f32
    %div3A_49 = vector.broadcast %div3A : f32 to vector<1024x1xf32>
    %div3A_50 = arith.divf %div3A_49, %add3A_48 : vector<1024x1xf32>
    %squeeze3A_51 = vector.shape_cast %div3A_50 : vector<1024x1xf32> to vector<1024xf32>
    %swap3A_52 = arith.constant 0 : index
    %swap3A_53 = arith.constant 0 : index
    %swap3A_54 = arith.constant 0 : index
    %swap3A_55 = vector.load %arg5[%swap3A_52, %swap3A_53, %swap3A_54] : memref<1x1024x3xf32, #tpu.memory_space<vmem>>, vector<1x1024x1xf32>
    %swap3A_56 = vector.shape_cast %swap3A_55 : vector<1x1024x1xf32> to vector<1024xf32>
    %swap3A_57 = vector.shape_cast %squeeze3A_51 : vector<1024xf32> to vector<1x1024x1xf32>
    tpu.vector_store %arg5[%swap3A_52, %swap3A_53, %swap3A_54], %swap3A_57 {strides = array<i32>} : memref<1x1024x3xf32, #tpu.memory_space<vmem>>, vector<1x1024x1xf32>,
    %reduce_min3A_58 = arith.constant dense<2147483647> : vector<1024xi32>
    %reduce_min3A_59 = vector.multi_reduction <minsi>, %select_n3A, %reduce_min3A_58 [1] : vector<1024x512xi32> to vector<1024xi32>
    %broadcast_in_dim3A_60 = vector.shape_cast %reduce_min3A_59 : vector<1024xi32> to vector<1024x1xi32>
    %and3A_61 = arith.constant 4095 : i32
    %and3A_62 = vector.broadcast %and3A_61 : i32 to vector<1024x1xi32>
    %and3A_63 = arith.andi %broadcast_in_dim3A_60, %and3A_62 : vector<1024x1xi32>
    %squeeze3A_64 = vector.shape_cast %and3A_63 : vector<1024x1xi32> to vector<1024xi32>
    %mul3A_65 = arith.constant 512 : i32
    %mul3A_66 = arith.muli %arg0, %mul3A_65 : i32
    %add3A_67 = vector.broadcast %mul3A_66 : i32 to vector<1024xi32>
    %add3A_68 = arith.addi %squeeze3A_64, %add3A_67 : vector<1024xi32>
    %swap3A_69 = arith.constant 1 : index
    %swap3A_70 = arith.constant 0 : index
    %swap3A_71 = vector.load %arg4[%swap3A_69, %swap3A_70] : memref<3x1024xi32, #tpu.memory_space<vmem>>, vector<1x1024xi32>
    %swap3A_72 = vector.shape_cast %swap3A_71 : vector<1x1024xi32> to vector<1024xi32>
    %swap3A_73 = vector.shape_cast %add3A_68 : vector<1024xi32> to vector<1x1024xi32>
    tpu.vector_store %arg4[%swap3A_69, %swap3A_70], %swap3A_73 {strides = array<i32>} : memref<3x1024xi32, #tpu.memory_space<vmem>>, vector<1x1024xi32>,
    %eq3A_74 = vector.broadcast %broadcast_in_dim3A_60 : vector<1024x1xi32> to vector<1024x512xi32>
    %eq3A_75 = arith.cmpi eq, %select_n3A, %eq3A_74 : vector<1024x512xi32>
    %jit3A_76 = arith.constant 2147480063 : i32
    %broadcast_in_dim3A_77 = vector.broadcast %jit3A_76 : i32 to vector<1024x512xi32>
    %select_n3A_78 = arith.select %eq3A_75, %broadcast_in_dim3A_77, %select_n3A : vector<1024x512xi1>, vector<1024x512xi32>
    %and3A_79 = arith.constant -4096 : i32
    %and3A_80 = vector.broadcast %and3A_79 : i32 to vector<1024x1xi32>
    %and3A_81 = arith.andi %broadcast_in_dim3A_60, %and3A_80 : vector<1024x1xi32>
    %bitcast_convert_type3A_82 = tpu.bitcast %and3A_81 : vector<1024x1xi32> -> vector<1024x1xf32>
    %add3A_83 = arith.constant 9.99999996E-13 : f32
    %add3A_84 = vector.broadcast %add3A_83 : f32 to vector<1024x1xf32>
    %add3A_85 = arith.addf %bitcast_convert_type3A_82, %add3A_84 : vector<1024x1xf32>
    %sqrt3A_86 = math.sqrt %add3A_85 : vector<1024x1xf32>
    %add3A_87 = arith.constant 9.99999993E-9 : f32
    %add3A_88 = vector.broadcast %add3A_87 : f32 to vector<1024x1xf32>
    %add3A_89 = arith.addf %sqrt3A_86, %add3A_88 : vector<1024x1xf32>
    %div3A_90 = arith.constant 1.000000e+00 : f32
    %div3A_91 = vector.broadcast %div3A_90 : f32 to vector<1024x1xf32>
    %div3A_92 = arith.divf %div3A_91, %add3A_89 : vector<1024x1xf32>
    %squeeze3A_93 = vector.shape_cast %div3A_92 : vector<1024x1xf32> to vector<1024xf32>
    %swap3A_94 = arith.constant 0 : index
    %swap3A_95 = arith.constant 0 : index
    %swap3A_96 = arith.constant 1 : index
    %swap3A_97 = vector.load %arg5[%swap3A_94, %swap3A_95, %swap3A_96] : memref<1x1024x3xf32, #tpu.memory_space<vmem>>, vector<1x1024x1xf32>
    %swap3A_98 = vector.shape_cast %swap3A_97 : vector<1x1024x1xf32> to vector<1024xf32>
    %swap3A_99 = vector.shape_cast %squeeze3A_93 : vector<1024xf32> to vector<1x1024x1xf32>
    tpu.vector_store %arg5[%swap3A_94, %swap3A_95, %swap3A_96], %swap3A_99 {strides = array<i32>} : memref<1x1024x3xf32, #tpu.memory_space<vmem>>, vector<1x1024x1xf32>,
    %reduce_min3A_100 = arith.constant dense<2147483647> : vector<1024xi32>
    %reduce_min3A_101 = vector.multi_reduction <minsi>, %select_n3A_78, %reduce_min3A_100 [1] : vector<1024x512xi32> to vector<1024xi32>
    %broadcast_in_dim3A_102 = vector.shape_cast %reduce_min3A_101 : vector<1024xi32> to vector<1024x1xi32>
    %and3A_103 = arith.constant 4095 : i32
    %and3A_104 = vector.broadcast %and3A_103 : i32 to vector<1024x1xi32>
    %and3A_105 = arith.andi %broadcast_in_dim3A_102, %and3A_104 : vector<1024x1xi32>
    %squeeze3A_106 = vector.shape_cast %and3A_105 : vector<1024x1xi32> to vector<1024xi32>
    %mul3A_107 = arith.constant 512 : i32
    %mul3A_108 = arith.muli %arg0, %mul3A_107 : i32
    %add3A_109 = vector.broadcast %mul3A_108 : i32 to vector<1024xi32>
    %add3A_110 = arith.addi %squeeze3A_106, %add3A_109 : vector<1024xi32>
    %swap3A_111 = arith.constant 2 : index
    %swap3A_112 = arith.constant 0 : index
    %swap3A_113 = vector.load %arg4[%swap3A_111, %swap3A_112] : memref<3x1024xi32, #tpu.memory_space<vmem>>, vector<1x1024xi32>
    %swap3A_114 = vector.shape_cast %swap3A_113 : vector<1x1024xi32> to vector<1024xi32>
    %swap3A_115 = vector.shape_cast %add3A_110 : vector<1024xi32> to vector<1x1024xi32>
    tpu.vector_store %arg4[%swap3A_111, %swap3A_112], %swap3A_115 {strides = array<i32>} : memref<3x1024xi32, #tpu.memory_space<vmem>>, vector<1x1024xi32>,
    %and3A_116 = arith.constant -4096 : i32
    %and3A_117 = vector.broadcast %and3A_116 : i32 to vector<1024x1xi32>
    %and3A_118 = arith.andi %broadcast_in_dim3A_102, %and3A_117 : vector<1024x1xi32>
    %bitcast_convert_type3A_119 = tpu.bitcast %and3A_118 : vector<1024x1xi32> -> vector<1024x1xf32>
    %add3A_120 = arith.constant 9.99999996E-13 : f32
    %add3A_121 = vector.broadcast %add3A_120 : f32 to vector<1024x1xf32>
    %add3A_122 = arith.addf %bitcast_convert_type3A_119, %add3A_121 : vector<1024x1xf32>
    %sqrt3A_123 = math.sqrt %add3A_122 : vector<1024x1xf32>
    %add3A_124 = arith.constant 9.99999993E-9 : f32
    %add3A_125 = vector.broadcast %add3A_124 : f32 to vector<1024x1xf32>
    %add3A_126 = arith.addf %sqrt3A_123, %add3A_125 : vector<1024x1xf32>
    %div3A_127 = arith.constant 1.000000e+00 : f32
    %div3A_128 = vector.broadcast %div3A_127 : f32 to vector<1024x1xf32>
    %div3A_129 = arith.divf %div3A_128, %add3A_126 : vector<1024x1xf32>
    %squeeze3A_130 = vector.shape_cast %div3A_129 : vector<1024x1xf32> to vector<1024xf32>
    %swap3A_131 = arith.constant 0 : index
    %swap3A_132 = arith.constant 0 : index
    %swap3A_133 = arith.constant 2 : index
    %swap3A_134 = vector.load %arg5[%swap3A_131, %swap3A_132, %swap3A_133] : memref<1x1024x3xf32, #tpu.memory_space<vmem>>, vector<1x1024x1xf32>
    %swap3A_135 = vector.shape_cast %swap3A_134 : vector<1x1024x1xf32> to vector<1024xf32>
    %swap3A_136 = vector.shape_cast %squeeze3A_130 : vector<1024xf32> to vector<1x1024x1xf32>
    tpu.vector_store %arg5[%swap3A_131, %swap3A_132, %swap3A_133], %swap3A_136 {strides = array<i32>} : memref<1x1024x3xf32, #tpu.memory_space<vmem>>, vector<1x1024x1xf32>,
    return
  }
  func.func @transform_0(%arg0: i32, %arg1: i32) -> (i32, i32, i32) {
    %c0_i32 = arith.constant 0 : i32
    %c0_i32_0 = arith.constant 0 : i32
    return %arg0, %arg1, %c0_i32 : i32, i32, i32
  }
  func.func @transform_1(%arg0: i32, %arg1: i32) -> (i32, i32, i32) {
    %c0_i32 = arith.constant 0 : i32
    %c0_i32_0 = arith.constant 0 : i32
    %c0_i32_1 = arith.constant 0 : i32
    return %arg0, %c0_i32, %c0_i32_0 : i32, i32, i32
  }
  func.func @transform_2(%arg0: i32, %arg1: i32) -> (i32, i32) {
    %mul3A = arith.constant 4 : i32
    %mul3A_0 = arith.muli %arg0, %mul3A : i32
    %add3A = arith.addi %mul3A_0, %arg1 : i32
    %c0_i32 = arith.constant 0 : i32
    %c0_i32_1 = arith.constant 0 : i32
    return %c0_i32, %add3A : i32, i32
  }
  func.func @transform_3(%arg0: i32, %arg1: i32) -> (i32, i32, i32) {
    %c0_i32 = arith.constant 0 : i32
    %c0_i32_0 = arith.constant 0 : i32
    return %arg0, %arg1, %c0_i32 : i32, i32, i32
  }
}

module attributes {stable_mosaic.version = 14 : i64} {
  func.func @_fuse512_body(%arg0: memref<2048x128xf32, #tpu.memory_space<vmem>>, %arg1: memref<3x2048x128xf32, #tpu.memory_space<vmem>>, %arg2: memref<2048x3xf32, #tpu.memory_space<vmem>>, %arg3: memref<128x64xf32, #tpu.memory_space<vmem>>, %arg4: memref<128x128xf32, #tpu.memory_space<vmem>>, %arg5: memref<64x128xf32, #tpu.memory_space<vmem>>, %arg6: memref<128x128xf32, #tpu.memory_space<vmem>>, %arg7: memref<2048x128xf32, #tpu.memory_space<vmem>>) attributes {dimension_semantics = [], scalar_prefetch = 0 : i64, scratch_operands = 0 : i64, tpu.core_type = #tpu.core_type<tc>} {
    %get3A = arith.constant 0 : index
    %get3A_0 = arith.constant 0 : index
    %get3A_1 = vector.load %arg2[%get3A, %get3A_0] : memref<2048x3xf32, #tpu.memory_space<vmem>>, vector<2048x3xf32>
    %reduce_sum3A = arith.constant dense<0.000000e+00> : vector<2048xf32>
    %reduce_sum3A_2 = vector.multi_reduction <add>, %get3A_1, %reduce_sum3A [1] : vector<2048x3xf32> to vector<2048xf32>
    %broadcast_in_dim3A = vector.shape_cast %reduce_sum3A_2 : vector<2048xf32> to vector<2048x1xf32>
    %get3A_3 = arith.constant 0 : index
    %get3A_4 = arith.constant 0 : index
    %get3A_5 = arith.constant 0 : index
    %get3A_6 = vector.load %arg1[%get3A_3, %get3A_4, %get3A_5] : memref<3x2048x128xf32, #tpu.memory_space<vmem>>, vector<1x2048x128xf32>
    %get3A_7 = vector.shape_cast %get3A_6 : vector<1x2048x128xf32> to vector<2048x128xf32>
    %slice3A = vector.extract_strided_slice %get3A_1 {offsets = [0, 0], sizes = [2048, 1], strides = [1, 1]} : vector<2048x3xf32> to vector<2048x1xf32>
    %div3A = arith.divf %slice3A, %broadcast_in_dim3A : vector<2048x1xf32>
    %mul3A = vector.broadcast %div3A : vector<2048x1xf32> to vector<2048x128xf32>
    %mul3A_8 = arith.mulf %get3A_7, %mul3A : vector<2048x128xf32>
    %get3A_9 = arith.constant 1 : index
    %get3A_10 = arith.constant 0 : index
    %get3A_11 = arith.constant 0 : index
    %get3A_12 = vector.load %arg1[%get3A_9, %get3A_10, %get3A_11] : memref<3x2048x128xf32, #tpu.memory_space<vmem>>, vector<1x2048x128xf32>
    %get3A_13 = vector.shape_cast %get3A_12 : vector<1x2048x128xf32> to vector<2048x128xf32>
    %slice3A_14 = vector.extract_strided_slice %get3A_1 {offsets = [0, 1], sizes = [2048, 1], strides = [1, 1]} : vector<2048x3xf32> to vector<2048x1xf32>
    %div3A_15 = arith.divf %slice3A_14, %broadcast_in_dim3A : vector<2048x1xf32>
    %mul3A_16 = vector.broadcast %div3A_15 : vector<2048x1xf32> to vector<2048x128xf32>
    %mul3A_17 = arith.mulf %get3A_13, %mul3A_16 : vector<2048x128xf32>
    %add3A = arith.addf %mul3A_8, %mul3A_17 : vector<2048x128xf32>
    %get3A_18 = arith.constant 2 : index
    %get3A_19 = arith.constant 0 : index
    %get3A_20 = arith.constant 0 : index
    %get3A_21 = vector.load %arg1[%get3A_18, %get3A_19, %get3A_20] : memref<3x2048x128xf32, #tpu.memory_space<vmem>>, vector<1x2048x128xf32>
    %get3A_22 = vector.shape_cast %get3A_21 : vector<1x2048x128xf32> to vector<2048x128xf32>
    %slice3A_23 = vector.extract_strided_slice %get3A_1 {offsets = [0, 2], sizes = [2048, 1], strides = [1, 1]} : vector<2048x3xf32> to vector<2048x1xf32>
    %div3A_24 = arith.divf %slice3A_23, %broadcast_in_dim3A : vector<2048x1xf32>
    %mul3A_25 = vector.broadcast %div3A_24 : vector<2048x1xf32> to vector<2048x128xf32>
    %mul3A_26 = arith.mulf %get3A_22, %mul3A_25 : vector<2048x128xf32>
    %add3A_27 = arith.addf %add3A, %mul3A_26 : vector<2048x128xf32>
    %get3A_28 = arith.constant 0 : index
    %get3A_29 = arith.constant 0 : index
    %get3A_30 = vector.load %arg0[%get3A_28, %get3A_29] : memref<2048x128xf32, #tpu.memory_space<vmem>>, vector<2048x128xf32>
    %get3A_31 = arith.constant 0 : index
    %get3A_32 = arith.constant 0 : index
    %get3A_33 = vector.load %arg3[%get3A_31, %get3A_32] : memref<128x64xf32, #tpu.memory_space<vmem>>, vector<128x64xf32>
    %dot_general3A = arith.constant dense<0.000000e+00> : vector<2048x64xf32>
    %dot_general3A_34 = tpu.matmul %get3A_30, %get3A_33, %dot_general3A {dimension_numbers = #tpu.dot_dimension_numbers<[1], [0], [0], [1], [0, 0, 1, 1], [], []>, transpose_lhs_hint = false} : vector<2048x128xf32>, vector<128x64xf32>, vector<2048x64xf32> -> vector<2048x64xf32>
    %max3A = arith.constant 0.000000e+00 : f32
    %max3A_35 = vector.broadcast %max3A : f32 to vector<2048x64xf32>
    %max3A_36 = arith.maximumf %dot_general3A_34, %max3A_35 : vector<2048x64xf32>
    %get3A_37 = arith.constant 0 : index
    %get3A_38 = arith.constant 0 : index
    %get3A_39 = vector.load %arg4[%get3A_37, %get3A_38] : memref<128x128xf32, #tpu.memory_space<vmem>>, vector<128x128xf32>
    %dot_general3A_40 = arith.constant dense<0.000000e+00> : vector<2048x128xf32>
    %dot_general3A_41 = tpu.matmul %get3A_30, %get3A_39, %dot_general3A_40 {dimension_numbers = #tpu.dot_dimension_numbers<[1], [0], [0], [1], [0, 0, 1, 1], [], []>, transpose_lhs_hint = false} : vector<2048x128xf32>, vector<128x128xf32>, vector<2048x128xf32> -> vector<2048x128xf32>
    %get3A_42 = arith.constant 0 : index
    %get3A_43 = arith.constant 0 : index
    %get3A_44 = vector.load %arg5[%get3A_42, %get3A_43] : memref<64x128xf32, #tpu.memory_space<vmem>>, vector<64x128xf32>
    %dot_general3A_45 = arith.constant dense<0.000000e+00> : vector<2048x128xf32>
    %dot_general3A_46 = tpu.matmul %max3A_36, %get3A_44, %dot_general3A_45 {dimension_numbers = #tpu.dot_dimension_numbers<[1], [0], [0], [1], [0, 0, 1, 1], [], []>, transpose_lhs_hint = false} : vector<2048x64xf32>, vector<64x128xf32>, vector<2048x128xf32> -> vector<2048x128xf32>
    %add3A_47 = arith.addf %dot_general3A_41, %dot_general3A_46 : vector<2048x128xf32>
    %get3A_48 = arith.constant 0 : index
    %get3A_49 = arith.constant 0 : index
    %get3A_50 = vector.load %arg6[%get3A_48, %get3A_49] : memref<128x128xf32, #tpu.memory_space<vmem>>, vector<128x128xf32>
    %dot_general3A_51 = arith.constant dense<0.000000e+00> : vector<2048x128xf32>
    %dot_general3A_52 = tpu.matmul %add3A_27, %get3A_50, %dot_general3A_51 {dimension_numbers = #tpu.dot_dimension_numbers<[1], [0], [0], [1], [0, 0, 1, 1], [], []>, transpose_lhs_hint = false} : vector<2048x128xf32>, vector<128x128xf32>, vector<2048x128xf32> -> vector<2048x128xf32>
    %add3A_53 = arith.addf %add3A_47, %dot_general3A_52 : vector<2048x128xf32>
    %max3A_54 = arith.constant 0.000000e+00 : f32
    %max3A_55 = vector.broadcast %max3A_54 : f32 to vector<2048x128xf32>
    %max3A_56 = arith.maximumf %add3A_53, %max3A_55 : vector<2048x128xf32>
    %swap3A = arith.constant 0 : index
    %swap3A_57 = arith.constant 0 : index
    %swap3A_58 = vector.load %arg7[%swap3A, %swap3A_57] : memref<2048x128xf32, #tpu.memory_space<vmem>>, vector<2048x128xf32>
    tpu.vector_store %arg7[%swap3A, %swap3A_57], %max3A_56 {strides = array<i32>} : memref<2048x128xf32, #tpu.memory_space<vmem>>, vector<2048x128xf32>,
    return
  }
}

module attributes {stable_mosaic.version = 14 : i64} {
  func.func @_head_body(%arg0: i32, %arg1: memref<1024x128xf32, #tpu.memory_space<vmem>>, %arg2: memref<1024x64xf32, #tpu.memory_space<vmem>>, %arg3: memref<3x1024x128xf32, #tpu.memory_space<vmem>>, %arg4: memref<1024x3xf32, #tpu.memory_space<vmem>>, %arg5: memref<128x64xf32, #tpu.memory_space<vmem>>, %arg6: memref<64x64xf32, #tpu.memory_space<vmem>>, %arg7: memref<128x64xf32, #tpu.memory_space<vmem>>, %arg8: memref<64x64xf32, #tpu.memory_space<vmem>>, %arg9: memref<64x13xf32, #tpu.memory_space<vmem>>, %arg10: memref<1x13xf32, #tpu.memory_space<vmem>>, %arg11: memref<1024x13xf32, #tpu.memory_space<vmem>>) attributes {dimension_semantics = [#tpu.dimension_semantics<arbitrary>], iteration_bounds = array<i64: 16>, scalar_prefetch = 0 : i64, scratch_operands = 0 : i64, tpu.core_type = #tpu.core_type<tc>, window_params = [{transform_indices = @transform_0, window_bounds = array<i64: 1024, 128>}, {transform_indices = @transform_1, window_bounds = array<i64: 1024, 64>}, {transform_indices = @transform_2, window_bounds = array<i64: 3, 1024, 128>}, {transform_indices = @transform_3, window_bounds = array<i64: 1024, 3>}, {pipeline_mode = #tpu.pipeline_mode<synchronous>, transform_indices = @transform_4, window_bounds = array<i64: 128, 64>}, {pipeline_mode = #tpu.pipeline_mode<synchronous>, transform_indices = @transform_5, window_bounds = array<i64: 64, 64>}, {pipeline_mode = #tpu.pipeline_mode<synchronous>, transform_indices = @transform_6, window_bounds = array<i64: 128, 64>}, {pipeline_mode = #tpu.pipeline_mode<synchronous>, transform_indices = @transform_7, window_bounds = array<i64: 64, 64>}, {pipeline_mode = #tpu.pipeline_mode<synchronous>, transform_indices = @transform_8, window_bounds = array<i64: 64, 13>}, {pipeline_mode = #tpu.pipeline_mode<synchronous>, transform_indices = @transform_9, window_bounds = array<i64: 1, 13>}, {transform_indices = @transform_10, window_bounds = array<i64: 1024, 13>}]} {
    %get3A = arith.constant 0 : index
    %get3A_0 = arith.constant 0 : index
    %get3A_1 = vector.load %arg4[%get3A, %get3A_0] : memref<1024x3xf32, #tpu.memory_space<vmem>>, vector<1024x3xf32>
    %reduce_sum3A = arith.constant dense<0.000000e+00> : vector<1024xf32>
    %reduce_sum3A_2 = vector.multi_reduction <add>, %get3A_1, %reduce_sum3A [1] : vector<1024x3xf32> to vector<1024xf32>
    %broadcast_in_dim3A = vector.shape_cast %reduce_sum3A_2 : vector<1024xf32> to vector<1024x1xf32>
    %get3A_3 = arith.constant 0 : index
    %get3A_4 = arith.constant 0 : index
    %get3A_5 = arith.constant 0 : index
    %get3A_6 = vector.load %arg3[%get3A_3, %get3A_4, %get3A_5] : memref<3x1024x128xf32, #tpu.memory_space<vmem>>, vector<1x1024x128xf32>
    %get3A_7 = vector.shape_cast %get3A_6 : vector<1x1024x128xf32> to vector<1024x128xf32>
    %slice3A = vector.extract_strided_slice %get3A_1 {offsets = [0, 0], sizes = [1024, 1], strides = [1, 1]} : vector<1024x3xf32> to vector<1024x1xf32>
    %div3A = arith.divf %slice3A, %broadcast_in_dim3A : vector<1024x1xf32>
    %mul3A = vector.broadcast %div3A : vector<1024x1xf32> to vector<1024x128xf32>
    %mul3A_8 = arith.mulf %get3A_7, %mul3A : vector<1024x128xf32>
    %get3A_9 = arith.constant 1 : index
    %get3A_10 = arith.constant 0 : index
    %get3A_11 = arith.constant 0 : index
    %get3A_12 = vector.load %arg3[%get3A_9, %get3A_10, %get3A_11] : memref<3x1024x128xf32, #tpu.memory_space<vmem>>, vector<1x1024x128xf32>
    %get3A_13 = vector.shape_cast %get3A_12 : vector<1x1024x128xf32> to vector<1024x128xf32>
    %slice3A_14 = vector.extract_strided_slice %get3A_1 {offsets = [0, 1], sizes = [1024, 1], strides = [1, 1]} : vector<1024x3xf32> to vector<1024x1xf32>
    %div3A_15 = arith.divf %slice3A_14, %broadcast_in_dim3A : vector<1024x1xf32>
    %mul3A_16 = vector.broadcast %div3A_15 : vector<1024x1xf32> to vector<1024x128xf32>
    %mul3A_17 = arith.mulf %get3A_13, %mul3A_16 : vector<1024x128xf32>
    %add3A = arith.addf %mul3A_8, %mul3A_17 : vector<1024x128xf32>
    %get3A_18 = arith.constant 2 : index
    %get3A_19 = arith.constant 0 : index
    %get3A_20 = arith.constant 0 : index
    %get3A_21 = vector.load %arg3[%get3A_18, %get3A_19, %get3A_20] : memref<3x1024x128xf32, #tpu.memory_space<vmem>>, vector<1x1024x128xf32>
    %get3A_22 = vector.shape_cast %get3A_21 : vector<1x1024x128xf32> to vector<1024x128xf32>
    %slice3A_23 = vector.extract_strided_slice %get3A_1 {offsets = [0, 2], sizes = [1024, 1], strides = [1, 1]} : vector<1024x3xf32> to vector<1024x1xf32>
    %div3A_24 = arith.divf %slice3A_23, %broadcast_in_dim3A : vector<1024x1xf32>
    %mul3A_25 = vector.broadcast %div3A_24 : vector<1024x1xf32> to vector<1024x128xf32>
    %mul3A_26 = arith.mulf %get3A_22, %mul3A_25 : vector<1024x128xf32>
    %add3A_27 = arith.addf %add3A, %mul3A_26 : vector<1024x128xf32>
    %get3A_28 = arith.constant 0 : index
    %get3A_29 = arith.constant 0 : index
    %get3A_30 = vector.load %arg1[%get3A_28, %get3A_29] : memref<1024x128xf32, #tpu.memory_space<vmem>>, vector<1024x128xf32>
    %get3A_31 = arith.constant 0 : index
    %get3A_32 = arith.constant 0 : index
    %get3A_33 = vector.load %arg5[%get3A_31, %get3A_32] : memref<128x64xf32, #tpu.memory_space<vmem>>, vector<128x64xf32>
    %dot_general3A = arith.constant dense<0.000000e+00> : vector<1024x64xf32>
    %dot_general3A_34 = tpu.matmul %get3A_30, %get3A_33, %dot_general3A {dimension_numbers = #tpu.dot_dimension_numbers<[1], [0], [0], [1], [0, 0, 1, 1], [], []>, transpose_lhs_hint = false} : vector<1024x128xf32>, vector<128x64xf32>, vector<1024x64xf32> -> vector<1024x64xf32>
    %get3A_35 = arith.constant 0 : index
    %get3A_36 = arith.constant 0 : index
    %get3A_37 = vector.load %arg2[%get3A_35, %get3A_36] : memref<1024x64xf32, #tpu.memory_space<vmem>>, vector<1024x64xf32>
    %get3A_38 = arith.constant 0 : index
    %get3A_39 = arith.constant 0 : index
    %get3A_40 = vector.load %arg6[%get3A_38, %get3A_39] : memref<64x64xf32, #tpu.memory_space<vmem>>, vector<64x64xf32>
    %dot_general3A_41 = arith.constant dense<0.000000e+00> : vector<1024x64xf32>
    %dot_general3A_42 = tpu.matmul %get3A_37, %get3A_40, %dot_general3A_41 {dimension_numbers = #tpu.dot_dimension_numbers<[1], [0], [0], [1], [0, 0, 1, 1], [], []>, transpose_lhs_hint = false} : vector<1024x64xf32>, vector<64x64xf32>, vector<1024x64xf32> -> vector<1024x64xf32>
    %add3A_43 = arith.addf %dot_general3A_34, %dot_general3A_42 : vector<1024x64xf32>
    %get3A_44 = arith.constant 0 : index
    %get3A_45 = arith.constant 0 : index
    %get3A_46 = vector.load %arg7[%get3A_44, %get3A_45] : memref<128x64xf32, #tpu.memory_space<vmem>>, vector<128x64xf32>
    %dot_general3A_47 = arith.constant dense<0.000000e+00> : vector<1024x64xf32>
    %dot_general3A_48 = tpu.matmul %add3A_27, %get3A_46, %dot_general3A_47 {dimension_numbers = #tpu.dot_dimension_numbers<[1], [0], [0], [1], [0, 0, 1, 1], [], []>, transpose_lhs_hint = false} : vector<1024x128xf32>, vector<128x64xf32>, vector<1024x64xf32> -> vector<1024x64xf32>
    %add3A_49 = arith.addf %add3A_43, %dot_general3A_48 : vector<1024x64xf32>
    %max3A = arith.constant 0.000000e+00 : f32
    %max3A_50 = vector.broadcast %max3A : f32 to vector<1024x64xf32>
    %max3A_51 = arith.maximumf %add3A_49, %max3A_50 : vector<1024x64xf32>
    %get3A_52 = arith.constant 0 : index
    %get3A_53 = arith.constant 0 : index
    %get3A_54 = vector.load %arg8[%get3A_52, %get3A_53] : memref<64x64xf32, #tpu.memory_space<vmem>>, vector<64x64xf32>
    %dot_general3A_55 = arith.constant dense<0.000000e+00> : vector<1024x64xf32>
    %dot_general3A_56 = tpu.matmul %max3A_51, %get3A_54, %dot_general3A_55 {dimension_numbers = #tpu.dot_dimension_numbers<[1], [0], [0], [1], [0, 0, 1, 1], [], []>, transpose_lhs_hint = false} : vector<1024x64xf32>, vector<64x64xf32>, vector<1024x64xf32> -> vector<1024x64xf32>
    %max3A_57 = arith.constant 0.000000e+00 : f32
    %max3A_58 = vector.broadcast %max3A_57 : f32 to vector<1024x64xf32>
    %max3A_59 = arith.maximumf %dot_general3A_56, %max3A_58 : vector<1024x64xf32>
    %get3A_60 = arith.constant 0 : index
    %get3A_61 = arith.constant 0 : index
    %get3A_62 = vector.load %arg9[%get3A_60, %get3A_61] : memref<64x13xf32, #tpu.memory_space<vmem>>, vector<64x13xf32>
    %dot_general3A_63 = arith.constant dense<0.000000e+00> : vector<1024x13xf32>
    %dot_general3A_64 = tpu.matmul %max3A_59, %get3A_62, %dot_general3A_63 {dimension_numbers = #tpu.dot_dimension_numbers<[1], [0], [0], [1], [0, 0, 1, 1], [], []>, transpose_lhs_hint = false} : vector<1024x64xf32>, vector<64x13xf32>, vector<1024x13xf32> -> vector<1024x13xf32>
    %get3A_65 = arith.constant 0 : index
    %get3A_66 = arith.constant 0 : index
    %get3A_67 = vector.load %arg10[%get3A_65, %get3A_66] : memref<1x13xf32, #tpu.memory_space<vmem>>, vector<1x13xf32>
    %add3A_68 = vector.broadcast %get3A_67 : vector<1x13xf32> to vector<1024x13xf32>
    %add3A_69 = arith.addf %dot_general3A_64, %add3A_68 : vector<1024x13xf32>
    %swap3A = arith.constant 0 : index
    %swap3A_70 = arith.constant 0 : index
    %swap3A_71 = vector.load %arg11[%swap3A, %swap3A_70] : memref<1024x13xf32, #tpu.memory_space<vmem>>, vector<1024x13xf32>
    tpu.vector_store %arg11[%swap3A, %swap3A_70], %add3A_69 {strides = array<i32>} : memref<1024x13xf32, #tpu.memory_space<vmem>>, vector<1024x13xf32>,
    return
  }
  func.func @transform_0(%arg0: i32) -> (i32, i32) {
    %c0_i32 = arith.constant 0 : i32
    %c0_i32_0 = arith.constant 0 : i32
    return %arg0, %c0_i32 : i32, i32
  }
  func.func @transform_1(%arg0: i32) -> (i32, i32) {
    %c0_i32 = arith.constant 0 : i32
    %c0_i32_0 = arith.constant 0 : i32
    return %arg0, %c0_i32 : i32, i32
  }
  func.func @transform_2(%arg0: i32) -> (i32, i32, i32) {
    %c0_i32 = arith.constant 0 : i32
    %c0_i32_0 = arith.constant 0 : i32
    %c0_i32_1 = arith.constant 0 : i32
    return %c0_i32, %arg0, %c0_i32_0 : i32, i32, i32
  }
  func.func @transform_3(%arg0: i32) -> (i32, i32) {
    %c0_i32 = arith.constant 0 : i32
    %c0_i32_0 = arith.constant 0 : i32
    return %arg0, %c0_i32 : i32, i32
  }
  func.func @transform_4(%arg0: i32) -> (i32, i32) {
    %c0_i32 = arith.constant 0 : i32
    %c0_i32_0 = arith.constant 0 : i32
    %c0_i32_1 = arith.constant 0 : i32
    return %c0_i32, %c0_i32_0 : i32, i32
  }
  func.func @transform_5(%arg0: i32) -> (i32, i32) {
    %c0_i32 = arith.constant 0 : i32
    %c0_i32_0 = arith.constant 0 : i32
    %c0_i32_1 = arith.constant 0 : i32
    return %c0_i32, %c0_i32_0 : i32, i32
  }
  func.func @transform_6(%arg0: i32) -> (i32, i32) {
    %c0_i32 = arith.constant 0 : i32
    %c0_i32_0 = arith.constant 0 : i32
    %c0_i32_1 = arith.constant 0 : i32
    return %c0_i32, %c0_i32_0 : i32, i32
  }
  func.func @transform_7(%arg0: i32) -> (i32, i32) {
    %c0_i32 = arith.constant 0 : i32
    %c0_i32_0 = arith.constant 0 : i32
    %c0_i32_1 = arith.constant 0 : i32
    return %c0_i32, %c0_i32_0 : i32, i32
  }
  func.func @transform_8(%arg0: i32) -> (i32, i32) {
    %c0_i32 = arith.constant 0 : i32
    %c0_i32_0 = arith.constant 0 : i32
    %c0_i32_1 = arith.constant 0 : i32
    return %c0_i32, %c0_i32_0 : i32, i32
  }
  func.func @transform_9(%arg0: i32) -> (i32, i32) {
    %c0_i32 = arith.constant 0 : i32
    %c0_i32_0 = arith.constant 0 : i32
    %c0_i32_1 = arith.constant 0 : i32
    return %c0_i32, %c0_i32_0 : i32, i32
  }
  func.func @transform_10(%arg0: i32) -> (i32, i32) {
    %c0_i32 = arith.constant 0 : i32
    %c0_i32_0 = arith.constant 0 : i32
    return %arg0, %c0_i32 : i32, i32
  }
}

</mosaic_0001>

<sc_bundles>
// kernel: kernel.26.cloned.1.call-start
scs
__scs_entry_jumppad:
0x0: {  	(pc) =	sbr.rel $0x88, $3  }
0x1: {  	(tag) =	ssettag $0x0;
	lr =	simm.s32 $0x1  }
0x2: {  	[smem:$0x3F92] =	sst lr;
	_ =	strace $0xD0000000  }
0x3: {  	_ = 	snop  }
0x4: {  	_ = 	snop  }
0x5: {  	_ = 	snop  }
0x6: {  	_ = 	snop  }
0x7: {  	_ = 	snop  }
__scs_overlays_trampoline_lowered:
0x8: {  	[smem:$0x3FA1] =	sst s0  }
0x9: {  	[smem:$0x3FA2] =	sst s1  }
0xa: {  	[smem:$0x3FA3] =	sst s2  }
0xb: {  	[smem:$0x3FA4] =	sst s3  }
0xc: {  	[smem:$0x3FA5] =	sst s4  }
0xd: {  	[smem:$0x3FA6] =	sst s5  }
0xe: {  	[smem:$0x3FA7] =	sst s6  }
0xf: {  	[smem:$0x3FA8] =	sst s7  }
0x10: {  	[smem:$0x3FA9] =	sst s8  }
0x11: {  	[smem:$0x3FAA] =	sst s9;
	s0 =	simm.s32 @!p0 $0x0  }
0x12: {  	s1 =	sld [smem:$0x3F90];
	s0 =	simm.s32 @p0 $0x1  }
0x13: {  	[smem:$0x3FAB] =	sst s0;
	s0 =	simm.s32 @!p1 $0x0  }
0x14: {  	s2 =	sld [smem:$0x3F8F];
	s0 =	simm.s32 @p1 $0x1  }
0x15: {  	[smem:$0x3FAC] =	sst s0;
	s0 =	simm.s32 @!p2 $0x0  }
0x16: {  	s3 =	sld [smem:$0x3FDB];
	s0 =	simm.s32 @p2 $0x1  }
0x17: {  	s4 =	simm.s32 $0x1BF5;
	[smem:$0x3FAE] =	sst s0  }
0x18: {  	s0 =	sld [smem:$0x3F91];
	_ =	swait.ge [sflag:s4], $0x0  }
0x19: {  	s7 =	sld [smem:$0x3F92]  }
0x1a: {  	s8 =	sadd.s32 $0xFFFFE003, lr  }
0x1b: {  	s9 =	sadd.s32 $0xFFFFFEF7, lr;
	s5 =	simm.s32 $0xFFFFFFFF;
	p2 =	slt.u32 s8, $0xFFFFF086  }
0x1c: {  	p1 =	slt.u32 s9, $0xF7A;
	s5 =	simm.s32 @!p2 $0x0  }
0x1d: {  	s5 =	simm.s32 @p1 $0x1;
	p0 =	seq.s32 s7, s2  }
0x1e: {  	s7 =	smul.u32 @!p0 $0xF7A, s2;
	p2 =	seq.s32 @!p0 s5, $0x0  }
0x1f: {  	s9 =	smul.u32 $0xF7A, s1;
	s8 =	simm.s32 @!p0 $0x1BF5;
	p2 =	por !p2, p0  }
0x20: {  	[sflag:s8] =	ssyncset.s32 @!p0 $0xFFFFF086;
	s6 =	sadd.s32 @!p0 s3, s7;
	s7 =	simm.s32 @!p0 $0x108  }
0x21: {  	s3 =	sadd.s32 s3, s9;
	s6 =	sadd.s32 @!p0 $0x88, s6;
	s7 =	simm.s32 @p2 $0x1082  }
0x22: {  	[simem:s7], [sflag:s8] =	dma.local @!p0 [hbm:s6], $0xF7A  }
0x23: {  	s9 =	sor.u32 $0xD0000000, s2;
	s6 =	simm.s32 $0x108;
	_ =	swait.ge @!p0 [sflag:s8], $0x0  }
0x24: {  	s3 =	sadd.s32 $0x88, s3;
	s6 =	simm.s32 @!p1 $0x1082;
	[sflag:s4] =	ssyncset.s32 $0xFFFFF086  }
0x25: {  	[simem:s6], [sflag:s4] =	dma.local [hbm:s3], $0xF7A  }
0x26: {  	[smem:$0x3F92] =	sst s1;
	(tag) =	ssettag s2;
	_ =	strace s9  }
0x27: {  	s1 =	sld [smem:$0x3FA2]  }
0x28: {  	s2 =	sld [smem:$0x3FA3]  }
0x29: {  	s4 =	sld [smem:$0x3FA5]  }
0x2a: {  	p0 =	seq.s32 s5, $0x0;
	s5 =	sld [smem:$0x3FA6]  }
0x2b: {  	s6 =	sld [smem:$0x3FA7]  }
0x2c: {  	s7 =	sld [smem:$0x3FA8]  }
0x2d: {  	s3 =	simm.s32 $0x108;
	s8 =	sld [smem:$0x3FA9]  }
0x2e: {  	s3 =	simm.s32 @!p0 $0x1082;
	s9 =	sld [smem:$0x3FAA]  }
0x2f: {  	lr =	sadd.s32 s0, s3;
	s0 =	sld [smem:$0x3FA1]  }
0x30: {  	s3 =	sld [smem:$0x3FA4]  }
0x31: {  	[smem:$0x3FAD] =	sst s10  }
0x32: {  	s10 =	sld [smem:$0x3FAB];
	_ =	sdelay $0x3  }
0x33: {  	p0 =	seq.s32 s10, $0x1;
	s10 =	sld [smem:$0x3FAD];
	_ =	sdelay $0x3  }
0x34: {  	[smem:$0x3FAD] =	sst s10  }
0x35: {  	s10 =	sld [smem:$0x3FAC];
	_ =	sdelay $0x3  }
0x36: {  	p1 =	seq.s32 s10, $0x1;
	s10 =	sld [smem:$0x3FAD];
	_ =	sdelay $0x3  }
0x37: {  	[smem:$0x3FAD] =	sst s10  }
0x38: {  	s10 =	sld [smem:$0x3FAE]  }
0x39: {  	_ = 	snop;
	(pc) =	sbr.ind lr, $3  }
0x3a: {  	_ = 	snop  }
0x3b: {  	_ = 	snop  }
0x3c: {  	p2 =	seq.s32 s10, $0x1;
	s10 =	sld [smem:$0x3FAD]  }
0x3d: {  	_ =	shalt  }
0x3e: {  	_ =	shalt  }
0x3f: {  	_ =	shalt  }
0x40: {  	_ =	shalt  }
0x41: {  	_ =	shalt  }
0x42: {  	_ =	shalt  }
0x43: {  	_ =	shalt  }
0x44: {  	_ =	shalt  }
0x45: {  	_ =	shalt  }
0x46: {  	_ =	shalt  }
0x47: {  	_ =	shalt  }
0x48: {  	_ =	shalt  }
0x49: {  	_ =	shalt  }
0x4a: {  	_ =	shalt  }
0x4b: {  	_ =	shalt  }
0x4c: {  	_ =	shalt  }
0x4d: {  	_ =	shalt  }
0x4e: {  	_ =	shalt  }
0x4f: {  	_ =	shalt  }
0x50: {  	_ =	shalt  }
0x51: {  	_ =	shalt  }
0x52: {  	_ =	shalt  }
0x53: {  	_ =	shalt  }
0x54: {  	_ =	shalt  }
0x55: {  	_ =	shalt  }
0x56: {  	_ =	shalt  }
0x57: {  	_ =	shalt  }
0x58: {  	_ =	shalt  }
0x59: {  	_ =	shalt  }
0x5a: {  	_ =	shalt  }
0x5b: {  	_ =	shalt  }
0x5c: {  	_ =	shalt  }
0x5d: {  	_ =	shalt  }
0x5e: {  	_ =	shalt  }
0x5f: {  	_ =	shalt  }
0x60: {  	_ =	shalt  }
0x61: {  	_ =	shalt  }
0x62: {  	_ =	shalt  }
0x63: {  	_ =	shalt  }
0x64: {  	_ =	shalt  }
0x65: {  	_ =	shalt  }
0x66: {  	_ =	shalt  }
0x67: {  	_ =	shalt  }
0x68: {  	_ =	shalt  }
0x69: {  	_ =	shalt  }
0x6a: {  	_ =	shalt  }
0x6b: {  	_ =	shalt  }
0x6c: {  	_ =	shalt  }
0x6d: {  	_ =	shalt  }
0x6e: {  	_ =	shalt  }
0x6f: {  	_ =	shalt  }
0x70: {  	_ =	shalt  }
0x71: {  	_ =	shalt  }
0x72: {  	_ =	shalt  }
0x73: {  	_ =	shalt  }
0x74: {  	_ =	shalt  }
0x75: {  	_ =	shalt  }
0x76: {  	_ =	shalt  }
0x77: {  	_ =	shalt  }
0x78: {  	_ =	shalt  }
0x79: {  	_ =	shalt  }
0x7a: {  	_ =	shalt  }
0x7b: {  	_ =	shalt  }
0x7c: {  	_ =	shalt  }
0x7d: {  	_ =	shalt  }
0x7e: {  	_ =	shalt  }
0x7f: {  	_ =	shalt  }
0x80: {  	_ =	shalt  }
0x81: {  	_ =	shalt  }
0x82: {  	_ =	shalt  }
0x83: {  	_ =	shalt  }
0x84: {  	_ =	shalt  }
0x85: {  	_ =	shalt  }
0x86: {  	_ =	shalt  }
0x87: {  	_ =	shalt  }
.Lfunc_end0:
.L_simem_size_0:
called_computation_lowered:
.L_overlay_start_0:
0x88: {  	s2 =	sld [smem:$0x3FD9]  }
0x89: {  	s3 =	sld [smem:$0x3FFE];
	_ =	sdelay $0x1  }
0x8a: {  	s1 =	srdreg.scid  }
0x8b: {  	s0 =	sand.u32 $0x1, s1  }
0x8c: {  	s16 =	sshll.u32 s0, $0xA;
	s2 =	sadd.s32 s3, s2  }
0x8d: {  	s2 =	sadd.s32 s2, s16  }
0x8e: {  	[smem:$0x3FB9] =	sst s2  }
0x8f: {  	_ = 	snop  }
0x90: {  	(tm) =	ssettm $0x1  }
0x91: {  	s17 =	sld [smem:$0x3FFB];
	_ =	sdelay $0x3  }
0x92: {  	_ =	strace s17  }
0x93: {  	s2 =	sld [smem:$0x3FFC];
	_ =	sdelay $0x3  }
0x94: {  	_ =	strace s2  }
0x95: {  	s2 =	sld [smem:$0x3FFD];
	_ =	sdelay $0x3  }
0x96: {  	_ =	strace s2  }
0x97: {  	_ =	strace $0x8FFFFFFF  }
0x98: {  	s18 =	sld [smem:$0x3FDB];
	_ =	sdelay $0x1  }
0x99: {  	s19 =	simm.s32 $_scs_section_size  }
0x9a: {  	s4 =	simm.s32 $_size__tile_overlayer_lowered;
	s5 =	simm.s32 $_tile_overlayer_lowered  }
0x9b: {  	s22 =	simm.s32 $0x1BFF;
	s21 =	sshll.u32 s5, $0x1;
	s2 =	sadd.s32 s19, s18  }
0x9c: {  	s6 =	simm.s32 $0x0;
	s20 =	sshll.u32 s4, $0x1;
	s4 =	sadd.s32 s21, s2  }
0x9d: {  	[timem:s6], [sflag:s22] =	dma.local [hbm:s4], s20  }
0x9e: {  	_ =	swait.ge [sflag:s22], s20  }
0x9f: {  	s3 =	ssub.s32 $0x0, s20;
	[sflag:s22] =	ssyncset.done $0x0  }
0xa0: {  	[sflag:s22] =	ssyncadd.s32 s3;
	_ =	sdelay $0x1  }
0xa1: {  	s23 =	simm.s32 $0x1B8B  }
0xa2: {  	_ =	swait.ge [sflag:s23], $0x1  }
0xa3: {  	[sflag:s23] =	ssyncset.done $0x0  }
0xa4: {  	s25 =	simm.s32 $0x1B8E;
	s24 =	sld [smem:$0x3FFE];
	[sflag:s23] =	ssyncadd.s32 $0xFFFFFFFF  }
0xa5: {  	s26 =	simm.s32 $execute0_lowered;
	[smem:$0x3FD2] =	sst s25  }
0xa6: {  	s4 =	sshll.u32 s26, $0x1;
	_ =	strace $0x80000046;
	[dreg:$0x1] =	wrdreg $0xFFFFFFFF  }
0xa7: {  	s28 =	simm.s32 $_size_execute0_lowered;
	s2 =	sadd.s32 s2, s4;
	[dreg:$0x0] =	wrdreg $0x0  }
0xa8: {  	s4 =	sshll.u32 s28, $0x1;
	[dreg:$0x2] =	wrdreg s2  }
0xa9: {  	[dreg:$0x3] =	wrdreg s4  }
0xaa: {  	[dreg:$0x4] =	wrdreg $0xC0  }
0xab: {  	_ =	task [dreg:s6], $0x5FFFF  }
0xac: {  	[dreg:$0x1] =	wrdreg $0xFFFFFFFF  }
0xad: {  	[dreg:$0x0] =	wrdreg $0x60  }
0xae: {  	[dreg:$0x2] =	wrdreg s24  }
0xaf: {  	[dreg:$0x3] =	wrdreg $0x9  }
0xb0: {  	_ =	task.clear_ibuf [dreg:s6], $0x4FFFF;
	_ =	strace $0x90000046  }
0xb1: {  	s29 =	simm.s32 $0x9;
	_ =	strace $0x80000048  }
0xb2: {  	_ =	swait.ge [sflag:s29], $0x1  }
0xb3: {  	[sflag:s29] =	ssyncadd.s32 $0xFFFFFFFF  }
0xb4: {  	_ =	strace $0x90000048  }
0xb5: {  	_ =	sfence  }
0xb6: {  	s30 =	sld [smem:$0x0];
	_ =	sdelay $0x2  }
0xb7: {  	s31 =	sshll.u32 s1, $0xD;
	s1 =	sshrl.u32 s1, $0x2  }
0xb8: {  	s3 =	sand.u32 $0x4000, s31;
	s1 =	sadd.s32 s1, s30  }
0xb9: {  	s0 =	sor.u32 s3, s0;
	s1 =	sshll.u32 s1, $0x11  }
0xba: {  	s0 =	sor.u32 s1, s0  }
0xbb: {  	s0 =	sadd.s32 $0x8F2B, s0  }
0xbc: {  	[sflag:s0] =	ssyncadd.remote.s32 $0x1  }
0xbd: {  	_ =	sfence.sel $0xFFFF  }
0xbe: {  	[dreg:$0x0] =	wrdreg $0xFFFFFFFF;
	(pc) =	sbr.abs _section_cstart, $3  }
0xbf: {  	[dreg:$0x1] =	wrdreg $0xFFFFFFFF  }
0xc0: {  	_ =	task.clear_ibuf [dreg:s6], $0x2FFFF;
	_ =	strace $0x9FFFFFFF  }
0xc1: {  	(tm) =	ssettm $0x7FFFFFFF  }
tec
execute0_lowered:
.L_overlay_start_1:
0x0: {  	(tag) =	ssettag $0x1  }
0x1: {  	s5 =	rddreg [dreg:$0x0]  }
0x2: {  	s0 =	rddreg [dreg:$0x1];
	s1 =	simm.s32 $0x0  }
0x3: {  	s4 =	srdreg.scid;
	s2 =	stileid.u32;
	s20 =	simm.s32 $0x8200  }
0x4: {  	s21 =	simm.s32 $0x2;
	s22 =	simm.s32 $0x3;
	s23 =	simm.s32 $0x0  }
0x5: {  	[smem:$0x7FF] =	sst s1;
	s3 =	sadd.s32 $0x91000, s5;
	s13 =	sand.u32 $0x1, s4  }
0x6: {  	s6 =	sshll.u32 s2, $0xE;
	s14 =	sadd.s32 $0x89000, s5;
	s16 =	sadd.s32 $0x111000, s5  }
0x7: {  	s17 =	sadd.s32 $0x89020, s5;
	s18 =	sshll.u32 s2, $0x12;
	s4 =	ssub.s32 $0x2, s13  }
0x8: {  	_ =	strace $0x80000047;
	s7 =	sshll.u32 s13, $0xD;
	s8 =	sshrl.u32 s4, $0x1  }
0x9: {  	s13 =	sshll.u32 s13, $0x11;
	s15 =	sor.u32 s7, s6;
	s29 =	ssub.s32 s4, s8  }
0xa: {  	s7 =	sshrl.u32 s15, $0x3;
	s30 =	sshll.u32 s15, $0x4;
	s10 =	sor.u32 $0x1E00, s15  }
0xb: {  	s19 =	sor.u32 $0x400, s15;
	s15 =	sor.u32 $0x200, s15;
	s4 =	sadd.s32 s14, s7  }
0xc: {  	s5 =	smax.u32 s29, $0x1;
	s6 =	sadd.s32 s7, s17;
	s7 =	sadd.s32 s16, s30  }
0xd: {  	s11 =	sshll.u32 s10, $0x4;
	s12 =	sshrl.u32 s10, $0x3;
	s31 =	sshrl.u32 s19, $0x3  }
0xe: {  	s15 =	sshrl.u32 s15, $0x3;
	s19 =	simm.s32 $0x1;
	s8 =	sadd.s32 $0x40, s4  }
0xf: {  	s9 =	sadd.s32 $0x1000, s7;
	s10 =	sadd.s32 s16, s11;
	s11 =	sadd.s32 s12, s17  }
0x10: {  	s16 =	sadd.s32 s18, s16;
	s15 =	sadd.s32 s15, s17;
	s17 =	simm.s32 $0x100  }
0x11: {  	s18 =	simm.s32 $0x200;
	s12 =	sadd.s32 $0x1000, s10;
	s16 =	sadd.s32 s13, s16  }
0x12: {  	s13 =	sadd.s32 s31, s14;
	s14 =	sadd.s32 $0x3000, s16;
	s16 =	simm.s32 $0x4  }
.LBB2_1:
0x13: {  	[tilespmem:s1], [sflag:$0x4] =	stream.linear.gather [hbm4b:s4+s1], $0x100, $0x38;
	[tilespmem:$0x10200] =	vst v63  }
0x14: {  	_ =	swait.ge [sflag:s16], $0x100  }
0x15: {  	[sflag:s16] =	ssyncset.done $0x0  }
0x16: {  	[sflag:s16] =	ssyncadd.s32 $0xFFFFFF00  }
0x17: {  	[tilespmem:s18], [sflag:$0x1] =	stream.indirect.gather [hbm4b:s3+s17], $0x80, s1, s17, $0xb8;
	[tilespmem:$0x10200] =	vst v63  }
0x18: {  	_ = 	snop  }
0x19: {  	[tilespmem:s17], [sflag:$0x4] =	stream.linear.gather [hbm4b:s6+s1], $0x100, $0x38;
	[tilespmem:$0x10200] =	vst v63  }
0x1a: {  	_ =	swait.ge [sflag:s16], $0x100  }
0x1b: {  	[sflag:s16] =	ssyncset.done $0x0  }
0x1c: {  	[sflag:s16] =	ssyncadd.s32 $0xFFFFFF00  }
0x1d: {  	_ =	swait.ge [sflag:s19], $0x8000  }
0x1e: {  	[sflag:s19] =	ssyncset.done $0x0  }
0x1f: {  	[sflag:s19] =	ssyncadd.s32 $0xFFFF8000  }
0x20: {  	[hbm4b:s7+s1] =	stream.linear.scatter [tilespmem:s18], [sflag:$0x2], $0x8000, $0x38;
	[tilespmem:$0x10200] =	vst v63  }
0x21: {  	_ = 	snop  }
0x22: {  	[tilespmem:s20], [sflag:$0x1] =	stream.indirect.gather [hbm4b:s3+s17], $0x80, s17, s17, $0xb8;
	[tilespmem:$0x10200] =	vst v63  }
0x23: {  	_ = 	snop  }
0x24: {  	[tilespmem:s1], [sflag:$0x4] =	stream.linear.gather [hbm4b:s8+s1], $0x100, $0x38;
	[tilespmem:$0x10200] =	vst v63  }
0x25: {  	_ =	swait.ge [sflag:s16], $0x100  }
0x26: {  	[sflag:s16] =	ssyncset.done $0x0  }
0x27: {  	[sflag:s16] =	ssyncadd.s32 $0xFFFFFF00  }
0x28: {  	_ =	swait.ge [sflag:s19], $0x8000  }
0x29: {  	[sflag:s19] =	ssyncset.done $0x0  }
0x2a: {  	[sflag:s19] =	ssyncadd.s32 $0xFFFF8000  }
0x2b: {  	[hbm4b:s9+s1] =	stream.linear.scatter [tilespmem:s20], [sflag:$0x3], $0x8000, $0x38;
	[tilespmem:$0x10200] =	vst v63  }
0x2c: {  	_ =	swait.ge [sflag:s21], $0x8000  }
0x2d: {  	[sflag:s21] =	ssyncset.done $0x0  }
0x2e: {  	[sflag:s21] =	ssyncadd.s32 $0xFFFF8000  }
0x2f: {  	[tilespmem:s18], [sflag:$0x1] =	stream.indirect.gather [hbm4b:s3+s17], $0x80, s1, s17, $0xb8;
	[tilespmem:$0x10200] =	vst v63  }
0x30: {  	s24 =	sadd.s32 $0x0, s15  }
0x31: {  	[tilespmem:s17], [sflag:$0x4] =	stream.linear.gather [hbm4b:s24+s1], $0x100, $0x38;
	[tilespmem:$0x10200] =	vst v63  }
0x32: {  	_ =	swait.ge [sflag:s16], $0x100  }
0x33: {  	[sflag:s16] =	ssyncset.done $0x0  }
0x34: {  	[sflag:s16] =	ssyncadd.s32 $0xFFFFFF00  }
0x35: {  	_ =	swait.ge [sflag:s19], $0x8000  }
0x36: {  	[sflag:s19] =	ssyncset.done $0x0  }
0x37: {  	s30 =	sadd.s32 $0xFFFFF000, s14;
	[sflag:s19] =	ssyncadd.s32 $0xFFFF8000  }
0x38: {  	[hbm4b:s30+s1] =	stream.linear.scatter [tilespmem:s18], [sflag:$0x2], $0x8000, $0x38;
	[tilespmem:$0x10200] =	vst v63  }
0x39: {  	_ =	swait.ge [sflag:s22], $0x8000  }
0x3a: {  	[sflag:s22] =	ssyncset.done $0x0  }
0x3b: {  	[sflag:s22] =	ssyncadd.s32 $0xFFFF8000  }
0x3c: {  	[tilespmem:s20], [sflag:$0x1] =	stream.indirect.gather [hbm4b:s3+s17], $0x80, s17, s17, $0xb8;
	[tilespmem:$0x10200] =	vst v63  }
0x3d: {  	s31 =	sadd.s32 $0x0, s13  }
0x3e: {  	[tilespmem:s1], [sflag:$0x4] =	stream.linear.gather [hbm4b:s31+s1], $0x100, $0x38;
	[tilespmem:$0x10200] =	vst v63  }
0x3f: {  	_ =	swait.ge [sflag:s16], $0x100  }
0x40: {  	[sflag:s16] =	ssyncset.done $0x0  }
0x41: {  	[sflag:s16] =	ssyncadd.s32 $0xFFFFFF00  }
0x42: {  	_ =	swait.ge [sflag:s19], $0x8000  }
0x43: {  	s25 =	sadd.s32 $0x2000, s14;
	[sflag:s19] =	ssyncset.done $0x0  }
0x44: {  	s26 =	smov.u32 s14;
	s24 =	simm.s32 $0x40;
	[sflag:s19] =	ssyncadd.s32 $0xFFFF8000  }
.LBB2_2:
0x45: {  	[hbm4b:s26+s1] =	stream.linear.scatter [tilespmem:s20], [sflag:$0x3], $0x8000, $0x38;
	[tilespmem:$0x10200] =	vst v63  }
0x46: {  	s28 =	smov.u32 s24;
	s26 =	smov.u32 s25  }
0x47: {  	p0 =	sne.s32 s24, $0x340;
	s24 =	sadd.s32 $0x40, s24;
	_ =	swait.ge [sflag:s21], $0x8000  }
0x48: {  	[sflag:s21] =	ssyncset.done $0x0  }
0x49: {  	[sflag:s21] =	ssyncadd.s32 $0xFFFF8000  }
0x4a: {  	[tilespmem:s18], [sflag:$0x1] =	stream.indirect.gather [hbm4b:s3+s17], $0x80, s1, s17, $0xb8;
	[tilespmem:$0x10200] =	vst v63  }
0x4b: {  	s29 =	sadd.s32 s28, s15  }
0x4c: {  	[tilespmem:s17], [sflag:$0x4] =	stream.linear.gather [hbm4b:s29+s1], $0x100, $0x38;
	[tilespmem:$0x10200] =	vst v63  }
0x4d: {  	_ =	swait.ge [sflag:s16], $0x100  }
0x4e: {  	[sflag:s16] =	ssyncset.done $0x0  }
0x4f: {  	[sflag:s16] =	ssyncadd.s32 $0xFFFFFF00  }
0x50: {  	_ =	swait.ge [sflag:s19], $0x8000  }
0x51: {  	[sflag:s19] =	ssyncset.done $0x0  }
0x52: {  	s29 =	sadd.s32 $0xFFFFF000, s25;
	[sflag:s19] =	ssyncadd.s32 $0xFFFF8000  }
0x53: {  	[hbm4b:s29+s1] =	stream.linear.scatter [tilespmem:s18], [sflag:$0x2], $0x8000, $0x38;
	[tilespmem:$0x10200] =	vst v63  }
0x54: {  	_ =	swait.ge [sflag:s22], $0x8000  }
0x55: {  	[sflag:s22] =	ssyncset.done $0x0  }
0x56: {  	[sflag:s22] =	ssyncadd.s32 $0xFFFF8000  }
0x57: {  	[tilespmem:s20], [sflag:$0x1] =	stream.indirect.gather [hbm4b:s3+s17], $0x80, s17, s17, $0xb8;
	[tilespmem:$0x10200] =	vst v63  }
0x58: {  	s28 =	sadd.s32 s28, s13  }
0x59: {  	[tilespmem:s1], [sflag:$0x4] =	stream.linear.gather [hbm4b:s28+s1], $0x100, $0x38;
	[tilespmem:$0x10200] =	vst v63  }
0x5a: {  	_ =	swait.ge [sflag:s16], $0x100  }
.Ltmp0:
0x5b: {  	[sflag:s16] =	ssyncset.done $0x0;
	(pc) =	sbr.rel @p0 .LBB2_2-.Ltmp0, $4  }
0x5c: {  	[sflag:s16] =	ssyncadd.s32 $0xFFFFFF00  }
0x5d: {  	_ =	swait.ge [sflag:s19], $0x8000  }
0x5e: {  	[sflag:s19] =	ssyncset.done $0x0  }
0x5f: {  	s25 =	sadd.s32 $0x2000, s25;
	[sflag:s19] =	ssyncadd.s32 $0xFFFF8000  }
0x60: {  	[hbm4b:s26+s1] =	stream.linear.scatter [tilespmem:s20], [sflag:$0x3], $0x8000, $0x38;
	[tilespmem:$0x10200] =	vst v63  }
0x61: {  	_ =	swait.ge [sflag:s21], $0x8000  }
0x62: {  	[sflag:s21] =	ssyncset.done $0x0  }
0x63: {  	[sflag:s21] =	ssyncadd.s32 $0xFFFF8000  }
0x64: {  	[tilespmem:s18], [sflag:$0x1] =	stream.indirect.gather [hbm4b:s3+s17], $0x80, s1, s17, $0xb8;
	[tilespmem:$0x10200] =	vst v63  }
0x65: {  	_ = 	snop  }
0x66: {  	[tilespmem:s17], [sflag:$0x4] =	stream.linear.gather [hbm4b:s11+s1], $0x100, $0x38;
	[tilespmem:$0x10200] =	vst v63  }
0x67: {  	_ =	swait.ge [sflag:s16], $0x100  }
0x68: {  	[sflag:s16] =	ssyncset.done $0x0  }
0x69: {  	[sflag:s16] =	ssyncadd.s32 $0xFFFFFF00  }
0x6a: {  	_ =	swait.ge [sflag:s19], $0x8000  }
0x6b: {  	[sflag:s19] =	ssyncset.done $0x0  }
0x6c: {  	[sflag:s19] =	ssyncadd.s32 $0xFFFF8000  }
0x6d: {  	[hbm4b:s10+s1] =	stream.linear.scatter [tilespmem:s18], [sflag:$0x2], $0x8000, $0x38;
	[tilespmem:$0x10200] =	vst v63  }
0x6e: {  	_ =	swait.ge [sflag:s22], $0x8000  }
0x6f: {  	[sflag:s22] =	ssyncset.done $0x0  }
0x70: {  	[sflag:s22] =	ssyncadd.s32 $0xFFFF8000  }
0x71: {  	[tilespmem:s20], [sflag:$0x1] =	stream.indirect.gather [hbm4b:s3+s17], $0x80, s17, s17, $0xb8;
	[tilespmem:$0x10200] =	vst v63  }
0x72: {  	_ =	swait.ge [sflag:s19], $0x8000  }
0x73: {  	[sflag:s19] =	ssyncset.done $0x0  }
0x74: {  	s23 =	sadd.s32 $0x1, s23;
	[sflag:s19] =	ssyncadd.s32 $0xFFFF8000  }
0x75: {  	[hbm4b:s12+s1] =	stream.linear.scatter [tilespmem:s20], [sflag:$0x3], $0x8000, $0x38;
	[tilespmem:$0x10200] =	vst v63  }
0x76: {  	p0 =	sne.s32 s23, s5;
	_ =	swait.ge [sflag:s21], $0x8000  }
.Ltmp1:
0x77: {  	[sflag:s21] =	ssyncset.done $0x0;
	(pc) =	sbr.rel @p0 .LBB2_1-.Ltmp1, $4  }
0x78: {  	[sflag:s21] =	ssyncadd.s32 $0xFFFF8000  }
0x79: {  	_ =	swait.ge [sflag:s22], $0x8000  }
0x7a: {  	[sflag:s22] =	ssyncset.done $0x0  }
0x7b: {  	[sflag:s22] =	ssyncadd.s32 $0xFFFF8000  }
0x7c: {  	_ =	sfence.sel $0x180000  }
0x7d: {  	[bflag:$0x0] =	sbarrier.arrive $0xFFFF  }
0x7e: {  	p0 =	sne.s32 s2, $0x0;
	_ =	strace $0x90000047  }
0x7f: {  	s0 =	sadd.s32 @!p0 $0x100000, s0;
	[bflag:$0x2] =	sbarrier.arrive $0xFFFF  }
0x80: {  	[sflag:s0] =	ssyncadd.tile.s32 @!p0 $0x1;
	_ =	shalt  }
.Lfunc_end2:
_tile_overlayer_lowered:
.L_overlay_start_2:
0x81: {  	(tag) =	ssettag $0x2  }
0x82: {  	s0 =	rddreg [dreg:$0x0];
	s2 =	stileid.u32  }
0x83: {  	s1 =	rddreg [dreg:$0x1];
	p0 =	sne.s32 s2, $0x0  }
0x84: {  	s3 =	rddreg [dreg:$0x2];
	[bflag:$0x3] =	sbarrier.arrive $0xFFFF;
	s2 =	simm.s32 @!p0 $0x1C04  }
0x85: {  	[timem:s3], [sflag:s2] =	dma.local @!p0 [hbm:s0], s1  }
0x86: {  	s0 =	simm.s32 @!p0 $0x4  }
0x87: {  	_ =	swait.ge @!p0 [sflag:s0], s1  }
0x88: {  	s1 =	ssub.s32 @!p0 $0x0, s1;
	[sflag:s0] =	ssyncset.done @!p0 $0x0  }
0x89: {  	[sflag:s0] =	ssyncadd.s32 @!p0 s1  }
0x8a: {  	[bflag:$0x3] =	sbarrier.arrive $0xFFFF  }
0x8b: {  	_ =	shalt  }

// kernel: kernel.29.cloned.1.call-start
scs
__scs_entry_jumppad:
0x0: {  	(pc) =	sbr.rel $0x88, $3  }
0x1: {  	(tag) =	ssettag $0x0;
	lr =	simm.s32 $0x1  }
0x2: {  	[smem:$0x3F92] =	sst lr;
	_ =	strace $0xD0000000  }
0x3: {  	_ = 	snop  }
0x4: {  	_ = 	snop  }
0x5: {  	_ = 	snop  }
0x6: {  	_ = 	snop  }
0x7: {  	_ = 	snop  }
__scs_overlays_trampoline_lowered:
0x8: {  	[smem:$0x3FA1] =	sst s0  }
0x9: {  	[smem:$0x3FA2] =	sst s1  }
0xa: {  	[smem:$0x3FA3] =	sst s2  }
0xb: {  	[smem:$0x3FA4] =	sst s3  }
0xc: {  	[smem:$0x3FA5] =	sst s4  }
0xd: {  	[smem:$0x3FA6] =	sst s5  }
0xe: {  	[smem:$0x3FA7] =	sst s6  }
0xf: {  	[smem:$0x3FA8] =	sst s7  }
0x10: {  	[smem:$0x3FA9] =	sst s8  }
0x11: {  	[smem:$0x3FAA] =	sst s9;
	s0 =	simm.s32 @!p0 $0x0  }
0x12: {  	s1 =	sld [smem:$0x3F90];
	s0 =	simm.s32 @p0 $0x1  }
0x13: {  	[smem:$0x3FAB] =	sst s0;
	s0 =	simm.s32 @!p1 $0x0  }
0x14: {  	s2 =	sld [smem:$0x3F8F];
	s0 =	simm.s32 @p1 $0x1  }
0x15: {  	[smem:$0x3FAC] =	sst s0;
	s0 =	simm.s32 @!p2 $0x0  }
0x16: {  	s3 =	sld [smem:$0x3FDB];
	s0 =	simm.s32 @p2 $0x1  }
0x17: {  	s4 =	simm.s32 $0x1BF5;
	[smem:$0x3FAE] =	sst s0  }
0x18: {  	s0 =	sld [smem:$0x3F91];
	_ =	swait.ge [sflag:s4], $0x0  }
0x19: {  	s7 =	sld [smem:$0x3F92]  }
0x1a: {  	s8 =	sadd.s32 $0xFFFFE003, lr  }
0x1b: {  	s9 =	sadd.s32 $0xFFFFFEF7, lr;
	s5 =	simm.s32 $0xFFFFFFFF;
	p2 =	slt.u32 s8, $0xFFFFF086  }
0x1c: {  	p1 =	slt.u32 s9, $0xF7A;
	s5 =	simm.s32 @!p2 $0x0  }
0x1d: {  	s5 =	simm.s32 @p1 $0x1;
	p0 =	seq.s32 s7, s2  }
0x1e: {  	s7 =	smul.u32 @!p0 $0xF7A, s2;
	p2 =	seq.s32 @!p0 s5, $0x0  }
0x1f: {  	s9 =	smul.u32 $0xF7A, s1;
	s8 =	simm.s32 @!p0 $0x1BF5;
	p2 =	por !p2, p0  }
0x20: {  	[sflag:s8] =	ssyncset.s32 @!p0 $0xFFFFF086;
	s6 =	sadd.s32 @!p0 s3, s7;
	s7 =	simm.s32 @!p0 $0x108  }
0x21: {  	s3 =	sadd.s32 s3, s9;
	s6 =	sadd.s32 @!p0 $0x88, s6;
	s7 =	simm.s32 @p2 $0x1082  }
0x22: {  	[simem:s7], [sflag:s8] =	dma.local @!p0 [hbm:s6], $0xF7A  }
0x23: {  	s9 =	sor.u32 $0xD0000000, s2;
	s6 =	simm.s32 $0x108;
	_ =	swait.ge @!p0 [sflag:s8], $0x0  }
0x24: {  	s3 =	sadd.s32 $0x88, s3;
	s6 =	simm.s32 @!p1 $0x1082;
	[sflag:s4] =	ssyncset.s32 $0xFFFFF086  }
0x25: {  	[simem:s6], [sflag:s4] =	dma.local [hbm:s3], $0xF7A  }
0x26: {  	[smem:$0x3F92] =	sst s1;
	(tag) =	ssettag s2;
	_ =	strace s9  }
0x27: {  	s1 =	sld [smem:$0x3FA2]  }
0x28: {  	s2 =	sld [smem:$0x3FA3]  }
0x29: {  	s4 =	sld [smem:$0x3FA5]  }
0x2a: {  	p0 =	seq.s32 s5, $0x0;
	s5 =	sld [smem:$0x3FA6]  }
0x2b: {  	s6 =	sld [smem:$0x3FA7]  }
0x2c: {  	s7 =	sld [smem:$0x3FA8]  }
0x2d: {  	s3 =	simm.s32 $0x108;
	s8 =	sld [smem:$0x3FA9]  }
0x2e: {  	s3 =	simm.s32 @!p0 $0x1082;
	s9 =	sld [smem:$0x3FAA]  }
0x2f: {  	lr =	sadd.s32 s0, s3;
	s0 =	sld [smem:$0x3FA1]  }
0x30: {  	s3 =	sld [smem:$0x3FA4]  }
0x31: {  	[smem:$0x3FAD] =	sst s10  }
0x32: {  	s10 =	sld [smem:$0x3FAB];
	_ =	sdelay $0x3  }
0x33: {  	p0 =	seq.s32 s10, $0x1;
	s10 =	sld [smem:$0x3FAD];
	_ =	sdelay $0x3  }
0x34: {  	[smem:$0x3FAD] =	sst s10  }
0x35: {  	s10 =	sld [smem:$0x3FAC];
	_ =	sdelay $0x3  }
0x36: {  	p1 =	seq.s32 s10, $0x1;
	s10 =	sld [smem:$0x3FAD];
	_ =	sdelay $0x3  }
0x37: {  	[smem:$0x3FAD] =	sst s10  }
0x38: {  	s10 =	sld [smem:$0x3FAE]  }
0x39: {  	_ = 	snop;
	(pc) =	sbr.ind lr, $3  }
0x3a: {  	_ = 	snop  }
0x3b: {  	_ = 	snop  }
0x3c: {  	p2 =	seq.s32 s10, $0x1;
	s10 =	sld [smem:$0x3FAD]  }
0x3d: {  	_ =	shalt  }
0x3e: {  	_ =	shalt  }
0x3f: {  	_ =	shalt  }
0x40: {  	_ =	shalt  }
0x41: {  	_ =	shalt  }
0x42: {  	_ =	shalt  }
0x43: {  	_ =	shalt  }
0x44: {  	_ =	shalt  }
0x45: {  	_ =	shalt  }
0x46: {  	_ =	shalt  }
0x47: {  	_ =	shalt  }
0x48: {  	_ =	shalt  }
0x49: {  	_ =	shalt  }
0x4a: {  	_ =	shalt  }
0x4b: {  	_ =	shalt  }
0x4c: {  	_ =	shalt  }
0x4d: {  	_ =	shalt  }
0x4e: {  	_ =	shalt  }
0x4f: {  	_ =	shalt  }
0x50: {  	_ =	shalt  }
0x51: {  	_ =	shalt  }
0x52: {  	_ =	shalt  }
0x53: {  	_ =	shalt  }
0x54: {  	_ =	shalt  }
0x55: {  	_ =	shalt  }
0x56: {  	_ =	shalt  }
0x57: {  	_ =	shalt  }
0x58: {  	_ =	shalt  }
0x59: {  	_ =	shalt  }
0x5a: {  	_ =	shalt  }
0x5b: {  	_ =	shalt  }
0x5c: {  	_ =	shalt  }
0x5d: {  	_ =	shalt  }
0x5e: {  	_ =	shalt  }
0x5f: {  	_ =	shalt  }
0x60: {  	_ =	shalt  }
0x61: {  	_ =	shalt  }
0x62: {  	_ =	shalt  }
0x63: {  	_ =	shalt  }
0x64: {  	_ =	shalt  }
0x65: {  	_ =	shalt  }
0x66: {  	_ =	shalt  }
0x67: {  	_ =	shalt  }
0x68: {  	_ =	shalt  }
0x69: {  	_ =	shalt  }
0x6a: {  	_ =	shalt  }
0x6b: {  	_ =	shalt  }
0x6c: {  	_ =	shalt  }
0x6d: {  	_ =	shalt  }
0x6e: {  	_ =	shalt  }
0x6f: {  	_ =	shalt  }
0x70: {  	_ =	shalt  }
0x71: {  	_ =	shalt  }
0x72: {  	_ =	shalt  }
0x73: {  	_ =	shalt  }
0x74: {  	_ =	shalt  }
0x75: {  	_ =	shalt  }
0x76: {  	_ =	shalt  }
0x77: {  	_ =	shalt  }
0x78: {  	_ =	shalt  }
0x79: {  	_ =	shalt  }
0x7a: {  	_ =	shalt  }
0x7b: {  	_ =	shalt  }
0x7c: {  	_ =	shalt  }
0x7d: {  	_ =	shalt  }
0x7e: {  	_ =	shalt  }
0x7f: {  	_ =	shalt  }
0x80: {  	_ =	shalt  }
0x81: {  	_ =	shalt  }
0x82: {  	_ =	shalt  }
0x83: {  	_ =	shalt  }
0x84: {  	_ =	shalt  }
0x85: {  	_ =	shalt  }
0x86: {  	_ =	shalt  }
0x87: {  	_ =	shalt  }
.Lfunc_end0:
.L_simem_size_0:
called_computation.1_lowered:
.L_overlay_start_0:
0x88: {  	s2 =	sld [smem:$0x3FD9]  }
0x89: {  	s3 =	sld [smem:$0x3FFE];
	_ =	sdelay $0x1  }
0x8a: {  	s1 =	srdreg.scid  }
0x8b: {  	s0 =	sand.u32 $0x1, s1  }
0x8c: {  	s16 =	sshll.u32 s0, $0xA;
	s2 =	sadd.s32 s3, s2  }
0x8d: {  	s2 =	sadd.s32 s2, s16  }
0x8e: {  	[smem:$0x3FB9] =	sst s2  }
0x8f: {  	_ = 	snop  }
0x90: {  	(tm) =	ssettm $0x1  }
0x91: {  	s17 =	sld [smem:$0x3FFB];
	_ =	sdelay $0x3  }
0x92: {  	_ =	strace s17  }
0x93: {  	s2 =	sld [smem:$0x3FFC];
	_ =	sdelay $0x3  }
0x94: {  	_ =	strace s2  }
0x95: {  	s2 =	sld [smem:$0x3FFD];
	_ =	sdelay $0x3  }
0x96: {  	_ =	strace s2  }
0x97: {  	_ =	strace $0x8FFFFFFF  }
0x98: {  	s18 =	sld [smem:$0x3FDB];
	_ =	sdelay $0x1  }
0x99: {  	s19 =	simm.s32 $_scs_section_size  }
0x9a: {  	s4 =	simm.s32 $_size__tile_overlayer_lowered;
	s5 =	simm.s32 $_tile_overlayer_lowered  }
0x9b: {  	s22 =	simm.s32 $0x1BFF;
	s21 =	sshll.u32 s5, $0x1;
	s2 =	sadd.s32 s19, s18  }
0x9c: {  	s6 =	simm.s32 $0x0;
	s20 =	sshll.u32 s4, $0x1;
	s4 =	sadd.s32 s21, s2  }
0x9d: {  	[timem:s6], [sflag:s22] =	dma.local [hbm:s4], s20  }
0x9e: {  	_ =	swait.ge [sflag:s22], s20  }
0x9f: {  	s3 =	ssub.s32 $0x0, s20;
	[sflag:s22] =	ssyncset.done $0x0  }
0xa0: {  	[sflag:s22] =	ssyncadd.s32 s3;
	_ =	sdelay $0x1  }
0xa1: {  	s23 =	simm.s32 $0x1B8B  }
0xa2: {  	_ =	swait.ge [sflag:s23], $0x1  }
0xa3: {  	[sflag:s23] =	ssyncset.done $0x0  }
0xa4: {  	s25 =	simm.s32 $0x1B8E;
	s24 =	sld [smem:$0x3FFE];
	[sflag:s23] =	ssyncadd.s32 $0xFFFFFFFF  }
0xa5: {  	s26 =	simm.s32 $execute0_lowered;
	[smem:$0x3FD2] =	sst s25  }
0xa6: {  	s4 =	sshll.u32 s26, $0x1;
	_ =	strace $0x80000049;
	[dreg:$0x1] =	wrdreg $0xFFFFFFFF  }
0xa7: {  	s28 =	simm.s32 $_size_execute0_lowered;
	s2 =	sadd.s32 s2, s4;
	[dreg:$0x0] =	wrdreg $0x0  }
0xa8: {  	s4 =	sshll.u32 s28, $0x1;
	[dreg:$0x2] =	wrdreg s2  }
0xa9: {  	[dreg:$0x3] =	wrdreg s4  }
0xaa: {  	[dreg:$0x4] =	wrdreg $0xC0  }
0xab: {  	_ =	task [dreg:s6], $0x5FFFF  }
0xac: {  	[dreg:$0x1] =	wrdreg $0xFFFFFFFF  }
0xad: {  	[dreg:$0x0] =	wrdreg $0x60  }
0xae: {  	[dreg:$0x2] =	wrdreg s24  }
0xaf: {  	[dreg:$0x3] =	wrdreg $0x9  }
0xb0: {  	_ =	task.clear_ibuf [dreg:s6], $0x4FFFF;
	_ =	strace $0x90000049  }
0xb1: {  	s29 =	simm.s32 $0x9;
	_ =	strace $0x8000004B  }
0xb2: {  	_ =	swait.ge [sflag:s29], $0x1  }
0xb3: {  	[sflag:s29] =	ssyncadd.s32 $0xFFFFFFFF  }
0xb4: {  	_ =	strace $0x9000004B  }
0xb5: {  	_ =	sfence  }
0xb6: {  	s30 =	sld [smem:$0x0];
	_ =	sdelay $0x2  }
0xb7: {  	s31 =	sshll.u32 s1, $0xD;
	s1 =	sshrl.u32 s1, $0x2  }
0xb8: {  	s3 =	sand.u32 $0x4000, s31;
	s1 =	sadd.s32 s1, s30  }
0xb9: {  	s0 =	sor.u32 s3, s0;
	s1 =	sshll.u32 s1, $0x11  }
0xba: {  	s0 =	sor.u32 s1, s0  }
0xbb: {  	s0 =	sadd.s32 $0x8F2B, s0  }
0xbc: {  	[sflag:s0] =	ssyncadd.remote.s32 $0x1  }
0xbd: {  	_ =	sfence.sel $0xFFFF  }
0xbe: {  	[dreg:$0x0] =	wrdreg $0xFFFFFFFF;
	(pc) =	sbr.abs _section_cstart, $3  }
0xbf: {  	[dreg:$0x1] =	wrdreg $0xFFFFFFFF  }
0xc0: {  	_ =	task.clear_ibuf [dreg:s6], $0x2FFFF;
	_ =	strace $0x9FFFFFFF  }
0xc1: {  	(tm) =	ssettm $0x7FFFFFFF  }
tec
execute0_lowered:
.L_overlay_start_1:
0x0: {  	(tag) =	ssettag $0x1  }
0x1: {  	s1 =	srdreg.scid  }
0x2: {  	s0 =	stileid.u32;
	s9 =	rddreg [dreg:$0x0];
	s6 =	sand.u32 $0x1, s1  }
0x3: {  	s7 =	simm.s32 $0x80;
	s30 =	sshll.u32 s0, $0x7;
	s2 =	sshll.u32 s6, $0x6  }
0x4: {  	s8 =	simm.s32 $0x1;
	s1 =	rddreg [dreg:$0x1];
	s10 =	sor.u32 s2, s30  }
0x5: {  	s5 =	sadd.s32 $0x49200, s9;
	s2 =	simm.s32 $0x0;
	s3 =	sshrl.u32 s10, $0x3  }
0x6: {  	s11 =	ssub.s32 $0x2, s6;
	[smem:$0x7FF] =	sst s2;
	s3 =	sadd.s32 s3, s9  }
0x7: {  	_ =	strace $0x8000004A;
	s4 =	sadd.s32 $0x49000, s3;
	s3 =	simm.s32 $0x2  }
0x8: {  	[tilespmem:s2], [sflag:$0x2] =	stream.linear.gather [hbm4b:s4+s2], $0x40, $0x38;
	[tilespmem:$0x2080] =	vst v63  }
0x9: {  	s6 =	simm.s32 $0x40;
	s12 =	sshrl.u32 s11, $0x1;
	_ =	swait.ge [sflag:s3], $0x40  }
0xa: {  	s10 =	sshll.u32 s10, $0x4;
	s31 =	ssub.s32 s11, s12;
	[sflag:s3] =	ssyncset.done $0x0  }
0xb: {  	s9 =	sadd.s32 s10, s9;
	s10 =	smax.u32 s31, $0x1;
	[sflag:s3] =	ssyncadd.s32 $0xFFFFFFC0  }
0xc: {  	[tilespmem:s7], [sflag:$0x1] =	stream.indirect.gather [hbm4b:s5+s6], $0x80, s2, s6, $0xb8;
	[tilespmem:$0x2080] =	vst v63  }
0xd: {  	p0 =	sne.s32 s10, $0x1;
	_ =	swait.ge [sflag:s8], $0x2000  }
.Ltmp0:
0xe: {  	[sflag:s8] =	ssyncset.done $0x0;
	(pc) =	sbr.rel @!p0 .LBB2_2-.Ltmp0, $4  }
0xf: {  	s9 =	sadd.s32 $0x89200, s9;
	[sflag:s8] =	ssyncadd.s32 $0xFFFFE000  }
0x10: {  	[hbm4b:s9+s2] =	stream.linear.scatter [tilespmem:s7], [sflag:$0x2], $0x2000, $0x38;
	[tilespmem:$0x2080] =	vst v63  }
0x11: {  	_ =	swait.ge [sflag:s3], $0x2000  }
0x12: {  	s10 =	sadd.s32 $0xFFFFFFFF, s10;
	[sflag:s3] =	ssyncset.done $0x0  }
.LBB2_1:
0x13: {  	p0 =	sne.s32 s10, $0x1;
	s10 =	sadd.s32 $0xFFFFFFFF, s10;
	[sflag:s3] =	ssyncadd.s32 $0xFFFFE000  }
0x14: {  	[tilespmem:s2], [sflag:$0x2] =	stream.linear.gather [hbm4b:s4+s2], $0x40, $0x38;
	[tilespmem:$0x2080] =	vst v63  }
0x15: {  	_ =	swait.ge [sflag:s3], $0x40  }
0x16: {  	[sflag:s3] =	ssyncset.done $0x0  }
0x17: {  	[sflag:s3] =	ssyncadd.s32 $0xFFFFFFC0  }
0x18: {  	[tilespmem:s7], [sflag:$0x1] =	stream.indirect.gather [hbm4b:s5+s6], $0x80, s2, s6, $0xb8;
	[tilespmem:$0x2080] =	vst v63  }
0x19: {  	_ =	swait.ge [sflag:s8], $0x2000  }
.Ltmp1:
0x1a: {  	[sflag:s8] =	ssyncset.done $0x0;
	(pc) =	sbr.rel @p0 .LBB2_1-.Ltmp1, $4  }
0x1b: {  	[sflag:s8] =	ssyncadd.s32 $0xFFFFE000  }
0x1c: {  	[hbm4b:s9+s2] =	stream.linear.scatter [tilespmem:s7], [sflag:$0x2], $0x2000, $0x38;
	[tilespmem:$0x2080] =	vst v63  }
0x1d: {  	_ =	swait.ge [sflag:s3], $0x2000  }
0x1e: {  	[sflag:s3] =	ssyncset.done $0x0  }
.LBB2_2:
0x1f: {  	[sflag:s3] =	ssyncadd.s32 $0xFFFFE000  }
0x20: {  	_ =	sfence.sel $0x180000  }
0x21: {  	[bflag:$0x0] =	sbarrier.arrive $0xFFFF  }
0x22: {  	p0 =	sne.s32 s0, $0x0;
	_ =	strace $0x9000004A  }
0x23: {  	s0 =	sadd.s32 @!p0 $0x100000, s1;
	[bflag:$0x2] =	sbarrier.arrive $0xFFFF  }
0x24: {  	[sflag:s0] =	ssyncadd.tile.s32 @!p0 $0x1;
	_ =	shalt  }
.Lfunc_end2:
_tile_overlayer_lowered:
.L_overlay_start_2:
0x25: {  	(tag) =	ssettag $0x2  }
0x26: {  	s0 =	rddreg [dreg:$0x0];
	s2 =	stileid.u32  }
0x27: {  	s1 =	rddreg [dreg:$0x1];
	p0 =	sne.s32 s2, $0x0  }
0x28: {  	s3 =	rddreg [dreg:$0x2];
	[bflag:$0x3] =	sbarrier.arrive $0xFFFF;
	s2 =	simm.s32 @!p0 $0x1C02  }
0x29: {  	[timem:s3], [sflag:s2] =	dma.local @!p0 [hbm:s0], s1  }
0x2a: {  	s0 =	simm.s32 @!p0 $0x2  }
0x2b: {  	_ =	swait.ge @!p0 [sflag:s0], s1  }
0x2c: {  	s1 =	ssub.s32 @!p0 $0x0, s1;
	[sflag:s0] =	ssyncset.done @!p0 $0x0  }
0x2d: {  	[sflag:s0] =	ssyncadd.s32 @!p0 s1  }
0x2e: {  	[bflag:$0x3] =	sbarrier.arrive $0xFFFF  }
0x2f: {  	_ =	shalt  }

// kernel: kernel.32.cloned.1.call-start
scs
__scs_entry_jumppad:
0x0: {  	(pc) =	sbr.rel $0x88, $3  }
0x1: {  	(tag) =	ssettag $0x0;
	lr =	simm.s32 $0x1  }
0x2: {  	[smem:$0x3F92] =	sst lr;
	_ =	strace $0xD0000000  }
0x3: {  	_ = 	snop  }
0x4: {  	_ = 	snop  }
0x5: {  	_ = 	snop  }
0x6: {  	_ = 	snop  }
0x7: {  	_ = 	snop  }
__scs_overlays_trampoline_lowered:
0x8: {  	[smem:$0x3FA1] =	sst s0  }
0x9: {  	[smem:$0x3FA2] =	sst s1  }
0xa: {  	[smem:$0x3FA3] =	sst s2  }
0xb: {  	[smem:$0x3FA4] =	sst s3  }
0xc: {  	[smem:$0x3FA5] =	sst s4  }
0xd: {  	[smem:$0x3FA6] =	sst s5  }
0xe: {  	[smem:$0x3FA7] =	sst s6  }
0xf: {  	[smem:$0x3FA8] =	sst s7  }
0x10: {  	[smem:$0x3FA9] =	sst s8  }
0x11: {  	[smem:$0x3FAA] =	sst s9;
	s0 =	simm.s32 @!p0 $0x0  }
0x12: {  	s1 =	sld [smem:$0x3F90];
	s0 =	simm.s32 @p0 $0x1  }
0x13: {  	[smem:$0x3FAB] =	sst s0;
	s0 =	simm.s32 @!p1 $0x0  }
0x14: {  	s2 =	sld [smem:$0x3F8F];
	s0 =	simm.s32 @p1 $0x1  }
0x15: {  	[smem:$0x3FAC] =	sst s0;
	s0 =	simm.s32 @!p2 $0x0  }
0x16: {  	s3 =	sld [smem:$0x3FDB];
	s0 =	simm.s32 @p2 $0x1  }
0x17: {  	s4 =	simm.s32 $0x1BF5;
	[smem:$0x3FAE] =	sst s0  }
0x18: {  	s0 =	sld [smem:$0x3F91];
	_ =	swait.ge [sflag:s4], $0x0  }
0x19: {  	s7 =	sld [smem:$0x3F92]  }
0x1a: {  	s8 =	sadd.s32 $0xFFFFE003, lr  }
0x1b: {  	s9 =	sadd.s32 $0xFFFFFEF7, lr;
	s5 =	simm.s32 $0xFFFFFFFF;
	p2 =	slt.u32 s8, $0xFFFFF086  }
0x1c: {  	p1 =	slt.u32 s9, $0xF7A;
	s5 =	simm.s32 @!p2 $0x0  }
0x1d: {  	s5 =	simm.s32 @p1 $0x1;
	p0 =	seq.s32 s7, s2  }
0x1e: {  	s7 =	smul.u32 @!p0 $0xF7A, s2;
	p2 =	seq.s32 @!p0 s5, $0x0  }
0x1f: {  	s9 =	smul.u32 $0xF7A, s1;
	s8 =	simm.s32 @!p0 $0x1BF5;
	p2 =	por !p2, p0  }
0x20: {  	[sflag:s8] =	ssyncset.s32 @!p0 $0xFFFFF086;
	s6 =	sadd.s32 @!p0 s3, s7;
	s7 =	simm.s32 @!p0 $0x108  }
0x21: {  	s3 =	sadd.s32 s3, s9;
	s6 =	sadd.s32 @!p0 $0x88, s6;
	s7 =	simm.s32 @p2 $0x1082  }
0x22: {  	[simem:s7], [sflag:s8] =	dma.local @!p0 [hbm:s6], $0xF7A  }
0x23: {  	s9 =	sor.u32 $0xD0000000, s2;
	s6 =	simm.s32 $0x108;
	_ =	swait.ge @!p0 [sflag:s8], $0x0  }
0x24: {  	s3 =	sadd.s32 $0x88, s3;
	s6 =	simm.s32 @!p1 $0x1082;
	[sflag:s4] =	ssyncset.s32 $0xFFFFF086  }
0x25: {  	[simem:s6], [sflag:s4] =	dma.local [hbm:s3], $0xF7A  }
0x26: {  	[smem:$0x3F92] =	sst s1;
	(tag) =	ssettag s2;
	_ =	strace s9  }
0x27: {  	s1 =	sld [smem:$0x3FA2]  }
0x28: {  	s2 =	sld [smem:$0x3FA3]  }
0x29: {  	s4 =	sld [smem:$0x3FA5]  }
0x2a: {  	p0 =	seq.s32 s5, $0x0;
	s5 =	sld [smem:$0x3FA6]  }
0x2b: {  	s6 =	sld [smem:$0x3FA7]  }
0x2c: {  	s7 =	sld [smem:$0x3FA8]  }
0x2d: {  	s3 =	simm.s32 $0x108;
	s8 =	sld [smem:$0x3FA9]  }
0x2e: {  	s3 =	simm.s32 @!p0 $0x1082;
	s9 =	sld [smem:$0x3FAA]  }
0x2f: {  	lr =	sadd.s32 s0, s3;
	s0 =	sld [smem:$0x3FA1]  }
0x30: {  	s3 =	sld [smem:$0x3FA4]  }
0x31: {  	[smem:$0x3FAD] =	sst s10  }
0x32: {  	s10 =	sld [smem:$0x3FAB];
	_ =	sdelay $0x3  }
0x33: {  	p0 =	seq.s32 s10, $0x1;
	s10 =	sld [smem:$0x3FAD];
	_ =	sdelay $0x3  }
0x34: {  	[smem:$0x3FAD] =	sst s10  }
0x35: {  	s10 =	sld [smem:$0x3FAC];
	_ =	sdelay $0x3  }
0x36: {  	p1 =	seq.s32 s10, $0x1;
	s10 =	sld [smem:$0x3FAD];
	_ =	sdelay $0x3  }
0x37: {  	[smem:$0x3FAD] =	sst s10  }
0x38: {  	s10 =	sld [smem:$0x3FAE]  }
0x39: {  	_ = 	snop;
	(pc) =	sbr.ind lr, $3  }
0x3a: {  	_ = 	snop  }
0x3b: {  	_ = 	snop  }
0x3c: {  	p2 =	seq.s32 s10, $0x1;
	s10 =	sld [smem:$0x3FAD]  }
0x3d: {  	_ =	shalt  }
0x3e: {  	_ =	shalt  }
0x3f: {  	_ =	shalt  }
0x40: {  	_ =	shalt  }
0x41: {  	_ =	shalt  }
0x42: {  	_ =	shalt  }
0x43: {  	_ =	shalt  }
0x44: {  	_ =	shalt  }
0x45: {  	_ =	shalt  }
0x46: {  	_ =	shalt  }
0x47: {  	_ =	shalt  }
0x48: {  	_ =	shalt  }
0x49: {  	_ =	shalt  }
0x4a: {  	_ =	shalt  }
0x4b: {  	_ =	shalt  }
0x4c: {  	_ =	shalt  }
0x4d: {  	_ =	shalt  }
0x4e: {  	_ =	shalt  }
0x4f: {  	_ =	shalt  }
0x50: {  	_ =	shalt  }
0x51: {  	_ =	shalt  }
0x52: {  	_ =	shalt  }
0x53: {  	_ =	shalt  }
0x54: {  	_ =	shalt  }
0x55: {  	_ =	shalt  }
0x56: {  	_ =	shalt  }
0x57: {  	_ =	shalt  }
0x58: {  	_ =	shalt  }
0x59: {  	_ =	shalt  }
0x5a: {  	_ =	shalt  }
0x5b: {  	_ =	shalt  }
0x5c: {  	_ =	shalt  }
0x5d: {  	_ =	shalt  }
0x5e: {  	_ =	shalt  }
0x5f: {  	_ =	shalt  }
0x60: {  	_ =	shalt  }
0x61: {  	_ =	shalt  }
0x62: {  	_ =	shalt  }
0x63: {  	_ =	shalt  }
0x64: {  	_ =	shalt  }
0x65: {  	_ =	shalt  }
0x66: {  	_ =	shalt  }
0x67: {  	_ =	shalt  }
0x68: {  	_ =	shalt  }
0x69: {  	_ =	shalt  }
0x6a: {  	_ =	shalt  }
0x6b: {  	_ =	shalt  }
0x6c: {  	_ =	shalt  }
0x6d: {  	_ =	shalt  }
0x6e: {  	_ =	shalt  }
0x6f: {  	_ =	shalt  }
0x70: {  	_ =	shalt  }
0x71: {  	_ =	shalt  }
0x72: {  	_ =	shalt  }
0x73: {  	_ =	shalt  }
0x74: {  	_ =	shalt  }
0x75: {  	_ =	shalt  }
0x76: {  	_ =	shalt  }
0x77: {  	_ =	shalt  }
0x78: {  	_ =	shalt  }
0x79: {  	_ =	shalt  }
0x7a: {  	_ =	shalt  }
0x7b: {  	_ =	shalt  }
0x7c: {  	_ =	shalt  }
0x7d: {  	_ =	shalt  }
0x7e: {  	_ =	shalt  }
0x7f: {  	_ =	shalt  }
0x80: {  	_ =	shalt  }
0x81: {  	_ =	shalt  }
0x82: {  	_ =	shalt  }
0x83: {  	_ =	shalt  }
0x84: {  	_ =	shalt  }
0x85: {  	_ =	shalt  }
0x86: {  	_ =	shalt  }
0x87: {  	_ =	shalt  }
.Lfunc_end0:
.L_simem_size_0:
called_computation.2_lowered:
.L_overlay_start_0:
0x88: {  	s2 =	sld [smem:$0x3FD9]  }
0x89: {  	s3 =	sld [smem:$0x3FFE];
	_ =	sdelay $0x1  }
0x8a: {  	s1 =	srdreg.scid  }
0x8b: {  	s0 =	sand.u32 $0x1, s1  }
0x8c: {  	s17 =	sshll.u32 s0, $0xA;
	s2 =	sadd.s32 s3, s2  }
0x8d: {  	s2 =	sadd.s32 s2, s17  }
0x8e: {  	[smem:$0x3FB9] =	sst s2  }
0x8f: {  	_ = 	snop  }
0x90: {  	s2 =	sld [smem:$0x3FD0];
	(tm) =	ssettm $0x1  }
0x91: {  	s18 =	sld [smem:$0x3FFB];
	_ =	sdelay $0x3  }
0x92: {  	_ =	strace s18  }
0x93: {  	s3 =	sld [smem:$0x3FFC];
	_ =	sdelay $0x3  }
0x94: {  	_ =	strace s3  }
0x95: {  	s3 =	sld [smem:$0x3FFD];
	_ =	sdelay $0x3  }
0x96: {  	_ =	strace s3  }
0x97: {  	_ =	strace $0x8FFFFFFF  }
0x98: {  	s19 =	sld [smem:$0x3FDB];
	_ =	sdelay $0x1  }
0x99: {  	s4 =	simm.s32 $_scs_section_size  }
0x9a: {  	s5 =	simm.s32 $_size__tile_overlayer_lowered;
	s6 =	simm.s32 $_tile_overlayer_lowered  }
0x9b: {  	s22 =	simm.s32 $0x1BFF;
	s21 =	sshll.u32 s6, $0x1;
	s3 =	sadd.s32 s4, s19  }
0x9c: {  	s7 =	simm.s32 $0x0;
	s20 =	sshll.u32 s5, $0x1;
	s5 =	sadd.s32 s21, s3  }
0x9d: {  	[timem:s7], [sflag:s22] =	dma.local [hbm:s5], s20  }
0x9e: {  	_ =	swait.ge [sflag:s22], s20  }
0x9f: {  	s4 =	ssub.s32 $0x0, s20;
	[sflag:s22] =	ssyncset.done $0x0  }
0xa0: {  	[sflag:s22] =	ssyncadd.s32 s4;
	_ =	sdelay $0x1  }
0xa1: {  	s23 =	simm.s32 $0x1B8B  }
0xa2: {  	_ =	swait.ge [sflag:s23], $0x1  }
0xa3: {  	[sflag:s23] =	ssyncset.done $0x0  }
0xa4: {  	s25 =	simm.s32 $0x1B8E;
	s24 =	sld [smem:$0x3FFE];
	[sflag:s23] =	ssyncadd.s32 $0xFFFFFFFF  }
0xa5: {  	s26 =	simm.s32 $execute0_lowered;
	[smem:$0x3FD2] =	sst s25  }
0xa6: {  	s5 =	sshll.u32 s26, $0x1;
	_ =	strace $0x8000004C;
	[dreg:$0x1] =	wrdreg $0xFFFFFFFF  }
0xa7: {  	s28 =	simm.s32 $_size_execute0_lowered;
	s3 =	sadd.s32 s3, s5;
	[dreg:$0x0] =	wrdreg $0x0  }
0xa8: {  	s5 =	sshll.u32 s28, $0x1;
	[dreg:$0x2] =	wrdreg s3  }
0xa9: {  	[dreg:$0x3] =	wrdreg s5  }
0xaa: {  	[dreg:$0x4] =	wrdreg $0xC0  }
0xab: {  	_ =	task [dreg:s7], $0x5FFFF  }
0xac: {  	[dreg:$0x1] =	wrdreg $0xFFFFFFFF  }
0xad: {  	[dreg:$0x0] =	wrdreg $0x60  }
0xae: {  	[dreg:$0x2] =	wrdreg s24  }
0xaf: {  	[dreg:$0x3] =	wrdreg s2  }
0xb0: {  	[dreg:$0x4] =	wrdreg $0x9  }
0xb1: {  	_ =	task.clear_ibuf [dreg:s7], $0x5FFFF;
	_ =	strace $0x9000004C  }
0xb2: {  	s29 =	simm.s32 $0x9;
	_ =	strace $0x8000004E  }
0xb3: {  	_ =	swait.ge [sflag:s29], $0x1  }
0xb4: {  	[sflag:s29] =	ssyncadd.s32 $0xFFFFFFFF  }
0xb5: {  	_ =	strace $0x9000004E  }
0xb6: {  	_ =	sfence  }
0xb7: {  	s30 =	sld [smem:$0x0];
	_ =	sdelay $0x2  }
0xb8: {  	s31 =	sshll.u32 s1, $0xD;
	s1 =	sshrl.u32 s1, $0x2  }
0xb9: {  	s3 =	sand.u32 $0x4000, s31;
	s1 =	sadd.s32 s1, s30  }
0xba: {  	s0 =	sor.u32 s3, s0;
	s1 =	sshll.u32 s1, $0x11  }
0xbb: {  	s0 =	sor.u32 s1, s0  }
0xbc: {  	s0 =	sadd.s32 $0x8F2B, s0  }
0xbd: {  	[sflag:s0] =	ssyncadd.remote.s32 $0x1  }
0xbe: {  	_ =	sfence.sel $0xFFFF  }
0xbf: {  	[dreg:$0x0] =	wrdreg $0xFFFFFFFF;
	(pc) =	sbr.abs _section_cstart, $3  }
0xc0: {  	[dreg:$0x1] =	wrdreg $0xFFFFFFFF  }
0xc1: {  	_ =	task.clear_ibuf [dreg:s7], $0x2FFFF;
	_ =	strace $0x9FFFFFFF  }
0xc2: {  	(tm) =	ssettm $0x7FFFFFFF  }
0xc3: {  	_ =	shalt  }
tec
execute0_lowered:
.L_overlay_start_1:
0x0: {  	(tag) =	ssettag $0x1  }
0x1: {  	s1 =	srdreg.scid  }
0x2: {  	s10 =	rddreg [dreg:$0x0];
	s0 =	stileid.u32;
	s18 =	sand.u32 $0x1, s1  }
0x3: {  	s6 =	rddreg [dreg:$0x1];
	s3 =	sshll.u32 s0, $0xB;
	s4 =	sshll.u32 s18, $0xA  }
0x4: {  	s2 =	simm.s32 $0x0;
	s1 =	rddreg [dreg:$0x2];
	s15 =	sor.u32 s4, s3  }
0x5: {  	[smem:$0x7FF] =	sst s2;
	s8 =	sshrl.u32 s15, $0x3  }
0x6: {  	_ =	strace $0x8000004D;
	s4 =	simm.s32 $0x4;
	s3 =	sadd.s32 s6, s8  }
0x7: {  	[tilespmem:s2], [sflag:$0x4] =	stream.linear.gather [hbm4b:s3+s2], $0x100, $0x38;
	[tilespmem:$0x10200] =	vst v63  }
0x8: {  	_ =	swait.ge [sflag:s4], $0x100  }
0x9: {  	s7 =	simm.s32 $0x200;
	s5 =	sadd.s32 $0x89200, s10;
	[sflag:s4] =	ssyncset.done $0x0  }
0xa: {  	s16 =	sadd.s32 $0x20, s6;
	s6 =	simm.s32 $0x100;
	[sflag:s4] =	ssyncadd.s32 $0xFFFFFF00  }
0xb: {  	[tilespmem:s7], [sflag:$0x1] =	stream.indirect.gather [hbm4b:s5+s6], $0x80, s2, s6, $0xb8;
	[tilespmem:$0x10200] =	vst v63  }
0xc: {  	s8 =	sadd.s32 s8, s16  }
0xd: {  	[tilespmem:s6], [sflag:$0x4] =	stream.linear.gather [hbm4b:s8+s2], $0x100, $0x38;
	[tilespmem:$0x10200] =	vst v63  }
0xe: {  	_ =	swait.ge [sflag:s4], $0x100  }
0xf: {  	[sflag:s4] =	ssyncset.done $0x0  }
0x10: {  	s9 =	simm.s32 $0x1;
	[sflag:s4] =	ssyncadd.s32 $0xFFFFFF00  }
0x11: {  	_ =	swait.ge [sflag:s9], $0x8000  }
0x12: {  	s17 =	sadd.s32 $0x91200, s10;
	s29 =	sshll.u32 s15, $0x4;
	[sflag:s9] =	ssyncset.done $0x0  }
0x13: {  	s10 =	sadd.s32 s17, s29;
	[sflag:s9] =	ssyncadd.s32 $0xFFFF8000  }
0x14: {  	[hbm4b:s10+s2] =	stream.linear.scatter [tilespmem:s7], [sflag:$0x2], $0x8000, $0x38;
	[tilespmem:$0x10200] =	vst v63  }
0x15: {  	s11 =	simm.s32 $0x8200  }
0x16: {  	[tilespmem:s11], [sflag:$0x1] =	stream.indirect.gather [hbm4b:s5+s6], $0x80, s6, s6, $0xb8;
	[tilespmem:$0x10200] =	vst v63  }
0x17: {  	s12 =	sadd.s32 $0x40, s3  }
0x18: {  	[tilespmem:s2], [sflag:$0x4] =	stream.linear.gather [hbm4b:s12+s2], $0x100, $0x38;
	[tilespmem:$0x10200] =	vst v63  }
0x19: {  	_ =	swait.ge [sflag:s4], $0x100  }
0x1a: {  	[sflag:s4] =	ssyncset.done $0x0  }
0x1b: {  	[sflag:s4] =	ssyncadd.s32 $0xFFFFFF00  }
0x1c: {  	_ =	swait.ge [sflag:s9], $0x8000  }
0x1d: {  	[sflag:s9] =	ssyncset.done $0x0  }
0x1e: {  	s14 =	simm.s32 $0x2;
	s13 =	sadd.s32 $0x1000, s10;
	[sflag:s9] =	ssyncadd.s32 $0xFFFF8000  }
0x1f: {  	[hbm4b:s13+s2] =	stream.linear.scatter [tilespmem:s11], [sflag:$0x3], $0x8000, $0x38;
	[tilespmem:$0x10200] =	vst v63  }
0x20: {  	_ =	swait.ge [sflag:s14], $0x8000  }
0x21: {  	s19 =	sor.u32 $0x200, s15;
	[sflag:s14] =	ssyncset.done $0x0  }
0x22: {  	s15 =	sshrl.u32 s19, $0x3;
	[sflag:s14] =	ssyncadd.s32 $0xFFFF8000  }
0x23: {  	[tilespmem:s7], [sflag:$0x1] =	stream.indirect.gather [hbm4b:s5+s6], $0x80, s2, s6, $0xb8;
	[tilespmem:$0x10200] =	vst v63  }
0x24: {  	s15 =	sadd.s32 s15, s16  }
0x25: {  	[tilespmem:s6], [sflag:$0x4] =	stream.linear.gather [hbm4b:s15+s2], $0x100, $0x38;
	[tilespmem:$0x10200] =	vst v63  }
0x26: {  	_ =	swait.ge [sflag:s4], $0x100  }
0x27: {  	[sflag:s4] =	ssyncset.done $0x0  }
0x28: {  	[sflag:s4] =	ssyncadd.s32 $0xFFFFFF00  }
0x29: {  	_ =	swait.ge [sflag:s9], $0x8000  }
0x2a: {  	s30 =	sshll.u32 s19, $0x4;
	[sflag:s9] =	ssyncset.done $0x0  }
0x2b: {  	s17 =	sadd.s32 s17, s30;
	s16 =	simm.s32 $0x3;
	[sflag:s9] =	ssyncadd.s32 $0xFFFF8000  }
0x2c: {  	[hbm4b:s17+s2] =	stream.linear.scatter [tilespmem:s7], [sflag:$0x2], $0x8000, $0x38;
	[tilespmem:$0x10200] =	vst v63  }
0x2d: {  	_ =	swait.ge [sflag:s16], $0x8000  }
0x2e: {  	s31 =	ssub.s32 $0x2, s18;
	[sflag:s16] =	ssyncset.done $0x0  }
0x2f: {  	s20 =	sshrl.u32 s31, $0x1;
	[sflag:s16] =	ssyncadd.s32 $0xFFFF8000  }
0x30: {  	[tilespmem:s11], [sflag:$0x1] =	stream.indirect.gather [hbm4b:s5+s6], $0x80, s6, s6, $0xb8;
	[tilespmem:$0x10200] =	vst v63  }
0x31: {  	s19 =	ssub.s32 s31, s20;
	_ =	swait.ge [sflag:s9], $0x8000  }
0x32: {  	s19 =	smax.u32 s19, $0x1;
	[sflag:s9] =	ssyncset.done $0x0  }
0x33: {  	s18 =	sadd.s32 $0x1000, s17;
	p0 =	sne.s32 s19, $0x1;
	[sflag:s9] =	ssyncadd.s32 $0xFFFF8000  }
0x34: {  	[hbm4b:s18+s2] =	stream.linear.scatter [tilespmem:s11], [sflag:$0x3], $0x8000, $0x38;
	[tilespmem:$0x10200] =	vst v63  }
.Ltmp0:
0x35: {  	_ =	swait.ge [sflag:s14], $0x8000;
	(pc) =	sbr.rel @!p0 .LBB2_2-.Ltmp0, $4  }
0x36: {  	[sflag:s14] =	ssyncset.done $0x0  }
0x37: {  	[sflag:s14] =	ssyncadd.s32 $0xFFFF8000  }
0x38: {  	_ =	swait.ge [sflag:s16], $0x8000  }
0x39: {  	s19 =	sadd.s32 $0xFFFFFFFF, s19;
	[sflag:s16] =	ssyncset.done $0x0  }
.LBB2_1:
0x3a: {  	p0 =	sne.s32 s19, $0x1;
	s19 =	sadd.s32 $0xFFFFFFFF, s19;
	[sflag:s16] =	ssyncadd.s32 $0xFFFF8000  }
0x3b: {  	[tilespmem:s2], [sflag:$0x4] =	stream.linear.gather [hbm4b:s3+s2], $0x100, $0x38;
	[tilespmem:$0x10200] =	vst v63  }
0x3c: {  	_ =	swait.ge [sflag:s4], $0x100  }
0x3d: {  	[sflag:s4] =	ssyncset.done $0x0  }
0x3e: {  	[sflag:s4] =	ssyncadd.s32 $0xFFFFFF00  }
0x3f: {  	[tilespmem:s7], [sflag:$0x1] =	stream.indirect.gather [hbm4b:s5+s6], $0x80, s2, s6, $0xb8;
	[tilespmem:$0x10200] =	vst v63  }
0x40: {  	_ = 	snop  }
0x41: {  	[tilespmem:s6], [sflag:$0x4] =	stream.linear.gather [hbm4b:s8+s2], $0x100, $0x38;
	[tilespmem:$0x10200] =	vst v63  }
0x42: {  	_ =	swait.ge [sflag:s4], $0x100  }
0x43: {  	[sflag:s4] =	ssyncset.done $0x0  }
0x44: {  	[sflag:s4] =	ssyncadd.s32 $0xFFFFFF00  }
0x45: {  	_ =	swait.ge [sflag:s9], $0x8000  }
0x46: {  	[sflag:s9] =	ssyncset.done $0x0  }
0x47: {  	[sflag:s9] =	ssyncadd.s32 $0xFFFF8000  }
0x48: {  	[hbm4b:s10+s2] =	stream.linear.scatter [tilespmem:s7], [sflag:$0x2], $0x8000, $0x38;
	[tilespmem:$0x10200] =	vst v63  }
0x49: {  	_ = 	snop  }
0x4a: {  	[tilespmem:s11], [sflag:$0x1] =	stream.indirect.gather [hbm4b:s5+s6], $0x80, s6, s6, $0xb8;
	[tilespmem:$0x10200] =	vst v63  }
0x4b: {  	_ = 	snop  }
0x4c: {  	[tilespmem:s2], [sflag:$0x4] =	stream.linear.gather [hbm4b:s12+s2], $0x100, $0x38;
	[tilespmem:$0x10200] =	vst v63  }
0x4d: {  	_ =	swait.ge [sflag:s4], $0x100  }
0x4e: {  	[sflag:s4] =	ssyncset.done $0x0  }
0x4f: {  	[sflag:s4] =	ssyncadd.s32 $0xFFFFFF00  }
0x50: {  	_ =	swait.ge [sflag:s9], $0x8000  }
0x51: {  	[sflag:s9] =	ssyncset.done $0x0  }
0x52: {  	[sflag:s9] =	ssyncadd.s32 $0xFFFF8000  }
0x53: {  	[hbm4b:s13+s2] =	stream.linear.scatter [tilespmem:s11], [sflag:$0x3], $0x8000, $0x38;
	[tilespmem:$0x10200] =	vst v63  }
0x54: {  	_ =	swait.ge [sflag:s14], $0x8000  }
0x55: {  	[sflag:s14] =	ssyncset.done $0x0  }
0x56: {  	[sflag:s14] =	ssyncadd.s32 $0xFFFF8000  }
0x57: {  	[tilespmem:s7], [sflag:$0x1] =	stream.indirect.gather [hbm4b:s5+s6], $0x80, s2, s6, $0xb8;
	[tilespmem:$0x10200] =	vst v63  }
0x58: {  	_ = 	snop  }
0x59: {  	[tilespmem:s6], [sflag:$0x4] =	stream.linear.gather [hbm4b:s15+s2], $0x100, $0x38;
	[tilespmem:$0x10200] =	vst v63  }
0x5a: {  	_ =	swait.ge [sflag:s4], $0x100  }
0x5b: {  	[sflag:s4] =	ssyncset.done $0x0  }
0x5c: {  	[sflag:s4] =	ssyncadd.s32 $0xFFFFFF00  }
0x5d: {  	_ =	swait.ge [sflag:s9], $0x8000  }
0x5e: {  	[sflag:s9] =	ssyncset.done $0x0  }
0x5f: {  	[sflag:s9] =	ssyncadd.s32 $0xFFFF8000  }
0x60: {  	[hbm4b:s17+s2] =	stream.linear.scatter [tilespmem:s7], [sflag:$0x2], $0x8000, $0x38;
	[tilespmem:$0x10200] =	vst v63  }
0x61: {  	_ =	swait.ge [sflag:s16], $0x8000  }
0x62: {  	[sflag:s16] =	ssyncset.done $0x0  }
0x63: {  	[sflag:s16] =	ssyncadd.s32 $0xFFFF8000  }
0x64: {  	[tilespmem:s11], [sflag:$0x1] =	stream.indirect.gather [hbm4b:s5+s6], $0x80, s6, s6, $0xb8;
	[tilespmem:$0x10200] =	vst v63  }
0x65: {  	_ =	swait.ge [sflag:s9], $0x8000  }
0x66: {  	[sflag:s9] =	ssyncset.done $0x0  }
0x67: {  	[sflag:s9] =	ssyncadd.s32 $0xFFFF8000  }
0x68: {  	[hbm4b:s18+s2] =	stream.linear.scatter [tilespmem:s11], [sflag:$0x3], $0x8000, $0x38;
	[tilespmem:$0x10200] =	vst v63  }
.Ltmp1:
0x69: {  	_ =	swait.ge [sflag:s14], $0x8000;
	(pc) =	sbr.rel @p0 .LBB2_1-.Ltmp1, $4  }
0x6a: {  	[sflag:s14] =	ssyncset.done $0x0  }
0x6b: {  	[sflag:s14] =	ssyncadd.s32 $0xFFFF8000  }
0x6c: {  	_ =	swait.ge [sflag:s16], $0x8000  }
0x6d: {  	[sflag:s16] =	ssyncset.done $0x0  }
.LBB2_2:
0x6e: {  	[sflag:s16] =	ssyncadd.s32 $0xFFFF8000  }
0x6f: {  	_ =	sfence.sel $0x180000  }
0x70: {  	[bflag:$0x0] =	sbarrier.arrive $0xFFFF  }
0x71: {  	p0 =	sne.s32 s0, $0x0;
	_ =	strace $0x9000004D  }
0x72: {  	s0 =	sadd.s32 @!p0 $0x100000, s1;
	[bflag:$0x2] =	sbarrier.arrive $0xFFFF  }
0x73: {  	[sflag:s0] =	ssyncadd.tile.s32 @!p0 $0x1;
	_ =	shalt  }
.Lfunc_end2:
_tile_overlayer_lowered:
.L_overlay_start_2:
0x74: {  	(tag) =	ssettag $0x2  }
0x75: {  	s0 =	rddreg [dreg:$0x0];
	s2 =	stileid.u32  }
0x76: {  	s1 =	rddreg [dreg:$0x1];
	p0 =	sne.s32 s2, $0x0  }
0x77: {  	s3 =	rddreg [dreg:$0x2];
	[bflag:$0x3] =	sbarrier.arrive $0xFFFF;
	s2 =	simm.s32 @!p0 $0x1C04  }
0x78: {  	[timem:s3], [sflag:s2] =	dma.local @!p0 [hbm:s0], s1  }
0x79: {  	s0 =	simm.s32 @!p0 $0x4  }
0x7a: {  	_ =	swait.ge @!p0 [sflag:s0], s1  }
0x7b: {  	s1 =	ssub.s32 @!p0 $0x0, s1;
	[sflag:s0] =	ssyncset.done @!p0 $0x0  }
0x7c: {  	[sflag:s0] =	ssyncadd.s32 @!p0 s1  }
0x7d: {  	[bflag:$0x3] =	sbarrier.arrive $0xFFFF  }
0x7e: {  	_ =	shalt  }

// kernel: kernel.35.cloned.1.call-start
scs
__scs_entry_jumppad:
0x0: {  	(pc) =	sbr.rel $0x88, $3  }
0x1: {  	(tag) =	ssettag $0x0;
	lr =	simm.s32 $0x1  }
0x2: {  	[smem:$0x3F92] =	sst lr;
	_ =	strace $0xD0000000  }
0x3: {  	_ = 	snop  }
0x4: {  	_ = 	snop  }
0x5: {  	_ = 	snop  }
0x6: {  	_ = 	snop  }
0x7: {  	_ = 	snop  }
__scs_overlays_trampoline_lowered:
0x8: {  	[smem:$0x3FA1] =	sst s0  }
0x9: {  	[smem:$0x3FA2] =	sst s1  }
0xa: {  	[smem:$0x3FA3] =	sst s2  }
0xb: {  	[smem:$0x3FA4] =	sst s3  }
0xc: {  	[smem:$0x3FA5] =	sst s4  }
0xd: {  	[smem:$0x3FA6] =	sst s5  }
0xe: {  	[smem:$0x3FA7] =	sst s6  }
0xf: {  	[smem:$0x3FA8] =	sst s7  }
0x10: {  	[smem:$0x3FA9] =	sst s8  }
0x11: {  	[smem:$0x3FAA] =	sst s9;
	s0 =	simm.s32 @!p0 $0x0  }
0x12: {  	s1 =	sld [smem:$0x3F90];
	s0 =	simm.s32 @p0 $0x1  }
0x13: {  	[smem:$0x3FAB] =	sst s0;
	s0 =	simm.s32 @!p1 $0x0  }
0x14: {  	s2 =	sld [smem:$0x3F8F];
	s0 =	simm.s32 @p1 $0x1  }
0x15: {  	[smem:$0x3FAC] =	sst s0;
	s0 =	simm.s32 @!p2 $0x0  }
0x16: {  	s3 =	sld [smem:$0x3FDB];
	s0 =	simm.s32 @p2 $0x1  }
0x17: {  	s4 =	simm.s32 $0x1BF5;
	[smem:$0x3FAE] =	sst s0  }
0x18: {  	s0 =	sld [smem:$0x3F91];
	_ =	swait.ge [sflag:s4], $0x0  }
0x19: {  	s7 =	sld [smem:$0x3F92]  }
0x1a: {  	s8 =	sadd.s32 $0xFFFFE003, lr  }
0x1b: {  	s9 =	sadd.s32 $0xFFFFFEF7, lr;
	s5 =	simm.s32 $0xFFFFFFFF;
	p2 =	slt.u32 s8, $0xFFFFF086  }
0x1c: {  	p1 =	slt.u32 s9, $0xF7A;
	s5 =	simm.s32 @!p2 $0x0  }
0x1d: {  	s5 =	simm.s32 @p1 $0x1;
	p0 =	seq.s32 s7, s2  }
0x1e: {  	s7 =	smul.u32 @!p0 $0xF7A, s2;
	p2 =	seq.s32 @!p0 s5, $0x0  }
0x1f: {  	s9 =	smul.u32 $0xF7A, s1;
	s8 =	simm.s32 @!p0 $0x1BF5;
	p2 =	por !p2, p0  }
0x20: {  	[sflag:s8] =	ssyncset.s32 @!p0 $0xFFFFF086;
	s6 =	sadd.s32 @!p0 s3, s7;
	s7 =	simm.s32 @!p0 $0x108  }
0x21: {  	s3 =	sadd.s32 s3, s9;
	s6 =	sadd.s32 @!p0 $0x88, s6;
	s7 =	simm.s32 @p2 $0x1082  }
0x22: {  	[simem:s7], [sflag:s8] =	dma.local @!p0 [hbm:s6], $0xF7A  }
0x23: {  	s9 =	sor.u32 $0xD0000000, s2;
	s6 =	simm.s32 $0x108;
	_ =	swait.ge @!p0 [sflag:s8], $0x0  }
0x24: {  	s3 =	sadd.s32 $0x88, s3;
	s6 =	simm.s32 @!p1 $0x1082;
	[sflag:s4] =	ssyncset.s32 $0xFFFFF086  }
0x25: {  	[simem:s6], [sflag:s4] =	dma.local [hbm:s3], $0xF7A  }
0x26: {  	[smem:$0x3F92] =	sst s1;
	(tag) =	ssettag s2;
	_ =	strace s9  }
0x27: {  	s1 =	sld [smem:$0x3FA2]  }
0x28: {  	s2 =	sld [smem:$0x3FA3]  }
0x29: {  	s4 =	sld [smem:$0x3FA5]  }
0x2a: {  	p0 =	seq.s32 s5, $0x0;
	s5 =	sld [smem:$0x3FA6]  }
0x2b: {  	s6 =	sld [smem:$0x3FA7]  }
0x2c: {  	s7 =	sld [smem:$0x3FA8]  }
0x2d: {  	s3 =	simm.s32 $0x108;
	s8 =	sld [smem:$0x3FA9]  }
0x2e: {  	s3 =	simm.s32 @!p0 $0x1082;
	s9 =	sld [smem:$0x3FAA]  }
0x2f: {  	lr =	sadd.s32 s0, s3;
	s0 =	sld [smem:$0x3FA1]  }
0x30: {  	s3 =	sld [smem:$0x3FA4]  }
0x31: {  	[smem:$0x3FAD] =	sst s10  }
0x32: {  	s10 =	sld [smem:$0x3FAB];
	_ =	sdelay $0x3  }
0x33: {  	p0 =	seq.s32 s10, $0x1;
	s10 =	sld [smem:$0x3FAD];
	_ =	sdelay $0x3  }
0x34: {  	[smem:$0x3FAD] =	sst s10  }
0x35: {  	s10 =	sld [smem:$0x3FAC];
	_ =	sdelay $0x3  }
0x36: {  	p1 =	seq.s32 s10, $0x1;
	s10 =	sld [smem:$0x3FAD];
	_ =	sdelay $0x3  }
0x37: {  	[smem:$0x3FAD] =	sst s10  }
0x38: {  	s10 =	sld [smem:$0x3FAE]  }
0x39: {  	_ = 	snop;
	(pc) =	sbr.ind lr, $3  }
0x3a: {  	_ = 	snop  }
0x3b: {  	_ = 	snop  }
0x3c: {  	p2 =	seq.s32 s10, $0x1;
	s10 =	sld [smem:$0x3FAD]  }
0x3d: {  	_ =	shalt  }
0x3e: {  	_ =	shalt  }
0x3f: {  	_ =	shalt  }
0x40: {  	_ =	shalt  }
0x41: {  	_ =	shalt  }
0x42: {  	_ =	shalt  }
0x43: {  	_ =	shalt  }
0x44: {  	_ =	shalt  }
0x45: {  	_ =	shalt  }
0x46: {  	_ =	shalt  }
0x47: {  	_ =	shalt  }
0x48: {  	_ =	shalt  }
0x49: {  	_ =	shalt  }
0x4a: {  	_ =	shalt  }
0x4b: {  	_ =	shalt  }
0x4c: {  	_ =	shalt  }
0x4d: {  	_ =	shalt  }
0x4e: {  	_ =	shalt  }
0x4f: {  	_ =	shalt  }
0x50: {  	_ =	shalt  }
0x51: {  	_ =	shalt  }
0x52: {  	_ =	shalt  }
0x53: {  	_ =	shalt  }
0x54: {  	_ =	shalt  }
0x55: {  	_ =	shalt  }
0x56: {  	_ =	shalt  }
0x57: {  	_ =	shalt  }
0x58: {  	_ =	shalt  }
0x59: {  	_ =	shalt  }
0x5a: {  	_ =	shalt  }
0x5b: {  	_ =	shalt  }
0x5c: {  	_ =	shalt  }
0x5d: {  	_ =	shalt  }
0x5e: {  	_ =	shalt  }
0x5f: {  	_ =	shalt  }
0x60: {  	_ =	shalt  }
0x61: {  	_ =	shalt  }
0x62: {  	_ =	shalt  }
0x63: {  	_ =	shalt  }
0x64: {  	_ =	shalt  }
0x65: {  	_ =	shalt  }
0x66: {  	_ =	shalt  }
0x67: {  	_ =	shalt  }
0x68: {  	_ =	shalt  }
0x69: {  	_ =	shalt  }
0x6a: {  	_ =	shalt  }
0x6b: {  	_ =	shalt  }
0x6c: {  	_ =	shalt  }
0x6d: {  	_ =	shalt  }
0x6e: {  	_ =	shalt  }
0x6f: {  	_ =	shalt  }
0x70: {  	_ =	shalt  }
0x71: {  	_ =	shalt  }
0x72: {  	_ =	shalt  }
0x73: {  	_ =	shalt  }
0x74: {  	_ =	shalt  }
0x75: {  	_ =	shalt  }
0x76: {  	_ =	shalt  }
0x77: {  	_ =	shalt  }
0x78: {  	_ =	shalt  }
0x79: {  	_ =	shalt  }
0x7a: {  	_ =	shalt  }
0x7b: {  	_ =	shalt  }
0x7c: {  	_ =	shalt  }
0x7d: {  	_ =	shalt  }
0x7e: {  	_ =	shalt  }
0x7f: {  	_ =	shalt  }
0x80: {  	_ =	shalt  }
0x81: {  	_ =	shalt  }
0x82: {  	_ =	shalt  }
0x83: {  	_ =	shalt  }
0x84: {  	_ =	shalt  }
0x85: {  	_ =	shalt  }
0x86: {  	_ =	shalt  }
0x87: {  	_ =	shalt  }
.Lfunc_end0:
.L_simem_size_0:
called_computation.3_lowered:
.L_overlay_start_0:
0x88: {  	s2 =	sld [smem:$0x3FD9]  }
0x89: {  	s3 =	sld [smem:$0x3FFE];
	_ =	sdelay $0x1  }
0x8a: {  	s1 =	srdreg.scid  }
0x8b: {  	s0 =	sand.u32 $0x1, s1  }
0x8c: {  	s16 =	sshll.u32 s0, $0xA;
	s2 =	sadd.s32 s3, s2  }
0x8d: {  	s2 =	sadd.s32 s2, s16  }
0x8e: {  	[smem:$0x3FB9] =	sst s2  }
0x8f: {  	_ = 	snop  }
0x90: {  	(tm) =	ssettm $0x1  }
0x91: {  	s17 =	sld [smem:$0x3FFB];
	_ =	sdelay $0x3  }
0x92: {  	_ =	strace s17  }
0x93: {  	s2 =	sld [smem:$0x3FFC];
	_ =	sdelay $0x3  }
0x94: {  	_ =	strace s2  }
0x95: {  	s2 =	sld [smem:$0x3FFD];
	_ =	sdelay $0x3  }
0x96: {  	_ =	strace s2  }
0x97: {  	_ =	strace $0x8FFFFFFF  }
0x98: {  	s18 =	sld [smem:$0x3FDB];
	_ =	sdelay $0x1  }
0x99: {  	s19 =	simm.s32 $_scs_section_size  }
0x9a: {  	s4 =	simm.s32 $_size__tile_overlayer_lowered;
	s5 =	simm.s32 $_tile_overlayer_lowered  }
0x9b: {  	s22 =	simm.s32 $0x1BFF;
	s21 =	sshll.u32 s5, $0x1;
	s2 =	sadd.s32 s19, s18  }
0x9c: {  	s6 =	simm.s32 $0x0;
	s20 =	sshll.u32 s4, $0x1;
	s4 =	sadd.s32 s21, s2  }
0x9d: {  	[timem:s6], [sflag:s22] =	dma.local [hbm:s4], s20  }
0x9e: {  	_ =	swait.ge [sflag:s22], s20  }
0x9f: {  	s3 =	ssub.s32 $0x0, s20;
	[sflag:s22] =	ssyncset.done $0x0  }
0xa0: {  	[sflag:s22] =	ssyncadd.s32 s3;
	_ =	sdelay $0x1  }
0xa1: {  	s23 =	simm.s32 $0x1B8B  }
0xa2: {  	_ =	swait.ge [sflag:s23], $0x1  }
0xa3: {  	[sflag:s23] =	ssyncset.done $0x0  }
0xa4: {  	s25 =	simm.s32 $0x1B8E;
	s24 =	sld [smem:$0x3FFE];
	[sflag:s23] =	ssyncadd.s32 $0xFFFFFFFF  }
0xa5: {  	s26 =	simm.s32 $execute0_lowered;
	[smem:$0x3FD2] =	sst s25  }
0xa6: {  	s4 =	sshll.u32 s26, $0x1;
	_ =	strace $0x8000004F;
	[dreg:$0x1] =	wrdreg $0xFFFFFFFF  }
0xa7: {  	s28 =	simm.s32 $_size_execute0_lowered;
	s2 =	sadd.s32 s2, s4;
	[dreg:$0x0] =	wrdreg $0x0  }
0xa8: {  	s4 =	sshll.u32 s28, $0x1;
	[dreg:$0x2] =	wrdreg s2  }
0xa9: {  	[dreg:$0x3] =	wrdreg s4  }
0xaa: {  	[dreg:$0x4] =	wrdreg $0xC0  }
0xab: {  	_ =	task [dreg:s6], $0x5FFFF  }
0xac: {  	[dreg:$0x1] =	wrdreg $0xFFFFFFFF  }
0xad: {  	[dreg:$0x0] =	wrdreg $0x60  }
0xae: {  	[dreg:$0x2] =	wrdreg s24  }
0xaf: {  	[dreg:$0x3] =	wrdreg $0x9  }
0xb0: {  	_ =	task.clear_ibuf [dreg:s6], $0x4FFFF;
	_ =	strace $0x9000004F  }
0xb1: {  	s29 =	simm.s32 $0x9;
	_ =	strace $0x80000051  }
0xb2: {  	_ =	swait.ge [sflag:s29], $0x1  }
0xb3: {  	[sflag:s29] =	ssyncadd.s32 $0xFFFFFFFF  }
0xb4: {  	_ =	strace $0x90000051  }
0xb5: {  	_ =	sfence  }
0xb6: {  	s30 =	sld [smem:$0x0];
	_ =	sdelay $0x2  }
0xb7: {  	s31 =	sshll.u32 s1, $0xD;
	s1 =	sshrl.u32 s1, $0x2  }
0xb8: {  	s3 =	sand.u32 $0x4000, s31;
	s1 =	sadd.s32 s1, s30  }
0xb9: {  	s0 =	sor.u32 s3, s0;
	s1 =	sshll.u32 s1, $0x11  }
0xba: {  	s0 =	sor.u32 s1, s0  }
0xbb: {  	s0 =	sadd.s32 $0x8F2B, s0  }
0xbc: {  	[sflag:s0] =	ssyncadd.remote.s32 $0x1  }
0xbd: {  	_ =	sfence.sel $0xFFFF  }
0xbe: {  	[dreg:$0x0] =	wrdreg $0xFFFFFFFF;
	(pc) =	sbr.abs _section_cstart, $3  }
0xbf: {  	[dreg:$0x1] =	wrdreg $0xFFFFFFFF  }
0xc0: {  	_ =	task.clear_ibuf [dreg:s6], $0x2FFFF;
	_ =	strace $0x9FFFFFFF  }
0xc1: {  	(tm) =	ssettm $0x7FFFFFFF  }
tec
execute0_lowered:
.L_overlay_start_1:
0x0: {  	(tag) =	ssettag $0x1  }
0x1: {  	s1 =	srdreg.scid  }
0x2: {  	s0 =	stileid.u32;
	s9 =	rddreg [dreg:$0x0];
	s6 =	sand.u32 $0x1, s1  }
0x3: {  	s7 =	simm.s32 $0x80;
	s30 =	sshll.u32 s0, $0x5;
	s2 =	sshll.u32 s6, $0x4  }
0x4: {  	s8 =	simm.s32 $0x1;
	s1 =	rddreg [dreg:$0x1];
	s10 =	sor.u32 s2, s30  }
0x5: {  	s5 =	sadd.s32 $0x89200, s9;
	s2 =	simm.s32 $0x0;
	s3 =	sshrl.u32 s10, $0x3  }
0x6: {  	s11 =	ssub.s32 $0x2, s6;
	[smem:$0x7FF] =	sst s2;
	s3 =	sadd.s32 s3, s9  }
0x7: {  	_ =	strace $0x80000050;
	s4 =	sadd.s32 $0x49000, s3;
	s3 =	simm.s32 $0x2  }
0x8: {  	[tilespmem:s2], [sflag:$0x2] =	stream.linear.gather [hbm4b:s4+s2], $0x10, $0x38;
	[tilespmem:$0x880] =	vst v63  }
0x9: {  	s6 =	simm.s32 $0x10;
	s12 =	sshrl.u32 s11, $0x1;
	_ =	swait.ge [sflag:s3], $0x10  }
0xa: {  	s10 =	sshll.u32 s10, $0x4;
	s31 =	ssub.s32 s11, s12;
	[sflag:s3] =	ssyncset.done $0x0  }
0xb: {  	s9 =	sadd.s32 s10, s9;
	s10 =	smax.u32 s31, $0x1;
	[sflag:s3] =	ssyncadd.s32 $0xFFFFFFF0  }
0xc: {  	[tilespmem:s7], [sflag:$0x1] =	stream.indirect.gather [hbm4b:s5+s6], $0x80, s2, s6, $0xb8;
	[tilespmem:$0x880] =	vst v63  }
0xd: {  	p0 =	sne.s32 s10, $0x1;
	_ =	swait.ge [sflag:s8], $0x800  }
.Ltmp0:
0xe: {  	[sflag:s8] =	ssyncset.done $0x0;
	(pc) =	sbr.rel @!p0 .LBB2_2-.Ltmp0, $4  }
0xf: {  	s9 =	sadd.s32 $0x91200, s9;
	[sflag:s8] =	ssyncadd.s32 $0xFFFFF800  }
0x10: {  	[hbm4b:s9+s2] =	stream.linear.scatter [tilespmem:s7], [sflag:$0x2], $0x800, $0x38;
	[tilespmem:$0x880] =	vst v63  }
0x11: {  	_ =	swait.ge [sflag:s3], $0x800  }
0x12: {  	s10 =	sadd.s32 $0xFFFFFFFF, s10;
	[sflag:s3] =	ssyncset.done $0x0  }
.LBB2_1:
0x13: {  	p0 =	sne.s32 s10, $0x1;
	s10 =	sadd.s32 $0xFFFFFFFF, s10;
	[sflag:s3] =	ssyncadd.s32 $0xFFFFF800  }
0x14: {  	[tilespmem:s2], [sflag:$0x2] =	stream.linear.gather [hbm4b:s4+s2], $0x10, $0x38;
	[tilespmem:$0x880] =	vst v63  }
0x15: {  	_ =	swait.ge [sflag:s3], $0x10  }
0x16: {  	[sflag:s3] =	ssyncset.done $0x0  }
0x17: {  	[sflag:s3] =	ssyncadd.s32 $0xFFFFFFF0  }
0x18: {  	[tilespmem:s7], [sflag:$0x1] =	stream.indirect.gather [hbm4b:s5+s6], $0x80, s2, s6, $0xb8;
	[tilespmem:$0x880] =	vst v63  }
0x19: {  	_ =	swait.ge [sflag:s8], $0x800  }
.Ltmp1:
0x1a: {  	[sflag:s8] =	ssyncset.done $0x0;
	(pc) =	sbr.rel @p0 .LBB2_1-.Ltmp1, $4  }
0x1b: {  	[sflag:s8] =	ssyncadd.s32 $0xFFFFF800  }
0x1c: {  	[hbm4b:s9+s2] =	stream.linear.scatter [tilespmem:s7], [sflag:$0x2], $0x800, $0x38;
	[tilespmem:$0x880] =	vst v63  }
0x1d: {  	_ =	swait.ge [sflag:s3], $0x800  }
0x1e: {  	[sflag:s3] =	ssyncset.done $0x0  }
.LBB2_2:
0x1f: {  	[sflag:s3] =	ssyncadd.s32 $0xFFFFF800  }
0x20: {  	_ =	sfence.sel $0x180000  }
0x21: {  	[bflag:$0x0] =	sbarrier.arrive $0xFFFF  }
0x22: {  	p0 =	sne.s32 s0, $0x0;
	_ =	strace $0x90000050  }
0x23: {  	s0 =	sadd.s32 @!p0 $0x100000, s1;
	[bflag:$0x2] =	sbarrier.arrive $0xFFFF  }
0x24: {  	[sflag:s0] =	ssyncadd.tile.s32 @!p0 $0x1;
	_ =	shalt  }
.Lfunc_end2:
_tile_overlayer_lowered:
.L_overlay_start_2:
0x25: {  	(tag) =	ssettag $0x2  }
0x26: {  	s0 =	rddreg [dreg:$0x0];
	s2 =	stileid.u32  }
0x27: {  	s1 =	rddreg [dreg:$0x1];
	p0 =	sne.s32 s2, $0x0  }
0x28: {  	s3 =	rddreg [dreg:$0x2];
	[bflag:$0x3] =	sbarrier.arrive $0xFFFF;
	s2 =	simm.s32 @!p0 $0x1C02  }
0x29: {  	[timem:s3], [sflag:s2] =	dma.local @!p0 [hbm:s0], s1  }
0x2a: {  	s0 =	simm.s32 @!p0 $0x2  }
0x2b: {  	_ =	swait.ge @!p0 [sflag:s0], s1  }
0x2c: {  	s1 =	ssub.s32 @!p0 $0x0, s1;
	[sflag:s0] =	ssyncset.done @!p0 $0x0  }
0x2d: {  	[sflag:s0] =	ssyncadd.s32 @!p0 s1  }
0x2e: {  	[bflag:$0x3] =	sbarrier.arrive $0xFFFF  }
0x2f: {  	_ =	shalt  }

// kernel: kernel.38.cloned.1.call-start
scs
__scs_entry_jumppad:
0x0: {  	(pc) =	sbr.rel $0x88, $3  }
0x1: {  	(tag) =	ssettag $0x0;
	lr =	simm.s32 $0x1  }
0x2: {  	[smem:$0x3F92] =	sst lr;
	_ =	strace $0xD0000000  }
0x3: {  	_ = 	snop  }
0x4: {  	_ = 	snop  }
0x5: {  	_ = 	snop  }
0x6: {  	_ = 	snop  }
0x7: {  	_ = 	snop  }
__scs_overlays_trampoline_lowered:
0x8: {  	[smem:$0x3FA1] =	sst s0  }
0x9: {  	[smem:$0x3FA2] =	sst s1  }
0xa: {  	[smem:$0x3FA3] =	sst s2  }
0xb: {  	[smem:$0x3FA4] =	sst s3  }
0xc: {  	[smem:$0x3FA5] =	sst s4  }
0xd: {  	[smem:$0x3FA6] =	sst s5  }
0xe: {  	[smem:$0x3FA7] =	sst s6  }
0xf: {  	[smem:$0x3FA8] =	sst s7  }
0x10: {  	[smem:$0x3FA9] =	sst s8  }
0x11: {  	[smem:$0x3FAA] =	sst s9;
	s0 =	simm.s32 @!p0 $0x0  }
0x12: {  	s1 =	sld [smem:$0x3F90];
	s0 =	simm.s32 @p0 $0x1  }
0x13: {  	[smem:$0x3FAB] =	sst s0;
	s0 =	simm.s32 @!p1 $0x0  }
0x14: {  	s2 =	sld [smem:$0x3F8F];
	s0 =	simm.s32 @p1 $0x1  }
0x15: {  	[smem:$0x3FAC] =	sst s0;
	s0 =	simm.s32 @!p2 $0x0  }
0x16: {  	s3 =	sld [smem:$0x3FDB];
	s0 =	simm.s32 @p2 $0x1  }
0x17: {  	s4 =	simm.s32 $0x1BF5;
	[smem:$0x3FAE] =	sst s0  }
0x18: {  	s0 =	sld [smem:$0x3F91];
	_ =	swait.ge [sflag:s4], $0x0  }
0x19: {  	s7 =	sld [smem:$0x3F92]  }
0x1a: {  	s8 =	sadd.s32 $0xFFFFE003, lr  }
0x1b: {  	s9 =	sadd.s32 $0xFFFFFEF7, lr;
	s5 =	simm.s32 $0xFFFFFFFF;
	p2 =	slt.u32 s8, $0xFFFFF086  }
0x1c: {  	p1 =	slt.u32 s9, $0xF7A;
	s5 =	simm.s32 @!p2 $0x0  }
0x1d: {  	s5 =	simm.s32 @p1 $0x1;
	p0 =	seq.s32 s7, s2  }
0x1e: {  	s7 =	smul.u32 @!p0 $0xF7A, s2;
	p2 =	seq.s32 @!p0 s5, $0x0  }
0x1f: {  	s9 =	smul.u32 $0xF7A, s1;
	s8 =	simm.s32 @!p0 $0x1BF5;
	p2 =	por !p2, p0  }
0x20: {  	[sflag:s8] =	ssyncset.s32 @!p0 $0xFFFFF086;
	s6 =	sadd.s32 @!p0 s3, s7;
	s7 =	simm.s32 @!p0 $0x108  }
0x21: {  	s3 =	sadd.s32 s3, s9;
	s6 =	sadd.s32 @!p0 $0x88, s6;
	s7 =	simm.s32 @p2 $0x1082  }
0x22: {  	[simem:s7], [sflag:s8] =	dma.local @!p0 [hbm:s6], $0xF7A  }
0x23: {  	s9 =	sor.u32 $0xD0000000, s2;
	s6 =	simm.s32 $0x108;
	_ =	swait.ge @!p0 [sflag:s8], $0x0  }
0x24: {  	s3 =	sadd.s32 $0x88, s3;
	s6 =	simm.s32 @!p1 $0x1082;
	[sflag:s4] =	ssyncset.s32 $0xFFFFF086  }
0x25: {  	[simem:s6], [sflag:s4] =	dma.local [hbm:s3], $0xF7A  }
0x26: {  	[smem:$0x3F92] =	sst s1;
	(tag) =	ssettag s2;
	_ =	strace s9  }
0x27: {  	s1 =	sld [smem:$0x3FA2]  }
0x28: {  	s2 =	sld [smem:$0x3FA3]  }
0x29: {  	s4 =	sld [smem:$0x3FA5]  }
0x2a: {  	p0 =	seq.s32 s5, $0x0;
	s5 =	sld [smem:$0x3FA6]  }
0x2b: {  	s6 =	sld [smem:$0x3FA7]  }
0x2c: {  	s7 =	sld [smem:$0x3FA8]  }
0x2d: {  	s3 =	simm.s32 $0x108;
	s8 =	sld [smem:$0x3FA9]  }
0x2e: {  	s3 =	simm.s32 @!p0 $0x1082;
	s9 =	sld [smem:$0x3FAA]  }
0x2f: {  	lr =	sadd.s32 s0, s3;
	s0 =	sld [smem:$0x3FA1]  }
0x30: {  	s3 =	sld [smem:$0x3FA4]  }
0x31: {  	[smem:$0x3FAD] =	sst s10  }
0x32: {  	s10 =	sld [smem:$0x3FAB];
	_ =	sdelay $0x3  }
0x33: {  	p0 =	seq.s32 s10, $0x1;
	s10 =	sld [smem:$0x3FAD];
	_ =	sdelay $0x3  }
0x34: {  	[smem:$0x3FAD] =	sst s10  }
0x35: {  	s10 =	sld [smem:$0x3FAC];
	_ =	sdelay $0x3  }
0x36: {  	p1 =	seq.s32 s10, $0x1;
	s10 =	sld [smem:$0x3FAD];
	_ =	sdelay $0x3  }
0x37: {  	[smem:$0x3FAD] =	sst s10  }
0x38: {  	s10 =	sld [smem:$0x3FAE]  }
0x39: {  	_ = 	snop;
	(pc) =	sbr.ind lr, $3  }
0x3a: {  	_ = 	snop  }
0x3b: {  	_ = 	snop  }
0x3c: {  	p2 =	seq.s32 s10, $0x1;
	s10 =	sld [smem:$0x3FAD]  }
0x3d: {  	_ =	shalt  }
0x3e: {  	_ =	shalt  }
0x3f: {  	_ =	shalt  }
0x40: {  	_ =	shalt  }
0x41: {  	_ =	shalt  }
0x42: {  	_ =	shalt  }
0x43: {  	_ =	shalt  }
0x44: {  	_ =	shalt  }
0x45: {  	_ =	shalt  }
0x46: {  	_ =	shalt  }
0x47: {  	_ =	shalt  }
0x48: {  	_ =	shalt  }
0x49: {  	_ =	shalt  }
0x4a: {  	_ =	shalt  }
0x4b: {  	_ =	shalt  }
0x4c: {  	_ =	shalt  }
0x4d: {  	_ =	shalt  }
0x4e: {  	_ =	shalt  }
0x4f: {  	_ =	shalt  }
0x50: {  	_ =	shalt  }
0x51: {  	_ =	shalt  }
0x52: {  	_ =	shalt  }
0x53: {  	_ =	shalt  }
0x54: {  	_ =	shalt  }
0x55: {  	_ =	shalt  }
0x56: {  	_ =	shalt  }
0x57: {  	_ =	shalt  }
0x58: {  	_ =	shalt  }
0x59: {  	_ =	shalt  }
0x5a: {  	_ =	shalt  }
0x5b: {  	_ =	shalt  }
0x5c: {  	_ =	shalt  }
0x5d: {  	_ =	shalt  }
0x5e: {  	_ =	shalt  }
0x5f: {  	_ =	shalt  }
0x60: {  	_ =	shalt  }
0x61: {  	_ =	shalt  }
0x62: {  	_ =	shalt  }
0x63: {  	_ =	shalt  }
0x64: {  	_ =	shalt  }
0x65: {  	_ =	shalt  }
0x66: {  	_ =	shalt  }
0x67: {  	_ =	shalt  }
0x68: {  	_ =	shalt  }
0x69: {  	_ =	shalt  }
0x6a: {  	_ =	shalt  }
0x6b: {  	_ =	shalt  }
0x6c: {  	_ =	shalt  }
0x6d: {  	_ =	shalt  }
0x6e: {  	_ =	shalt  }
0x6f: {  	_ =	shalt  }
0x70: {  	_ =	shalt  }
0x71: {  	_ =	shalt  }
0x72: {  	_ =	shalt  }
0x73: {  	_ =	shalt  }
0x74: {  	_ =	shalt  }
0x75: {  	_ =	shalt  }
0x76: {  	_ =	shalt  }
0x77: {  	_ =	shalt  }
0x78: {  	_ =	shalt  }
0x79: {  	_ =	shalt  }
0x7a: {  	_ =	shalt  }
0x7b: {  	_ =	shalt  }
0x7c: {  	_ =	shalt  }
0x7d: {  	_ =	shalt  }
0x7e: {  	_ =	shalt  }
0x7f: {  	_ =	shalt  }
0x80: {  	_ =	shalt  }
0x81: {  	_ =	shalt  }
0x82: {  	_ =	shalt  }
0x83: {  	_ =	shalt  }
0x84: {  	_ =	shalt  }
0x85: {  	_ =	shalt  }
0x86: {  	_ =	shalt  }
0x87: {  	_ =	shalt  }
.Lfunc_end0:
.L_simem_size_0:
called_computation.4_lowered:
.L_overlay_start_0:
0x88: {  	s2 =	sld [smem:$0x3FD9]  }
0x89: {  	s3 =	sld [smem:$0x3FFE];
	_ =	sdelay $0x1  }
0x8a: {  	s1 =	srdreg.scid  }
0x8b: {  	s0 =	sand.u32 $0x1, s1  }
0x8c: {  	s17 =	sshll.u32 s0, $0xA;
	s2 =	sadd.s32 s3, s2  }
0x8d: {  	s2 =	sadd.s32 s2, s17  }
0x8e: {  	[smem:$0x3FB9] =	sst s2  }
0x8f: {  	_ = 	snop  }
0x90: {  	s2 =	sld [smem:$0x3FD0];
	(tm) =	ssettm $0x1  }
0x91: {  	s18 =	sld [smem:$0x3FFB];
	_ =	sdelay $0x3  }
0x92: {  	_ =	strace s18  }
0x93: {  	s3 =	sld [smem:$0x3FFC];
	_ =	sdelay $0x3  }
0x94: {  	_ =	strace s3  }
0x95: {  	s3 =	sld [smem:$0x3FFD];
	_ =	sdelay $0x3  }
0x96: {  	_ =	strace s3  }
0x97: {  	_ =	strace $0x8FFFFFFF  }
0x98: {  	s19 =	sld [smem:$0x3FDB];
	_ =	sdelay $0x1  }
0x99: {  	s4 =	simm.s32 $_scs_section_size  }
0x9a: {  	s5 =	simm.s32 $_size__tile_overlayer_lowered;
	s6 =	simm.s32 $_tile_overlayer_lowered  }
0x9b: {  	s22 =	simm.s32 $0x1BFF;
	s21 =	sshll.u32 s6, $0x1;
	s3 =	sadd.s32 s4, s19  }
0x9c: {  	s7 =	simm.s32 $0x0;
	s20 =	sshll.u32 s5, $0x1;
	s5 =	sadd.s32 s21, s3  }
0x9d: {  	[timem:s7], [sflag:s22] =	dma.local [hbm:s5], s20  }
0x9e: {  	_ =	swait.ge [sflag:s22], s20  }
0x9f: {  	s4 =	ssub.s32 $0x0, s20;
	[sflag:s22] =	ssyncset.done $0x0  }
0xa0: {  	[sflag:s22] =	ssyncadd.s32 s4;
	_ =	sdelay $0x1  }
0xa1: {  	s23 =	simm.s32 $0x1B8B  }
0xa2: {  	_ =	swait.ge [sflag:s23], $0x1  }
0xa3: {  	[sflag:s23] =	ssyncset.done $0x0  }
0xa4: {  	s25 =	simm.s32 $0x1B8E;
	s24 =	sld [smem:$0x3FFE];
	[sflag:s23] =	ssyncadd.s32 $0xFFFFFFFF  }
0xa5: {  	s26 =	simm.s32 $execute0_lowered;
	[smem:$0x3FD2] =	sst s25  }
0xa6: {  	s5 =	sshll.u32 s26, $0x1;
	_ =	strace $0x80000052;
	[dreg:$0x1] =	wrdreg $0xFFFFFFFF  }
0xa7: {  	s28 =	simm.s32 $_size_execute0_lowered;
	s3 =	sadd.s32 s3, s5;
	[dreg:$0x0] =	wrdreg $0x0  }
0xa8: {  	s5 =	sshll.u32 s28, $0x1;
	[dreg:$0x2] =	wrdreg s3  }
0xa9: {  	[dreg:$0x3] =	wrdreg s5  }
0xaa: {  	[dreg:$0x4] =	wrdreg $0xC0  }
0xab: {  	_ =	task [dreg:s7], $0x5FFFF  }
0xac: {  	[dreg:$0x1] =	wrdreg $0xFFFFFFFF  }
0xad: {  	[dreg:$0x0] =	wrdreg $0x60  }
0xae: {  	[dreg:$0x2] =	wrdreg s2  }
0xaf: {  	[dreg:$0x3] =	wrdreg s24  }
0xb0: {  	[dreg:$0x4] =	wrdreg $0x9  }
0xb1: {  	_ =	task.clear_ibuf [dreg:s7], $0x5FFFF;
	_ =	strace $0x90000052  }
0xb2: {  	s29 =	simm.s32 $0x9;
	_ =	strace $0x80000054  }
0xb3: {  	_ =	swait.ge [sflag:s29], $0x1  }
0xb4: {  	[sflag:s29] =	ssyncadd.s32 $0xFFFFFFFF  }
0xb5: {  	_ =	strace $0x90000054  }
0xb6: {  	_ =	sfence  }
0xb7: {  	s30 =	sld [smem:$0x0];
	_ =	sdelay $0x2  }
0xb8: {  	s31 =	sshll.u32 s1, $0xD;
	s1 =	sshrl.u32 s1, $0x2  }
0xb9: {  	s3 =	sand.u32 $0x4000, s31;
	s1 =	sadd.s32 s1, s30  }
0xba: {  	s0 =	sor.u32 s3, s0;
	s1 =	sshll.u32 s1, $0x11  }
0xbb: {  	s0 =	sor.u32 s1, s0  }
0xbc: {  	s0 =	sadd.s32 $0x8F2B, s0  }
0xbd: {  	[sflag:s0] =	ssyncadd.remote.s32 $0x1  }
0xbe: {  	_ =	sfence.sel $0xFFFF  }
0xbf: {  	[dreg:$0x0] =	wrdreg $0xFFFFFFFF;
	(pc) =	sbr.abs _section_cstart, $3  }
0xc0: {  	[dreg:$0x1] =	wrdreg $0xFFFFFFFF  }
0xc1: {  	_ =	task.clear_ibuf [dreg:s7], $0x2FFFF;
	_ =	strace $0x9FFFFFFF  }
0xc2: {  	(tm) =	ssettm $0x7FFFFFFF  }
0xc3: {  	_ =	shalt  }
tec
execute0_lowered:
.L_overlay_start_1:
0x0: {  	(tag) =	ssettag $0x1  }
0x1: {  	s1 =	srdreg.scid  }
0x2: {  	s0 =	stileid.u32;
	s6 =	sand.u32 $0x1, s1  }
0x3: {  	s2 =	rddreg [dreg:$0x0];
	s30 =	sshll.u32 s0, $0x9;
	s3 =	sshll.u32 s6, $0x8  }
0x4: {  	s8 =	rddreg [dreg:$0x1];
	s7 =	simm.s32 $0x1;
	s9 =	sor.u32 s3, s30  }
0x5: {  	s1 =	rddreg [dreg:$0x2];
	s3 =	simm.s32 $0x0;
	s4 =	sshrl.u32 s9, $0x3  }
0x6: {  	s10 =	ssub.s32 $0x2, s6;
	[smem:$0x7FF] =	sst s3;
	s4 =	sadd.s32 s4, s8  }
0x7: {  	_ =	strace $0x80000053;
	s5 =	sadd.s32 $0x93200, s4;
	s4 =	simm.s32 $0x2  }
0x8: {  	[tilespmem:s3], [sflag:$0x2] =	stream.linear.gather [hbm4b:s5+s3], $0x100, $0x38;
	[tilespmem:$0x8100] =	vst v63  }
0x9: {  	s6 =	simm.s32 $0x100;
	s11 =	sshrl.u32 s10, $0x1;
	_ =	swait.ge [sflag:s4], $0x100  }
0xa: {  	s9 =	sshll.u32 s9, $0x4;
	s31 =	ssub.s32 s10, s11;
	[sflag:s4] =	ssyncset.done $0x0  }
0xb: {  	s8 =	sadd.s32 s9, s8;
	s9 =	smax.u32 s31, $0x1;
	[sflag:s4] =	ssyncadd.s32 $0xFFFFFF00  }
0xc: {  	[tilespmem:s6], [sflag:$0x1] =	stream.indirect.gather [hbm4b:s2+s6], $0x80, s3, s6, $0xb8;
	[tilespmem:$0x8100] =	vst v63  }
0xd: {  	p0 =	sne.s32 s9, $0x1;
	_ =	swait.ge [sflag:s7], $0x8000  }
.Ltmp0:
0xe: {  	[sflag:s7] =	ssyncset.done $0x0;
	(pc) =	sbr.rel @!p0 .LBB2_2-.Ltmp0, $4  }
0xf: {  	s8 =	sadd.s32 $0x93600, s8;
	[sflag:s7] =	ssyncadd.s32 $0xFFFF8000  }
0x10: {  	[hbm4b:s8+s3] =	stream.linear.scatter [tilespmem:s6], [sflag:$0x2], $0x8000, $0x38;
	[tilespmem:$0x8100] =	vst v63  }
0x11: {  	_ =	swait.ge [sflag:s4], $0x8000  }
0x12: {  	s9 =	sadd.s32 $0xFFFFFFFF, s9;
	[sflag:s4] =	ssyncset.done $0x0  }
.LBB2_1:
0x13: {  	p0 =	sne.s32 s9, $0x1;
	s9 =	sadd.s32 $0xFFFFFFFF, s9;
	[sflag:s4] =	ssyncadd.s32 $0xFFFF8000  }
0x14: {  	[tilespmem:s3], [sflag:$0x2] =	stream.linear.gather [hbm4b:s5+s3], $0x100, $0x38;
	[tilespmem:$0x8100] =	vst v63  }
0x15: {  	_ =	swait.ge [sflag:s4], $0x100  }
0x16: {  	[sflag:s4] =	ssyncset.done $0x0  }
0x17: {  	[sflag:s4] =	ssyncadd.s32 $0xFFFFFF00  }
0x18: {  	[tilespmem:s6], [sflag:$0x1] =	stream.indirect.gather [hbm4b:s2+s6], $0x80, s3, s6, $0xb8;
	[tilespmem:$0x8100] =	vst v63  }
0x19: {  	_ =	swait.ge [sflag:s7], $0x8000  }
.Ltmp1:
0x1a: {  	[sflag:s7] =	ssyncset.done $0x0;
	(pc) =	sbr.rel @p0 .LBB2_1-.Ltmp1, $4  }
0x1b: {  	[sflag:s7] =	ssyncadd.s32 $0xFFFF8000  }
0x1c: {  	[hbm4b:s8+s3] =	stream.linear.scatter [tilespmem:s6], [sflag:$0x2], $0x8000, $0x38;
	[tilespmem:$0x8100] =	vst v63  }
0x1d: {  	_ =	swait.ge [sflag:s4], $0x8000  }
0x1e: {  	[sflag:s4] =	ssyncset.done $0x0  }
.LBB2_2:
0x1f: {  	[sflag:s4] =	ssyncadd.s32 $0xFFFF8000  }
0x20: {  	_ =	sfence.sel $0x180000  }
0x21: {  	[bflag:$0x0] =	sbarrier.arrive $0xFFFF  }
0x22: {  	p0 =	sne.s32 s0, $0x0;
	_ =	strace $0x90000053  }
0x23: {  	s0 =	sadd.s32 @!p0 $0x100000, s1;
	[bflag:$0x2] =	sbarrier.arrive $0xFFFF  }
0x24: {  	[sflag:s0] =	ssyncadd.tile.s32 @!p0 $0x1;
	_ =	shalt  }
.Lfunc_end2:
_tile_overlayer_lowered:
.L_overlay_start_2:
0x25: {  	(tag) =	ssettag $0x2  }
0x26: {  	s0 =	rddreg [dreg:$0x0];
	s2 =	stileid.u32  }
0x27: {  	s1 =	rddreg [dreg:$0x1];
	p0 =	sne.s32 s2, $0x0  }
0x28: {  	s3 =	rddreg [dreg:$0x2];
	[bflag:$0x3] =	sbarrier.arrive $0xFFFF;
	s2 =	simm.s32 @!p0 $0x1C02  }
0x29: {  	[timem:s3], [sflag:s2] =	dma.local @!p0 [hbm:s0], s1  }
0x2a: {  	s0 =	simm.s32 @!p0 $0x2  }
0x2b: {  	_ =	swait.ge @!p0 [sflag:s0], s1  }
0x2c: {  	s1 =	ssub.s32 @!p0 $0x0, s1;
	[sflag:s0] =	ssyncset.done @!p0 $0x0  }
0x2d: {  	[sflag:s0] =	ssyncadd.s32 @!p0 s1  }
0x2e: {  	[bflag:$0x3] =	sbarrier.arrive $0xFFFF  }
0x2f: {  	_ =	shalt  }

// kernel: kernel.41.cloned.1.call-start
scs
__scs_entry_jumppad:
0x0: {  	(pc) =	sbr.rel $0x88, $3  }
0x1: {  	(tag) =	ssettag $0x0;
	lr =	simm.s32 $0x1  }
0x2: {  	[smem:$0x3F92] =	sst lr;
	_ =	strace $0xD0000000  }
0x3: {  	_ = 	snop  }
0x4: {  	_ = 	snop  }
0x5: {  	_ = 	snop  }
0x6: {  	_ = 	snop  }
0x7: {  	_ = 	snop  }
__scs_overlays_trampoline_lowered:
0x8: {  	[smem:$0x3FA1] =	sst s0  }
0x9: {  	[smem:$0x3FA2] =	sst s1  }
0xa: {  	[smem:$0x3FA3] =	sst s2  }
0xb: {  	[smem:$0x3FA4] =	sst s3  }
0xc: {  	[smem:$0x3FA5] =	sst s4  }
0xd: {  	[smem:$0x3FA6] =	sst s5  }
0xe: {  	[smem:$0x3FA7] =	sst s6  }
0xf: {  	[smem:$0x3FA8] =	sst s7  }
0x10: {  	[smem:$0x3FA9] =	sst s8  }
0x11: {  	[smem:$0x3FAA] =	sst s9;
	s0 =	simm.s32 @!p0 $0x0  }
0x12: {  	s1 =	sld [smem:$0x3F90];
	s0 =	simm.s32 @p0 $0x1  }
0x13: {  	[smem:$0x3FAB] =	sst s0;
	s0 =	simm.s32 @!p1 $0x0  }
0x14: {  	s2 =	sld [smem:$0x3F8F];
	s0 =	simm.s32 @p1 $0x1  }
0x15: {  	[smem:$0x3FAC] =	sst s0;
	s0 =	simm.s32 @!p2 $0x0  }
0x16: {  	s3 =	sld [smem:$0x3FDB];
	s0 =	simm.s32 @p2 $0x1  }
0x17: {  	s4 =	simm.s32 $0x1BF5;
	[smem:$0x3FAE] =	sst s0  }
0x18: {  	s0 =	sld [smem:$0x3F91];
	_ =	swait.ge [sflag:s4], $0x0  }
0x19: {  	s7 =	sld [smem:$0x3F92]  }
0x1a: {  	s8 =	sadd.s32 $0xFFFFE003, lr  }
0x1b: {  	s9 =	sadd.s32 $0xFFFFFEF7, lr;
	s5 =	simm.s32 $0xFFFFFFFF;
	p2 =	slt.u32 s8, $0xFFFFF086  }
0x1c: {  	p1 =	slt.u32 s9, $0xF7A;
	s5 =	simm.s32 @!p2 $0x0  }
0x1d: {  	s5 =	simm.s32 @p1 $0x1;
	p0 =	seq.s32 s7, s2  }
0x1e: {  	s7 =	smul.u32 @!p0 $0xF7A, s2;
	p2 =	seq.s32 @!p0 s5, $0x0  }
0x1f: {  	s9 =	smul.u32 $0xF7A, s1;
	s8 =	simm.s32 @!p0 $0x1BF5;
	p2 =	por !p2, p0  }
0x20: {  	[sflag:s8] =	ssyncset.s32 @!p0 $0xFFFFF086;
	s6 =	sadd.s32 @!p0 s3, s7;
	s7 =	simm.s32 @!p0 $0x108  }
0x21: {  	s3 =	sadd.s32 s3, s9;
	s6 =	sadd.s32 @!p0 $0x88, s6;
	s7 =	simm.s32 @p2 $0x1082  }
0x22: {  	[simem:s7], [sflag:s8] =	dma.local @!p0 [hbm:s6], $0xF7A  }
0x23: {  	s9 =	sor.u32 $0xD0000000, s2;
	s6 =	simm.s32 $0x108;
	_ =	swait.ge @!p0 [sflag:s8], $0x0  }
0x24: {  	s3 =	sadd.s32 $0x88, s3;
	s6 =	simm.s32 @!p1 $0x1082;
	[sflag:s4] =	ssyncset.s32 $0xFFFFF086  }
0x25: {  	[simem:s6], [sflag:s4] =	dma.local [hbm:s3], $0xF7A  }
0x26: {  	[smem:$0x3F92] =	sst s1;
	(tag) =	ssettag s2;
	_ =	strace s9  }
0x27: {  	s1 =	sld [smem:$0x3FA2]  }
0x28: {  	s2 =	sld [smem:$0x3FA3]  }
0x29: {  	s4 =	sld [smem:$0x3FA5]  }
0x2a: {  	p0 =	seq.s32 s5, $0x0;
	s5 =	sld [smem:$0x3FA6]  }
0x2b: {  	s6 =	sld [smem:$0x3FA7]  }
0x2c: {  	s7 =	sld [smem:$0x3FA8]  }
0x2d: {  	s3 =	simm.s32 $0x108;
	s8 =	sld [smem:$0x3FA9]  }
0x2e: {  	s3 =	simm.s32 @!p0 $0x1082;
	s9 =	sld [smem:$0x3FAA]  }
0x2f: {  	lr =	sadd.s32 s0, s3;
	s0 =	sld [smem:$0x3FA1]  }
0x30: {  	s3 =	sld [smem:$0x3FA4]  }
0x31: {  	[smem:$0x3FAD] =	sst s10  }
0x32: {  	s10 =	sld [smem:$0x3FAB];
	_ =	sdelay $0x3  }
0x33: {  	p0 =	seq.s32 s10, $0x1;
	s10 =	sld [smem:$0x3FAD];
	_ =	sdelay $0x3  }
0x34: {  	[smem:$0x3FAD] =	sst s10  }
0x35: {  	s10 =	sld [smem:$0x3FAC];
	_ =	sdelay $0x3  }
0x36: {  	p1 =	seq.s32 s10, $0x1;
	s10 =	sld [smem:$0x3FAD];
	_ =	sdelay $0x3  }
0x37: {  	[smem:$0x3FAD] =	sst s10  }
0x38: {  	s10 =	sld [smem:$0x3FAE]  }
0x39: {  	_ = 	snop;
	(pc) =	sbr.ind lr, $3  }
0x3a: {  	_ = 	snop  }
0x3b: {  	_ = 	snop  }
0x3c: {  	p2 =	seq.s32 s10, $0x1;
	s10 =	sld [smem:$0x3FAD]  }
0x3d: {  	_ =	shalt  }
0x3e: {  	_ =	shalt  }
0x3f: {  	_ =	shalt  }
0x40: {  	_ =	shalt  }
0x41: {  	_ =	shalt  }
0x42: {  	_ =	shalt  }
0x43: {  	_ =	shalt  }
0x44: {  	_ =	shalt  }
0x45: {  	_ =	shalt  }
0x46: {  	_ =	shalt  }
0x47: {  	_ =	shalt  }
0x48: {  	_ =	shalt  }
0x49: {  	_ =	shalt  }
0x4a: {  	_ =	shalt  }
0x4b: {  	_ =	shalt  }
0x4c: {  	_ =	shalt  }
0x4d: {  	_ =	shalt  }
0x4e: {  	_ =	shalt  }
0x4f: {  	_ =	shalt  }
0x50: {  	_ =	shalt  }
0x51: {  	_ =	shalt  }
0x52: {  	_ =	shalt  }
0x53: {  	_ =	shalt  }
0x54: {  	_ =	shalt  }
0x55: {  	_ =	shalt  }
0x56: {  	_ =	shalt  }
0x57: {  	_ =	shalt  }
0x58: {  	_ =	shalt  }
0x59: {  	_ =	shalt  }
0x5a: {  	_ =	shalt  }
0x5b: {  	_ =	shalt  }
0x5c: {  	_ =	shalt  }
0x5d: {  	_ =	shalt  }
0x5e: {  	_ =	shalt  }
0x5f: {  	_ =	shalt  }
0x60: {  	_ =	shalt  }
0x61: {  	_ =	shalt  }
0x62: {  	_ =	shalt  }
0x63: {  	_ =	shalt  }
0x64: {  	_ =	shalt  }
0x65: {  	_ =	shalt  }
0x66: {  	_ =	shalt  }
0x67: {  	_ =	shalt  }
0x68: {  	_ =	shalt  }
0x69: {  	_ =	shalt  }
0x6a: {  	_ =	shalt  }
0x6b: {  	_ =	shalt  }
0x6c: {  	_ =	shalt  }
0x6d: {  	_ =	shalt  }
0x6e: {  	_ =	shalt  }
0x6f: {  	_ =	shalt  }
0x70: {  	_ =	shalt  }
0x71: {  	_ =	shalt  }
0x72: {  	_ =	shalt  }
0x73: {  	_ =	shalt  }
0x74: {  	_ =	shalt  }
0x75: {  	_ =	shalt  }
0x76: {  	_ =	shalt  }
0x77: {  	_ =	shalt  }
0x78: {  	_ =	shalt  }
0x79: {  	_ =	shalt  }
0x7a: {  	_ =	shalt  }
0x7b: {  	_ =	shalt  }
0x7c: {  	_ =	shalt  }
0x7d: {  	_ =	shalt  }
0x7e: {  	_ =	shalt  }
0x7f: {  	_ =	shalt  }
0x80: {  	_ =	shalt  }
0x81: {  	_ =	shalt  }
0x82: {  	_ =	shalt  }
0x83: {  	_ =	shalt  }
0x84: {  	_ =	shalt  }
0x85: {  	_ =	shalt  }
0x86: {  	_ =	shalt  }
0x87: {  	_ =	shalt  }
.Lfunc_end0:
.L_simem_size_0:
called_computation.5_lowered:
.L_overlay_start_0:
0x88: {  	s2 =	sld [smem:$0x3FD9]  }
0x89: {  	s3 =	sld [smem:$0x3FFE];
	_ =	sdelay $0x1  }
0x8a: {  	s1 =	srdreg.scid  }
0x8b: {  	s0 =	sand.u32 $0x1, s1  }
0x8c: {  	s17 =	sshll.u32 s0, $0xA;
	s2 =	sadd.s32 s3, s2  }
0x8d: {  	s2 =	sadd.s32 s2, s17  }
0x8e: {  	[smem:$0x3FB9] =	sst s2  }
0x8f: {  	_ = 	snop  }
0x90: {  	s2 =	sld [smem:$0x3FD0];
	(tm) =	ssettm $0x1  }
0x91: {  	s18 =	sld [smem:$0x3FFB];
	_ =	sdelay $0x3  }
0x92: {  	_ =	strace s18  }
0x93: {  	s3 =	sld [smem:$0x3FFC];
	_ =	sdelay $0x3  }
0x94: {  	_ =	strace s3  }
0x95: {  	s3 =	sld [smem:$0x3FFD];
	_ =	sdelay $0x3  }
0x96: {  	_ =	strace s3  }
0x97: {  	_ =	strace $0x8FFFFFFF  }
0x98: {  	s19 =	sld [smem:$0x3FDB];
	_ =	sdelay $0x1  }
0x99: {  	s4 =	simm.s32 $_scs_section_size  }
0x9a: {  	s5 =	simm.s32 $_size__tile_overlayer_lowered;
	s6 =	simm.s32 $_tile_overlayer_lowered  }
0x9b: {  	s22 =	simm.s32 $0x1BFF;
	s21 =	sshll.u32 s6, $0x1;
	s3 =	sadd.s32 s4, s19  }
0x9c: {  	s7 =	simm.s32 $0x0;
	s20 =	sshll.u32 s5, $0x1;
	s5 =	sadd.s32 s21, s3  }
0x9d: {  	[timem:s7], [sflag:s22] =	dma.local [hbm:s5], s20  }
0x9e: {  	_ =	swait.ge [sflag:s22], s20  }
0x9f: {  	s4 =	ssub.s32 $0x0, s20;
	[sflag:s22] =	ssyncset.done $0x0  }
0xa0: {  	[sflag:s22] =	ssyncadd.s32 s4;
	_ =	sdelay $0x1  }
0xa1: {  	s23 =	simm.s32 $0x1B8B  }
0xa2: {  	_ =	swait.ge [sflag:s23], $0x1  }
0xa3: {  	[sflag:s23] =	ssyncset.done $0x0  }
0xa4: {  	s25 =	simm.s32 $0x1B8E;
	s24 =	sld [smem:$0x3FFE];
	[sflag:s23] =	ssyncadd.s32 $0xFFFFFFFF  }
0xa5: {  	s26 =	simm.s32 $execute0_lowered;
	[smem:$0x3FD2] =	sst s25  }
0xa6: {  	s5 =	sshll.u32 s26, $0x1;
	_ =	strace $0x80000055;
	[dreg:$0x1] =	wrdreg $0xFFFFFFFF  }
0xa7: {  	s28 =	simm.s32 $_size_execute0_lowered;
	s3 =	sadd.s32 s3, s5;
	[dreg:$0x0] =	wrdreg $0x0  }
0xa8: {  	s5 =	sshll.u32 s28, $0x1;
	[dreg:$0x2] =	wrdreg s3  }
0xa9: {  	[dreg:$0x3] =	wrdreg s5  }
0xaa: {  	[dreg:$0x4] =	wrdreg $0xC0  }
0xab: {  	_ =	task [dreg:s7], $0x5FFFF  }
0xac: {  	[dreg:$0x1] =	wrdreg $0xFFFFFFFF  }
0xad: {  	[dreg:$0x0] =	wrdreg $0x60  }
0xae: {  	[dreg:$0x2] =	wrdreg s2  }
0xaf: {  	[dreg:$0x3] =	wrdreg s24  }
0xb0: {  	[dreg:$0x4] =	wrdreg $0x9  }
0xb1: {  	_ =	task.clear_ibuf [dreg:s7], $0x5FFFF;
	_ =	strace $0x90000055  }
0xb2: {  	s29 =	simm.s32 $0x9;
	_ =	strace $0x80000057  }
0xb3: {  	_ =	swait.ge [sflag:s29], $0x1  }
0xb4: {  	[sflag:s29] =	ssyncadd.s32 $0xFFFFFFFF  }
0xb5: {  	_ =	strace $0x90000057  }
0xb6: {  	_ =	sfence  }
0xb7: {  	s30 =	sld [smem:$0x0];
	_ =	sdelay $0x2  }
0xb8: {  	s31 =	sshll.u32 s1, $0xD;
	s1 =	sshrl.u32 s1, $0x2  }
0xb9: {  	s3 =	sand.u32 $0x4000, s31;
	s1 =	sadd.s32 s1, s30  }
0xba: {  	s0 =	sor.u32 s3, s0;
	s1 =	sshll.u32 s1, $0x11  }
0xbb: {  	s0 =	sor.u32 s1, s0  }
0xbc: {  	s0 =	sadd.s32 $0x8F2B, s0  }
0xbd: {  	[sflag:s0] =	ssyncadd.remote.s32 $0x1  }
0xbe: {  	_ =	sfence.sel $0xFFFF  }
0xbf: {  	[dreg:$0x0] =	wrdreg $0xFFFFFFFF;
	(pc) =	sbr.abs _section_cstart, $3  }
0xc0: {  	[dreg:$0x1] =	wrdreg $0xFFFFFFFF  }
0xc1: {  	_ =	task.clear_ibuf [dreg:s7], $0x2FFFF;
	_ =	strace $0x9FFFFFFF  }
0xc2: {  	(tm) =	ssettm $0x7FFFFFFF  }
0xc3: {  	_ =	shalt  }
tec
execute0_lowered:
.L_overlay_start_1:
0x0: {  	(tag) =	ssettag $0x1  }
0x1: {  	s1 =	srdreg.scid;
	s0 =	stileid.u32  }
0x2: {  	s2 =	rddreg [dreg:$0x0];
	s6 =	sand.u32 $0x1, s1;
	s30 =	sshll.u32 s0, $0x1  }
0x3: {  	s9 =	rddreg [dreg:$0x1];
	s7 =	sor.u32 s6, s30  }
0x4: {  	s3 =	simm.s32 $0x0;
	s1 =	rddreg [dreg:$0x2];
	s4 =	smul.u32 $0x18, s7  }
0x5: {  	s8 =	simm.s32 $0x1;
	[smem:$0x7FF] =	sst s3  }
0x6: {  	_ =	strace $0x80000056;
	s11 =	ssub.s32 $0x2, s6;
	s4 =	sadd.s32 s4, s9  }
0x7: {  	s6 =	simm.s32 $0xC0;
	s5 =	sadd.s32 $0x91200, s4;
	s4 =	simm.s32 $0x2  }
0x8: {  	[tilespmem:s3], [sflag:$0x2] =	stream.linear.gather [hbm4b:s5+s3], $0xC0, $0x38;
	[tilespmem:$0x6100] =	vst v63  }
0x9: {  	s10 =	smul.u32 $0xC00, s7;
	s12 =	sshrl.u32 s11, $0x1;
	_ =	swait.ge [sflag:s4], $0xC0  }
0xa: {  	s7 =	simm.s32 $0x100;
	s31 =	ssub.s32 s11, s12;
	[sflag:s4] =	ssyncset.done $0x0  }
0xb: {  	s9 =	sadd.s32 s10, s9;
	s10 =	smax.u32 s31, $0x1;
	[sflag:s4] =	ssyncadd.s32 $0xFFFFFF40  }
0xc: {  	[tilespmem:s7], [sflag:$0x1] =	stream.indirect.gather [hbm4b:s2+s6], $0x80, s3, s6, $0xb8;
	[tilespmem:$0x6100] =	vst v63  }
0xd: {  	p0 =	sne.s32 s10, $0x1;
	_ =	swait.ge [sflag:s8], $0x6000  }
.Ltmp0:
0xe: {  	[sflag:s8] =	ssyncset.done $0x0;
	(pc) =	sbr.rel @!p0 .LBB2_2-.Ltmp0, $4  }
0xf: {  	s9 =	sadd.s32 $0x91600, s9;
	[sflag:s8] =	ssyncadd.s32 $0xFFFFA000  }
0x10: {  	[hbm4b:s9+s3] =	stream.linear.scatter [tilespmem:s7], [sflag:$0x2], $0x6000, $0x38;
	[tilespmem:$0x6100] =	vst v63  }
0x11: {  	_ =	swait.ge [sflag:s4], $0x6000  }
0x12: {  	s10 =	sadd.s32 $0xFFFFFFFF, s10;
	[sflag:s4] =	ssyncset.done $0x0  }
.LBB2_1:
0x13: {  	p0 =	sne.s32 s10, $0x1;
	s10 =	sadd.s32 $0xFFFFFFFF, s10;
	[sflag:s4] =	ssyncadd.s32 $0xFFFFA000  }
0x14: {  	[tilespmem:s3], [sflag:$0x2] =	stream.linear.gather [hbm4b:s5+s3], $0xC0, $0x38;
	[tilespmem:$0x6100] =	vst v63  }
0x15: {  	_ =	swait.ge [sflag:s4], $0xC0  }
0x16: {  	[sflag:s4] =	ssyncset.done $0x0  }
0x17: {  	[sflag:s4] =	ssyncadd.s32 $0xFFFFFF40  }
0x18: {  	[tilespmem:s7], [sflag:$0x1] =	stream.indirect.gather [hbm4b:s2+s6], $0x80, s3, s6, $0xb8;
	[tilespmem:$0x6100] =	vst v63  }
0x19: {  	_ =	swait.ge [sflag:s8], $0x6000  }
.Ltmp1:
0x1a: {  	[sflag:s8] =	ssyncset.done $0x0;
	(pc) =	sbr.rel @p0 .LBB2_1-.Ltmp1, $4  }
0x1b: {  	[sflag:s8] =	ssyncadd.s32 $0xFFFFA000  }
0x1c: {  	[hbm4b:s9+s3] =	stream.linear.scatter [tilespmem:s7], [sflag:$0x2], $0x6000, $0x38;
	[tilespmem:$0x6100] =	vst v63  }
0x1d: {  	_ =	swait.ge [sflag:s4], $0x6000  }
0x1e: {  	[sflag:s4] =	ssyncset.done $0x0  }
.LBB2_2:
0x1f: {  	[sflag:s4] =	ssyncadd.s32 $0xFFFFA000  }
0x20: {  	_ =	sfence.sel $0x180000  }
0x21: {  	[bflag:$0x0] =	sbarrier.arrive $0xFFFF  }
0x22: {  	p0 =	sne.s32 s0, $0x0;
	_ =	strace $0x90000056  }
0x23: {  	s0 =	sadd.s32 @!p0 $0x100000, s1;
	[bflag:$0x2] =	sbarrier.arrive $0xFFFF  }
0x24: {  	[sflag:s0] =	ssyncadd.tile.s32 @!p0 $0x1;
	_ =	shalt  }
.Lfunc_end2:
_tile_overlayer_lowered:
.L_overlay_start_2:
0x25: {  	(tag) =	ssettag $0x2  }
0x26: {  	s0 =	rddreg [dreg:$0x0];
	s2 =	stileid.u32  }
0x27: {  	s1 =	rddreg [dreg:$0x1];
	p0 =	sne.s32 s2, $0x0  }
0x28: {  	s3 =	rddreg [dreg:$0x2];
	[bflag:$0x3] =	sbarrier.arrive $0xFFFF;
	s2 =	simm.s32 @!p0 $0x1C02  }
0x29: {  	[timem:s3], [sflag:s2] =	dma.local @!p0 [hbm:s0], s1  }
0x2a: {  	s0 =	simm.s32 @!p0 $0x2  }
0x2b: {  	_ =	swait.ge @!p0 [sflag:s0], s1  }
0x2c: {  	s1 =	ssub.s32 @!p0 $0x0, s1;
	[sflag:s0] =	ssyncset.done @!p0 $0x0  }
0x2d: {  	[sflag:s0] =	ssyncadd.s32 @!p0 s1  }
0x2e: {  	[bflag:$0x3] =	sbarrier.arrive $0xFFFF  }
0x2f: {  	_ =	shalt  }

// kernel: kernel.44.cloned.1.call-start
scs
__scs_entry_jumppad:
0x0: {  	(pc) =	sbr.rel $0x88, $3  }
0x1: {  	(tag) =	ssettag $0x0;
	lr =	simm.s32 $0x1  }
0x2: {  	[smem:$0x3F92] =	sst lr;
	_ =	strace $0xD0000000  }
0x3: {  	_ = 	snop  }
0x4: {  	_ = 	snop  }
0x5: {  	_ = 	snop  }
0x6: {  	_ = 	snop  }
0x7: {  	_ = 	snop  }
__scs_overlays_trampoline_lowered:
0x8: {  	[smem:$0x3FA1] =	sst s0  }
0x9: {  	[smem:$0x3FA2] =	sst s1  }
0xa: {  	[smem:$0x3FA3] =	sst s2  }
0xb: {  	[smem:$0x3FA4] =	sst s3  }
0xc: {  	[smem:$0x3FA5] =	sst s4  }
0xd: {  	[smem:$0x3FA6] =	sst s5  }
0xe: {  	[smem:$0x3FA7] =	sst s6  }
0xf: {  	[smem:$0x3FA8] =	sst s7  }
0x10: {  	[smem:$0x3FA9] =	sst s8  }
0x11: {  	[smem:$0x3FAA] =	sst s9;
	s0 =	simm.s32 @!p0 $0x0  }
0x12: {  	s1 =	sld [smem:$0x3F90];
	s0 =	simm.s32 @p0 $0x1  }
0x13: {  	[smem:$0x3FAB] =	sst s0;
	s0 =	simm.s32 @!p1 $0x0  }
0x14: {  	s2 =	sld [smem:$0x3F8F];
	s0 =	simm.s32 @p1 $0x1  }
0x15: {  	[smem:$0x3FAC] =	sst s0;
	s0 =	simm.s32 @!p2 $0x0  }
0x16: {  	s3 =	sld [smem:$0x3FDB];
	s0 =	simm.s32 @p2 $0x1  }
0x17: {  	s4 =	simm.s32 $0x1BF5;
	[smem:$0x3FAE] =	sst s0  }
0x18: {  	s0 =	sld [smem:$0x3F91];
	_ =	swait.ge [sflag:s4], $0x0  }
0x19: {  	s7 =	sld [smem:$0x3F92]  }
0x1a: {  	s8 =	sadd.s32 $0xFFFFE003, lr  }
0x1b: {  	s9 =	sadd.s32 $0xFFFFFEF7, lr;
	s5 =	simm.s32 $0xFFFFFFFF;
	p2 =	slt.u32 s8, $0xFFFFF086  }
0x1c: {  	p1 =	slt.u32 s9, $0xF7A;
	s5 =	simm.s32 @!p2 $0x0  }
0x1d: {  	s5 =	simm.s32 @p1 $0x1;
	p0 =	seq.s32 s7, s2  }
0x1e: {  	s7 =	smul.u32 @!p0 $0xF7A, s2;
	p2 =	seq.s32 @!p0 s5, $0x0  }
0x1f: {  	s9 =	smul.u32 $0xF7A, s1;
	s8 =	simm.s32 @!p0 $0x1BF5;
	p2 =	por !p2, p0  }
0x20: {  	[sflag:s8] =	ssyncset.s32 @!p0 $0xFFFFF086;
	s6 =	sadd.s32 @!p0 s3, s7;
	s7 =	simm.s32 @!p0 $0x108  }
0x21: {  	s3 =	sadd.s32 s3, s9;
	s6 =	sadd.s32 @!p0 $0x88, s6;
	s7 =	simm.s32 @p2 $0x1082  }
0x22: {  	[simem:s7], [sflag:s8] =	dma.local @!p0 [hbm:s6], $0xF7A  }
0x23: {  	s9 =	sor.u32 $0xD0000000, s2;
	s6 =	simm.s32 $0x108;
	_ =	swait.ge @!p0 [sflag:s8], $0x0  }
0x24: {  	s3 =	sadd.s32 $0x88, s3;
	s6 =	simm.s32 @!p1 $0x1082;
	[sflag:s4] =	ssyncset.s32 $0xFFFFF086  }
0x25: {  	[simem:s6], [sflag:s4] =	dma.local [hbm:s3], $0xF7A  }
0x26: {  	[smem:$0x3F92] =	sst s1;
	(tag) =	ssettag s2;
	_ =	strace s9  }
0x27: {  	s1 =	sld [smem:$0x3FA2]  }
0x28: {  	s2 =	sld [smem:$0x3FA3]  }
0x29: {  	s4 =	sld [smem:$0x3FA5]  }
0x2a: {  	p0 =	seq.s32 s5, $0x0;
	s5 =	sld [smem:$0x3FA6]  }
0x2b: {  	s6 =	sld [smem:$0x3FA7]  }
0x2c: {  	s7 =	sld [smem:$0x3FA8]  }
0x2d: {  	s3 =	simm.s32 $0x108;
	s8 =	sld [smem:$0x3FA9]  }
0x2e: {  	s3 =	simm.s32 @!p0 $0x1082;
	s9 =	sld [smem:$0x3FAA]  }
0x2f: {  	lr =	sadd.s32 s0, s3;
	s0 =	sld [smem:$0x3FA1]  }
0x30: {  	s3 =	sld [smem:$0x3FA4]  }
0x31: {  	[smem:$0x3FAD] =	sst s10  }
0x32: {  	s10 =	sld [smem:$0x3FAB];
	_ =	sdelay $0x3  }
0x33: {  	p0 =	seq.s32 s10, $0x1;
	s10 =	sld [smem:$0x3FAD];
	_ =	sdelay $0x3  }
0x34: {  	[smem:$0x3FAD] =	sst s10  }
0x35: {  	s10 =	sld [smem:$0x3FAC];
	_ =	sdelay $0x3  }
0x36: {  	p1 =	seq.s32 s10, $0x1;
	s10 =	sld [smem:$0x3FAD];
	_ =	sdelay $0x3  }
0x37: {  	[smem:$0x3FAD] =	sst s10  }
0x38: {  	s10 =	sld [smem:$0x3FAE]  }
0x39: {  	_ = 	snop;
	(pc) =	sbr.ind lr, $3  }
0x3a: {  	_ = 	snop  }
0x3b: {  	_ = 	snop  }
0x3c: {  	p2 =	seq.s32 s10, $0x1;
	s10 =	sld [smem:$0x3FAD]  }
0x3d: {  	_ =	shalt  }
0x3e: {  	_ =	shalt  }
0x3f: {  	_ =	shalt  }
0x40: {  	_ =	shalt  }
0x41: {  	_ =	shalt  }
0x42: {  	_ =	shalt  }
0x43: {  	_ =	shalt  }
0x44: {  	_ =	shalt  }
0x45: {  	_ =	shalt  }
0x46: {  	_ =	shalt  }
0x47: {  	_ =	shalt  }
0x48: {  	_ =	shalt  }
0x49: {  	_ =	shalt  }
0x4a: {  	_ =	shalt  }
0x4b: {  	_ =	shalt  }
0x4c: {  	_ =	shalt  }
0x4d: {  	_ =	shalt  }
0x4e: {  	_ =	shalt  }
0x4f: {  	_ =	shalt  }
0x50: {  	_ =	shalt  }
0x51: {  	_ =	shalt  }
0x52: {  	_ =	shalt  }
0x53: {  	_ =	shalt  }
0x54: {  	_ =	shalt  }
0x55: {  	_ =	shalt  }
0x56: {  	_ =	shalt  }
0x57: {  	_ =	shalt  }
0x58: {  	_ =	shalt  }
0x59: {  	_ =	shalt  }
0x5a: {  	_ =	shalt  }
0x5b: {  	_ =	shalt  }
0x5c: {  	_ =	shalt  }
0x5d: {  	_ =	shalt  }
0x5e: {  	_ =	shalt  }
0x5f: {  	_ =	shalt  }
0x60: {  	_ =	shalt  }
0x61: {  	_ =	shalt  }
0x62: {  	_ =	shalt  }
0x63: {  	_ =	shalt  }
0x64: {  	_ =	shalt  }
0x65: {  	_ =	shalt  }
0x66: {  	_ =	shalt  }
0x67: {  	_ =	shalt  }
0x68: {  	_ =	shalt  }
0x69: {  	_ =	shalt  }
0x6a: {  	_ =	shalt  }
0x6b: {  	_ =	shalt  }
0x6c: {  	_ =	shalt  }
0x6d: {  	_ =	shalt  }
0x6e: {  	_ =	shalt  }
0x6f: {  	_ =	shalt  }
0x70: {  	_ =	shalt  }
0x71: {  	_ =	shalt  }
0x72: {  	_ =	shalt  }
0x73: {  	_ =	shalt  }
0x74: {  	_ =	shalt  }
0x75: {  	_ =	shalt  }
0x76: {  	_ =	shalt  }
0x77: {  	_ =	shalt  }
0x78: {  	_ =	shalt  }
0x79: {  	_ =	shalt  }
0x7a: {  	_ =	shalt  }
0x7b: {  	_ =	shalt  }
0x7c: {  	_ =	shalt  }
0x7d: {  	_ =	shalt  }
0x7e: {  	_ =	shalt  }
0x7f: {  	_ =	shalt  }
0x80: {  	_ =	shalt  }
0x81: {  	_ =	shalt  }
0x82: {  	_ =	shalt  }
0x83: {  	_ =	shalt  }
0x84: {  	_ =	shalt  }
0x85: {  	_ =	shalt  }
0x86: {  	_ =	shalt  }
0x87: {  	_ =	shalt  }
.Lfunc_end0:
.L_simem_size_0:
called_computation.6_lowered:
.L_overlay_start_0:
0x88: {  	s2 =	sld [smem:$0x3FD9]  }
0x89: {  	s3 =	sld [smem:$0x3FFE];
	_ =	sdelay $0x1  }
0x8a: {  	s1 =	srdreg.scid  }
0x8b: {  	s0 =	sand.u32 $0x1, s1  }
0x8c: {  	s16 =	sshll.u32 s0, $0xA;
	s2 =	sadd.s32 s3, s2  }
0x8d: {  	s2 =	sadd.s32 s2, s16  }
0x8e: {  	[smem:$0x3FB9] =	sst s2  }
0x8f: {  	_ = 	snop  }
0x90: {  	(tm) =	ssettm $0x1  }
0x91: {  	s17 =	sld [smem:$0x3FFB];
	_ =	sdelay $0x3  }
0x92: {  	_ =	strace s17  }
0x93: {  	s2 =	sld [smem:$0x3FFC];
	_ =	sdelay $0x3  }
0x94: {  	_ =	strace s2  }
0x95: {  	s2 =	sld [smem:$0x3FFD];
	_ =	sdelay $0x3  }
0x96: {  	_ =	strace s2  }
0x97: {  	_ =	strace $0x8FFFFFFF  }
0x98: {  	s18 =	sld [smem:$0x3FDB];
	_ =	sdelay $0x1  }
0x99: {  	s19 =	simm.s32 $_scs_section_size  }
0x9a: {  	s4 =	simm.s32 $_size__tile_overlayer_lowered;
	s5 =	simm.s32 $_tile_overlayer_lowered  }
0x9b: {  	s22 =	simm.s32 $0x1BFF;
	s21 =	sshll.u32 s5, $0x1;
	s2 =	sadd.s32 s19, s18  }
0x9c: {  	s6 =	simm.s32 $0x0;
	s20 =	sshll.u32 s4, $0x1;
	s4 =	sadd.s32 s21, s2  }
0x9d: {  	[timem:s6], [sflag:s22] =	dma.local [hbm:s4], s20  }
0x9e: {  	_ =	swait.ge [sflag:s22], s20  }
0x9f: {  	s3 =	ssub.s32 $0x0, s20;
	[sflag:s22] =	ssyncset.done $0x0  }
0xa0: {  	[sflag:s22] =	ssyncadd.s32 s3;
	_ =	sdelay $0x1  }
0xa1: {  	s23 =	simm.s32 $0x1B8B  }
0xa2: {  	_ =	swait.ge [sflag:s23], $0x1  }
0xa3: {  	[sflag:s23] =	ssyncset.done $0x0  }
0xa4: {  	s25 =	simm.s32 $0x1B8E;
	s24 =	sld [smem:$0x3FFE];
	[sflag:s23] =	ssyncadd.s32 $0xFFFFFFFF  }
0xa5: {  	s26 =	simm.s32 $execute0_lowered;
	[smem:$0x3FD2] =	sst s25  }
0xa6: {  	s4 =	sshll.u32 s26, $0x1;
	_ =	strace $0x80000058;
	[dreg:$0x1] =	wrdreg $0xFFFFFFFF  }
0xa7: {  	s28 =	simm.s32 $_size_execute0_lowered;
	s2 =	sadd.s32 s2, s4;
	[dreg:$0x0] =	wrdreg $0x0  }
0xa8: {  	s4 =	sshll.u32 s28, $0x1;
	[dreg:$0x2] =	wrdreg s2  }
0xa9: {  	[dreg:$0x3] =	wrdreg s4  }
0xaa: {  	[dreg:$0x4] =	wrdreg $0xC0  }
0xab: {  	_ =	task [dreg:s6], $0x5FFFF  }
0xac: {  	[dreg:$0x1] =	wrdreg $0xFFFFFFFF  }
0xad: {  	[dreg:$0x0] =	wrdreg $0x60  }
0xae: {  	[dreg:$0x2] =	wrdreg s24  }
0xaf: {  	[dreg:$0x3] =	wrdreg $0x9  }
0xb0: {  	_ =	task.clear_ibuf [dreg:s6], $0x4FFFF;
	_ =	strace $0x90000058  }
0xb1: {  	s29 =	simm.s32 $0x9;
	_ =	strace $0x8000005A  }
0xb2: {  	_ =	swait.ge [sflag:s29], $0x1  }
0xb3: {  	[sflag:s29] =	ssyncadd.s32 $0xFFFFFFFF  }
0xb4: {  	_ =	strace $0x9000005A  }
0xb5: {  	_ =	sfence  }
0xb6: {  	s30 =	sld [smem:$0x0];
	_ =	sdelay $0x2  }
0xb7: {  	s31 =	sshll.u32 s1, $0xD;
	s1 =	sshrl.u32 s1, $0x2  }
0xb8: {  	s3 =	sand.u32 $0x4000, s31;
	s1 =	sadd.s32 s1, s30  }
0xb9: {  	s0 =	sor.u32 s3, s0;
	s1 =	sshll.u32 s1, $0x11  }
0xba: {  	s0 =	sor.u32 s1, s0  }
0xbb: {  	s0 =	sadd.s32 $0x8F2B, s0  }
0xbc: {  	[sflag:s0] =	ssyncadd.remote.s32 $0x1  }
0xbd: {  	_ =	sfence.sel $0xFFFF  }
0xbe: {  	[dreg:$0x0] =	wrdreg $0xFFFFFFFF;
	(pc) =	sbr.abs _section_cstart, $3  }
0xbf: {  	[dreg:$0x1] =	wrdreg $0xFFFFFFFF  }
0xc0: {  	_ =	task.clear_ibuf [dreg:s6], $0x2FFFF;
	_ =	strace $0x9FFFFFFF  }
0xc1: {  	(tm) =	ssettm $0x7FFFFFFF  }
tec
execute0_lowered:
.L_overlay_start_1:
0x0: {  	(tag) =	ssettag $0x1  }
0x1: {  	s1 =	srdreg.scid;
	s0 =	stileid.u32  }
0x2: {  	s28 =	sand.u32 $0x1, s1;
	s31 =	sshll.u32 s0, $0x1  }
0x3: {  	s10 =	sor.u32 s28, s31  }
0x4: {  	s3 =	smul.u32 $0x600, s10;
	_ =	sdelay $0x1  }
0x5: {  	s11 =	rddreg [dreg:$0x0];
	s2 =	simm.s32 $0x0;
	s3 =	sshrl.u32 s3, $0x3  }
0x6: {  	s4 =	simm.s32 $0x4;
	[smem:$0x7FF] =	sst s2;
	s25 =	sadd.s32 s3, s11  }
0x7: {  	s1 =	rddreg [dreg:$0x1];
	_ =	strace $0x80000059;
	s3 =	sadd.s32 $0xE9600, s25  }
0x8: {  	[tilespmem:s2], [sflag:$0x4] =	stream.linear.gather [hbm4b:s3+s2], $0xC0, $0x38;
	[tilespmem:$0xC200] =	vst v63  }
0x9: {  	_ =	swait.ge [sflag:s4], $0xC0  }
0xa: {  	s6 =	simm.s32 $0xC0;
	[sflag:s4] =	ssyncset.done $0x0  }
0xb: {  	s7 =	simm.s32 $0x200;
	s5 =	sadd.s32 $0x89200, s11;
	[sflag:s4] =	ssyncadd.s32 $0xFFFFFF40  }
0xc: {  	[tilespmem:s7], [sflag:$0x1] =	stream.indirect.gather [hbm4b:s5+s6], $0x80, s2, s6, $0xb8;
	[tilespmem:$0xC200] =	vst v63  }
0xd: {  	s9 =	simm.s32 $0x100;
	s8 =	sadd.s32 $0xE9618, s25  }
0xe: {  	[tilespmem:s9], [sflag:$0x4] =	stream.linear.gather [hbm4b:s8+s2], $0xC0, $0x38;
	[tilespmem:$0xC200] =	vst v63  }
0xf: {  	_ =	swait.ge [sflag:s4], $0xC0  }
0x10: {  	[sflag:s4] =	ssyncset.done $0x0  }
0x11: {  	s12 =	smul.u32 $0x6000, s10;
	s10 =	simm.s32 $0x1;
	[sflag:s4] =	ssyncadd.s32 $0xFFFFFF40  }
0x12: {  	_ =	swait.ge [sflag:s10], $0x6000  }
0x13: {  	s29 =	sadd.s32 s12, s11;
	[sflag:s10] =	ssyncset.done $0x0  }
0x14: {  	s11 =	sadd.s32 $0xEAE00, s29;
	[sflag:s10] =	ssyncadd.s32 $0xFFFFA000  }
0x15: {  	[hbm4b:s11+s2] =	stream.linear.scatter [tilespmem:s7], [sflag:$0x2], $0x6000, $0x38;
	[tilespmem:$0xC200] =	vst v63  }
0x16: {  	s12 =	simm.s32 $0x6200  }
0x17: {  	[tilespmem:s12], [sflag:$0x1] =	stream.indirect.gather [hbm4b:s5+s6], $0x80, s9, s6, $0xb8;
	[tilespmem:$0xC200] =	vst v63  }
0x18: {  	s13 =	sadd.s32 $0xE9630, s25  }
0x19: {  	[tilespmem:s2], [sflag:$0x4] =	stream.linear.gather [hbm4b:s13+s2], $0xC0, $0x38;
	[tilespmem:$0xC200] =	vst v63  }
0x1a: {  	_ =	swait.ge [sflag:s4], $0xC0  }
0x1b: {  	[sflag:s4] =	ssyncset.done $0x0  }
0x1c: {  	[sflag:s4] =	ssyncadd.s32 $0xFFFFFF40  }
0x1d: {  	_ =	swait.ge [sflag:s10], $0x6000  }
0x1e: {  	[sflag:s10] =	ssyncset.done $0x0  }
0x1f: {  	s15 =	simm.s32 $0x2;
	s14 =	sadd.s32 $0xEBA00, s29;
	[sflag:s10] =	ssyncadd.s32 $0xFFFFA000  }
0x20: {  	[hbm4b:s14+s2] =	stream.linear.scatter [tilespmem:s12], [sflag:$0x3], $0x6000, $0x38;
	[tilespmem:$0xC200] =	vst v63  }
0x21: {  	_ =	swait.ge [sflag:s15], $0x6000  }
0x22: {  	[sflag:s15] =	ssyncset.done $0x0  }
0x23: {  	[sflag:s15] =	ssyncadd.s32 $0xFFFFA000  }
0x24: {  	[tilespmem:s7], [sflag:$0x1] =	stream.indirect.gather [hbm4b:s5+s6], $0x80, s2, s6, $0xb8;
	[tilespmem:$0xC200] =	vst v63  }
0x25: {  	s16 =	sadd.s32 $0xE9648, s25  }
0x26: {  	[tilespmem:s9], [sflag:$0x4] =	stream.linear.gather [hbm4b:s16+s2], $0xC0, $0x38;
	[tilespmem:$0xC200] =	vst v63  }
0x27: {  	_ =	swait.ge [sflag:s4], $0xC0  }
0x28: {  	[sflag:s4] =	ssyncset.done $0x0  }
0x29: {  	[sflag:s4] =	ssyncadd.s32 $0xFFFFFF40  }
0x2a: {  	_ =	swait.ge [sflag:s10], $0x6000  }
0x2b: {  	[sflag:s10] =	ssyncset.done $0x0  }
0x2c: {  	s17 =	simm.s32 $0x3;
	s18 =	sadd.s32 $0xEC600, s29;
	[sflag:s10] =	ssyncadd.s32 $0xFFFFA000  }
0x2d: {  	[hbm4b:s18+s2] =	stream.linear.scatter [tilespmem:s7], [sflag:$0x2], $0x6000, $0x38;
	[tilespmem:$0xC200] =	vst v63  }
0x2e: {  	_ =	swait.ge [sflag:s17], $0x6000  }
0x2f: {  	[sflag:s17] =	ssyncset.done $0x0  }
0x30: {  	[sflag:s17] =	ssyncadd.s32 $0xFFFFA000  }
0x31: {  	[tilespmem:s12], [sflag:$0x1] =	stream.indirect.gather [hbm4b:s5+s6], $0x80, s9, s6, $0xb8;
	[tilespmem:$0xC200] =	vst v63  }
0x32: {  	s19 =	sadd.s32 $0xE9660, s25  }
0x33: {  	[tilespmem:s2], [sflag:$0x4] =	stream.linear.gather [hbm4b:s19+s2], $0xC0, $0x38;
	[tilespmem:$0xC200] =	vst v63  }
0x34: {  	_ =	swait.ge [sflag:s4], $0xC0  }
0x35: {  	[sflag:s4] =	ssyncset.done $0x0  }
0x36: {  	[sflag:s4] =	ssyncadd.s32 $0xFFFFFF40  }
0x37: {  	_ =	swait.ge [sflag:s10], $0x6000  }
0x38: {  	[sflag:s10] =	ssyncset.done $0x0  }
0x39: {  	s20 =	sadd.s32 $0xED200, s29;
	[sflag:s10] =	ssyncadd.s32 $0xFFFFA000  }
0x3a: {  	[hbm4b:s20+s2] =	stream.linear.scatter [tilespmem:s12], [sflag:$0x3], $0x6000, $0x38;
	[tilespmem:$0xC200] =	vst v63  }
0x3b: {  	_ =	swait.ge [sflag:s15], $0x6000  }
0x3c: {  	[sflag:s15] =	ssyncset.done $0x0  }
0x3d: {  	[sflag:s15] =	ssyncadd.s32 $0xFFFFA000  }
0x3e: {  	[tilespmem:s7], [sflag:$0x1] =	stream.indirect.gather [hbm4b:s5+s6], $0x80, s2, s6, $0xb8;
	[tilespmem:$0xC200] =	vst v63  }
0x3f: {  	s21 =	sadd.s32 $0xE9678, s25  }
0x40: {  	[tilespmem:s9], [sflag:$0x4] =	stream.linear.gather [hbm4b:s21+s2], $0xC0, $0x38;
	[tilespmem:$0xC200] =	vst v63  }
0x41: {  	_ =	swait.ge [sflag:s4], $0xC0  }
0x42: {  	[sflag:s4] =	ssyncset.done $0x0  }
0x43: {  	[sflag:s4] =	ssyncadd.s32 $0xFFFFFF40  }
0x44: {  	_ =	swait.ge [sflag:s10], $0x6000  }
0x45: {  	[sflag:s10] =	ssyncset.done $0x0  }
0x46: {  	s22 =	sadd.s32 $0xEDE00, s29;
	[sflag:s10] =	ssyncadd.s32 $0xFFFFA000  }
0x47: {  	[hbm4b:s22+s2] =	stream.linear.scatter [tilespmem:s7], [sflag:$0x2], $0x6000, $0x38;
	[tilespmem:$0xC200] =	vst v63  }
0x48: {  	_ =	swait.ge [sflag:s17], $0x6000  }
0x49: {  	[sflag:s17] =	ssyncset.done $0x0  }
0x4a: {  	[sflag:s17] =	ssyncadd.s32 $0xFFFFA000  }
0x4b: {  	[tilespmem:s12], [sflag:$0x1] =	stream.indirect.gather [hbm4b:s5+s6], $0x80, s9, s6, $0xb8;
	[tilespmem:$0xC200] =	vst v63  }
0x4c: {  	s23 =	sadd.s32 $0xE9690, s25  }
0x4d: {  	[tilespmem:s2], [sflag:$0x4] =	stream.linear.gather [hbm4b:s23+s2], $0xC0, $0x38;
	[tilespmem:$0xC200] =	vst v63  }
0x4e: {  	_ =	swait.ge [sflag:s4], $0xC0  }
0x4f: {  	[sflag:s4] =	ssyncset.done $0x0  }
0x50: {  	[sflag:s4] =	ssyncadd.s32 $0xFFFFFF40  }
0x51: {  	_ =	swait.ge [sflag:s10], $0x6000  }
0x52: {  	[sflag:s10] =	ssyncset.done $0x0  }
0x53: {  	s24 =	sadd.s32 $0xEEA00, s29;
	[sflag:s10] =	ssyncadd.s32 $0xFFFFA000  }
0x54: {  	[hbm4b:s24+s2] =	stream.linear.scatter [tilespmem:s12], [sflag:$0x3], $0x6000, $0x38;
	[tilespmem:$0xC200] =	vst v63  }
0x55: {  	_ =	swait.ge [sflag:s15], $0x6000  }
0x56: {  	[sflag:s15] =	ssyncset.done $0x0  }
0x57: {  	[sflag:s15] =	ssyncadd.s32 $0xFFFFA000  }
0x58: {  	[tilespmem:s7], [sflag:$0x1] =	stream.indirect.gather [hbm4b:s5+s6], $0x80, s2, s6, $0xb8;
	[tilespmem:$0xC200] =	vst v63  }
0x59: {  	s25 =	sadd.s32 $0xE96A8, s25  }
0x5a: {  	[tilespmem:s9], [sflag:$0x4] =	stream.linear.gather [hbm4b:s25+s2], $0xC0, $0x38;
	[tilespmem:$0xC200] =	vst v63  }
0x5b: {  	_ =	swait.ge [sflag:s4], $0xC0  }
0x5c: {  	[sflag:s4] =	ssyncset.done $0x0  }
0x5d: {  	[sflag:s4] =	ssyncadd.s32 $0xFFFFFF40  }
0x5e: {  	_ =	swait.ge [sflag:s10], $0x6000  }
0x5f: {  	[sflag:s10] =	ssyncset.done $0x0  }
0x60: {  	s26 =	sadd.s32 $0xEF600, s29;
	[sflag:s10] =	ssyncadd.s32 $0xFFFFA000  }
0x61: {  	[hbm4b:s26+s2] =	stream.linear.scatter [tilespmem:s7], [sflag:$0x2], $0x6000, $0x38;
	[tilespmem:$0xC200] =	vst v63  }
0x62: {  	_ =	swait.ge [sflag:s17], $0x6000  }
0x63: {  	s30 =	ssub.s32 $0x2, s28;
	[sflag:s17] =	ssyncset.done $0x0  }
0x64: {  	s28 =	sadd.s32 $0xF0200, s29;
	s29 =	sshrl.u32 s30, $0x1;
	[sflag:s17] =	ssyncadd.s32 $0xFFFFA000  }
0x65: {  	[tilespmem:s12], [sflag:$0x1] =	stream.indirect.gather [hbm4b:s5+s6], $0x80, s9, s6, $0xb8;
	[tilespmem:$0xC200] =	vst v63  }
0x66: {  	s29 =	ssub.s32 s30, s29;
	_ =	swait.ge [sflag:s10], $0x6000  }
0x67: {  	s29 =	smax.u32 s29, $0x1;
	[sflag:s10] =	ssyncset.done $0x0  }
0x68: {  	p0 =	sne.s32 s29, $0x1;
	[sflag:s10] =	ssyncadd.s32 $0xFFFFA000  }
0x69: {  	[hbm4b:s28+s2] =	stream.linear.scatter [tilespmem:s12], [sflag:$0x3], $0x6000, $0x38;
	[tilespmem:$0xC200] =	vst v63  }
.Ltmp0:
0x6a: {  	_ =	swait.ge [sflag:s15], $0x6000;
	(pc) =	sbr.rel @!p0 .LBB2_2-.Ltmp0, $4  }
0x6b: {  	[sflag:s15] =	ssyncset.done $0x0  }
0x6c: {  	[sflag:s15] =	ssyncadd.s32 $0xFFFFA000  }
0x6d: {  	_ =	swait.ge [sflag:s17], $0x6000  }
0x6e: {  	s29 =	sadd.s32 $0xFFFFFFFF, s29;
	[sflag:s17] =	ssyncset.done $0x0  }
.LBB2_1:
0x6f: {  	p0 =	sne.s32 s29, $0x1;
	s29 =	sadd.s32 $0xFFFFFFFF, s29;
	[sflag:s17] =	ssyncadd.s32 $0xFFFFA000  }
0x70: {  	[tilespmem:s2], [sflag:$0x4] =	stream.linear.gather [hbm4b:s3+s2], $0xC0, $0x38;
	[tilespmem:$0xC200] =	vst v63  }
0x71: {  	_ =	swait.ge [sflag:s4], $0xC0  }
0x72: {  	[sflag:s4] =	ssyncset.done $0x0  }
0x73: {  	[sflag:s4] =	ssyncadd.s32 $0xFFFFFF40  }
0x74: {  	[tilespmem:s7], [sflag:$0x1] =	stream.indirect.gather [hbm4b:s5+s6], $0x80, s2, s6, $0xb8;
	[tilespmem:$0xC200] =	vst v63  }
0x75: {  	_ = 	snop  }
0x76: {  	[tilespmem:s9], [sflag:$0x4] =	stream.linear.gather [hbm4b:s8+s2], $0xC0, $0x38;
	[tilespmem:$0xC200] =	vst v63  }
0x77: {  	_ =	swait.ge [sflag:s4], $0xC0  }
0x78: {  	[sflag:s4] =	ssyncset.done $0x0  }
0x79: {  	[sflag:s4] =	ssyncadd.s32 $0xFFFFFF40  }
0x7a: {  	_ =	swait.ge [sflag:s10], $0x6000  }
0x7b: {  	[sflag:s10] =	ssyncset.done $0x0  }
0x7c: {  	[sflag:s10] =	ssyncadd.s32 $0xFFFFA000  }
0x7d: {  	[hbm4b:s11+s2] =	stream.linear.scatter [tilespmem:s7], [sflag:$0x2], $0x6000, $0x38;
	[tilespmem:$0xC200] =	vst v63  }
0x7e: {  	_ = 	snop  }
0x7f: {  	[tilespmem:s12], [sflag:$0x1] =	stream.indirect.gather [hbm4b:s5+s6], $0x80, s9, s6, $0xb8;
	[tilespmem:$0xC200] =	vst v63  }
0x80: {  	_ = 	snop  }
0x81: {  	[tilespmem:s2], [sflag:$0x4] =	stream.linear.gather [hbm4b:s13+s2], $0xC0, $0x38;
	[tilespmem:$0xC200] =	vst v63  }
0x82: {  	_ =	swait.ge [sflag:s4], $0xC0  }
0x83: {  	[sflag:s4] =	ssyncset.done $0x0  }
0x84: {  	[sflag:s4] =	ssyncadd.s32 $0xFFFFFF40  }
0x85: {  	_ =	swait.ge [sflag:s10], $0x6000  }
0x86: {  	[sflag:s10] =	ssyncset.done $0x0  }
0x87: {  	[sflag:s10] =	ssyncadd.s32 $0xFFFFA000  }
0x88: {  	[hbm4b:s14+s2] =	stream.linear.scatter [tilespmem:s12], [sflag:$0x3], $0x6000, $0x38;
	[tilespmem:$0xC200] =	vst v63  }
0x89: {  	_ =	swait.ge [sflag:s15], $0x6000  }
0x8a: {  	[sflag:s15] =	ssyncset.done $0x0  }
0x8b: {  	[sflag:s15] =	ssyncadd.s32 $0xFFFFA000  }
0x8c: {  	[tilespmem:s7], [sflag:$0x1] =	stream.indirect.gather [hbm4b:s5+s6], $0x80, s2, s6, $0xb8;
	[tilespmem:$0xC200] =	vst v63  }
0x8d: {  	_ = 	snop  }
0x8e: {  	[tilespmem:s9], [sflag:$0x4] =	stream.linear.gather [hbm4b:s16+s2], $0xC0, $0x38;
	[tilespmem:$0xC200] =	vst v63  }
0x8f: {  	_ =	swait.ge [sflag:s4], $0xC0  }
0x90: {  	[sflag:s4] =	ssyncset.done $0x0  }
0x91: {  	[sflag:s4] =	ssyncadd.s32 $0xFFFFFF40  }
0x92: {  	_ =	swait.ge [sflag:s10], $0x6000  }
0x93: {  	[sflag:s10] =	ssyncset.done $0x0  }
0x94: {  	[sflag:s10] =	ssyncadd.s32 $0xFFFFA000  }
0x95: {  	[hbm4b:s18+s2] =	stream.linear.scatter [tilespmem:s7], [sflag:$0x2], $0x6000, $0x38;
	[tilespmem:$0xC200] =	vst v63  }
0x96: {  	_ =	swait.ge [sflag:s17], $0x6000  }
0x97: {  	[sflag:s17] =	ssyncset.done $0x0  }
0x98: {  	[sflag:s17] =	ssyncadd.s32 $0xFFFFA000  }
0x99: {  	[tilespmem:s12], [sflag:$0x1] =	stream.indirect.gather [hbm4b:s5+s6], $0x80, s9, s6, $0xb8;
	[tilespmem:$0xC200] =	vst v63  }
0x9a: {  	_ = 	snop  }
0x9b: {  	[tilespmem:s2], [sflag:$0x4] =	stream.linear.gather [hbm4b:s19+s2], $0xC0, $0x38;
	[tilespmem:$0xC200] =	vst v63  }
0x9c: {  	_ =	swait.ge [sflag:s4], $0xC0  }
0x9d: {  	[sflag:s4] =	ssyncset.done $0x0  }
0x9e: {  	[sflag:s4] =	ssyncadd.s32 $0xFFFFFF40  }
0x9f: {  	_ =	swait.ge [sflag:s10], $0x6000  }
0xa0: {  	[sflag:s10] =	ssyncset.done $0x0  }
0xa1: {  	[sflag:s10] =	ssyncadd.s32 $0xFFFFA000  }
0xa2: {  	[hbm4b:s20+s2] =	stream.linear.scatter [tilespmem:s12], [sflag:$0x3], $0x6000, $0x38;
	[tilespmem:$0xC200] =	vst v63  }
0xa3: {  	_ =	swait.ge [sflag:s15], $0x6000  }
0xa4: {  	[sflag:s15] =	ssyncset.done $0x0  }
0xa5: {  	[sflag:s15] =	ssyncadd.s32 $0xFFFFA000  }
0xa6: {  	[tilespmem:s7], [sflag:$0x1] =	stream.indirect.gather [hbm4b:s5+s6], $0x80, s2, s6, $0xb8;
	[tilespmem:$0xC200] =	vst v63  }
0xa7: {  	_ = 	snop  }
0xa8: {  	[tilespmem:s9], [sflag:$0x4] =	stream.linear.gather [hbm4b:s21+s2], $0xC0, $0x38;
	[tilespmem:$0xC200] =	vst v63  }
0xa9: {  	_ =	swait.ge [sflag:s4], $0xC0  }
0xaa: {  	[sflag:s4] =	ssyncset.done $0x0  }
0xab: {  	[sflag:s4] =	ssyncadd.s32 $0xFFFFFF40  }
0xac: {  	_ =	swait.ge [sflag:s10], $0x6000  }
0xad: {  	[sflag:s10] =	ssyncset.done $0x0  }
0xae: {  	[sflag:s10] =	ssyncadd.s32 $0xFFFFA000  }
0xaf: {  	[hbm4b:s22+s2] =	stream.linear.scatter [tilespmem:s7], [sflag:$0x2], $0x6000, $0x38;
	[tilespmem:$0xC200] =	vst v63  }
0xb0: {  	_ =	swait.ge [sflag:s17], $0x6000  }
0xb1: {  	[sflag:s17] =	ssyncset.done $0x0  }
0xb2: {  	[sflag:s17] =	ssyncadd.s32 $0xFFFFA000  }
0xb3: {  	[tilespmem:s12], [sflag:$0x1] =	stream.indirect.gather [hbm4b:s5+s6], $0x80, s9, s6, $0xb8;
	[tilespmem:$0xC200] =	vst v63  }
0xb4: {  	_ = 	snop  }
0xb5: {  	[tilespmem:s2], [sflag:$0x4] =	stream.linear.gather [hbm4b:s23+s2], $0xC0, $0x38;
	[tilespmem:$0xC200] =	vst v63  }
0xb6: {  	_ =	swait.ge [sflag:s4], $0xC0  }
0xb7: {  	[sflag:s4] =	ssyncset.done $0x0  }
0xb8: {  	[sflag:s4] =	ssyncadd.s32 $0xFFFFFF40  }
0xb9: {  	_ =	swait.ge [sflag:s10], $0x6000  }
0xba: {  	[sflag:s10] =	ssyncset.done $0x0  }
0xbb: {  	[sflag:s10] =	ssyncadd.s32 $0xFFFFA000  }
0xbc: {  	[hbm4b:s24+s2] =	stream.linear.scatter [tilespmem:s12], [sflag:$0x3], $0x6000, $0x38;
	[tilespmem:$0xC200] =	vst v63  }
0xbd: {  	_ =	swait.ge [sflag:s15], $0x6000  }
0xbe: {  	[sflag:s15] =	ssyncset.done $0x0  }
0xbf: {  	[sflag:s15] =	ssyncadd.s32 $0xFFFFA000  }
0xc0: {  	[tilespmem:s7], [sflag:$0x1] =	stream.indirect.gather [hbm4b:s5+s6], $0x80, s2, s6, $0xb8;
	[tilespmem:$0xC200] =	vst v63  }
0xc1: {  	_ = 	snop  }
0xc2: {  	[tilespmem:s9], [sflag:$0x4] =	stream.linear.gather [hbm4b:s25+s2], $0xC0, $0x38;
	[tilespmem:$0xC200] =	vst v63  }
0xc3: {  	_ =	swait.ge [sflag:s4], $0xC0  }
0xc4: {  	[sflag:s4] =	ssyncset.done $0x0  }
0xc5: {  	[sflag:s4] =	ssyncadd.s32 $0xFFFFFF40  }
0xc6: {  	_ =	swait.ge [sflag:s10], $0x6000  }
0xc7: {  	[sflag:s10] =	ssyncset.done $0x0  }
0xc8: {  	[sflag:s10] =	ssyncadd.s32 $0xFFFFA000  }
0xc9: {  	[hbm4b:s26+s2] =	stream.linear.scatter [tilespmem:s7], [sflag:$0x2], $0x6000, $0x38;
	[tilespmem:$0xC200] =	vst v63  }
0xca: {  	_ =	swait.ge [sflag:s17], $0x6000  }
0xcb: {  	[sflag:s17] =	ssyncset.done $0x0  }
0xcc: {  	[sflag:s17] =	ssyncadd.s32 $0xFFFFA000  }
0xcd: {  	[tilespmem:s12], [sflag:$0x1] =	stream.indirect.gather [hbm4b:s5+s6], $0x80, s9, s6, $0xb8;
	[tilespmem:$0xC200] =	vst v63  }
0xce: {  	_ =	swait.ge [sflag:s10], $0x6000  }
0xcf: {  	[sflag:s10] =	ssyncset.done $0x0  }
0xd0: {  	[sflag:s10] =	ssyncadd.s32 $0xFFFFA000  }
0xd1: {  	[hbm4b:s28+s2] =	stream.linear.scatter [tilespmem:s12], [sflag:$0x3], $0x6000, $0x38;
	[tilespmem:$0xC200] =	vst v63  }
.Ltmp1:
0xd2: {  	_ =	swait.ge [sflag:s15], $0x6000;
	(pc) =	sbr.rel @p0 .LBB2_1-.Ltmp1, $4  }
0xd3: {  	[sflag:s15] =	ssyncset.done $0x0  }
0xd4: {  	[sflag:s15] =	ssyncadd.s32 $0xFFFFA000  }
0xd5: {  	_ =	swait.ge [sflag:s17], $0x6000  }
0xd6: {  	[sflag:s17] =	ssyncset.done $0x0  }
.LBB2_2:
0xd7: {  	[sflag:s17] =	ssyncadd.s32 $0xFFFFA000  }
0xd8: {  	_ =	sfence.sel $0x180000  }
0xd9: {  	[bflag:$0x0] =	sbarrier.arrive $0xFFFF  }
0xda: {  	p0 =	sne.s32 s0, $0x0;
	_ =	strace $0x90000059  }
0xdb: {  	s0 =	sadd.s32 @!p0 $0x100000, s1;
	[bflag:$0x2] =	sbarrier.arrive $0xFFFF  }
0xdc: {  	[sflag:s0] =	ssyncadd.tile.s32 @!p0 $0x1;
	_ =	shalt  }
.Lfunc_end2:
_tile_overlayer_lowered:
.L_overlay_start_2:
0xdd: {  	(tag) =	ssettag $0x2  }
0xde: {  	s0 =	rddreg [dreg:$0x0];
	s2 =	stileid.u32  }
0xdf: {  	s1 =	rddreg [dreg:$0x1];
	p0 =	sne.s32 s2, $0x0  }
0xe0: {  	s3 =	rddreg [dreg:$0x2];
	[bflag:$0x3] =	sbarrier.arrive $0xFFFF;
	s2 =	simm.s32 @!p0 $0x1C04  }
0xe1: {  	[timem:s3], [sflag:s2] =	dma.local @!p0 [hbm:s0], s1  }
0xe2: {  	s0 =	simm.s32 @!p0 $0x4  }
0xe3: {  	_ =	swait.ge @!p0 [sflag:s0], s1  }
0xe4: {  	s1 =	ssub.s32 @!p0 $0x0, s1;
	[sflag:s0] =	ssyncset.done @!p0 $0x0  }
0xe5: {  	[sflag:s0] =	ssyncadd.s32 @!p0 s1  }
0xe6: {  	[bflag:$0x3] =	sbarrier.arrive $0xFFFF  }
0xe7: {  	_ =	shalt  }

</sc_bundles>
